<compile_context>
chip_gen: v7x
topology: tpu7x:2x2x1
jax: 0.10.2.dev20260603
libtpu: 0.0.44.dev20260713+nightly
codegen_flags: <defaults>
</compile_context>

<pallas_src>
import functools
import math

import jax
import jax.numpy as jnp
from jax import lax
from jax.experimental import pallas as pl
from jax.experimental.pallas import tpu as pltpu
from jax.experimental.pallas import tpu_sc as plsc

N = 10000
E = 320000
HID = 128
NF = 128
NG = 50
CUTOFF = 10.0
SHIFT = math.log(2.0)

NC = 2
NS = 16
NW = NC * NS
EW = E // NW
CH = 40
NIT = EW // CH
NP = 10240
RPT = NP // NS
ZR = 128


def _ssp(v):
    return jnp.maximum(v, 0.0) + jnp.log1p(jnp.exp(-jnp.abs(v))) - SHIFT


LOG2E = 1.4426950408889634


def _ssp_bounded(v):
    return jnp.log(1.0 + jnp.exp2(v * LOG2E)) - SHIFT



EB = 16000


def _wf_body(ea_ref, ew_ref, w1_ref, b1_ref, w2_ref, b2_ref, wf_ref):
    ea = ea_ref[...].astype(jnp.bfloat16)
    he = lax.dot_general(ea, w1_ref[...].astype(jnp.bfloat16),
                         (((0,), (1,)), ((), ())),
                         preferred_element_type=jnp.float32) + b1_ref[...]
    he = _ssp_bounded(he)
    wf = lax.dot_general(he.astype(jnp.bfloat16),
                         w2_ref[...].astype(jnp.bfloat16),
                         (((1,), (1,)), ((), ())),
                         preferred_element_type=jnp.float32) + b2_ref[...]
    ew = ew_ref[...].reshape(EB // 128, 128)
    c = 0.5 * (jnp.cos(ew * (math.pi / CUTOFF)) + 1.0)
    ct = c.T
    for g in range(EB // 128):
        col = lax.slice(ct, (0, g), (128, g + 1))
        wf_ref[pl.ds(g * 128, 128), :] = (
            wf[g * 128:(g + 1) * 128, :] * jnp.broadcast_to(col, (128, NF)))


def _compute_wf(edge_attr, edge_weight, w1, b1, w2, b2):
    return pl.pallas_call(
        _wf_body,
        grid=(E // EB,),
        in_specs=[
            pl.BlockSpec((NG, EB), lambda i: (0, i)),
            pl.BlockSpec((1, EB // 128, 128), lambda i: (i, 0, 0)),
            pl.BlockSpec((NF, NG), lambda i: (0, 0)),
            pl.BlockSpec((NF,), lambda i: (0,)),
            pl.BlockSpec((NF, NF), lambda i: (0, 0)),
            pl.BlockSpec((NF,), lambda i: (0,)),
        ],
        out_specs=pl.BlockSpec((EB, NF), lambda i: (i, 0)),
        out_shape=jax.ShapeDtypeStruct((E, NF), jnp.float32),
    )(edge_attr.T, edge_weight.reshape(E // EB, EB // 128, 128), w1, b1, w2, b2)


def _h_body(x_ref, w_ref, h_ref):
    h_ref[...] = lax.dot_general(x_ref[...], w_ref[...], (((1,), (1,)), ((), ())),
                                 preferred_element_type=jnp.float32)


def _compute_h(x, lin1_w):
    return pl.pallas_call(
        _h_body,
        out_shape=jax.ShapeDtypeStruct((N, NF), jnp.float32),
    )(x, lin1_w)




def _sc_body(h_hbm, wf_hbm, src_hbm, dst_hbm, out_hbm,
             ibs0, ibs1, ibs2, ibs3, ibd0, ibd1, ibd2, ibd3,
             rows0, rows1, wfv0, wfv1, shared,
             is0, is1, is2, is3, gsem0, gsem1, wsem0, wsem1):
    cid = lax.axis_index("c")
    sid = lax.axis_index("s")
    wid = cid * NS + sid
    ibs = (ibs0, ibs1, ibs2, ibs3)
    ibd = (ibd0, ibd1, ibd2, ibd3)
    isem = (is0, is1, is2, is3)
    rows = (rows0, rows1)
    wfv = (wfv0, wfv1)
    gsem = (gsem0, gsem1)
    wsem = (wsem0, wsem1)

    def _zero_row(r, _):
        for j in range(NF // 16):
            rows0[r, pl.ds(j * 16, 16)] = jnp.zeros((16,), jnp.float32)
        return _
    lax.fori_loop(0, CH, _zero_row, 0)
    for k in range(RPT // CH):
        off = pl.multiple_of(sid * RPT + k * CH, 8)
        pltpu.sync_copy(rows0, shared.at[pl.ds(off, CH)])
    plsc.subcore_barrier()

    def _issue_idx(i, ch):
        base = pl.multiple_of(wid * EW + ch * CH, 8)
        pltpu.async_copy(src_hbm.at[pl.ds(base, CH)], ibs[i], isem[i])
        pltpu.async_copy(dst_hbm.at[pl.ds(base, CH)], ibd[i], isem[i])

    def _wait_idx(i, ch):
        base = pl.multiple_of(wid * EW + ch * CH, 8)
        pltpu.make_async_copy(src_hbm.at[pl.ds(base, CH)], ibs[i], isem[i]).wait()
        pltpu.make_async_copy(dst_hbm.at[pl.ds(base, CH)], ibd[i], isem[i]).wait()

    def _issue_data(b, i, ch):
        pltpu.async_copy(h_hbm.at[ibs[i]], rows[b], gsem[b])
        base = pl.multiple_of((wid * EW + ch * CH) * NF, 8)
        pltpu.async_copy(wf_hbm.at[pl.ds(base, CH * NF)], wfv[b], wsem[b])

    def _half(b, i, ch, do_idx=True, do_gather=True):
        if do_gather:
            nb, ni = 1 - b, (i + 1) % 4
            _wait_idx(ni, ch + 1)
            _issue_data(nb, ni, ch + 1)
        pltpu.make_async_copy(h_hbm.at[ibs[i]], rows[b], gsem[b]).wait()
        base = pl.multiple_of((wid * EW + ch * CH) * NF, 8)
        pltpu.make_async_copy(wf_hbm.at[pl.ds(base, CH * NF)], wfv[b], wsem[b]).wait()

        def _mul_row(r, carry):
            for j in range(NF // 16):
                sl = pl.ds(j * 16, 16)
                rows[b][r, sl] = rows[b][r, sl] * wfv[b][pl.ds(r * NF + j * 16, 16)]
            return carry
        lax.fori_loop(0, CH, _mul_row, 0)
        pltpu.sync_copy(rows[b], shared.at[ibd[i]], add=True)
        if do_idx:
            _issue_idx((i + 3) % 4, ch + 3)

    _issue_idx(0, 0)
    _issue_idx(1, 1)
    _issue_idx(2, 2)
    _wait_idx(0, 0)
    _issue_data(0, 0, 0)

    @pl.loop(0, NIT - 6, step=4)
    def _rounds(it):
        _half(0, 0, it)
        _half(1, 1, it + 1)
        _half(0, 2, it + 2)
        _half(1, 3, it + 3)

    _half(0, 0, NIT - 6)
    _half(1, 1, NIT - 5)
    _half(0, 2, NIT - 4)
    _half(1, 3, NIT - 3, do_idx=False)
    _half(0, 0, NIT - 2, do_idx=False)
    _half(1, 1, NIT - 1, do_idx=False, do_gather=False)
    plsc.subcore_barrier()

    for k in range(RPT // CH):
        r0 = pl.multiple_of(sid * RPT + k * CH, 8)
        buf = rows[k % 2]
        pltpu.sync_copy(shared.at[pl.ds(r0, CH)], buf)
        pltpu.sync_copy(buf, out_hbm.at[pl.ds(pl.multiple_of(cid * NP + r0, 8), CH)])


def _sc_aggregate(h, wf, src, dst):
    mesh = plsc.VectorSubcoreMesh(core_axis_name="c", subcore_axis_name="s",
                                  num_cores=NC, num_subcores=NS)
    fn = functools.partial(
        pl.kernel,
        out_type=jax.ShapeDtypeStruct((NC * NP, NF), jnp.float32),
        mesh=mesh,
        scratch_types=(
            [pltpu.VMEM((CH,), jnp.int32)] * 8
            + [pltpu.VMEM((CH, NF), jnp.float32)] * 2
            + [pltpu.VMEM((CH * NF,), jnp.float32)] * 2
            + [pltpu.VMEM_SHARED((NP, NF), jnp.float32)]
            + [pltpu.SemaphoreType.DMA] * 8
        ),
    )(_sc_body)
    return fn(h, wf.reshape(E * NF), src, dst)



RB = 2000


def _tail_body(a0_ref, a1_ref, w2_ref, b2_ref, w_ref, b_ref, o_ref):
    agg = a0_ref[...] + a1_ref[...]
    t = lax.dot_general(agg, w2_ref[...], (((1,), (1,)), ((), ())),
                        preferred_element_type=jnp.float32) + b2_ref[...]
    t = _ssp(t)
    o_ref[...] = lax.dot_general(t, w_ref[...], (((1,), (1,)), ((), ())),
                                 preferred_element_type=jnp.float32) + b_ref[...]


def _tail_body2(ref_a, w2_ref, b2_ref, w_ref, b_ref, o_ref):
    agg = ref_a[0] + ref_a[1]
    t = lax.dot_general(agg, w2_ref[...], (((1,), (1,)), ((), ())),
                        preferred_element_type=jnp.float32) + b2_ref[...]
    t = _ssp(t)
    o_ref[...] = lax.dot_general(t, w_ref[...], (((1,), (1,)), ((), ())),
                                 preferred_element_type=jnp.float32) + b_ref[...]


def _tail(agg2, lin2_w, lin2_b, lin_w, lin_b):
    return pl.pallas_call(
        _tail_body2,
        grid=(N // RB,),
        in_specs=[
            pl.BlockSpec((2, RB, NF), lambda i: (0, i, 0)),
            pl.BlockSpec((HID, NF), lambda i: (0, 0)),
            pl.BlockSpec((HID,), lambda i: (0,)),
            pl.BlockSpec((HID, HID), lambda i: (0, 0)),
            pl.BlockSpec((HID,), lambda i: (0,)),
        ],
        out_specs=pl.BlockSpec((RB, HID), lambda i: (i, 0)),
        out_shape=jax.ShapeDtypeStruct((N, HID), jnp.float32),
    )(agg2.reshape(NC, NP, NF), lin2_w, lin2_b, lin_w, lin_b)


def kernel(x, edge_index, edge_weight, edge_attr, mlp_w1, mlp_b1, mlp_w2,
           mlp_b2, lin1_w, lin2_w, lin2_b, lin_w, lin_b):
    src = edge_index[0].astype(jnp.int32)
    dst = edge_index[1].astype(jnp.int32)
    wf = _compute_wf(edge_attr, edge_weight, mlp_w1, mlp_b1, mlp_w2, mlp_b2)
    h = _compute_h(x, lin1_w)
    agg2 = _sc_aggregate(h, wf, src, dst)
    return _tail(agg2, lin2_w, lin2_b, lin_w, lin_b)

# --- scband reference (transcript-rebuilt; emitter-appended) ---
"""Pipeline reference for scband-interaction-block-14370960572978 (READ-ONLY COPY).

The authoritative reference and input builder live on the scoring server;
editing this copy changes nothing except your own understanding.
"""

import jax, jax.numpy as jnp
import numpy as np
import math

N = 10000
E = 320000
HID = 128
NF = 128
NG = 50
CUTOFF = 10.0
SHIFT = math.log(2.0)

def ssp(x):
    return jax.nn.softplus(x) - SHIFT

def setup_inputs(seed: int = 0) -> dict:
    key = jax.random.key(seed)
    ks = jax.random.split(key, 12)
    x = jax.random.normal(ks[0], (N, HID), dtype=jnp.float32)
    edge_index = jax.random.randint(ks[1], (2, E), 0, N, dtype=jnp.int64)
    edge_weight = jax.random.uniform(ks[2], (E,), dtype=jnp.float32) * CUTOFF
    edge_attr = jax.random.uniform(ks[3], (E, NG), dtype=jnp.float32)
    def xavier(k, shape):
        fan_out, fan_in = shape
        a = math.sqrt(6.0 / (fan_in + fan_out))
        return jax.random.uniform(k, shape, dtype=jnp.float32, minval=-a, maxval=a)
    mlp_w1 = xavier(ks[4], (NF, NG))
    mlp_b1 = jnp.zeros((NF,), dtype=jnp.float32)
    mlp_w2 = xavier(ks[5], (NF, NF))
    mlp_b2 = jnp.zeros((NF,), dtype=jnp.float32)
    lin1_w = xavier(ks[6], (NF, HID))
    lin2_w = xavier(ks[7], (HID, NF))
    lin2_b = jnp.zeros((HID,), dtype=jnp.float32)
    lin_w = xavier(ks[8], (HID, HID))
    lin_b = jnp.zeros((HID,), dtype=jnp.float32)
    return {"x": x, "edge_index": edge_index, "edge_weight": edge_weight, "edge_attr": edge_attr,
            "mlp_w1": mlp_w1, "mlp_b1": mlp_b1, "mlp_w2": mlp_w2, "mlp_b2": mlp_b2,
            "lin1_w": lin1_w, "lin2_w": lin2_w, "lin2_b": lin2_b, "lin_w": lin_w, "lin_b": lin_b}

def reference(x, edge_index, edge_weight, edge_attr, mlp_w1, mlp_b1, mlp_w2, mlp_b2, lin1_w, lin2_w, lin2_b, lin_w, lin_b):
    # CFConv
    C = 0.5 * (jnp.cos(edge_weight * math.pi / CUTOFF) + 1.0)
    h_e = ssp(edge_attr @ mlp_w1.T + mlp_b1)
    Wf = (h_e @ mlp_w2.T + mlp_b2) * C[:, None]
    h = x @ lin1_w.T  # lin1 (no bias)
    src = edge_index[0]
    dst = edge_index[1]
    msg = h[src] * Wf  # message: x_j * W
    agg = jnp.zeros((N, NF), dtype=h.dtype).at[dst].add(msg)  # aggr='add'
    out = agg @ lin2_w.T + lin2_b
    # InteractionBlock tail
    out = ssp(out)
    out = out @ lin_w.T + lin_b
    return out

if __name__ == "__main__":
    import jax
    _d = setup_inputs()
    print(jax.jit(kernel)(*tuple(_d.values())))

</pallas_src>

<mosaic_0001>
#map = affine_map<(d0, d1) -> (0, 0)>
#map1 = affine_map<(d0, d1) -> (0)>
module attributes {stable_mosaic.version = 14 : i64} {
  func.func @_sc_body(%arg0: i32, %arg1: i32, %arg2: memref<10000x128xf32, #tpu.memory_space<hbm>>, %arg3: memref<40960000xf32, #tpu.memory_space<hbm>>, %arg4: memref<320000xi32, #tpu.memory_space<hbm>>, %arg5: memref<320000xi32, #tpu.memory_space<hbm>>, %arg6: memref<20480x128xf32, #tpu.memory_space<hbm>>, %arg7: memref<40xi32, #tpu.memory_space<vmem>>, %arg8: memref<40xi32, #tpu.memory_space<vmem>>, %arg9: memref<40xi32, #tpu.memory_space<vmem>>, %arg10: memref<40xi32, #tpu.memory_space<vmem>>, %arg11: memref<40xi32, #tpu.memory_space<vmem>>, %arg12: memref<40xi32, #tpu.memory_space<vmem>>, %arg13: memref<40xi32, #tpu.memory_space<vmem>>, %arg14: memref<40xi32, #tpu.memory_space<vmem>>, %arg15: memref<40x128xf32, #tpu.memory_space<vmem>>, %arg16: memref<40x128xf32, #tpu.memory_space<vmem>>, %arg17: memref<5120xf32, #tpu.memory_space<vmem>>, %arg18: memref<5120xf32, #tpu.memory_space<vmem>>, %arg19: memref<10240x128xf32, #tpu.memory_space<vmem_shared>>, %arg20: memref<!tpu.dma_semaphore, #tpu.memory_space<semaphore_mem>>, %arg21: memref<!tpu.dma_semaphore, #tpu.memory_space<semaphore_mem>>, %arg22: memref<!tpu.dma_semaphore, #tpu.memory_space<semaphore_mem>>, %arg23: memref<!tpu.dma_semaphore, #tpu.memory_space<semaphore_mem>>, %arg24: memref<!tpu.dma_semaphore, #tpu.memory_space<semaphore_mem>>, %arg25: memref<!tpu.dma_semaphore, #tpu.memory_space<semaphore_mem>>, %arg26: memref<!tpu.dma_semaphore, #tpu.memory_space<semaphore_mem>>, %arg27: memref<!tpu.dma_semaphore, #tpu.memory_space<semaphore_mem>>) attributes {dimension_semantics = [#tpu.dimension_semantics<core_parallel>, #tpu.dimension_semantics<subcore_parallel>], iteration_bounds = array<i64: 2, 16>, scalar_prefetch = 0 : i64, scratch_operands = 21 : i64, tpu.core_type = #tpu.core_type<sc_vector_subcore>, window_params = [{transform_indices = #map}, {transform_indices = #map1}, {transform_indices = #map1}, {transform_indices = #map1}, {transform_indices = #map}]} {
    %mul3A = arith.constant 16 : i32
    %mul3A_0 = arith.muli %arg0, %mul3A : i32
    %add3A = arith.addi %mul3A_0, %arg1 : i32
    %scan3A = arith.constant 0 : i32
    %scan3A_1 = arith.constant 0 : i32
    %scan3A_2 = arith.constant 40 : i32
    %scan3A_3 = arith.addi %scan3A_1, %scan3A_2 : i32
    %scan3A_4 = arith.constant 1 : i32
    scf.for %scan3A_521 = %scan3A_1 to %scan3A_3 step %scan3A_4  : i32 {
      %broadcast_in_dim3A = arith.constant 0.000000e+00 : f32
      %broadcast_in_dim3A_522 = vector.broadcast %broadcast_in_dim3A : f32 to vector<16xf32>
      %swap3A = arith.index_cast %scan3A_521 : i32 to index
      %swap3A_523 = arith.constant 0 : index
      %swap3A_524 = tpu.vector_load %arg15[%swap3A, %swap3A_523] {strides = array<i32>} : memref<40x128xf32, #tpu.memory_space<vmem>>, vector<1x16xf32>,
      %swap3A_525 = vector.shape_cast %swap3A_524 : vector<1x16xf32> to vector<16xf32>
      %swap3A_526 = vector.shape_cast %broadcast_in_dim3A_522 : vector<16xf32> to vector<1x16xf32>
      tpu.vector_store %arg15[%swap3A, %swap3A_523], %swap3A_526 {strides = array<i32>} : memref<40x128xf32, #tpu.memory_space<vmem>>, vector<1x16xf32>,
      %broadcast_in_dim3A_527 = arith.constant 0.000000e+00 : f32
      %broadcast_in_dim3A_528 = vector.broadcast %broadcast_in_dim3A_527 : f32 to vector<16xf32>
      %swap3A_529 = arith.index_cast %scan3A_521 : i32 to index
      %swap3A_530 = arith.constant 16 : index
      %swap3A_531 = tpu.vector_load %arg15[%swap3A_529, %swap3A_530] {strides = array<i32>} : memref<40x128xf32, #tpu.memory_space<vmem>>, vector<1x16xf32>,
      %swap3A_532 = vector.shape_cast %swap3A_531 : vector<1x16xf32> to vector<16xf32>
      %swap3A_533 = vector.shape_cast %broadcast_in_dim3A_528 : vector<16xf32> to vector<1x16xf32>
      tpu.vector_store %arg15[%swap3A_529, %swap3A_530], %swap3A_533 {strides = array<i32>} : memref<40x128xf32, #tpu.memory_space<vmem>>, vector<1x16xf32>,
      %broadcast_in_dim3A_534 = arith.constant 0.000000e+00 : f32
      %broadcast_in_dim3A_535 = vector.broadcast %broadcast_in_dim3A_534 : f32 to vector<16xf32>
      %swap3A_536 = arith.index_cast %scan3A_521 : i32 to index
      %swap3A_537 = arith.constant 32 : index
      %swap3A_538 = tpu.vector_load %arg15[%swap3A_536, %swap3A_537] {strides = array<i32>} : memref<40x128xf32, #tpu.memory_space<vmem>>, vector<1x16xf32>,
      %swap3A_539 = vector.shape_cast %swap3A_538 : vector<1x16xf32> to vector<16xf32>
      %swap3A_540 = vector.shape_cast %broadcast_in_dim3A_535 : vector<16xf32> to vector<1x16xf32>
      tpu.vector_store %arg15[%swap3A_536, %swap3A_537], %swap3A_540 {strides = array<i32>} : memref<40x128xf32, #tpu.memory_space<vmem>>, vector<1x16xf32>,
      %broadcast_in_dim3A_541 = arith.constant 0.000000e+00 : f32
      %broadcast_in_dim3A_542 = vector.broadcast %broadcast_in_dim3A_541 : f32 to vector<16xf32>
      %swap3A_543 = arith.index_cast %scan3A_521 : i32 to index
      %swap3A_544 = arith.constant 48 : index
      %swap3A_545 = tpu.vector_load %arg15[%swap3A_543, %swap3A_544] {strides = array<i32>} : memref<40x128xf32, #tpu.memory_space<vmem>>, vector<1x16xf32>,
      %swap3A_546 = vector.shape_cast %swap3A_545 : vector<1x16xf32> to vector<16xf32>
      %swap3A_547 = vector.shape_cast %broadcast_in_dim3A_542 : vector<16xf32> to vector<1x16xf32>
      tpu.vector_store %arg15[%swap3A_543, %swap3A_544], %swap3A_547 {strides = array<i32>} : memref<40x128xf32, #tpu.memory_space<vmem>>, vector<1x16xf32>,
      %broadcast_in_dim3A_548 = arith.constant 0.000000e+00 : f32
      %broadcast_in_dim3A_549 = vector.broadcast %broadcast_in_dim3A_548 : f32 to vector<16xf32>
      %swap3A_550 = arith.index_cast %scan3A_521 : i32 to index
      %swap3A_551 = arith.constant 64 : index
      %swap3A_552 = tpu.vector_load %arg15[%swap3A_550, %swap3A_551] {strides = array<i32>} : memref<40x128xf32, #tpu.memory_space<vmem>>, vector<1x16xf32>,
      %swap3A_553 = vector.shape_cast %swap3A_552 : vector<1x16xf32> to vector<16xf32>
      %swap3A_554 = vector.shape_cast %broadcast_in_dim3A_549 : vector<16xf32> to vector<1x16xf32>
      tpu.vector_store %arg15[%swap3A_550, %swap3A_551], %swap3A_554 {strides = array<i32>} : memref<40x128xf32, #tpu.memory_space<vmem>>, vector<1x16xf32>,
      %broadcast_in_dim3A_555 = arith.constant 0.000000e+00 : f32
      %broadcast_in_dim3A_556 = vector.broadcast %broadcast_in_dim3A_555 : f32 to vector<16xf32>
      %swap3A_557 = arith.index_cast %scan3A_521 : i32 to index
      %swap3A_558 = arith.constant 80 : index
      %swap3A_559 = tpu.vector_load %arg15[%swap3A_557, %swap3A_558] {strides = array<i32>} : memref<40x128xf32, #tpu.memory_space<vmem>>, vector<1x16xf32>,
      %swap3A_560 = vector.shape_cast %swap3A_559 : vector<1x16xf32> to vector<16xf32>
      %swap3A_561 = vector.shape_cast %broadcast_in_dim3A_556 : vector<16xf32> to vector<1x16xf32>
      tpu.vector_store %arg15[%swap3A_557, %swap3A_558], %swap3A_561 {strides = array<i32>} : memref<40x128xf32, #tpu.memory_space<vmem>>, vector<1x16xf32>,
      %broadcast_in_dim3A_562 = arith.constant 0.000000e+00 : f32
      %broadcast_in_dim3A_563 = vector.broadcast %broadcast_in_dim3A_562 : f32 to vector<16xf32>
      %swap3A_564 = arith.index_cast %scan3A_521 : i32 to index
      %swap3A_565 = arith.constant 96 : index
      %swap3A_566 = tpu.vector_load %arg15[%swap3A_564, %swap3A_565] {strides = array<i32>} : memref<40x128xf32, #tpu.memory_space<vmem>>, vector<1x16xf32>,
      %swap3A_567 = vector.shape_cast %swap3A_566 : vector<1x16xf32> to vector<16xf32>
      %swap3A_568 = vector.shape_cast %broadcast_in_dim3A_563 : vector<16xf32> to vector<1x16xf32>
      tpu.vector_store %arg15[%swap3A_564, %swap3A_565], %swap3A_568 {strides = array<i32>} : memref<40x128xf32, #tpu.memory_space<vmem>>, vector<1x16xf32>,
      %broadcast_in_dim3A_569 = arith.constant 0.000000e+00 : f32
      %broadcast_in_dim3A_570 = vector.broadcast %broadcast_in_dim3A_569 : f32 to vector<16xf32>
      %swap3A_571 = arith.index_cast %scan3A_521 : i32 to index
      %swap3A_572 = arith.constant 112 : index
      %swap3A_573 = tpu.vector_load %arg15[%swap3A_571, %swap3A_572] {strides = array<i32>} : memref<40x128xf32, #tpu.memory_space<vmem>>, vector<1x16xf32>,
      %swap3A_574 = vector.shape_cast %swap3A_573 : vector<1x16xf32> to vector<16xf32>
      %swap3A_575 = vector.shape_cast %broadcast_in_dim3A_570 : vector<16xf32> to vector<1x16xf32>
      tpu.vector_store %arg15[%swap3A_571, %swap3A_572], %swap3A_575 {strides = array<i32>} : memref<40x128xf32, #tpu.memory_space<vmem>>, vector<1x16xf32>,
    }
    %scan3A_5 = arith.constant 40 : i32
    %mul3A_6 = arith.constant 640 : i32
    %mul3A_7 = arith.muli %arg1, %mul3A_6 : i32
    %add3A_8 = arith.constant 0 : i32
    %add3A_9 = arith.addi %mul3A_7, %add3A_8 : i32
    %multiple_of3A = tpu.assume_multiple %add3A_9, 8 : i32
    "tpu.region"() ({
      %run_scoped3A = tpu.sem_alloc : memref<!tpu.dma_semaphore, #tpu.memory_space<semaphore_mem>>
      %dma_start3A_521 = arith.constant 0 : i32
      %dma_start3A_522 = tpu.memref_slice %arg19[%multiple_of3A, %dma_start3A_521] : memref<10240x128xf32, #tpu.memory_space<vmem_shared>> -> memref<40x128xf32, #tpu.memory_space<vmem_shared>>
      %dma_start3A_523 = arith.constant 0 : i32
      %dma_start3A_524 = tpu.memref_slice %arg19[%multiple_of3A, %dma_start3A_523] : memref<10240x128xf32, #tpu.memory_space<vmem_shared>> -> memref<40x128xf32, #tpu.memory_space<vmem_shared>>
      tpu.enqueue_dma source(%arg15 : memref<40x128xf32, #tpu.memory_space<vmem>>) target(%dma_start3A_524 : memref<40x128xf32, #tpu.memory_space<vmem_shared>>) target_semaphore(%run_scoped3A : memref<!tpu.dma_semaphore, #tpu.memory_space<semaphore_mem>>)
      %dma_wait3A_525 = arith.constant 0 : i32
      %dma_wait3A_526 = tpu.memref_slice %arg19[%multiple_of3A, %dma_wait3A_525] : memref<10240x128xf32, #tpu.memory_space<vmem_shared>> -> memref<40x128xf32, #tpu.memory_space<vmem_shared>>
      %dma_wait3A_527 = arith.constant 0 : i32
      %dma_wait3A_528 = tpu.memref_slice %arg19[%multiple_of3A, %dma_wait3A_527] : memref<10240x128xf32, #tpu.memory_space<vmem_shared>> -> memref<40x128xf32, #tpu.memory_space<vmem_shared>>
      tpu.wait_dma2 semaphore(%run_scoped3A : memref<!tpu.dma_semaphore, #tpu.memory_space<semaphore_mem>>) src(%arg15 : memref<40x128xf32, #tpu.memory_space<vmem>>) dst(%dma_wait3A_528 : memref<40x128xf32, #tpu.memory_space<vmem_shared>>)
      tpu.yield
    }) : () -> ()
    %mul3A_10 = arith.constant 640 : i32
    %mul3A_11 = arith.muli %arg1, %mul3A_10 : i32
    %add3A_12 = arith.constant 40 : i32
    %add3A_13 = arith.addi %mul3A_11, %add3A_12 : i32
    %multiple_of3A_14 = tpu.assume_multiple %add3A_13, 8 : i32
    "tpu.region"() ({
      %run_scoped3A = tpu.sem_alloc : memref<!tpu.dma_semaphore, #tpu.memory_space<semaphore_mem>>
      %dma_start3A_521 = arith.constant 0 : i32
      %dma_start3A_522 = tpu.memref_slice %arg19[%multiple_of3A_14, %dma_start3A_521] : memref<10240x128xf32, #tpu.memory_space<vmem_shared>> -> memref<40x128xf32, #tpu.memory_space<vmem_shared>>
      %dma_start3A_523 = arith.constant 0 : i32
      %dma_start3A_524 = tpu.memref_slice %arg19[%multiple_of3A_14, %dma_start3A_523] : memref<10240x128xf32, #tpu.memory_space<vmem_shared>> -> memref<40x128xf32, #tpu.memory_space<vmem_shared>>
      tpu.enqueue_dma source(%arg15 : memref<40x128xf32, #tpu.memory_space<vmem>>) target(%dma_start3A_524 : memref<40x128xf32, #tpu.memory_space<vmem_shared>>) target_semaphore(%run_scoped3A : memref<!tpu.dma_semaphore, #tpu.memory_space<semaphore_mem>>)
      %dma_wait3A_525 = arith.constant 0 : i32
      %dma_wait3A_526 = tpu.memref_slice %arg19[%multiple_of3A_14, %dma_wait3A_525] : memref<10240x128xf32, #tpu.memory_space<vmem_shared>> -> memref<40x128xf32, #tpu.memory_space<vmem_shared>>
      %dma_wait3A_527 = arith.constant 0 : i32
      %dma_wait3A_528 = tpu.memref_slice %arg19[%multiple_of3A_14, %dma_wait3A_527] : memref<10240x128xf32, #tpu.memory_space<vmem_shared>> -> memref<40x128xf32, #tpu.memory_space<vmem_shared>>
      tpu.wait_dma2 semaphore(%run_scoped3A : memref<!tpu.dma_semaphore, #tpu.memory_space<semaphore_mem>>) src(%arg15 : memref<40x128xf32, #tpu.memory_space<vmem>>) dst(%dma_wait3A_528 : memref<40x128xf32, #tpu.memory_space<vmem_shared>>)
      tpu.yield
    }) : () -> ()
    %mul3A_15 = arith.constant 640 : i32
    %mul3A_16 = arith.muli %arg1, %mul3A_15 : i32
    %add3A_17 = arith.constant 80 : i32
    %add3A_18 = arith.addi %mul3A_16, %add3A_17 : i32
    %multiple_of3A_19 = tpu.assume_multiple %add3A_18, 8 : i32
    "tpu.region"() ({
      %run_scoped3A = tpu.sem_alloc : memref<!tpu.dma_semaphore, #tpu.memory_space<semaphore_mem>>
      %dma_start3A_521 = arith.constant 0 : i32
      %dma_start3A_522 = tpu.memref_slice %arg19[%multiple_of3A_19, %dma_start3A_521] : memref<10240x128xf32, #tpu.memory_space<vmem_shared>> -> memref<40x128xf32, #tpu.memory_space<vmem_shared>>
      %dma_start3A_523 = arith.constant 0 : i32
      %dma_start3A_524 = tpu.memref_slice %arg19[%multiple_of3A_19, %dma_start3A_523] : memref<10240x128xf32, #tpu.memory_space<vmem_shared>> -> memref<40x128xf32, #tpu.memory_space<vmem_shared>>
      tpu.enqueue_dma source(%arg15 : memref<40x128xf32, #tpu.memory_space<vmem>>) target(%dma_start3A_524 : memref<40x128xf32, #tpu.memory_space<vmem_shared>>) target_semaphore(%run_scoped3A : memref<!tpu.dma_semaphore, #tpu.memory_space<semaphore_mem>>)
      %dma_wait3A_525 = arith.constant 0 : i32
      %dma_wait3A_526 = tpu.memref_slice %arg19[%multiple_of3A_19, %dma_wait3A_525] : memref<10240x128xf32, #tpu.memory_space<vmem_shared>> -> memref<40x128xf32, #tpu.memory_space<vmem_shared>>
      %dma_wait3A_527 = arith.constant 0 : i32
      %dma_wait3A_528 = tpu.memref_slice %arg19[%multiple_of3A_19, %dma_wait3A_527] : memref<10240x128xf32, #tpu.memory_space<vmem_shared>> -> memref<40x128xf32, #tpu.memory_space<vmem_shared>>
      tpu.wait_dma2 semaphore(%run_scoped3A : memref<!tpu.dma_semaphore, #tpu.memory_space<semaphore_mem>>) src(%arg15 : memref<40x128xf32, #tpu.memory_space<vmem>>) dst(%dma_wait3A_528 : memref<40x128xf32, #tpu.memory_space<vmem_shared>>)
      tpu.yield
    }) : () -> ()
    %mul3A_20 = arith.constant 640 : i32
    %mul3A_21 = arith.muli %arg1, %mul3A_20 : i32
    %add3A_22 = arith.constant 120 : i32
    %add3A_23 = arith.addi %mul3A_21, %add3A_22 : i32
    %multiple_of3A_24 = tpu.assume_multiple %add3A_23, 8 : i32
    "tpu.region"() ({
      %run_scoped3A = tpu.sem_alloc : memref<!tpu.dma_semaphore, #tpu.memory_space<semaphore_mem>>
      %dma_start3A_521 = arith.constant 0 : i32
      %dma_start3A_522 = tpu.memref_slice %arg19[%multiple_of3A_24, %dma_start3A_521] : memref<10240x128xf32, #tpu.memory_space<vmem_shared>> -> memref<40x128xf32, #tpu.memory_space<vmem_shared>>
      %dma_start3A_523 = arith.constant 0 : i32
      %dma_start3A_524 = tpu.memref_slice %arg19[%multiple_of3A_24, %dma_start3A_523] : memref<10240x128xf32, #tpu.memory_space<vmem_shared>> -> memref<40x128xf32, #tpu.memory_space<vmem_shared>>
      tpu.enqueue_dma source(%arg15 : memref<40x128xf32, #tpu.memory_space<vmem>>) target(%dma_start3A_524 : memref<40x128xf32, #tpu.memory_space<vmem_shared>>) target_semaphore(%run_scoped3A : memref<!tpu.dma_semaphore, #tpu.memory_space<semaphore_mem>>)
      %dma_wait3A_525 = arith.constant 0 : i32
      %dma_wait3A_526 = tpu.memref_slice %arg19[%multiple_of3A_24, %dma_wait3A_525] : memref<10240x128xf32, #tpu.memory_space<vmem_shared>> -> memref<40x128xf32, #tpu.memory_space<vmem_shared>>
      %dma_wait3A_527 = arith.constant 0 : i32
      %dma_wait3A_528 = tpu.memref_slice %arg19[%multiple_of3A_24, %dma_wait3A_527] : memref<10240x128xf32, #tpu.memory_space<vmem_shared>> -> memref<40x128xf32, #tpu.memory_space<vmem_shared>>
      tpu.wait_dma2 semaphore(%run_scoped3A : memref<!tpu.dma_semaphore, #tpu.memory_space<semaphore_mem>>) src(%arg15 : memref<40x128xf32, #tpu.memory_space<vmem>>) dst(%dma_wait3A_528 : memref<40x128xf32, #tpu.memory_space<vmem_shared>>)
      tpu.yield
    }) : () -> ()
    %mul3A_25 = arith.constant 640 : i32
    %mul3A_26 = arith.muli %arg1, %mul3A_25 : i32
    %add3A_27 = arith.constant 160 : i32
    %add3A_28 = arith.addi %mul3A_26, %add3A_27 : i32
    %multiple_of3A_29 = tpu.assume_multiple %add3A_28, 8 : i32
    "tpu.region"() ({
      %run_scoped3A = tpu.sem_alloc : memref<!tpu.dma_semaphore, #tpu.memory_space<semaphore_mem>>
      %dma_start3A_521 = arith.constant 0 : i32
      %dma_start3A_522 = tpu.memref_slice %arg19[%multiple_of3A_29, %dma_start3A_521] : memref<10240x128xf32, #tpu.memory_space<vmem_shared>> -> memref<40x128xf32, #tpu.memory_space<vmem_shared>>
      %dma_start3A_523 = arith.constant 0 : i32
      %dma_start3A_524 = tpu.memref_slice %arg19[%multiple_of3A_29, %dma_start3A_523] : memref<10240x128xf32, #tpu.memory_space<vmem_shared>> -> memref<40x128xf32, #tpu.memory_space<vmem_shared>>
      tpu.enqueue_dma source(%arg15 : memref<40x128xf32, #tpu.memory_space<vmem>>) target(%dma_start3A_524 : memref<40x128xf32, #tpu.memory_space<vmem_shared>>) target_semaphore(%run_scoped3A : memref<!tpu.dma_semaphore, #tpu.memory_space<semaphore_mem>>)
      %dma_wait3A_525 = arith.constant 0 : i32
      %dma_wait3A_526 = tpu.memref_slice %arg19[%multiple_of3A_29, %dma_wait3A_525] : memref<10240x128xf32, #tpu.memory_space<vmem_shared>> -> memref<40x128xf32, #tpu.memory_space<vmem_shared>>
      %dma_wait3A_527 = arith.constant 0 : i32
      %dma_wait3A_528 = tpu.memref_slice %arg19[%multiple_of3A_29, %dma_wait3A_527] : memref<10240x128xf32, #tpu.memory_space<vmem_shared>> -> memref<40x128xf32, #tpu.memory_space<vmem_shared>>
      tpu.wait_dma2 semaphore(%run_scoped3A : memref<!tpu.dma_semaphore, #tpu.memory_space<semaphore_mem>>) src(%arg15 : memref<40x128xf32, #tpu.memory_space<vmem>>) dst(%dma_wait3A_528 : memref<40x128xf32, #tpu.memory_space<vmem_shared>>)
      tpu.yield
    }) : () -> ()
    %mul3A_30 = arith.constant 640 : i32
    %mul3A_31 = arith.muli %arg1, %mul3A_30 : i32
    %add3A_32 = arith.constant 200 : i32
    %add3A_33 = arith.addi %mul3A_31, %add3A_32 : i32
    %multiple_of3A_34 = tpu.assume_multiple %add3A_33, 8 : i32
    "tpu.region"() ({
      %run_scoped3A = tpu.sem_alloc : memref<!tpu.dma_semaphore, #tpu.memory_space<semaphore_mem>>
      %dma_start3A_521 = arith.constant 0 : i32
      %dma_start3A_522 = tpu.memref_slice %arg19[%multiple_of3A_34, %dma_start3A_521] : memref<10240x128xf32, #tpu.memory_space<vmem_shared>> -> memref<40x128xf32, #tpu.memory_space<vmem_shared>>
      %dma_start3A_523 = arith.constant 0 : i32
      %dma_start3A_524 = tpu.memref_slice %arg19[%multiple_of3A_34, %dma_start3A_523] : memref<10240x128xf32, #tpu.memory_space<vmem_shared>> -> memref<40x128xf32, #tpu.memory_space<vmem_shared>>
      tpu.enqueue_dma source(%arg15 : memref<40x128xf32, #tpu.memory_space<vmem>>) target(%dma_start3A_524 : memref<40x128xf32, #tpu.memory_space<vmem_shared>>) target_semaphore(%run_scoped3A : memref<!tpu.dma_semaphore, #tpu.memory_space<semaphore_mem>>)
      %dma_wait3A_525 = arith.constant 0 : i32
      %dma_wait3A_526 = tpu.memref_slice %arg19[%multiple_of3A_34, %dma_wait3A_525] : memref<10240x128xf32, #tpu.memory_space<vmem_shared>> -> memref<40x128xf32, #tpu.memory_space<vmem_shared>>
      %dma_wait3A_527 = arith.constant 0 : i32
      %dma_wait3A_528 = tpu.memref_slice %arg19[%multiple_of3A_34, %dma_wait3A_527] : memref<10240x128xf32, #tpu.memory_space<vmem_shared>> -> memref<40x128xf32, #tpu.memory_space<vmem_shared>>
      tpu.wait_dma2 semaphore(%run_scoped3A : memref<!tpu.dma_semaphore, #tpu.memory_space<semaphore_mem>>) src(%arg15 : memref<40x128xf32, #tpu.memory_space<vmem>>) dst(%dma_wait3A_528 : memref<40x128xf32, #tpu.memory_space<vmem_shared>>)
      tpu.yield
    }) : () -> ()
    %mul3A_35 = arith.constant 640 : i32
    %mul3A_36 = arith.muli %arg1, %mul3A_35 : i32
    %add3A_37 = arith.constant 240 : i32
    %add3A_38 = arith.addi %mul3A_36, %add3A_37 : i32
    %multiple_of3A_39 = tpu.assume_multiple %add3A_38, 8 : i32
    "tpu.region"() ({
      %run_scoped3A = tpu.sem_alloc : memref<!tpu.dma_semaphore, #tpu.memory_space<semaphore_mem>>
      %dma_start3A_521 = arith.constant 0 : i32
      %dma_start3A_522 = tpu.memref_slice %arg19[%multiple_of3A_39, %dma_start3A_521] : memref<10240x128xf32, #tpu.memory_space<vmem_shared>> -> memref<40x128xf32, #tpu.memory_space<vmem_shared>>
      %dma_start3A_523 = arith.constant 0 : i32
      %dma_start3A_524 = tpu.memref_slice %arg19[%multiple_of3A_39, %dma_start3A_523] : memref<10240x128xf32, #tpu.memory_space<vmem_shared>> -> memref<40x128xf32, #tpu.memory_space<vmem_shared>>
      tpu.enqueue_dma source(%arg15 : memref<40x128xf32, #tpu.memory_space<vmem>>) target(%dma_start3A_524 : memref<40x128xf32, #tpu.memory_space<vmem_shared>>) target_semaphore(%run_scoped3A : memref<!tpu.dma_semaphore, #tpu.memory_space<semaphore_mem>>)
      %dma_wait3A_525 = arith.constant 0 : i32
      %dma_wait3A_526 = tpu.memref_slice %arg19[%multiple_of3A_39, %dma_wait3A_525] : memref<10240x128xf32, #tpu.memory_space<vmem_shared>> -> memref<40x128xf32, #tpu.memory_space<vmem_shared>>
      %dma_wait3A_527 = arith.constant 0 : i32
      %dma_wait3A_528 = tpu.memref_slice %arg19[%multiple_of3A_39, %dma_wait3A_527] : memref<10240x128xf32, #tpu.memory_space<vmem_shared>> -> memref<40x128xf32, #tpu.memory_space<vmem_shared>>
      tpu.wait_dma2 semaphore(%run_scoped3A : memref<!tpu.dma_semaphore, #tpu.memory_space<semaphore_mem>>) src(%arg15 : memref<40x128xf32, #tpu.memory_space<vmem>>) dst(%dma_wait3A_528 : memref<40x128xf32, #tpu.memory_space<vmem_shared>>)
      tpu.yield
    }) : () -> ()
    %mul3A_40 = arith.constant 640 : i32
    %mul3A_41 = arith.muli %arg1, %mul3A_40 : i32
    %add3A_42 = arith.constant 280 : i32
    %add3A_43 = arith.addi %mul3A_41, %add3A_42 : i32
    %multiple_of3A_44 = tpu.assume_multiple %add3A_43, 8 : i32
    "tpu.region"() ({
      %run_scoped3A = tpu.sem_alloc : memref<!tpu.dma_semaphore, #tpu.memory_space<semaphore_mem>>
      %dma_start3A_521 = arith.constant 0 : i32
      %dma_start3A_522 = tpu.memref_slice %arg19[%multiple_of3A_44, %dma_start3A_521] : memref<10240x128xf32, #tpu.memory_space<vmem_shared>> -> memref<40x128xf32, #tpu.memory_space<vmem_shared>>
      %dma_start3A_523 = arith.constant 0 : i32
      %dma_start3A_524 = tpu.memref_slice %arg19[%multiple_of3A_44, %dma_start3A_523] : memref<10240x128xf32, #tpu.memory_space<vmem_shared>> -> memref<40x128xf32, #tpu.memory_space<vmem_shared>>
      tpu.enqueue_dma source(%arg15 : memref<40x128xf32, #tpu.memory_space<vmem>>) target(%dma_start3A_524 : memref<40x128xf32, #tpu.memory_space<vmem_shared>>) target_semaphore(%run_scoped3A : memref<!tpu.dma_semaphore, #tpu.memory_space<semaphore_mem>>)
      %dma_wait3A_525 = arith.constant 0 : i32
      %dma_wait3A_526 = tpu.memref_slice %arg19[%multiple_of3A_44, %dma_wait3A_525] : memref<10240x128xf32, #tpu.memory_space<vmem_shared>> -> memref<40x128xf32, #tpu.memory_space<vmem_shared>>
      %dma_wait3A_527 = arith.constant 0 : i32
      %dma_wait3A_528 = tpu.memref_slice %arg19[%multiple_of3A_44, %dma_wait3A_527] : memref<10240x128xf32, #tpu.memory_space<vmem_shared>> -> memref<40x128xf32, #tpu.memory_space<vmem_shared>>
      tpu.wait_dma2 semaphore(%run_scoped3A : memref<!tpu.dma_semaphore, #tpu.memory_space<semaphore_mem>>) src(%arg15 : memref<40x128xf32, #tpu.memory_space<vmem>>) dst(%dma_wait3A_528 : memref<40x128xf32, #tpu.memory_space<vmem_shared>>)
      tpu.yield
    }) : () -> ()
    %mul3A_45 = arith.constant 640 : i32
    %mul3A_46 = arith.muli %arg1, %mul3A_45 : i32
    %add3A_47 = arith.constant 320 : i32
    %add3A_48 = arith.addi %mul3A_46, %add3A_47 : i32
    %multiple_of3A_49 = tpu.assume_multiple %add3A_48, 8 : i32
    "tpu.region"() ({
      %run_scoped3A = tpu.sem_alloc : memref<!tpu.dma_semaphore, #tpu.memory_space<semaphore_mem>>
      %dma_start3A_521 = arith.constant 0 : i32
      %dma_start3A_522 = tpu.memref_slice %arg19[%multiple_of3A_49, %dma_start3A_521] : memref<10240x128xf32, #tpu.memory_space<vmem_shared>> -> memref<40x128xf32, #tpu.memory_space<vmem_shared>>
      %dma_start3A_523 = arith.constant 0 : i32
      %dma_start3A_524 = tpu.memref_slice %arg19[%multiple_of3A_49, %dma_start3A_523] : memref<10240x128xf32, #tpu.memory_space<vmem_shared>> -> memref<40x128xf32, #tpu.memory_space<vmem_shared>>
      tpu.enqueue_dma source(%arg15 : memref<40x128xf32, #tpu.memory_space<vmem>>) target(%dma_start3A_524 : memref<40x128xf32, #tpu.memory_space<vmem_shared>>) target_semaphore(%run_scoped3A : memref<!tpu.dma_semaphore, #tpu.memory_space<semaphore_mem>>)
      %dma_wait3A_525 = arith.constant 0 : i32
      %dma_wait3A_526 = tpu.memref_slice %arg19[%multiple_of3A_49, %dma_wait3A_525] : memref<10240x128xf32, #tpu.memory_space<vmem_shared>> -> memref<40x128xf32, #tpu.memory_space<vmem_shared>>
      %dma_wait3A_527 = arith.constant 0 : i32
      %dma_wait3A_528 = tpu.memref_slice %arg19[%multiple_of3A_49, %dma_wait3A_527] : memref<10240x128xf32, #tpu.memory_space<vmem_shared>> -> memref<40x128xf32, #tpu.memory_space<vmem_shared>>
      tpu.wait_dma2 semaphore(%run_scoped3A : memref<!tpu.dma_semaphore, #tpu.memory_space<semaphore_mem>>) src(%arg15 : memref<40x128xf32, #tpu.memory_space<vmem>>) dst(%dma_wait3A_528 : memref<40x128xf32, #tpu.memory_space<vmem_shared>>)
      tpu.yield
    }) : () -> ()
    %mul3A_50 = arith.constant 640 : i32
    %mul3A_51 = arith.muli %arg1, %mul3A_50 : i32
    %add3A_52 = arith.constant 360 : i32
    %add3A_53 = arith.addi %mul3A_51, %add3A_52 : i32
    %multiple_of3A_54 = tpu.assume_multiple %add3A_53, 8 : i32
    "tpu.region"() ({
      %run_scoped3A = tpu.sem_alloc : memref<!tpu.dma_semaphore, #tpu.memory_space<semaphore_mem>>
      %dma_start3A_521 = arith.constant 0 : i32
      %dma_start3A_522 = tpu.memref_slice %arg19[%multiple_of3A_54, %dma_start3A_521] : memref<10240x128xf32, #tpu.memory_space<vmem_shared>> -> memref<40x128xf32, #tpu.memory_space<vmem_shared>>
      %dma_start3A_523 = arith.constant 0 : i32
      %dma_start3A_524 = tpu.memref_slice %arg19[%multiple_of3A_54, %dma_start3A_523] : memref<10240x128xf32, #tpu.memory_space<vmem_shared>> -> memref<40x128xf32, #tpu.memory_space<vmem_shared>>
      tpu.enqueue_dma source(%arg15 : memref<40x128xf32, #tpu.memory_space<vmem>>) target(%dma_start3A_524 : memref<40x128xf32, #tpu.memory_space<vmem_shared>>) target_semaphore(%run_scoped3A : memref<!tpu.dma_semaphore, #tpu.memory_space<semaphore_mem>>)
      %dma_wait3A_525 = arith.constant 0 : i32
      %dma_wait3A_526 = tpu.memref_slice %arg19[%multiple_of3A_54, %dma_wait3A_525] : memref<10240x128xf32, #tpu.memory_space<vmem_shared>> -> memref<40x128xf32, #tpu.memory_space<vmem_shared>>
      %dma_wait3A_527 = arith.constant 0 : i32
      %dma_wait3A_528 = tpu.memref_slice %arg19[%multiple_of3A_54, %dma_wait3A_527] : memref<10240x128xf32, #tpu.memory_space<vmem_shared>> -> memref<40x128xf32, #tpu.memory_space<vmem_shared>>
      tpu.wait_dma2 semaphore(%run_scoped3A : memref<!tpu.dma_semaphore, #tpu.memory_space<semaphore_mem>>) src(%arg15 : memref<40x128xf32, #tpu.memory_space<vmem>>) dst(%dma_wait3A_528 : memref<40x128xf32, #tpu.memory_space<vmem_shared>>)
      tpu.yield
    }) : () -> ()
    %mul3A_55 = arith.constant 640 : i32
    %mul3A_56 = arith.muli %arg1, %mul3A_55 : i32
    %add3A_57 = arith.constant 400 : i32
    %add3A_58 = arith.addi %mul3A_56, %add3A_57 : i32
    %multiple_of3A_59 = tpu.assume_multiple %add3A_58, 8 : i32
    "tpu.region"() ({
      %run_scoped3A = tpu.sem_alloc : memref<!tpu.dma_semaphore, #tpu.memory_space<semaphore_mem>>
      %dma_start3A_521 = arith.constant 0 : i32
      %dma_start3A_522 = tpu.memref_slice %arg19[%multiple_of3A_59, %dma_start3A_521] : memref<10240x128xf32, #tpu.memory_space<vmem_shared>> -> memref<40x128xf32, #tpu.memory_space<vmem_shared>>
      %dma_start3A_523 = arith.constant 0 : i32
      %dma_start3A_524 = tpu.memref_slice %arg19[%multiple_of3A_59, %dma_start3A_523] : memref<10240x128xf32, #tpu.memory_space<vmem_shared>> -> memref<40x128xf32, #tpu.memory_space<vmem_shared>>
      tpu.enqueue_dma source(%arg15 : memref<40x128xf32, #tpu.memory_space<vmem>>) target(%dma_start3A_524 : memref<40x128xf32, #tpu.memory_space<vmem_shared>>) target_semaphore(%run_scoped3A : memref<!tpu.dma_semaphore, #tpu.memory_space<semaphore_mem>>)
      %dma_wait3A_525 = arith.constant 0 : i32
      %dma_wait3A_526 = tpu.memref_slice %arg19[%multiple_of3A_59, %dma_wait3A_525] : memref<10240x128xf32, #tpu.memory_space<vmem_shared>> -> memref<40x128xf32, #tpu.memory_space<vmem_shared>>
      %dma_wait3A_527 = arith.constant 0 : i32
      %dma_wait3A_528 = tpu.memref_slice %arg19[%multiple_of3A_59, %dma_wait3A_527] : memref<10240x128xf32, #tpu.memory_space<vmem_shared>> -> memref<40x128xf32, #tpu.memory_space<vmem_shared>>
      tpu.wait_dma2 semaphore(%run_scoped3A : memref<!tpu.dma_semaphore, #tpu.memory_space<semaphore_mem>>) src(%arg15 : memref<40x128xf32, #tpu.memory_space<vmem>>) dst(%dma_wait3A_528 : memref<40x128xf32, #tpu.memory_space<vmem_shared>>)
      tpu.yield
    }) : () -> ()
    %mul3A_60 = arith.constant 640 : i32
    %mul3A_61 = arith.muli %arg1, %mul3A_60 : i32
    %add3A_62 = arith.constant 440 : i32
    %add3A_63 = arith.addi %mul3A_61, %add3A_62 : i32
    %multiple_of3A_64 = tpu.assume_multiple %add3A_63, 8 : i32
    "tpu.region"() ({
      %run_scoped3A = tpu.sem_alloc : memref<!tpu.dma_semaphore, #tpu.memory_space<semaphore_mem>>
      %dma_start3A_521 = arith.constant 0 : i32
      %dma_start3A_522 = tpu.memref_slice %arg19[%multiple_of3A_64, %dma_start3A_521] : memref<10240x128xf32, #tpu.memory_space<vmem_shared>> -> memref<40x128xf32, #tpu.memory_space<vmem_shared>>
      %dma_start3A_523 = arith.constant 0 : i32
      %dma_start3A_524 = tpu.memref_slice %arg19[%multiple_of3A_64, %dma_start3A_523] : memref<10240x128xf32, #tpu.memory_space<vmem_shared>> -> memref<40x128xf32, #tpu.memory_space<vmem_shared>>
      tpu.enqueue_dma source(%arg15 : memref<40x128xf32, #tpu.memory_space<vmem>>) target(%dma_start3A_524 : memref<40x128xf32, #tpu.memory_space<vmem_shared>>) target_semaphore(%run_scoped3A : memref<!tpu.dma_semaphore, #tpu.memory_space<semaphore_mem>>)
      %dma_wait3A_525 = arith.constant 0 : i32
      %dma_wait3A_526 = tpu.memref_slice %arg19[%multiple_of3A_64, %dma_wait3A_525] : memref<10240x128xf32, #tpu.memory_space<vmem_shared>> -> memref<40x128xf32, #tpu.memory_space<vmem_shared>>
      %dma_wait3A_527 = arith.constant 0 : i32
      %dma_wait3A_528 = tpu.memref_slice %arg19[%multiple_of3A_64, %dma_wait3A_527] : memref<10240x128xf32, #tpu.memory_space<vmem_shared>> -> memref<40x128xf32, #tpu.memory_space<vmem_shared>>
      tpu.wait_dma2 semaphore(%run_scoped3A : memref<!tpu.dma_semaphore, #tpu.memory_space<semaphore_mem>>) src(%arg15 : memref<40x128xf32, #tpu.memory_space<vmem>>) dst(%dma_wait3A_528 : memref<40x128xf32, #tpu.memory_space<vmem_shared>>)
      tpu.yield
    }) : () -> ()
    %mul3A_65 = arith.constant 640 : i32
    %mul3A_66 = arith.muli %arg1, %mul3A_65 : i32
    %add3A_67 = arith.constant 480 : i32
    %add3A_68 = arith.addi %mul3A_66, %add3A_67 : i32
    %multiple_of3A_69 = tpu.assume_multiple %add3A_68, 8 : i32
    "tpu.region"() ({
      %run_scoped3A = tpu.sem_alloc : memref<!tpu.dma_semaphore, #tpu.memory_space<semaphore_mem>>
      %dma_start3A_521 = arith.constant 0 : i32
      %dma_start3A_522 = tpu.memref_slice %arg19[%multiple_of3A_69, %dma_start3A_521] : memref<10240x128xf32, #tpu.memory_space<vmem_shared>> -> memref<40x128xf32, #tpu.memory_space<vmem_shared>>
      %dma_start3A_523 = arith.constant 0 : i32
      %dma_start3A_524 = tpu.memref_slice %arg19[%multiple_of3A_69, %dma_start3A_523] : memref<10240x128xf32, #tpu.memory_space<vmem_shared>> -> memref<40x128xf32, #tpu.memory_space<vmem_shared>>
      tpu.enqueue_dma source(%arg15 : memref<40x128xf32, #tpu.memory_space<vmem>>) target(%dma_start3A_524 : memref<40x128xf32, #tpu.memory_space<vmem_shared>>) target_semaphore(%run_scoped3A : memref<!tpu.dma_semaphore, #tpu.memory_space<semaphore_mem>>)
      %dma_wait3A_525 = arith.constant 0 : i32
      %dma_wait3A_526 = tpu.memref_slice %arg19[%multiple_of3A_69, %dma_wait3A_525] : memref<10240x128xf32, #tpu.memory_space<vmem_shared>> -> memref<40x128xf32, #tpu.memory_space<vmem_shared>>
      %dma_wait3A_527 = arith.constant 0 : i32
      %dma_wait3A_528 = tpu.memref_slice %arg19[%multiple_of3A_69, %dma_wait3A_527] : memref<10240x128xf32, #tpu.memory_space<vmem_shared>> -> memref<40x128xf32, #tpu.memory_space<vmem_shared>>
      tpu.wait_dma2 semaphore(%run_scoped3A : memref<!tpu.dma_semaphore, #tpu.memory_space<semaphore_mem>>) src(%arg15 : memref<40x128xf32, #tpu.memory_space<vmem>>) dst(%dma_wait3A_528 : memref<40x128xf32, #tpu.memory_space<vmem_shared>>)
      tpu.yield
    }) : () -> ()
    %mul3A_70 = arith.constant 640 : i32
    %mul3A_71 = arith.muli %arg1, %mul3A_70 : i32
    %add3A_72 = arith.constant 520 : i32
    %add3A_73 = arith.addi %mul3A_71, %add3A_72 : i32
    %multiple_of3A_74 = tpu.assume_multiple %add3A_73, 8 : i32
    "tpu.region"() ({
      %run_scoped3A = tpu.sem_alloc : memref<!tpu.dma_semaphore, #tpu.memory_space<semaphore_mem>>
      %dma_start3A_521 = arith.constant 0 : i32
      %dma_start3A_522 = tpu.memref_slice %arg19[%multiple_of3A_74, %dma_start3A_521] : memref<10240x128xf32, #tpu.memory_space<vmem_shared>> -> memref<40x128xf32, #tpu.memory_space<vmem_shared>>
      %dma_start3A_523 = arith.constant 0 : i32
      %dma_start3A_524 = tpu.memref_slice %arg19[%multiple_of3A_74, %dma_start3A_523] : memref<10240x128xf32, #tpu.memory_space<vmem_shared>> -> memref<40x128xf32, #tpu.memory_space<vmem_shared>>
      tpu.enqueue_dma source(%arg15 : memref<40x128xf32, #tpu.memory_space<vmem>>) target(%dma_start3A_524 : memref<40x128xf32, #tpu.memory_space<vmem_shared>>) target_semaphore(%run_scoped3A : memref<!tpu.dma_semaphore, #tpu.memory_space<semaphore_mem>>)
      %dma_wait3A_525 = arith.constant 0 : i32
      %dma_wait3A_526 = tpu.memref_slice %arg19[%multiple_of3A_74, %dma_wait3A_525] : memref<10240x128xf32, #tpu.memory_space<vmem_shared>> -> memref<40x128xf32, #tpu.memory_space<vmem_shared>>
      %dma_wait3A_527 = arith.constant 0 : i32
      %dma_wait3A_528 = tpu.memref_slice %arg19[%multiple_of3A_74, %dma_wait3A_527] : memref<10240x128xf32, #tpu.memory_space<vmem_shared>> -> memref<40x128xf32, #tpu.memory_space<vmem_shared>>
      tpu.wait_dma2 semaphore(%run_scoped3A : memref<!tpu.dma_semaphore, #tpu.memory_space<semaphore_mem>>) src(%arg15 : memref<40x128xf32, #tpu.memory_space<vmem>>) dst(%dma_wait3A_528 : memref<40x128xf32, #tpu.memory_space<vmem_shared>>)
      tpu.yield
    }) : () -> ()
    %mul3A_75 = arith.constant 640 : i32
    %mul3A_76 = arith.muli %arg1, %mul3A_75 : i32
    %add3A_77 = arith.constant 560 : i32
    %add3A_78 = arith.addi %mul3A_76, %add3A_77 : i32
    %multiple_of3A_79 = tpu.assume_multiple %add3A_78, 8 : i32
    "tpu.region"() ({
      %run_scoped3A = tpu.sem_alloc : memref<!tpu.dma_semaphore, #tpu.memory_space<semaphore_mem>>
      %dma_start3A_521 = arith.constant 0 : i32
      %dma_start3A_522 = tpu.memref_slice %arg19[%multiple_of3A_79, %dma_start3A_521] : memref<10240x128xf32, #tpu.memory_space<vmem_shared>> -> memref<40x128xf32, #tpu.memory_space<vmem_shared>>
      %dma_start3A_523 = arith.constant 0 : i32
      %dma_start3A_524 = tpu.memref_slice %arg19[%multiple_of3A_79, %dma_start3A_523] : memref<10240x128xf32, #tpu.memory_space<vmem_shared>> -> memref<40x128xf32, #tpu.memory_space<vmem_shared>>
      tpu.enqueue_dma source(%arg15 : memref<40x128xf32, #tpu.memory_space<vmem>>) target(%dma_start3A_524 : memref<40x128xf32, #tpu.memory_space<vmem_shared>>) target_semaphore(%run_scoped3A : memref<!tpu.dma_semaphore, #tpu.memory_space<semaphore_mem>>)
      %dma_wait3A_525 = arith.constant 0 : i32
      %dma_wait3A_526 = tpu.memref_slice %arg19[%multiple_of3A_79, %dma_wait3A_525] : memref<10240x128xf32, #tpu.memory_space<vmem_shared>> -> memref<40x128xf32, #tpu.memory_space<vmem_shared>>
      %dma_wait3A_527 = arith.constant 0 : i32
      %dma_wait3A_528 = tpu.memref_slice %arg19[%multiple_of3A_79, %dma_wait3A_527] : memref<10240x128xf32, #tpu.memory_space<vmem_shared>> -> memref<40x128xf32, #tpu.memory_space<vmem_shared>>
      tpu.wait_dma2 semaphore(%run_scoped3A : memref<!tpu.dma_semaphore, #tpu.memory_space<semaphore_mem>>) src(%arg15 : memref<40x128xf32, #tpu.memory_space<vmem>>) dst(%dma_wait3A_528 : memref<40x128xf32, #tpu.memory_space<vmem_shared>>)
      tpu.yield
    }) : () -> ()
    %mul3A_80 = arith.constant 640 : i32
    %mul3A_81 = arith.muli %arg1, %mul3A_80 : i32
    %add3A_82 = arith.constant 600 : i32
    %add3A_83 = arith.addi %mul3A_81, %add3A_82 : i32
    %multiple_of3A_84 = tpu.assume_multiple %add3A_83, 8 : i32
    "tpu.region"() ({
      %run_scoped3A = tpu.sem_alloc : memref<!tpu.dma_semaphore, #tpu.memory_space<semaphore_mem>>
      %dma_start3A_521 = arith.constant 0 : i32
      %dma_start3A_522 = tpu.memref_slice %arg19[%multiple_of3A_84, %dma_start3A_521] : memref<10240x128xf32, #tpu.memory_space<vmem_shared>> -> memref<40x128xf32, #tpu.memory_space<vmem_shared>>
      %dma_start3A_523 = arith.constant 0 : i32
      %dma_start3A_524 = tpu.memref_slice %arg19[%multiple_of3A_84, %dma_start3A_523] : memref<10240x128xf32, #tpu.memory_space<vmem_shared>> -> memref<40x128xf32, #tpu.memory_space<vmem_shared>>
      tpu.enqueue_dma source(%arg15 : memref<40x128xf32, #tpu.memory_space<vmem>>) target(%dma_start3A_524 : memref<40x128xf32, #tpu.memory_space<vmem_shared>>) target_semaphore(%run_scoped3A : memref<!tpu.dma_semaphore, #tpu.memory_space<semaphore_mem>>)
      %dma_wait3A_525 = arith.constant 0 : i32
      %dma_wait3A_526 = tpu.memref_slice %arg19[%multiple_of3A_84, %dma_wait3A_525] : memref<10240x128xf32, #tpu.memory_space<vmem_shared>> -> memref<40x128xf32, #tpu.memory_space<vmem_shared>>
      %dma_wait3A_527 = arith.constant 0 : i32
      %dma_wait3A_528 = tpu.memref_slice %arg19[%multiple_of3A_84, %dma_wait3A_527] : memref<10240x128xf32, #tpu.memory_space<vmem_shared>> -> memref<40x128xf32, #tpu.memory_space<vmem_shared>>
      tpu.wait_dma2 semaphore(%run_scoped3A : memref<!tpu.dma_semaphore, #tpu.memory_space<semaphore_mem>>) src(%arg15 : memref<40x128xf32, #tpu.memory_space<vmem>>) dst(%dma_wait3A_528 : memref<40x128xf32, #tpu.memory_space<vmem_shared>>)
      tpu.yield
    }) : () -> ()
    %barrier3A = arith.constant 0 : index
    tpu.barrier barrier_id(%barrier3A)
    %mul3A_85 = arith.constant 10000 : i32
    %mul3A_86 = arith.muli %add3A, %mul3A_85 : i32
    %add3A_87 = arith.constant 0 : i32
    %add3A_88 = arith.addi %mul3A_86, %add3A_87 : i32
    %multiple_of3A_89 = tpu.assume_multiple %add3A_88, 8 : i32
    %dma_start3A = tpu.memref_slice %arg4[%multiple_of3A_89] : memref<320000xi32, #tpu.memory_space<hbm>> -> memref<40xi32, #tpu.memory_space<hbm>>
    %dma_start3A_90 = tpu.memref_slice %arg4[%multiple_of3A_89] : memref<320000xi32, #tpu.memory_space<hbm>> -> memref<40xi32, #tpu.memory_space<hbm>>
    tpu.enqueue_dma source(%dma_start3A_90 : memref<40xi32, #tpu.memory_space<hbm>>) target(%arg7 : memref<40xi32, #tpu.memory_space<vmem>>) target_semaphore(%arg20 : memref<!tpu.dma_semaphore, #tpu.memory_space<semaphore_mem>>)
    %dma_start3A_91 = tpu.memref_slice %arg5[%multiple_of3A_89] : memref<320000xi32, #tpu.memory_space<hbm>> -> memref<40xi32, #tpu.memory_space<hbm>>
    %dma_start3A_92 = tpu.memref_slice %arg5[%multiple_of3A_89] : memref<320000xi32, #tpu.memory_space<hbm>> -> memref<40xi32, #tpu.memory_space<hbm>>
    tpu.enqueue_dma source(%dma_start3A_92 : memref<40xi32, #tpu.memory_space<hbm>>) target(%arg11 : memref<40xi32, #tpu.memory_space<vmem>>) target_semaphore(%arg20 : memref<!tpu.dma_semaphore, #tpu.memory_space<semaphore_mem>>)
    %mul3A_93 = arith.constant 10000 : i32
    %mul3A_94 = arith.muli %add3A, %mul3A_93 : i32
    %add3A_95 = arith.constant 40 : i32
    %add3A_96 = arith.addi %mul3A_94, %add3A_95 : i32
    %multiple_of3A_97 = tpu.assume_multiple %add3A_96, 8 : i32
    %dma_start3A_98 = tpu.memref_slice %arg4[%multiple_of3A_97] : memref<320000xi32, #tpu.memory_space<hbm>> -> memref<40xi32, #tpu.memory_space<hbm>>
    %dma_start3A_99 = tpu.memref_slice %arg4[%multiple_of3A_97] : memref<320000xi32, #tpu.memory_space<hbm>> -> memref<40xi32, #tpu.memory_space<hbm>>
    tpu.enqueue_dma source(%dma_start3A_99 : memref<40xi32, #tpu.memory_space<hbm>>) target(%arg8 : memref<40xi32, #tpu.memory_space<vmem>>) target_semaphore(%arg21 : memref<!tpu.dma_semaphore, #tpu.memory_space<semaphore_mem>>)
    %dma_start3A_100 = tpu.memref_slice %arg5[%multiple_of3A_97] : memref<320000xi32, #tpu.memory_space<hbm>> -> memref<40xi32, #tpu.memory_space<hbm>>
    %dma_start3A_101 = tpu.memref_slice %arg5[%multiple_of3A_97] : memref<320000xi32, #tpu.memory_space<hbm>> -> memref<40xi32, #tpu.memory_space<hbm>>
    tpu.enqueue_dma source(%dma_start3A_101 : memref<40xi32, #tpu.memory_space<hbm>>) target(%arg12 : memref<40xi32, #tpu.memory_space<vmem>>) target_semaphore(%arg21 : memref<!tpu.dma_semaphore, #tpu.memory_space<semaphore_mem>>)
    %mul3A_102 = arith.constant 10000 : i32
    %mul3A_103 = arith.muli %add3A, %mul3A_102 : i32
    %add3A_104 = arith.constant 80 : i32
    %add3A_105 = arith.addi %mul3A_103, %add3A_104 : i32
    %multiple_of3A_106 = tpu.assume_multiple %add3A_105, 8 : i32
    %dma_start3A_107 = tpu.memref_slice %arg4[%multiple_of3A_106] : memref<320000xi32, #tpu.memory_space<hbm>> -> memref<40xi32, #tpu.memory_space<hbm>>
    %dma_start3A_108 = tpu.memref_slice %arg4[%multiple_of3A_106] : memref<320000xi32, #tpu.memory_space<hbm>> -> memref<40xi32, #tpu.memory_space<hbm>>
    tpu.enqueue_dma source(%dma_start3A_108 : memref<40xi32, #tpu.memory_space<hbm>>) target(%arg9 : memref<40xi32, #tpu.memory_space<vmem>>) target_semaphore(%arg22 : memref<!tpu.dma_semaphore, #tpu.memory_space<semaphore_mem>>)
    %dma_start3A_109 = tpu.memref_slice %arg5[%multiple_of3A_106] : memref<320000xi32, #tpu.memory_space<hbm>> -> memref<40xi32, #tpu.memory_space<hbm>>
    %dma_start3A_110 = tpu.memref_slice %arg5[%multiple_of3A_106] : memref<320000xi32, #tpu.memory_space<hbm>> -> memref<40xi32, #tpu.memory_space<hbm>>
    tpu.enqueue_dma source(%dma_start3A_110 : memref<40xi32, #tpu.memory_space<hbm>>) target(%arg13 : memref<40xi32, #tpu.memory_space<vmem>>) target_semaphore(%arg22 : memref<!tpu.dma_semaphore, #tpu.memory_space<semaphore_mem>>)
    %mul3A_111 = arith.constant 10000 : i32
    %mul3A_112 = arith.muli %add3A, %mul3A_111 : i32
    %add3A_113 = arith.constant 0 : i32
    %add3A_114 = arith.addi %mul3A_112, %add3A_113 : i32
    %multiple_of3A_115 = tpu.assume_multiple %add3A_114, 8 : i32
    %dma_wait3A = tpu.memref_slice %arg4[%multiple_of3A_115] : memref<320000xi32, #tpu.memory_space<hbm>> -> memref<40xi32, #tpu.memory_space<hbm>>
    %dma_wait3A_116 = tpu.memref_slice %arg4[%multiple_of3A_115] : memref<320000xi32, #tpu.memory_space<hbm>> -> memref<40xi32, #tpu.memory_space<hbm>>
    tpu.wait_dma2 semaphore(%arg20 : memref<!tpu.dma_semaphore, #tpu.memory_space<semaphore_mem>>) src(%dma_wait3A_116 : memref<40xi32, #tpu.memory_space<hbm>>) dst(%arg7 : memref<40xi32, #tpu.memory_space<vmem>>)
    %dma_wait3A_117 = tpu.memref_slice %arg5[%multiple_of3A_115] : memref<320000xi32, #tpu.memory_space<hbm>> -> memref<40xi32, #tpu.memory_space<hbm>>
    %dma_wait3A_118 = tpu.memref_slice %arg5[%multiple_of3A_115] : memref<320000xi32, #tpu.memory_space<hbm>> -> memref<40xi32, #tpu.memory_space<hbm>>
    tpu.wait_dma2 semaphore(%arg20 : memref<!tpu.dma_semaphore, #tpu.memory_space<semaphore_mem>>) src(%dma_wait3A_118 : memref<40xi32, #tpu.memory_space<hbm>>) dst(%arg11 : memref<40xi32, #tpu.memory_space<vmem>>)
    %dma_start3A_119 = arith.constant 0 : i32
    %dma_start3A_120 = arith.constant 0 : i32
    %dma_start3A_121 = tpu.memref_slice %arg2[%dma_start3A_119, %dma_start3A_120] : memref<10000x128xf32, #tpu.memory_space<hbm>> -> memref<10000x128xf32, #tpu.memory_space<hbm>>
    tpu.enqueue_indirect_dma source(%dma_start3A_121 : memref<10000x128xf32, #tpu.memory_space<hbm>>) target(%arg15 : memref<40x128xf32, #tpu.memory_space<vmem>>) offsets(%arg7 : memref<40xi32, #tpu.memory_space<vmem>>) semaphore(%arg24 : memref<!tpu.dma_semaphore, #tpu.memory_space<semaphore_mem>>)
    %mul3A_122 = arith.constant 10000 : i32
    %mul3A_123 = arith.muli %add3A, %mul3A_122 : i32
    %add3A_124 = arith.constant 0 : i32
    %add3A_125 = arith.addi %mul3A_123, %add3A_124 : i32
    %mul3A_126 = arith.constant 128 : i32
    %mul3A_127 = arith.muli %add3A_125, %mul3A_126 : i32
    %multiple_of3A_128 = tpu.assume_multiple %mul3A_127, 8 : i32
    %dma_start3A_129 = tpu.memref_slice %arg3[%multiple_of3A_128] : memref<40960000xf32, #tpu.memory_space<hbm>> -> memref<5120xf32, #tpu.memory_space<hbm>>
    %dma_start3A_130 = tpu.memref_slice %arg3[%multiple_of3A_128] : memref<40960000xf32, #tpu.memory_space<hbm>> -> memref<5120xf32, #tpu.memory_space<hbm>>
    tpu.enqueue_dma source(%dma_start3A_130 : memref<5120xf32, #tpu.memory_space<hbm>>) target(%arg17 : memref<5120xf32, #tpu.memory_space<vmem>>) target_semaphore(%arg26 : memref<!tpu.dma_semaphore, #tpu.memory_space<semaphore_mem>>)
    %scan3A_131 = arith.constant 0 : i32
    %scan3A_132 = arith.constant 61 : i32
    %scan3A_133 = arith.addi %scan3A_131, %scan3A_132 : i32
    %scan3A_134 = arith.constant 1 : i32
    scf.for %scan3A_521 = %scan3A_131 to %scan3A_133 step %scan3A_134  : i32 {
      %mul3A_522 = arith.constant 4 : i32
      %mul3A_523 = arith.muli %scan3A_521, %mul3A_522 : i32
      %add3A_524 = arith.constant 0 : i32
      %add3A_525 = arith.addi %add3A_524, %mul3A_523 : i32
      %add3A_526 = arith.constant 1 : i32
      %add3A_527 = arith.addi %add3A_525, %add3A_526 : i32
      %mul3A_528 = arith.constant 10000 : i32
      %mul3A_529 = arith.muli %add3A, %mul3A_528 : i32
      %mul3A_530 = arith.constant 40 : i32
      %mul3A_531 = arith.muli %add3A_527, %mul3A_530 : i32
      %add3A_532 = arith.addi %mul3A_529, %mul3A_531 : i32
      %multiple_of3A_533 = tpu.assume_multiple %add3A_532, 8 : i32
      %dma_wait3A_534 = tpu.memref_slice %arg4[%multiple_of3A_533] : memref<320000xi32, #tpu.memory_space<hbm>> -> memref<40xi32, #tpu.memory_space<hbm>>
      %dma_wait3A_535 = tpu.memref_slice %arg4[%multiple_of3A_533] : memref<320000xi32, #tpu.memory_space<hbm>> -> memref<40xi32, #tpu.memory_space<hbm>>
      tpu.wait_dma2 semaphore(%arg21 : memref<!tpu.dma_semaphore, #tpu.memory_space<semaphore_mem>>) src(%dma_wait3A_535 : memref<40xi32, #tpu.memory_space<hbm>>) dst(%arg8 : memref<40xi32, #tpu.memory_space<vmem>>)
      %dma_wait3A_536 = tpu.memref_slice %arg5[%multiple_of3A_533] : memref<320000xi32, #tpu.memory_space<hbm>> -> memref<40xi32, #tpu.memory_space<hbm>>
      %dma_wait3A_537 = tpu.memref_slice %arg5[%multiple_of3A_533] : memref<320000xi32, #tpu.memory_space<hbm>> -> memref<40xi32, #tpu.memory_space<hbm>>
      tpu.wait_dma2 semaphore(%arg21 : memref<!tpu.dma_semaphore, #tpu.memory_space<semaphore_mem>>) src(%dma_wait3A_537 : memref<40xi32, #tpu.memory_space<hbm>>) dst(%arg12 : memref<40xi32, #tpu.memory_space<vmem>>)
      %add3A_538 = arith.constant 1 : i32
      %add3A_539 = arith.addi %add3A_525, %add3A_538 : i32
      %dma_start3A_540 = arith.constant 0 : i32
      %dma_start3A_541 = arith.constant 0 : i32
      %dma_start3A_542 = tpu.memref_slice %arg2[%dma_start3A_540, %dma_start3A_541] : memref<10000x128xf32, #tpu.memory_space<hbm>> -> memref<10000x128xf32, #tpu.memory_space<hbm>>
      tpu.enqueue_indirect_dma source(%dma_start3A_542 : memref<10000x128xf32, #tpu.memory_space<hbm>>) target(%arg16 : memref<40x128xf32, #tpu.memory_space<vmem>>) offsets(%arg8 : memref<40xi32, #tpu.memory_space<vmem>>) semaphore(%arg25 : memref<!tpu.dma_semaphore, #tpu.memory_space<semaphore_mem>>)
      %mul3A_543 = arith.constant 10000 : i32
      %mul3A_544 = arith.muli %add3A, %mul3A_543 : i32
      %mul3A_545 = arith.constant 40 : i32
      %mul3A_546 = arith.muli %add3A_539, %mul3A_545 : i32
      %add3A_547 = arith.addi %mul3A_544, %mul3A_546 : i32
      %mul3A_548 = arith.constant 128 : i32
      %mul3A_549 = arith.muli %add3A_547, %mul3A_548 : i32
      %multiple_of3A_550 = tpu.assume_multiple %mul3A_549, 8 : i32
      %dma_start3A_551 = tpu.memref_slice %arg3[%multiple_of3A_550] : memref<40960000xf32, #tpu.memory_space<hbm>> -> memref<5120xf32, #tpu.memory_space<hbm>>
      %dma_start3A_552 = tpu.memref_slice %arg3[%multiple_of3A_550] : memref<40960000xf32, #tpu.memory_space<hbm>> -> memref<5120xf32, #tpu.memory_space<hbm>>
      tpu.enqueue_dma source(%dma_start3A_552 : memref<5120xf32, #tpu.memory_space<hbm>>) target(%arg18 : memref<5120xf32, #tpu.memory_space<vmem>>) target_semaphore(%arg27 : memref<!tpu.dma_semaphore, #tpu.memory_space<semaphore_mem>>)
      %dma_wait3A_553 = arith.constant 0 : i32
      %dma_wait3A_554 = arith.constant 0 : i32
      %dma_wait3A_555 = tpu.memref_slice %arg2[%dma_wait3A_553, %dma_wait3A_554] : memref<10000x128xf32, #tpu.memory_space<hbm>> -> memref<10000x128xf32, #tpu.memory_space<hbm>>
      tpu.wait_indirect_dma semaphore(%arg24 : memref<!tpu.dma_semaphore, #tpu.memory_space<semaphore_mem>>) src(%dma_wait3A_555 : memref<10000x128xf32, #tpu.memory_space<hbm>>) dst(%arg15 : memref<40x128xf32, #tpu.memory_space<vmem>>)
      %mul3A_556 = arith.constant 10000 : i32
      %mul3A_557 = arith.muli %add3A, %mul3A_556 : i32
      %mul3A_558 = arith.constant 40 : i32
      %mul3A_559 = arith.muli %add3A_525, %mul3A_558 : i32
      %add3A_560 = arith.addi %mul3A_557, %mul3A_559 : i32
      %mul3A_561 = arith.constant 128 : i32
      %mul3A_562 = arith.muli %add3A_560, %mul3A_561 : i32
      %multiple_of3A_563 = tpu.assume_multiple %mul3A_562, 8 : i32
      %dma_wait3A_564 = tpu.memref_slice %arg3[%multiple_of3A_563] : memref<40960000xf32, #tpu.memory_space<hbm>> -> memref<5120xf32, #tpu.memory_space<hbm>>
      %dma_wait3A_565 = tpu.memref_slice %arg3[%multiple_of3A_563] : memref<40960000xf32, #tpu.memory_space<hbm>> -> memref<5120xf32, #tpu.memory_space<hbm>>
      tpu.wait_dma2 semaphore(%arg26 : memref<!tpu.dma_semaphore, #tpu.memory_space<semaphore_mem>>) src(%dma_wait3A_565 : memref<5120xf32, #tpu.memory_space<hbm>>) dst(%arg17 : memref<5120xf32, #tpu.memory_space<vmem>>)
      %scan3A_566 = arith.constant 0 : i32
      %scan3A_567 = arith.constant 0 : i32
      %scan3A_568 = arith.constant 40 : i32
      %scan3A_569 = arith.addi %scan3A_567, %scan3A_568 : i32
      %scan3A_570 = arith.constant 1 : i32
      scf.for %scan3A_764 = %scan3A_567 to %scan3A_569 step %scan3A_570  : i32 {
        %get3A = arith.index_cast %scan3A_764 : i32 to index
        %get3A_765 = arith.constant 0 : index
        %get3A_766 = tpu.vector_load %arg15[%get3A, %get3A_765] {strides = array<i32>} : memref<40x128xf32, #tpu.memory_space<vmem>>, vector<1x16xf32>,
        %get3A_767 = vector.shape_cast %get3A_766 : vector<1x16xf32> to vector<16xf32>
        %mul3A_768 = arith.constant 128 : i32
        %mul3A_769 = arith.muli %scan3A_764, %mul3A_768 : i32
        %add3A_770 = arith.constant 0 : i32
        %add3A_771 = arith.addi %mul3A_769, %add3A_770 : i32
        %get3A_772 = arith.index_cast %add3A_771 : i32 to index
        %get3A_773 = tpu.vector_load %arg17[%get3A_772] {strides = array<i32>} : memref<5120xf32, #tpu.memory_space<vmem>>, vector<16xf32>,
        %get3A_774 = vector.shape_cast %get3A_773 : vector<16xf32> to vector<16xf32>
        %mul3A_775 = arith.mulf %get3A_767, %get3A_774 : vector<16xf32>
        %swap3A = arith.index_cast %scan3A_764 : i32 to index
        %swap3A_776 = arith.constant 0 : index
        %swap3A_777 = tpu.vector_load %arg15[%swap3A, %swap3A_776] {strides = array<i32>} : memref<40x128xf32, #tpu.memory_space<vmem>>, vector<1x16xf32>,
        %swap3A_778 = vector.shape_cast %swap3A_777 : vector<1x16xf32> to vector<16xf32>
        %swap3A_779 = vector.shape_cast %mul3A_775 : vector<16xf32> to vector<1x16xf32>
        tpu.vector_store %arg15[%swap3A, %swap3A_776], %swap3A_779 {strides = array<i32>} : memref<40x128xf32, #tpu.memory_space<vmem>>, vector<1x16xf32>,
        %get3A_780 = arith.index_cast %scan3A_764 : i32 to index
        %get3A_781 = arith.constant 16 : index
        %get3A_782 = tpu.vector_load %arg15[%get3A_780, %get3A_781] {strides = array<i32>} : memref<40x128xf32, #tpu.memory_space<vmem>>, vector<1x16xf32>,
        %get3A_783 = vector.shape_cast %get3A_782 : vector<1x16xf32> to vector<16xf32>
        %mul3A_784 = arith.constant 128 : i32
        %mul3A_785 = arith.muli %scan3A_764, %mul3A_784 : i32
        %add3A_786 = arith.constant 16 : i32
        %add3A_787 = arith.addi %mul3A_785, %add3A_786 : i32
        %get3A_788 = arith.index_cast %add3A_787 : i32 to index
        %get3A_789 = tpu.vector_load %arg17[%get3A_788] {strides = array<i32>} : memref<5120xf32, #tpu.memory_space<vmem>>, vector<16xf32>,
        %get3A_790 = vector.shape_cast %get3A_789 : vector<16xf32> to vector<16xf32>
        %mul3A_791 = arith.mulf %get3A_783, %get3A_790 : vector<16xf32>
        %swap3A_792 = arith.index_cast %scan3A_764 : i32 to index
        %swap3A_793 = arith.constant 16 : index
        %swap3A_794 = tpu.vector_load %arg15[%swap3A_792, %swap3A_793] {strides = array<i32>} : memref<40x128xf32, #tpu.memory_space<vmem>>, vector<1x16xf32>,
        %swap3A_795 = vector.shape_cast %swap3A_794 : vector<1x16xf32> to vector<16xf32>
        %swap3A_796 = vector.shape_cast %mul3A_791 : vector<16xf32> to vector<1x16xf32>
        tpu.vector_store %arg15[%swap3A_792, %swap3A_793], %swap3A_796 {strides = array<i32>} : memref<40x128xf32, #tpu.memory_space<vmem>>, vector<1x16xf32>,
        %get3A_797 = arith.index_cast %scan3A_764 : i32 to index
        %get3A_798 = arith.constant 32 : index
        %get3A_799 = tpu.vector_load %arg15[%get3A_797, %get3A_798] {strides = array<i32>} : memref<40x128xf32, #tpu.memory_space<vmem>>, vector<1x16xf32>,
        %get3A_800 = vector.shape_cast %get3A_799 : vector<1x16xf32> to vector<16xf32>
        %mul3A_801 = arith.constant 128 : i32
        %mul3A_802 = arith.muli %scan3A_764, %mul3A_801 : i32
        %add3A_803 = arith.constant 32 : i32
        %add3A_804 = arith.addi %mul3A_802, %add3A_803 : i32
        %get3A_805 = arith.index_cast %add3A_804 : i32 to index
        %get3A_806 = tpu.vector_load %arg17[%get3A_805] {strides = array<i32>} : memref<5120xf32, #tpu.memory_space<vmem>>, vector<16xf32>,
        %get3A_807 = vector.shape_cast %get3A_806 : vector<16xf32> to vector<16xf32>
        %mul3A_808 = arith.mulf %get3A_800, %get3A_807 : vector<16xf32>
        %swap3A_809 = arith.index_cast %scan3A_764 : i32 to index
        %swap3A_810 = arith.constant 32 : index
        %swap3A_811 = tpu.vector_load %arg15[%swap3A_809, %swap3A_810] {strides = array<i32>} : memref<40x128xf32, #tpu.memory_space<vmem>>, vector<1x16xf32>,
        %swap3A_812 = vector.shape_cast %swap3A_811 : vector<1x16xf32> to vector<16xf32>
        %swap3A_813 = vector.shape_cast %mul3A_808 : vector<16xf32> to vector<1x16xf32>
        tpu.vector_store %arg15[%swap3A_809, %swap3A_810], %swap3A_813 {strides = array<i32>} : memref<40x128xf32, #tpu.memory_space<vmem>>, vector<1x16xf32>,
        %get3A_814 = arith.index_cast %scan3A_764 : i32 to index
        %get3A_815 = arith.constant 48 : index
        %get3A_816 = tpu.vector_load %arg15[%get3A_814, %get3A_815] {strides = array<i32>} : memref<40x128xf32, #tpu.memory_space<vmem>>, vector<1x16xf32>,
        %get3A_817 = vector.shape_cast %get3A_816 : vector<1x16xf32> to vector<16xf32>
        %mul3A_818 = arith.constant 128 : i32
        %mul3A_819 = arith.muli %scan3A_764, %mul3A_818 : i32
        %add3A_820 = arith.constant 48 : i32
        %add3A_821 = arith.addi %mul3A_819, %add3A_820 : i32
        %get3A_822 = arith.index_cast %add3A_821 : i32 to index
        %get3A_823 = tpu.vector_load %arg17[%get3A_822] {strides = array<i32>} : memref<5120xf32, #tpu.memory_space<vmem>>, vector<16xf32>,
        %get3A_824 = vector.shape_cast %get3A_823 : vector<16xf32> to vector<16xf32>
        %mul3A_825 = arith.mulf %get3A_817, %get3A_824 : vector<16xf32>
        %swap3A_826 = arith.index_cast %scan3A_764 : i32 to index
        %swap3A_827 = arith.constant 48 : index
        %swap3A_828 = tpu.vector_load %arg15[%swap3A_826, %swap3A_827] {strides = array<i32>} : memref<40x128xf32, #tpu.memory_space<vmem>>, vector<1x16xf32>,
        %swap3A_829 = vector.shape_cast %swap3A_828 : vector<1x16xf32> to vector<16xf32>
        %swap3A_830 = vector.shape_cast %mul3A_825 : vector<16xf32> to vector<1x16xf32>
        tpu.vector_store %arg15[%swap3A_826, %swap3A_827], %swap3A_830 {strides = array<i32>} : memref<40x128xf32, #tpu.memory_space<vmem>>, vector<1x16xf32>,
        %get3A_831 = arith.index_cast %scan3A_764 : i32 to index
        %get3A_832 = arith.constant 64 : index
        %get3A_833 = tpu.vector_load %arg15[%get3A_831, %get3A_832] {strides = array<i32>} : memref<40x128xf32, #tpu.memory_space<vmem>>, vector<1x16xf32>,
        %get3A_834 = vector.shape_cast %get3A_833 : vector<1x16xf32> to vector<16xf32>
        %mul3A_835 = arith.constant 128 : i32
        %mul3A_836 = arith.muli %scan3A_764, %mul3A_835 : i32
        %add3A_837 = arith.constant 64 : i32
        %add3A_838 = arith.addi %mul3A_836, %add3A_837 : i32
        %get3A_839 = arith.index_cast %add3A_838 : i32 to index
        %get3A_840 = tpu.vector_load %arg17[%get3A_839] {strides = array<i32>} : memref<5120xf32, #tpu.memory_space<vmem>>, vector<16xf32>,
        %get3A_841 = vector.shape_cast %get3A_840 : vector<16xf32> to vector<16xf32>
        %mul3A_842 = arith.mulf %get3A_834, %get3A_841 : vector<16xf32>
        %swap3A_843 = arith.index_cast %scan3A_764 : i32 to index
        %swap3A_844 = arith.constant 64 : index
        %swap3A_845 = tpu.vector_load %arg15[%swap3A_843, %swap3A_844] {strides = array<i32>} : memref<40x128xf32, #tpu.memory_space<vmem>>, vector<1x16xf32>,
        %swap3A_846 = vector.shape_cast %swap3A_845 : vector<1x16xf32> to vector<16xf32>
        %swap3A_847 = vector.shape_cast %mul3A_842 : vector<16xf32> to vector<1x16xf32>
        tpu.vector_store %arg15[%swap3A_843, %swap3A_844], %swap3A_847 {strides = array<i32>} : memref<40x128xf32, #tpu.memory_space<vmem>>, vector<1x16xf32>,
        %get3A_848 = arith.index_cast %scan3A_764 : i32 to index
        %get3A_849 = arith.constant 80 : index
        %get3A_850 = tpu.vector_load %arg15[%get3A_848, %get3A_849] {strides = array<i32>} : memref<40x128xf32, #tpu.memory_space<vmem>>, vector<1x16xf32>,
        %get3A_851 = vector.shape_cast %get3A_850 : vector<1x16xf32> to vector<16xf32>
        %mul3A_852 = arith.constant 128 : i32
        %mul3A_853 = arith.muli %scan3A_764, %mul3A_852 : i32
        %add3A_854 = arith.constant 80 : i32
        %add3A_855 = arith.addi %mul3A_853, %add3A_854 : i32
        %get3A_856 = arith.index_cast %add3A_855 : i32 to index
        %get3A_857 = tpu.vector_load %arg17[%get3A_856] {strides = array<i32>} : memref<5120xf32, #tpu.memory_space<vmem>>, vector<16xf32>,
        %get3A_858 = vector.shape_cast %get3A_857 : vector<16xf32> to vector<16xf32>
        %mul3A_859 = arith.mulf %get3A_851, %get3A_858 : vector<16xf32>
        %swap3A_860 = arith.index_cast %scan3A_764 : i32 to index
        %swap3A_861 = arith.constant 80 : index
        %swap3A_862 = tpu.vector_load %arg15[%swap3A_860, %swap3A_861] {strides = array<i32>} : memref<40x128xf32, #tpu.memory_space<vmem>>, vector<1x16xf32>,
        %swap3A_863 = vector.shape_cast %swap3A_862 : vector<1x16xf32> to vector<16xf32>
        %swap3A_864 = vector.shape_cast %mul3A_859 : vector<16xf32> to vector<1x16xf32>
        tpu.vector_store %arg15[%swap3A_860, %swap3A_861], %swap3A_864 {strides = array<i32>} : memref<40x128xf32, #tpu.memory_space<vmem>>, vector<1x16xf32>,
        %get3A_865 = arith.index_cast %scan3A_764 : i32 to index
        %get3A_866 = arith.constant 96 : index
        %get3A_867 = tpu.vector_load %arg15[%get3A_865, %get3A_866] {strides = array<i32>} : memref<40x128xf32, #tpu.memory_space<vmem>>, vector<1x16xf32>,
        %get3A_868 = vector.shape_cast %get3A_867 : vector<1x16xf32> to vector<16xf32>
        %mul3A_869 = arith.constant 128 : i32
        %mul3A_870 = arith.muli %scan3A_764, %mul3A_869 : i32
        %add3A_871 = arith.constant 96 : i32
        %add3A_872 = arith.addi %mul3A_870, %add3A_871 : i32
        %get3A_873 = arith.index_cast %add3A_872 : i32 to index
        %get3A_874 = tpu.vector_load %arg17[%get3A_873] {strides = array<i32>} : memref<5120xf32, #tpu.memory_space<vmem>>, vector<16xf32>,
        %get3A_875 = vector.shape_cast %get3A_874 : vector<16xf32> to vector<16xf32>
        %mul3A_876 = arith.mulf %get3A_868, %get3A_875 : vector<16xf32>
        %swap3A_877 = arith.index_cast %scan3A_764 : i32 to index
        %swap3A_878 = arith.constant 96 : index
        %swap3A_879 = tpu.vector_load %arg15[%swap3A_877, %swap3A_878] {strides = array<i32>} : memref<40x128xf32, #tpu.memory_space<vmem>>, vector<1x16xf32>,
        %swap3A_880 = vector.shape_cast %swap3A_879 : vector<1x16xf32> to vector<16xf32>
        %swap3A_881 = vector.shape_cast %mul3A_876 : vector<16xf32> to vector<1x16xf32>
        tpu.vector_store %arg15[%swap3A_877, %swap3A_878], %swap3A_881 {strides = array<i32>} : memref<40x128xf32, #tpu.memory_space<vmem>>, vector<1x16xf32>,
        %get3A_882 = arith.index_cast %scan3A_764 : i32 to index
        %get3A_883 = arith.constant 112 : index
        %get3A_884 = tpu.vector_load %arg15[%get3A_882, %get3A_883] {strides = array<i32>} : memref<40x128xf32, #tpu.memory_space<vmem>>, vector<1x16xf32>,
        %get3A_885 = vector.shape_cast %get3A_884 : vector<1x16xf32> to vector<16xf32>
        %mul3A_886 = arith.constant 128 : i32
        %mul3A_887 = arith.muli %scan3A_764, %mul3A_886 : i32
        %add3A_888 = arith.constant 112 : i32
        %add3A_889 = arith.addi %mul3A_887, %add3A_888 : i32
        %get3A_890 = arith.index_cast %add3A_889 : i32 to index
        %get3A_891 = tpu.vector_load %arg17[%get3A_890] {strides = array<i32>} : memref<5120xf32, #tpu.memory_space<vmem>>, vector<16xf32>,
        %get3A_892 = vector.shape_cast %get3A_891 : vector<16xf32> to vector<16xf32>
        %mul3A_893 = arith.mulf %get3A_885, %get3A_892 : vector<16xf32>
        %swap3A_894 = arith.index_cast %scan3A_764 : i32 to index
        %swap3A_895 = arith.constant 112 : index
        %swap3A_896 = tpu.vector_load %arg15[%swap3A_894, %swap3A_895] {strides = array<i32>} : memref<40x128xf32, #tpu.memory_space<vmem>>, vector<1x16xf32>,
        %swap3A_897 = vector.shape_cast %swap3A_896 : vector<1x16xf32> to vector<16xf32>
        %swap3A_898 = vector.shape_cast %mul3A_893 : vector<16xf32> to vector<1x16xf32>
        tpu.vector_store %arg15[%swap3A_894, %swap3A_895], %swap3A_898 {strides = array<i32>} : memref<40x128xf32, #tpu.memory_space<vmem>>, vector<1x16xf32>,
      }
      %scan3A_571 = arith.constant 40 : i32
      "tpu.region"() ({
        %run_scoped3A = tpu.sem_alloc : memref<!tpu.dma_semaphore, #tpu.memory_space<semaphore_mem>>
        %dma_start3A_764 = arith.constant 0 : i32
        %dma_start3A_765 = arith.constant 0 : i32
        %dma_start3A_766 = tpu.memref_slice %arg19[%dma_start3A_764, %dma_start3A_765] : memref<10240x128xf32, #tpu.memory_space<vmem_shared>> -> memref<10240x128xf32, #tpu.memory_space<vmem_shared>>
        tpu.enqueue_indirect_dma source(%arg15 : memref<40x128xf32, #tpu.memory_space<vmem>>) target(%dma_start3A_766 : memref<10240x128xf32, #tpu.memory_space<vmem_shared>>) offsets(%arg11 : memref<40xi32, #tpu.memory_space<vmem>>) semaphore(%run_scoped3A : memref<!tpu.dma_semaphore, #tpu.memory_space<semaphore_mem>>) {add = true}
        %dma_wait3A_767 = arith.constant 0 : i32
        %dma_wait3A_768 = arith.constant 0 : i32
        %dma_wait3A_769 = tpu.memref_slice %arg19[%dma_wait3A_767, %dma_wait3A_768] : memref<10240x128xf32, #tpu.memory_space<vmem_shared>> -> memref<10240x128xf32, #tpu.memory_space<vmem_shared>>
        tpu.wait_indirect_dma semaphore(%run_scoped3A : memref<!tpu.dma_semaphore, #tpu.memory_space<semaphore_mem>>) src(%arg15 : memref<40x128xf32, #tpu.memory_space<vmem>>) dst(%dma_wait3A_769 : memref<10240x128xf32, #tpu.memory_space<vmem_shared>>)
        tpu.yield
      }) : () -> ()
      %add3A_572 = arith.constant 3 : i32
      %add3A_573 = arith.addi %add3A_525, %add3A_572 : i32
      %mul3A_574 = arith.constant 10000 : i32
      %mul3A_575 = arith.muli %add3A, %mul3A_574 : i32
      %mul3A_576 = arith.constant 40 : i32
      %mul3A_577 = arith.muli %add3A_573, %mul3A_576 : i32
      %add3A_578 = arith.addi %mul3A_575, %mul3A_577 : i32
      %multiple_of3A_579 = tpu.assume_multiple %add3A_578, 8 : i32
      %dma_start3A_580 = tpu.memref_slice %arg4[%multiple_of3A_579] : memref<320000xi32, #tpu.memory_space<hbm>> -> memref<40xi32, #tpu.memory_space<hbm>>
      %dma_start3A_581 = tpu.memref_slice %arg4[%multiple_of3A_579] : memref<320000xi32, #tpu.memory_space<hbm>> -> memref<40xi32, #tpu.memory_space<hbm>>
      tpu.enqueue_dma source(%dma_start3A_581 : memref<40xi32, #tpu.memory_space<hbm>>) target(%arg10 : memref<40xi32, #tpu.memory_space<vmem>>) target_semaphore(%arg23 : memref<!tpu.dma_semaphore, #tpu.memory_space<semaphore_mem>>)
      %dma_start3A_582 = tpu.memref_slice %arg5[%multiple_of3A_579] : memref<320000xi32, #tpu.memory_space<hbm>> -> memref<40xi32, #tpu.memory_space<hbm>>
      %dma_start3A_583 = tpu.memref_slice %arg5[%multiple_of3A_579] : memref<320000xi32, #tpu.memory_space<hbm>> -> memref<40xi32, #tpu.memory_space<hbm>>
      tpu.enqueue_dma source(%dma_start3A_583 : memref<40xi32, #tpu.memory_space<hbm>>) target(%arg14 : memref<40xi32, #tpu.memory_space<vmem>>) target_semaphore(%arg23 : memref<!tpu.dma_semaphore, #tpu.memory_space<semaphore_mem>>)
      %add3A_584 = arith.constant 1 : i32
      %add3A_585 = arith.addi %add3A_525, %add3A_584 : i32
      %add3A_586 = arith.constant 1 : i32
      %add3A_587 = arith.addi %add3A_585, %add3A_586 : i32
      %mul3A_588 = arith.constant 10000 : i32
      %mul3A_589 = arith.muli %add3A, %mul3A_588 : i32
      %mul3A_590 = arith.constant 40 : i32
      %mul3A_591 = arith.muli %add3A_587, %mul3A_590 : i32
      %add3A_592 = arith.addi %mul3A_589, %mul3A_591 : i32
      %multiple_of3A_593 = tpu.assume_multiple %add3A_592, 8 : i32
      %dma_wait3A_594 = tpu.memref_slice %arg4[%multiple_of3A_593] : memref<320000xi32, #tpu.memory_space<hbm>> -> memref<40xi32, #tpu.memory_space<hbm>>
      %dma_wait3A_595 = tpu.memref_slice %arg4[%multiple_of3A_593] : memref<320000xi32, #tpu.memory_space<hbm>> -> memref<40xi32, #tpu.memory_space<hbm>>
      tpu.wait_dma2 semaphore(%arg22 : memref<!tpu.dma_semaphore, #tpu.memory_space<semaphore_mem>>) src(%dma_wait3A_595 : memref<40xi32, #tpu.memory_space<hbm>>) dst(%arg9 : memref<40xi32, #tpu.memory_space<vmem>>)
      %dma_wait3A_596 = tpu.memref_slice %arg5[%multiple_of3A_593] : memref<320000xi32, #tpu.memory_space<hbm>> -> memref<40xi32, #tpu.memory_space<hbm>>
      %dma_wait3A_597 = tpu.memref_slice %arg5[%multiple_of3A_593] : memref<320000xi32, #tpu.memory_space<hbm>> -> memref<40xi32, #tpu.memory_space<hbm>>
      tpu.wait_dma2 semaphore(%arg22 : memref<!tpu.dma_semaphore, #tpu.memory_space<semaphore_mem>>) src(%dma_wait3A_597 : memref<40xi32, #tpu.memory_space<hbm>>) dst(%arg13 : memref<40xi32, #tpu.memory_space<vmem>>)
      %add3A_598 = arith.constant 1 : i32
      %add3A_599 = arith.addi %add3A_585, %add3A_598 : i32
      %dma_start3A_600 = arith.constant 0 : i32
      %dma_start3A_601 = arith.constant 0 : i32
      %dma_start3A_602 = tpu.memref_slice %arg2[%dma_start3A_600, %dma_start3A_601] : memref<10000x128xf32, #tpu.memory_space<hbm>> -> memref<10000x128xf32, #tpu.memory_space<hbm>>
      tpu.enqueue_indirect_dma source(%dma_start3A_602 : memref<10000x128xf32, #tpu.memory_space<hbm>>) target(%arg15 : memref<40x128xf32, #tpu.memory_space<vmem>>) offsets(%arg9 : memref<40xi32, #tpu.memory_space<vmem>>) semaphore(%arg24 : memref<!tpu.dma_semaphore, #tpu.memory_space<semaphore_mem>>)
      %mul3A_603 = arith.constant 10000 : i32
      %mul3A_604 = arith.muli %add3A, %mul3A_603 : i32
      %mul3A_605 = arith.constant 40 : i32
      %mul3A_606 = arith.muli %add3A_599, %mul3A_605 : i32
      %add3A_607 = arith.addi %mul3A_604, %mul3A_606 : i32
      %mul3A_608 = arith.constant 128 : i32
      %mul3A_609 = arith.muli %add3A_607, %mul3A_608 : i32
      %multiple_of3A_610 = tpu.assume_multiple %mul3A_609, 8 : i32
      %dma_start3A_611 = tpu.memref_slice %arg3[%multiple_of3A_610] : memref<40960000xf32, #tpu.memory_space<hbm>> -> memref<5120xf32, #tpu.memory_space<hbm>>
      %dma_start3A_612 = tpu.memref_slice %arg3[%multiple_of3A_610] : memref<40960000xf32, #tpu.memory_space<hbm>> -> memref<5120xf32, #tpu.memory_space<hbm>>
      tpu.enqueue_dma source(%dma_start3A_612 : memref<5120xf32, #tpu.memory_space<hbm>>) target(%arg17 : memref<5120xf32, #tpu.memory_space<vmem>>) target_semaphore(%arg26 : memref<!tpu.dma_semaphore, #tpu.memory_space<semaphore_mem>>)
      %dma_wait3A_613 = arith.constant 0 : i32
      %dma_wait3A_614 = arith.constant 0 : i32
      %dma_wait3A_615 = tpu.memref_slice %arg2[%dma_wait3A_613, %dma_wait3A_614] : memref<10000x128xf32, #tpu.memory_space<hbm>> -> memref<10000x128xf32, #tpu.memory_space<hbm>>
      tpu.wait_indirect_dma semaphore(%arg25 : memref<!tpu.dma_semaphore, #tpu.memory_space<semaphore_mem>>) src(%dma_wait3A_615 : memref<10000x128xf32, #tpu.memory_space<hbm>>) dst(%arg16 : memref<40x128xf32, #tpu.memory_space<vmem>>)
      %mul3A_616 = arith.constant 10000 : i32
      %mul3A_617 = arith.muli %add3A, %mul3A_616 : i32
      %mul3A_618 = arith.constant 40 : i32
      %mul3A_619 = arith.muli %add3A_585, %mul3A_618 : i32
      %add3A_620 = arith.addi %mul3A_617, %mul3A_619 : i32
      %mul3A_621 = arith.constant 128 : i32
      %mul3A_622 = arith.muli %add3A_620, %mul3A_621 : i32
      %multiple_of3A_623 = tpu.assume_multiple %mul3A_622, 8 : i32
      %dma_wait3A_624 = tpu.memref_slice %arg3[%multiple_of3A_623] : memref<40960000xf32, #tpu.memory_space<hbm>> -> memref<5120xf32, #tpu.memory_space<hbm>>
      %dma_wait3A_625 = tpu.memref_slice %arg3[%multiple_of3A_623] : memref<40960000xf32, #tpu.memory_space<hbm>> -> memref<5120xf32, #tpu.memory_space<hbm>>
      tpu.wait_dma2 semaphore(%arg27 : memref<!tpu.dma_semaphore, #tpu.memory_space<semaphore_mem>>) src(%dma_wait3A_625 : memref<5120xf32, #tpu.memory_space<hbm>>) dst(%arg18 : memref<5120xf32, #tpu.memory_space<vmem>>)
      %scan3A_626 = arith.constant 0 : i32
      %scan3A_627 = arith.constant 0 : i32
      %scan3A_628 = arith.constant 40 : i32
      %scan3A_629 = arith.addi %scan3A_627, %scan3A_628 : i32
      %scan3A_630 = arith.constant 1 : i32
      scf.for %scan3A_764 = %scan3A_627 to %scan3A_629 step %scan3A_630  : i32 {
        %get3A = arith.index_cast %scan3A_764 : i32 to index
        %get3A_765 = arith.constant 0 : index
        %get3A_766 = tpu.vector_load %arg16[%get3A, %get3A_765] {strides = array<i32>} : memref<40x128xf32, #tpu.memory_space<vmem>>, vector<1x16xf32>,
        %get3A_767 = vector.shape_cast %get3A_766 : vector<1x16xf32> to vector<16xf32>
        %mul3A_768 = arith.constant 128 : i32
        %mul3A_769 = arith.muli %scan3A_764, %mul3A_768 : i32
        %add3A_770 = arith.constant 0 : i32
        %add3A_771 = arith.addi %mul3A_769, %add3A_770 : i32
        %get3A_772 = arith.index_cast %add3A_771 : i32 to index
        %get3A_773 = tpu.vector_load %arg18[%get3A_772] {strides = array<i32>} : memref<5120xf32, #tpu.memory_space<vmem>>, vector<16xf32>,
        %get3A_774 = vector.shape_cast %get3A_773 : vector<16xf32> to vector<16xf32>
        %mul3A_775 = arith.mulf %get3A_767, %get3A_774 : vector<16xf32>
        %swap3A = arith.index_cast %scan3A_764 : i32 to index
        %swap3A_776 = arith.constant 0 : index
        %swap3A_777 = tpu.vector_load %arg16[%swap3A, %swap3A_776] {strides = array<i32>} : memref<40x128xf32, #tpu.memory_space<vmem>>, vector<1x16xf32>,
        %swap3A_778 = vector.shape_cast %swap3A_777 : vector<1x16xf32> to vector<16xf32>
        %swap3A_779 = vector.shape_cast %mul3A_775 : vector<16xf32> to vector<1x16xf32>
        tpu.vector_store %arg16[%swap3A, %swap3A_776], %swap3A_779 {strides = array<i32>} : memref<40x128xf32, #tpu.memory_space<vmem>>, vector<1x16xf32>,
        %get3A_780 = arith.index_cast %scan3A_764 : i32 to index
        %get3A_781 = arith.constant 16 : index
        %get3A_782 = tpu.vector_load %arg16[%get3A_780, %get3A_781] {strides = array<i32>} : memref<40x128xf32, #tpu.memory_space<vmem>>, vector<1x16xf32>,
        %get3A_783 = vector.shape_cast %get3A_782 : vector<1x16xf32> to vector<16xf32>
        %mul3A_784 = arith.constant 128 : i32
        %mul3A_785 = arith.muli %scan3A_764, %mul3A_784 : i32
        %add3A_786 = arith.constant 16 : i32
        %add3A_787 = arith.addi %mul3A_785, %add3A_786 : i32
        %get3A_788 = arith.index_cast %add3A_787 : i32 to index
        %get3A_789 = tpu.vector_load %arg18[%get3A_788] {strides = array<i32>} : memref<5120xf32, #tpu.memory_space<vmem>>, vector<16xf32>,
        %get3A_790 = vector.shape_cast %get3A_789 : vector<16xf32> to vector<16xf32>
        %mul3A_791 = arith.mulf %get3A_783, %get3A_790 : vector<16xf32>
        %swap3A_792 = arith.index_cast %scan3A_764 : i32 to index
        %swap3A_793 = arith.constant 16 : index
        %swap3A_794 = tpu.vector_load %arg16[%swap3A_792, %swap3A_793] {strides = array<i32>} : memref<40x128xf32, #tpu.memory_space<vmem>>, vector<1x16xf32>,
        %swap3A_795 = vector.shape_cast %swap3A_794 : vector<1x16xf32> to vector<16xf32>
        %swap3A_796 = vector.shape_cast %mul3A_791 : vector<16xf32> to vector<1x16xf32>
        tpu.vector_store %arg16[%swap3A_792, %swap3A_793], %swap3A_796 {strides = array<i32>} : memref<40x128xf32, #tpu.memory_space<vmem>>, vector<1x16xf32>,
        %get3A_797 = arith.index_cast %scan3A_764 : i32 to index
        %get3A_798 = arith.constant 32 : index
        %get3A_799 = tpu.vector_load %arg16[%get3A_797, %get3A_798] {strides = array<i32>} : memref<40x128xf32, #tpu.memory_space<vmem>>, vector<1x16xf32>,
        %get3A_800 = vector.shape_cast %get3A_799 : vector<1x16xf32> to vector<16xf32>
        %mul3A_801 = arith.constant 128 : i32
        %mul3A_802 = arith.muli %scan3A_764, %mul3A_801 : i32
        %add3A_803 = arith.constant 32 : i32
        %add3A_804 = arith.addi %mul3A_802, %add3A_803 : i32
        %get3A_805 = arith.index_cast %add3A_804 : i32 to index
        %get3A_806 = tpu.vector_load %arg18[%get3A_805] {strides = array<i32>} : memref<5120xf32, #tpu.memory_space<vmem>>, vector<16xf32>,
        %get3A_807 = vector.shape_cast %get3A_806 : vector<16xf32> to vector<16xf32>
        %mul3A_808 = arith.mulf %get3A_800, %get3A_807 : vector<16xf32>
        %swap3A_809 = arith.index_cast %scan3A_764 : i32 to index
        %swap3A_810 = arith.constant 32 : index
        %swap3A_811 = tpu.vector_load %arg16[%swap3A_809, %swap3A_810] {strides = array<i32>} : memref<40x128xf32, #tpu.memory_space<vmem>>, vector<1x16xf32>,
        %swap3A_812 = vector.shape_cast %swap3A_811 : vector<1x16xf32> to vector<16xf32>
        %swap3A_813 = vector.shape_cast %mul3A_808 : vector<16xf32> to vector<1x16xf32>
        tpu.vector_store %arg16[%swap3A_809, %swap3A_810], %swap3A_813 {strides = array<i32>} : memref<40x128xf32, #tpu.memory_space<vmem>>, vector<1x16xf32>,
        %get3A_814 = arith.index_cast %scan3A_764 : i32 to index
        %get3A_815 = arith.constant 48 : index
        %get3A_816 = tpu.vector_load %arg16[%get3A_814, %get3A_815] {strides = array<i32>} : memref<40x128xf32, #tpu.memory_space<vmem>>, vector<1x16xf32>,
        %get3A_817 = vector.shape_cast %get3A_816 : vector<1x16xf32> to vector<16xf32>
        %mul3A_818 = arith.constant 128 : i32
        %mul3A_819 = arith.muli %scan3A_764, %mul3A_818 : i32
        %add3A_820 = arith.constant 48 : i32
        %add3A_821 = arith.addi %mul3A_819, %add3A_820 : i32
        %get3A_822 = arith.index_cast %add3A_821 : i32 to index
        %get3A_823 = tpu.vector_load %arg18[%get3A_822] {strides = array<i32>} : memref<5120xf32, #tpu.memory_space<vmem>>, vector<16xf32>,
        %get3A_824 = vector.shape_cast %get3A_823 : vector<16xf32> to vector<16xf32>
        %mul3A_825 = arith.mulf %get3A_817, %get3A_824 : vector<16xf32>
        %swap3A_826 = arith.index_cast %scan3A_764 : i32 to index
        %swap3A_827 = arith.constant 48 : index
        %swap3A_828 = tpu.vector_load %arg16[%swap3A_826, %swap3A_827] {strides = array<i32>} : memref<40x128xf32, #tpu.memory_space<vmem>>, vector<1x16xf32>,
        %swap3A_829 = vector.shape_cast %swap3A_828 : vector<1x16xf32> to vector<16xf32>
        %swap3A_830 = vector.shape_cast %mul3A_825 : vector<16xf32> to vector<1x16xf32>
        tpu.vector_store %arg16[%swap3A_826, %swap3A_827], %swap3A_830 {strides = array<i32>} : memref<40x128xf32, #tpu.memory_space<vmem>>, vector<1x16xf32>,
        %get3A_831 = arith.index_cast %scan3A_764 : i32 to index
        %get3A_832 = arith.constant 64 : index
        %get3A_833 = tpu.vector_load %arg16[%get3A_831, %get3A_832] {strides = array<i32>} : memref<40x128xf32, #tpu.memory_space<vmem>>, vector<1x16xf32>,
        %get3A_834 = vector.shape_cast %get3A_833 : vector<1x16xf32> to vector<16xf32>
        %mul3A_835 = arith.constant 128 : i32
        %mul3A_836 = arith.muli %scan3A_764, %mul3A_835 : i32
        %add3A_837 = arith.constant 64 : i32
        %add3A_838 = arith.addi %mul3A_836, %add3A_837 : i32
        %get3A_839 = arith.index_cast %add3A_838 : i32 to index
        %get3A_840 = tpu.vector_load %arg18[%get3A_839] {strides = array<i32>} : memref<5120xf32, #tpu.memory_space<vmem>>, vector<16xf32>,
        %get3A_841 = vector.shape_cast %get3A_840 : vector<16xf32> to vector<16xf32>
        %mul3A_842 = arith.mulf %get3A_834, %get3A_841 : vector<16xf32>
        %swap3A_843 = arith.index_cast %scan3A_764 : i32 to index
        %swap3A_844 = arith.constant 64 : index
        %swap3A_845 = tpu.vector_load %arg16[%swap3A_843, %swap3A_844] {strides = array<i32>} : memref<40x128xf32, #tpu.memory_space<vmem>>, vector<1x16xf32>,
        %swap3A_846 = vector.shape_cast %swap3A_845 : vector<1x16xf32> to vector<16xf32>
        %swap3A_847 = vector.shape_cast %mul3A_842 : vector<16xf32> to vector<1x16xf32>
        tpu.vector_store %arg16[%swap3A_843, %swap3A_844], %swap3A_847 {strides = array<i32>} : memref<40x128xf32, #tpu.memory_space<vmem>>, vector<1x16xf32>,
        %get3A_848 = arith.index_cast %scan3A_764 : i32 to index
        %get3A_849 = arith.constant 80 : index
        %get3A_850 = tpu.vector_load %arg16[%get3A_848, %get3A_849] {strides = array<i32>} : memref<40x128xf32, #tpu.memory_space<vmem>>, vector<1x16xf32>,
        %get3A_851 = vector.shape_cast %get3A_850 : vector<1x16xf32> to vector<16xf32>
        %mul3A_852 = arith.constant 128 : i32
        %mul3A_853 = arith.muli %scan3A_764, %mul3A_852 : i32
        %add3A_854 = arith.constant 80 : i32
        %add3A_855 = arith.addi %mul3A_853, %add3A_854 : i32
        %get3A_856 = arith.index_cast %add3A_855 : i32 to index
        %get3A_857 = tpu.vector_load %arg18[%get3A_856] {strides = array<i32>} : memref<5120xf32, #tpu.memory_space<vmem>>, vector<16xf32>,
        %get3A_858 = vector.shape_cast %get3A_857 : vector<16xf32> to vector<16xf32>
        %mul3A_859 = arith.mulf %get3A_851, %get3A_858 : vector<16xf32>
        %swap3A_860 = arith.index_cast %scan3A_764 : i32 to index
        %swap3A_861 = arith.constant 80 : index
        %swap3A_862 = tpu.vector_load %arg16[%swap3A_860, %swap3A_861] {strides = array<i32>} : memref<40x128xf32, #tpu.memory_space<vmem>>, vector<1x16xf32>,
        %swap3A_863 = vector.shape_cast %swap3A_862 : vector<1x16xf32> to vector<16xf32>
        %swap3A_864 = vector.shape_cast %mul3A_859 : vector<16xf32> to vector<1x16xf32>
        tpu.vector_store %arg16[%swap3A_860, %swap3A_861], %swap3A_864 {strides = array<i32>} : memref<40x128xf32, #tpu.memory_space<vmem>>, vector<1x16xf32>,
        %get3A_865 = arith.index_cast %scan3A_764 : i32 to index
        %get3A_866 = arith.constant 96 : index
        %get3A_867 = tpu.vector_load %arg16[%get3A_865, %get3A_866] {strides = array<i32>} : memref<40x128xf32, #tpu.memory_space<vmem>>, vector<1x16xf32>,
        %get3A_868 = vector.shape_cast %get3A_867 : vector<1x16xf32> to vector<16xf32>
        %mul3A_869 = arith.constant 128 : i32
        %mul3A_870 = arith.muli %scan3A_764, %mul3A_869 : i32
        %add3A_871 = arith.constant 96 : i32
        %add3A_872 = arith.addi %mul3A_870, %add3A_871 : i32
        %get3A_873 = arith.index_cast %add3A_872 : i32 to index
        %get3A_874 = tpu.vector_load %arg18[%get3A_873] {strides = array<i32>} : memref<5120xf32, #tpu.memory_space<vmem>>, vector<16xf32>,
        %get3A_875 = vector.shape_cast %get3A_874 : vector<16xf32> to vector<16xf32>
        %mul3A_876 = arith.mulf %get3A_868, %get3A_875 : vector<16xf32>
        %swap3A_877 = arith.index_cast %scan3A_764 : i32 to index
        %swap3A_878 = arith.constant 96 : index
        %swap3A_879 = tpu.vector_load %arg16[%swap3A_877, %swap3A_878] {strides = array<i32>} : memref<40x128xf32, #tpu.memory_space<vmem>>, vector<1x16xf32>,
        %swap3A_880 = vector.shape_cast %swap3A_879 : vector<1x16xf32> to vector<16xf32>
        %swap3A_881 = vector.shape_cast %mul3A_876 : vector<16xf32> to vector<1x16xf32>
        tpu.vector_store %arg16[%swap3A_877, %swap3A_878], %swap3A_881 {strides = array<i32>} : memref<40x128xf32, #tpu.memory_space<vmem>>, vector<1x16xf32>,
        %get3A_882 = arith.index_cast %scan3A_764 : i32 to index
        %get3A_883 = arith.constant 112 : index
        %get3A_884 = tpu.vector_load %arg16[%get3A_882, %get3A_883] {strides = array<i32>} : memref<40x128xf32, #tpu.memory_space<vmem>>, vector<1x16xf32>,
        %get3A_885 = vector.shape_cast %get3A_884 : vector<1x16xf32> to vector<16xf32>
        %mul3A_886 = arith.constant 128 : i32
        %mul3A_887 = arith.muli %scan3A_764, %mul3A_886 : i32
        %add3A_888 = arith.constant 112 : i32
        %add3A_889 = arith.addi %mul3A_887, %add3A_888 : i32
        %get3A_890 = arith.index_cast %add3A_889 : i32 to index
        %get3A_891 = tpu.vector_load %arg18[%get3A_890] {strides = array<i32>} : memref<5120xf32, #tpu.memory_space<vmem>>, vector<16xf32>,
        %get3A_892 = vector.shape_cast %get3A_891 : vector<16xf32> to vector<16xf32>
        %mul3A_893 = arith.mulf %get3A_885, %get3A_892 : vector<16xf32>
        %swap3A_894 = arith.index_cast %scan3A_764 : i32 to index
        %swap3A_895 = arith.constant 112 : index
        %swap3A_896 = tpu.vector_load %arg16[%swap3A_894, %swap3A_895] {strides = array<i32>} : memref<40x128xf32, #tpu.memory_space<vmem>>, vector<1x16xf32>,
        %swap3A_897 = vector.shape_cast %swap3A_896 : vector<1x16xf32> to vector<16xf32>
        %swap3A_898 = vector.shape_cast %mul3A_893 : vector<16xf32> to vector<1x16xf32>
        tpu.vector_store %arg16[%swap3A_894, %swap3A_895], %swap3A_898 {strides = array<i32>} : memref<40x128xf32, #tpu.memory_space<vmem>>, vector<1x16xf32>,
      }
      %scan3A_631 = arith.constant 40 : i32
      "tpu.region"() ({
        %run_scoped3A = tpu.sem_alloc : memref<!tpu.dma_semaphore, #tpu.memory_space<semaphore_mem>>
        %dma_start3A_764 = arith.constant 0 : i32
        %dma_start3A_765 = arith.constant 0 : i32
        %dma_start3A_766 = tpu.memref_slice %arg19[%dma_start3A_764, %dma_start3A_765] : memref<10240x128xf32, #tpu.memory_space<vmem_shared>> -> memref<10240x128xf32, #tpu.memory_space<vmem_shared>>
        tpu.enqueue_indirect_dma source(%arg16 : memref<40x128xf32, #tpu.memory_space<vmem>>) target(%dma_start3A_766 : memref<10240x128xf32, #tpu.memory_space<vmem_shared>>) offsets(%arg12 : memref<40xi32, #tpu.memory_space<vmem>>) semaphore(%run_scoped3A : memref<!tpu.dma_semaphore, #tpu.memory_space<semaphore_mem>>) {add = true}
        %dma_wait3A_767 = arith.constant 0 : i32
        %dma_wait3A_768 = arith.constant 0 : i32
        %dma_wait3A_769 = tpu.memref_slice %arg19[%dma_wait3A_767, %dma_wait3A_768] : memref<10240x128xf32, #tpu.memory_space<vmem_shared>> -> memref<10240x128xf32, #tpu.memory_space<vmem_shared>>
        tpu.wait_indirect_dma semaphore(%run_scoped3A : memref<!tpu.dma_semaphore, #tpu.memory_space<semaphore_mem>>) src(%arg16 : memref<40x128xf32, #tpu.memory_space<vmem>>) dst(%dma_wait3A_769 : memref<10240x128xf32, #tpu.memory_space<vmem_shared>>)
        tpu.yield
      }) : () -> ()
      %add3A_632 = arith.constant 3 : i32
      %add3A_633 = arith.addi %add3A_585, %add3A_632 : i32
      %mul3A_634 = arith.constant 10000 : i32
      %mul3A_635 = arith.muli %add3A, %mul3A_634 : i32
      %mul3A_636 = arith.constant 40 : i32
      %mul3A_637 = arith.muli %add3A_633, %mul3A_636 : i32
      %add3A_638 = arith.addi %mul3A_635, %mul3A_637 : i32
      %multiple_of3A_639 = tpu.assume_multiple %add3A_638, 8 : i32
      %dma_start3A_640 = tpu.memref_slice %arg4[%multiple_of3A_639] : memref<320000xi32, #tpu.memory_space<hbm>> -> memref<40xi32, #tpu.memory_space<hbm>>
      %dma_start3A_641 = tpu.memref_slice %arg4[%multiple_of3A_639] : memref<320000xi32, #tpu.memory_space<hbm>> -> memref<40xi32, #tpu.memory_space<hbm>>
      tpu.enqueue_dma source(%dma_start3A_641 : memref<40xi32, #tpu.memory_space<hbm>>) target(%arg7 : memref<40xi32, #tpu.memory_space<vmem>>) target_semaphore(%arg20 : memref<!tpu.dma_semaphore, #tpu.memory_space<semaphore_mem>>)
      %dma_start3A_642 = tpu.memref_slice %arg5[%multiple_of3A_639] : memref<320000xi32, #tpu.memory_space<hbm>> -> memref<40xi32, #tpu.memory_space<hbm>>
      %dma_start3A_643 = tpu.memref_slice %arg5[%multiple_of3A_639] : memref<320000xi32, #tpu.memory_space<hbm>> -> memref<40xi32, #tpu.memory_space<hbm>>
      tpu.enqueue_dma source(%dma_start3A_643 : memref<40xi32, #tpu.memory_space<hbm>>) target(%arg11 : memref<40xi32, #tpu.memory_space<vmem>>) target_semaphore(%arg20 : memref<!tpu.dma_semaphore, #tpu.memory_space<semaphore_mem>>)
      %add3A_644 = arith.constant 2 : i32
      %add3A_645 = arith.addi %add3A_525, %add3A_644 : i32
      %add3A_646 = arith.constant 1 : i32
      %add3A_647 = arith.addi %add3A_645, %add3A_646 : i32
      %mul3A_648 = arith.constant 10000 : i32
      %mul3A_649 = arith.muli %add3A, %mul3A_648 : i32
      %mul3A_650 = arith.constant 40 : i32
      %mul3A_651 = arith.muli %add3A_647, %mul3A_650 : i32
      %add3A_652 = arith.addi %mul3A_649, %mul3A_651 : i32
      %multiple_of3A_653 = tpu.assume_multiple %add3A_652, 8 : i32
      %dma_wait3A_654 = tpu.memref_slice %arg4[%multiple_of3A_653] : memref<320000xi32, #tpu.memory_space<hbm>> -> memref<40xi32, #tpu.memory_space<hbm>>
      %dma_wait3A_655 = tpu.memref_slice %arg4[%multiple_of3A_653] : memref<320000xi32, #tpu.memory_space<hbm>> -> memref<40xi32, #tpu.memory_space<hbm>>
      tpu.wait_dma2 semaphore(%arg23 : memref<!tpu.dma_semaphore, #tpu.memory_space<semaphore_mem>>) src(%dma_wait3A_655 : memref<40xi32, #tpu.memory_space<hbm>>) dst(%arg10 : memref<40xi32, #tpu.memory_space<vmem>>)
      %dma_wait3A_656 = tpu.memref_slice %arg5[%multiple_of3A_653] : memref<320000xi32, #tpu.memory_space<hbm>> -> memref<40xi32, #tpu.memory_space<hbm>>
      %dma_wait3A_657 = tpu.memref_slice %arg5[%multiple_of3A_653] : memref<320000xi32, #tpu.memory_space<hbm>> -> memref<40xi32, #tpu.memory_space<hbm>>
      tpu.wait_dma2 semaphore(%arg23 : memref<!tpu.dma_semaphore, #tpu.memory_space<semaphore_mem>>) src(%dma_wait3A_657 : memref<40xi32, #tpu.memory_space<hbm>>) dst(%arg14 : memref<40xi32, #tpu.memory_space<vmem>>)
      %add3A_658 = arith.constant 1 : i32
      %add3A_659 = arith.addi %add3A_645, %add3A_658 : i32
      %dma_start3A_660 = arith.constant 0 : i32
      %dma_start3A_661 = arith.constant 0 : i32
      %dma_start3A_662 = tpu.memref_slice %arg2[%dma_start3A_660, %dma_start3A_661] : memref<10000x128xf32, #tpu.memory_space<hbm>> -> memref<10000x128xf32, #tpu.memory_space<hbm>>
      tpu.enqueue_indirect_dma source(%dma_start3A_662 : memref<10000x128xf32, #tpu.memory_space<hbm>>) target(%arg16 : memref<40x128xf32, #tpu.memory_space<vmem>>) offsets(%arg10 : memref<40xi32, #tpu.memory_space<vmem>>) semaphore(%arg25 : memref<!tpu.dma_semaphore, #tpu.memory_space<semaphore_mem>>)
      %mul3A_663 = arith.constant 10000 : i32
      %mul3A_664 = arith.muli %add3A, %mul3A_663 : i32
      %mul3A_665 = arith.constant 40 : i32
      %mul3A_666 = arith.muli %add3A_659, %mul3A_665 : i32
      %add3A_667 = arith.addi %mul3A_664, %mul3A_666 : i32
      %mul3A_668 = arith.constant 128 : i32
      %mul3A_669 = arith.muli %add3A_667, %mul3A_668 : i32
      %multiple_of3A_670 = tpu.assume_multiple %mul3A_669, 8 : i32
      %dma_start3A_671 = tpu.memref_slice %arg3[%multiple_of3A_670] : memref<40960000xf32, #tpu.memory_space<hbm>> -> memref<5120xf32, #tpu.memory_space<hbm>>
      %dma_start3A_672 = tpu.memref_slice %arg3[%multiple_of3A_670] : memref<40960000xf32, #tpu.memory_space<hbm>> -> memref<5120xf32, #tpu.memory_space<hbm>>
      tpu.enqueue_dma source(%dma_start3A_672 : memref<5120xf32, #tpu.memory_space<hbm>>) target(%arg18 : memref<5120xf32, #tpu.memory_space<vmem>>) target_semaphore(%arg27 : memref<!tpu.dma_semaphore, #tpu.memory_space<semaphore_mem>>)
      %dma_wait3A_673 = arith.constant 0 : i32
      %dma_wait3A_674 = arith.constant 0 : i32
      %dma_wait3A_675 = tpu.memref_slice %arg2[%dma_wait3A_673, %dma_wait3A_674] : memref<10000x128xf32, #tpu.memory_space<hbm>> -> memref<10000x128xf32, #tpu.memory_space<hbm>>
      tpu.wait_indirect_dma semaphore(%arg24 : memref<!tpu.dma_semaphore, #tpu.memory_space<semaphore_mem>>) src(%dma_wait3A_675 : memref<10000x128xf32, #tpu.memory_space<hbm>>) dst(%arg15 : memref<40x128xf32, #tpu.memory_space<vmem>>)
      %mul3A_676 = arith.constant 10000 : i32
      %mul3A_677 = arith.muli %add3A, %mul3A_676 : i32
      %mul3A_678 = arith.constant 40 : i32
      %mul3A_679 = arith.muli %add3A_645, %mul3A_678 : i32
      %add3A_680 = arith.addi %mul3A_677, %mul3A_679 : i32
      %mul3A_681 = arith.constant 128 : i32
      %mul3A_682 = arith.muli %add3A_680, %mul3A_681 : i32
      %multiple_of3A_683 = tpu.assume_multiple %mul3A_682, 8 : i32
      %dma_wait3A_684 = tpu.memref_slice %arg3[%multiple_of3A_683] : memref<40960000xf32, #tpu.memory_space<hbm>> -> memref<5120xf32, #tpu.memory_space<hbm>>
      %dma_wait3A_685 = tpu.memref_slice %arg3[%multiple_of3A_683] : memref<40960000xf32, #tpu.memory_space<hbm>> -> memref<5120xf32, #tpu.memory_space<hbm>>
      tpu.wait_dma2 semaphore(%arg26 : memref<!tpu.dma_semaphore, #tpu.memory_space<semaphore_mem>>) src(%dma_wait3A_685 : memref<5120xf32, #tpu.memory_space<hbm>>) dst(%arg17 : memref<5120xf32, #tpu.memory_space<vmem>>)
      %scan3A_686 = arith.constant 0 : i32
      %scan3A_687 = arith.constant 0 : i32
      %scan3A_688 = arith.constant 40 : i32
      %scan3A_689 = arith.addi %scan3A_687, %scan3A_688 : i32
      %scan3A_690 = arith.constant 1 : i32
      scf.for %scan3A_764 = %scan3A_687 to %scan3A_689 step %scan3A_690  : i32 {
        %get3A = arith.index_cast %scan3A_764 : i32 to index
        %get3A_765 = arith.constant 0 : index
        %get3A_766 = tpu.vector_load %arg15[%get3A, %get3A_765] {strides = array<i32>} : memref<40x128xf32, #tpu.memory_space<vmem>>, vector<1x16xf32>,
        %get3A_767 = vector.shape_cast %get3A_766 : vector<1x16xf32> to vector<16xf32>
        %mul3A_768 = arith.constant 128 : i32
        %mul3A_769 = arith.muli %scan3A_764, %mul3A_768 : i32
        %add3A_770 = arith.constant 0 : i32
        %add3A_771 = arith.addi %mul3A_769, %add3A_770 : i32
        %get3A_772 = arith.index_cast %add3A_771 : i32 to index
        %get3A_773 = tpu.vector_load %arg17[%get3A_772] {strides = array<i32>} : memref<5120xf32, #tpu.memory_space<vmem>>, vector<16xf32>,
        %get3A_774 = vector.shape_cast %get3A_773 : vector<16xf32> to vector<16xf32>
        %mul3A_775 = arith.mulf %get3A_767, %get3A_774 : vector<16xf32>
        %swap3A = arith.index_cast %scan3A_764 : i32 to index
        %swap3A_776 = arith.constant 0 : index
        %swap3A_777 = tpu.vector_load %arg15[%swap3A, %swap3A_776] {strides = array<i32>} : memref<40x128xf32, #tpu.memory_space<vmem>>, vector<1x16xf32>,
        %swap3A_778 = vector.shape_cast %swap3A_777 : vector<1x16xf32> to vector<16xf32>
        %swap3A_779 = vector.shape_cast %mul3A_775 : vector<16xf32> to vector<1x16xf32>
        tpu.vector_store %arg15[%swap3A, %swap3A_776], %swap3A_779 {strides = array<i32>} : memref<40x128xf32, #tpu.memory_space<vmem>>, vector<1x16xf32>,
        %get3A_780 = arith.index_cast %scan3A_764 : i32 to index
        %get3A_781 = arith.constant 16 : index
        %get3A_782 = tpu.vector_load %arg15[%get3A_780, %get3A_781] {strides = array<i32>} : memref<40x128xf32, #tpu.memory_space<vmem>>, vector<1x16xf32>,
        %get3A_783 = vector.shape_cast %get3A_782 : vector<1x16xf32> to vector<16xf32>
        %mul3A_784 = arith.constant 128 : i32
        %mul3A_785 = arith.muli %scan3A_764, %mul3A_784 : i32
        %add3A_786 = arith.constant 16 : i32
        %add3A_787 = arith.addi %mul3A_785, %add3A_786 : i32
        %get3A_788 = arith.index_cast %add3A_787 : i32 to index
        %get3A_789 = tpu.vector_load %arg17[%get3A_788] {strides = array<i32>} : memref<5120xf32, #tpu.memory_space<vmem>>, vector<16xf32>,
        %get3A_790 = vector.shape_cast %get3A_789 : vector<16xf32> to vector<16xf32>
        %mul3A_791 = arith.mulf %get3A_783, %get3A_790 : vector<16xf32>
        %swap3A_792 = arith.index_cast %scan3A_764 : i32 to index
        %swap3A_793 = arith.constant 16 : index
        %swap3A_794 = tpu.vector_load %arg15[%swap3A_792, %swap3A_793] {strides = array<i32>} : memref<40x128xf32, #tpu.memory_space<vmem>>, vector<1x16xf32>,
        %swap3A_795 = vector.shape_cast %swap3A_794 : vector<1x16xf32> to vector<16xf32>
        %swap3A_796 = vector.shape_cast %mul3A_791 : vector<16xf32> to vector<1x16xf32>
        tpu.vector_store %arg15[%swap3A_792, %swap3A_793], %swap3A_796 {strides = array<i32>} : memref<40x128xf32, #tpu.memory_space<vmem>>, vector<1x16xf32>,
        %get3A_797 = arith.index_cast %scan3A_764 : i32 to index
        %get3A_798 = arith.constant 32 : index
        %get3A_799 = tpu.vector_load %arg15[%get3A_797, %get3A_798] {strides = array<i32>} : memref<40x128xf32, #tpu.memory_space<vmem>>, vector<1x16xf32>,
        %get3A_800 = vector.shape_cast %get3A_799 : vector<1x16xf32> to vector<16xf32>
        %mul3A_801 = arith.constant 128 : i32
        %mul3A_802 = arith.muli %scan3A_764, %mul3A_801 : i32
        %add3A_803 = arith.constant 32 : i32
        %add3A_804 = arith.addi %mul3A_802, %add3A_803 : i32
        %get3A_805 = arith.index_cast %add3A_804 : i32 to index
        %get3A_806 = tpu.vector_load %arg17[%get3A_805] {strides = array<i32>} : memref<5120xf32, #tpu.memory_space<vmem>>, vector<16xf32>,
        %get3A_807 = vector.shape_cast %get3A_806 : vector<16xf32> to vector<16xf32>
        %mul3A_808 = arith.mulf %get3A_800, %get3A_807 : vector<16xf32>
        %swap3A_809 = arith.index_cast %scan3A_764 : i32 to index
        %swap3A_810 = arith.constant 32 : index
        %swap3A_811 = tpu.vector_load %arg15[%swap3A_809, %swap3A_810] {strides = array<i32>} : memref<40x128xf32, #tpu.memory_space<vmem>>, vector<1x16xf32>,
        %swap3A_812 = vector.shape_cast %swap3A_811 : vector<1x16xf32> to vector<16xf32>
        %swap3A_813 = vector.shape_cast %mul3A_808 : vector<16xf32> to vector<1x16xf32>
        tpu.vector_store %arg15[%swap3A_809, %swap3A_810], %swap3A_813 {strides = array<i32>} : memref<40x128xf32, #tpu.memory_space<vmem>>, vector<1x16xf32>,
        %get3A_814 = arith.index_cast %scan3A_764 : i32 to index
        %get3A_815 = arith.constant 48 : index
        %get3A_816 = tpu.vector_load %arg15[%get3A_814, %get3A_815] {strides = array<i32>} : memref<40x128xf32, #tpu.memory_space<vmem>>, vector<1x16xf32>,
        %get3A_817 = vector.shape_cast %get3A_816 : vector<1x16xf32> to vector<16xf32>
        %mul3A_818 = arith.constant 128 : i32
        %mul3A_819 = arith.muli %scan3A_764, %mul3A_818 : i32
        %add3A_820 = arith.constant 48 : i32
        %add3A_821 = arith.addi %mul3A_819, %add3A_820 : i32
        %get3A_822 = arith.index_cast %add3A_821 : i32 to index
        %get3A_823 = tpu.vector_load %arg17[%get3A_822] {strides = array<i32>} : memref<5120xf32, #tpu.memory_space<vmem>>, vector<16xf32>,
        %get3A_824 = vector.shape_cast %get3A_823 : vector<16xf32> to vector<16xf32>
        %mul3A_825 = arith.mulf %get3A_817, %get3A_824 : vector<16xf32>
        %swap3A_826 = arith.index_cast %scan3A_764 : i32 to index
        %swap3A_827 = arith.constant 48 : index
        %swap3A_828 = tpu.vector_load %arg15[%swap3A_826, %swap3A_827] {strides = array<i32>} : memref<40x128xf32, #tpu.memory_space<vmem>>, vector<1x16xf32>,
        %swap3A_829 = vector.shape_cast %swap3A_828 : vector<1x16xf32> to vector<16xf32>
        %swap3A_830 = vector.shape_cast %mul3A_825 : vector<16xf32> to vector<1x16xf32>
        tpu.vector_store %arg15[%swap3A_826, %swap3A_827], %swap3A_830 {strides = array<i32>} : memref<40x128xf32, #tpu.memory_space<vmem>>, vector<1x16xf32>,
        %get3A_831 = arith.index_cast %scan3A_764 : i32 to index
        %get3A_832 = arith.constant 64 : index
        %get3A_833 = tpu.vector_load %arg15[%get3A_831, %get3A_832] {strides = array<i32>} : memref<40x128xf32, #tpu.memory_space<vmem>>, vector<1x16xf32>,
        %get3A_834 = vector.shape_cast %get3A_833 : vector<1x16xf32> to vector<16xf32>
        %mul3A_835 = arith.constant 128 : i32
        %mul3A_836 = arith.muli %scan3A_764, %mul3A_835 : i32
        %add3A_837 = arith.constant 64 : i32
        %add3A_838 = arith.addi %mul3A_836, %add3A_837 : i32
        %get3A_839 = arith.index_cast %add3A_838 : i32 to index
        %get3A_840 = tpu.vector_load %arg17[%get3A_839] {strides = array<i32>} : memref<5120xf32, #tpu.memory_space<vmem>>, vector<16xf32>,
        %get3A_841 = vector.shape_cast %get3A_840 : vector<16xf32> to vector<16xf32>
        %mul3A_842 = arith.mulf %get3A_834, %get3A_841 : vector<16xf32>
        %swap3A_843 = arith.index_cast %scan3A_764 : i32 to index
        %swap3A_844 = arith.constant 64 : index
        %swap3A_845 = tpu.vector_load %arg15[%swap3A_843, %swap3A_844] {strides = array<i32>} : memref<40x128xf32, #tpu.memory_space<vmem>>, vector<1x16xf32>,
        %swap3A_846 = vector.shape_cast %swap3A_845 : vector<1x16xf32> to vector<16xf32>
        %swap3A_847 = vector.shape_cast %mul3A_842 : vector<16xf32> to vector<1x16xf32>
        tpu.vector_store %arg15[%swap3A_843, %swap3A_844], %swap3A_847 {strides = array<i32>} : memref<40x128xf32, #tpu.memory_space<vmem>>, vector<1x16xf32>,
        %get3A_848 = arith.index_cast %scan3A_764 : i32 to index
        %get3A_849 = arith.constant 80 : index
        %get3A_850 = tpu.vector_load %arg15[%get3A_848, %get3A_849] {strides = array<i32>} : memref<40x128xf32, #tpu.memory_space<vmem>>, vector<1x16xf32>,
        %get3A_851 = vector.shape_cast %get3A_850 : vector<1x16xf32> to vector<16xf32>
        %mul3A_852 = arith.constant 128 : i32
        %mul3A_853 = arith.muli %scan3A_764, %mul3A_852 : i32
        %add3A_854 = arith.constant 80 : i32
        %add3A_855 = arith.addi %mul3A_853, %add3A_854 : i32
        %get3A_856 = arith.index_cast %add3A_855 : i32 to index
        %get3A_857 = tpu.vector_load %arg17[%get3A_856] {strides = array<i32>} : memref<5120xf32, #tpu.memory_space<vmem>>, vector<16xf32>,
        %get3A_858 = vector.shape_cast %get3A_857 : vector<16xf32> to vector<16xf32>
        %mul3A_859 = arith.mulf %get3A_851, %get3A_858 : vector<16xf32>
        %swap3A_860 = arith.index_cast %scan3A_764 : i32 to index
        %swap3A_861 = arith.constant 80 : index
        %swap3A_862 = tpu.vector_load %arg15[%swap3A_860, %swap3A_861] {strides = array<i32>} : memref<40x128xf32, #tpu.memory_space<vmem>>, vector<1x16xf32>,
        %swap3A_863 = vector.shape_cast %swap3A_862 : vector<1x16xf32> to vector<16xf32>
        %swap3A_864 = vector.shape_cast %mul3A_859 : vector<16xf32> to vector<1x16xf32>
        tpu.vector_store %arg15[%swap3A_860, %swap3A_861], %swap3A_864 {strides = array<i32>} : memref<40x128xf32, #tpu.memory_space<vmem>>, vector<1x16xf32>,
        %get3A_865 = arith.index_cast %scan3A_764 : i32 to index
        %get3A_866 = arith.constant 96 : index
        %get3A_867 = tpu.vector_load %arg15[%get3A_865, %get3A_866] {strides = array<i32>} : memref<40x128xf32, #tpu.memory_space<vmem>>, vector<1x16xf32>,
        %get3A_868 = vector.shape_cast %get3A_867 : vector<1x16xf32> to vector<16xf32>
        %mul3A_869 = arith.constant 128 : i32
        %mul3A_870 = arith.muli %scan3A_764, %mul3A_869 : i32
        %add3A_871 = arith.constant 96 : i32
        %add3A_872 = arith.addi %mul3A_870, %add3A_871 : i32
        %get3A_873 = arith.index_cast %add3A_872 : i32 to index
        %get3A_874 = tpu.vector_load %arg17[%get3A_873] {strides = array<i32>} : memref<5120xf32, #tpu.memory_space<vmem>>, vector<16xf32>,
        %get3A_875 = vector.shape_cast %get3A_874 : vector<16xf32> to vector<16xf32>
        %mul3A_876 = arith.mulf %get3A_868, %get3A_875 : vector<16xf32>
        %swap3A_877 = arith.index_cast %scan3A_764 : i32 to index
        %swap3A_878 = arith.constant 96 : index
        %swap3A_879 = tpu.vector_load %arg15[%swap3A_877, %swap3A_878] {strides = array<i32>} : memref<40x128xf32, #tpu.memory_space<vmem>>, vector<1x16xf32>,
        %swap3A_880 = vector.shape_cast %swap3A_879 : vector<1x16xf32> to vector<16xf32>
        %swap3A_881 = vector.shape_cast %mul3A_876 : vector<16xf32> to vector<1x16xf32>
        tpu.vector_store %arg15[%swap3A_877, %swap3A_878], %swap3A_881 {strides = array<i32>} : memref<40x128xf32, #tpu.memory_space<vmem>>, vector<1x16xf32>,
        %get3A_882 = arith.index_cast %scan3A_764 : i32 to index
        %get3A_883 = arith.constant 112 : index
        %get3A_884 = tpu.vector_load %arg15[%get3A_882, %get3A_883] {strides = array<i32>} : memref<40x128xf32, #tpu.memory_space<vmem>>, vector<1x16xf32>,
        %get3A_885 = vector.shape_cast %get3A_884 : vector<1x16xf32> to vector<16xf32>
        %mul3A_886 = arith.constant 128 : i32
        %mul3A_887 = arith.muli %scan3A_764, %mul3A_886 : i32
        %add3A_888 = arith.constant 112 : i32
        %add3A_889 = arith.addi %mul3A_887, %add3A_888 : i32
        %get3A_890 = arith.index_cast %add3A_889 : i32 to index
        %get3A_891 = tpu.vector_load %arg17[%get3A_890] {strides = array<i32>} : memref<5120xf32, #tpu.memory_space<vmem>>, vector<16xf32>,
        %get3A_892 = vector.shape_cast %get3A_891 : vector<16xf32> to vector<16xf32>
        %mul3A_893 = arith.mulf %get3A_885, %get3A_892 : vector<16xf32>
        %swap3A_894 = arith.index_cast %scan3A_764 : i32 to index
        %swap3A_895 = arith.constant 112 : index
        %swap3A_896 = tpu.vector_load %arg15[%swap3A_894, %swap3A_895] {strides = array<i32>} : memref<40x128xf32, #tpu.memory_space<vmem>>, vector<1x16xf32>,
        %swap3A_897 = vector.shape_cast %swap3A_896 : vector<1x16xf32> to vector<16xf32>
        %swap3A_898 = vector.shape_cast %mul3A_893 : vector<16xf32> to vector<1x16xf32>
        tpu.vector_store %arg15[%swap3A_894, %swap3A_895], %swap3A_898 {strides = array<i32>} : memref<40x128xf32, #tpu.memory_space<vmem>>, vector<1x16xf32>,
      }
      %scan3A_691 = arith.constant 40 : i32
      "tpu.region"() ({
        %run_scoped3A = tpu.sem_alloc : memref<!tpu.dma_semaphore, #tpu.memory_space<semaphore_mem>>
        %dma_start3A_764 = arith.constant 0 : i32
        %dma_start3A_765 = arith.constant 0 : i32
        %dma_start3A_766 = tpu.memref_slice %arg19[%dma_start3A_764, %dma_start3A_765] : memref<10240x128xf32, #tpu.memory_space<vmem_shared>> -> memref<10240x128xf32, #tpu.memory_space<vmem_shared>>
        tpu.enqueue_indirect_dma source(%arg15 : memref<40x128xf32, #tpu.memory_space<vmem>>) target(%dma_start3A_766 : memref<10240x128xf32, #tpu.memory_space<vmem_shared>>) offsets(%arg13 : memref<40xi32, #tpu.memory_space<vmem>>) semaphore(%run_scoped3A : memref<!tpu.dma_semaphore, #tpu.memory_space<semaphore_mem>>) {add = true}
        %dma_wait3A_767 = arith.constant 0 : i32
        %dma_wait3A_768 = arith.constant 0 : i32
        %dma_wait3A_769 = tpu.memref_slice %arg19[%dma_wait3A_767, %dma_wait3A_768] : memref<10240x128xf32, #tpu.memory_space<vmem_shared>> -> memref<10240x128xf32, #tpu.memory_space<vmem_shared>>
        tpu.wait_indirect_dma semaphore(%run_scoped3A : memref<!tpu.dma_semaphore, #tpu.memory_space<semaphore_mem>>) src(%arg15 : memref<40x128xf32, #tpu.memory_space<vmem>>) dst(%dma_wait3A_769 : memref<10240x128xf32, #tpu.memory_space<vmem_shared>>)
        tpu.yield
      }) : () -> ()
      %add3A_692 = arith.constant 3 : i32
      %add3A_693 = arith.addi %add3A_645, %add3A_692 : i32
      %mul3A_694 = arith.constant 10000 : i32
      %mul3A_695 = arith.muli %add3A, %mul3A_694 : i32
      %mul3A_696 = arith.constant 40 : i32
      %mul3A_697 = arith.muli %add3A_693, %mul3A_696 : i32
      %add3A_698 = arith.addi %mul3A_695, %mul3A_697 : i32
      %multiple_of3A_699 = tpu.assume_multiple %add3A_698, 8 : i32
      %dma_start3A_700 = tpu.memref_slice %arg4[%multiple_of3A_699] : memref<320000xi32, #tpu.memory_space<hbm>> -> memref<40xi32, #tpu.memory_space<hbm>>
      %dma_start3A_701 = tpu.memref_slice %arg4[%multiple_of3A_699] : memref<320000xi32, #tpu.memory_space<hbm>> -> memref<40xi32, #tpu.memory_space<hbm>>
      tpu.enqueue_dma source(%dma_start3A_701 : memref<40xi32, #tpu.memory_space<hbm>>) target(%arg8 : memref<40xi32, #tpu.memory_space<vmem>>) target_semaphore(%arg21 : memref<!tpu.dma_semaphore, #tpu.memory_space<semaphore_mem>>)
      %dma_start3A_702 = tpu.memref_slice %arg5[%multiple_of3A_699] : memref<320000xi32, #tpu.memory_space<hbm>> -> memref<40xi32, #tpu.memory_space<hbm>>
      %dma_start3A_703 = tpu.memref_slice %arg5[%multiple_of3A_699] : memref<320000xi32, #tpu.memory_space<hbm>> -> memref<40xi32, #tpu.memory_space<hbm>>
      tpu.enqueue_dma source(%dma_start3A_703 : memref<40xi32, #tpu.memory_space<hbm>>) target(%arg12 : memref<40xi32, #tpu.memory_space<vmem>>) target_semaphore(%arg21 : memref<!tpu.dma_semaphore, #tpu.memory_space<semaphore_mem>>)
      %add3A_704 = arith.constant 3 : i32
      %add3A_705 = arith.addi %add3A_525, %add3A_704 : i32
      %add3A_706 = arith.constant 1 : i32
      %add3A_707 = arith.addi %add3A_705, %add3A_706 : i32
      %mul3A_708 = arith.constant 10000 : i32
      %mul3A_709 = arith.muli %add3A, %mul3A_708 : i32
      %mul3A_710 = arith.constant 40 : i32
      %mul3A_711 = arith.muli %add3A_707, %mul3A_710 : i32
      %add3A_712 = arith.addi %mul3A_709, %mul3A_711 : i32
      %multiple_of3A_713 = tpu.assume_multiple %add3A_712, 8 : i32
      %dma_wait3A_714 = tpu.memref_slice %arg4[%multiple_of3A_713] : memref<320000xi32, #tpu.memory_space<hbm>> -> memref<40xi32, #tpu.memory_space<hbm>>
      %dma_wait3A_715 = tpu.memref_slice %arg4[%multiple_of3A_713] : memref<320000xi32, #tpu.memory_space<hbm>> -> memref<40xi32, #tpu.memory_space<hbm>>
      tpu.wait_dma2 semaphore(%arg20 : memref<!tpu.dma_semaphore, #tpu.memory_space<semaphore_mem>>) src(%dma_wait3A_715 : memref<40xi32, #tpu.memory_space<hbm>>) dst(%arg7 : memref<40xi32, #tpu.memory_space<vmem>>)
      %dma_wait3A_716 = tpu.memref_slice %arg5[%multiple_of3A_713] : memref<320000xi32, #tpu.memory_space<hbm>> -> memref<40xi32, #tpu.memory_space<hbm>>
      %dma_wait3A_717 = tpu.memref_slice %arg5[%multiple_of3A_713] : memref<320000xi32, #tpu.memory_space<hbm>> -> memref<40xi32, #tpu.memory_space<hbm>>
      tpu.wait_dma2 semaphore(%arg20 : memref<!tpu.dma_semaphore, #tpu.memory_space<semaphore_mem>>) src(%dma_wait3A_717 : memref<40xi32, #tpu.memory_space<hbm>>) dst(%arg11 : memref<40xi32, #tpu.memory_space<vmem>>)
      %add3A_718 = arith.constant 1 : i32
      %add3A_719 = arith.addi %add3A_705, %add3A_718 : i32
      %dma_start3A_720 = arith.constant 0 : i32
      %dma_start3A_721 = arith.constant 0 : i32
      %dma_start3A_722 = tpu.memref_slice %arg2[%dma_start3A_720, %dma_start3A_721] : memref<10000x128xf32, #tpu.memory_space<hbm>> -> memref<10000x128xf32, #tpu.memory_space<hbm>>
      tpu.enqueue_indirect_dma source(%dma_start3A_722 : memref<10000x128xf32, #tpu.memory_space<hbm>>) target(%arg15 : memref<40x128xf32, #tpu.memory_space<vmem>>) offsets(%arg7 : memref<40xi32, #tpu.memory_space<vmem>>) semaphore(%arg24 : memref<!tpu.dma_semaphore, #tpu.memory_space<semaphore_mem>>)
      %mul3A_723 = arith.constant 10000 : i32
      %mul3A_724 = arith.muli %add3A, %mul3A_723 : i32
      %mul3A_725 = arith.constant 40 : i32
      %mul3A_726 = arith.muli %add3A_719, %mul3A_725 : i32
      %add3A_727 = arith.addi %mul3A_724, %mul3A_726 : i32
      %mul3A_728 = arith.constant 128 : i32
      %mul3A_729 = arith.muli %add3A_727, %mul3A_728 : i32
      %multiple_of3A_730 = tpu.assume_multiple %mul3A_729, 8 : i32
      %dma_start3A_731 = tpu.memref_slice %arg3[%multiple_of3A_730] : memref<40960000xf32, #tpu.memory_space<hbm>> -> memref<5120xf32, #tpu.memory_space<hbm>>
      %dma_start3A_732 = tpu.memref_slice %arg3[%multiple_of3A_730] : memref<40960000xf32, #tpu.memory_space<hbm>> -> memref<5120xf32, #tpu.memory_space<hbm>>
      tpu.enqueue_dma source(%dma_start3A_732 : memref<5120xf32, #tpu.memory_space<hbm>>) target(%arg17 : memref<5120xf32, #tpu.memory_space<vmem>>) target_semaphore(%arg26 : memref<!tpu.dma_semaphore, #tpu.memory_space<semaphore_mem>>)
      %dma_wait3A_733 = arith.constant 0 : i32
      %dma_wait3A_734 = arith.constant 0 : i32
      %dma_wait3A_735 = tpu.memref_slice %arg2[%dma_wait3A_733, %dma_wait3A_734] : memref<10000x128xf32, #tpu.memory_space<hbm>> -> memref<10000x128xf32, #tpu.memory_space<hbm>>
      tpu.wait_indirect_dma semaphore(%arg25 : memref<!tpu.dma_semaphore, #tpu.memory_space<semaphore_mem>>) src(%dma_wait3A_735 : memref<10000x128xf32, #tpu.memory_space<hbm>>) dst(%arg16 : memref<40x128xf32, #tpu.memory_space<vmem>>)
      %mul3A_736 = arith.constant 10000 : i32
      %mul3A_737 = arith.muli %add3A, %mul3A_736 : i32
      %mul3A_738 = arith.constant 40 : i32
      %mul3A_739 = arith.muli %add3A_705, %mul3A_738 : i32
      %add3A_740 = arith.addi %mul3A_737, %mul3A_739 : i32
      %mul3A_741 = arith.constant 128 : i32
      %mul3A_742 = arith.muli %add3A_740, %mul3A_741 : i32
      %multiple_of3A_743 = tpu.assume_multiple %mul3A_742, 8 : i32
      %dma_wait3A_744 = tpu.memref_slice %arg3[%multiple_of3A_743] : memref<40960000xf32, #tpu.memory_space<hbm>> -> memref<5120xf32, #tpu.memory_space<hbm>>
      %dma_wait3A_745 = tpu.memref_slice %arg3[%multiple_of3A_743] : memref<40960000xf32, #tpu.memory_space<hbm>> -> memref<5120xf32, #tpu.memory_space<hbm>>
      tpu.wait_dma2 semaphore(%arg27 : memref<!tpu.dma_semaphore, #tpu.memory_space<semaphore_mem>>) src(%dma_wait3A_745 : memref<5120xf32, #tpu.memory_space<hbm>>) dst(%arg18 : memref<5120xf32, #tpu.memory_space<vmem>>)
      %scan3A_746 = arith.constant 0 : i32
      %scan3A_747 = arith.constant 0 : i32
      %scan3A_748 = arith.constant 40 : i32
      %scan3A_749 = arith.addi %scan3A_747, %scan3A_748 : i32
      %scan3A_750 = arith.constant 1 : i32
      scf.for %scan3A_764 = %scan3A_747 to %scan3A_749 step %scan3A_750  : i32 {
        %get3A = arith.index_cast %scan3A_764 : i32 to index
        %get3A_765 = arith.constant 0 : index
        %get3A_766 = tpu.vector_load %arg16[%get3A, %get3A_765] {strides = array<i32>} : memref<40x128xf32, #tpu.memory_space<vmem>>, vector<1x16xf32>,
        %get3A_767 = vector.shape_cast %get3A_766 : vector<1x16xf32> to vector<16xf32>
        %mul3A_768 = arith.constant 128 : i32
        %mul3A_769 = arith.muli %scan3A_764, %mul3A_768 : i32
        %add3A_770 = arith.constant 0 : i32
        %add3A_771 = arith.addi %mul3A_769, %add3A_770 : i32
        %get3A_772 = arith.index_cast %add3A_771 : i32 to index
        %get3A_773 = tpu.vector_load %arg18[%get3A_772] {strides = array<i32>} : memref<5120xf32, #tpu.memory_space<vmem>>, vector<16xf32>,
        %get3A_774 = vector.shape_cast %get3A_773 : vector<16xf32> to vector<16xf32>
        %mul3A_775 = arith.mulf %get3A_767, %get3A_774 : vector<16xf32>
        %swap3A = arith.index_cast %scan3A_764 : i32 to index
        %swap3A_776 = arith.constant 0 : index
        %swap3A_777 = tpu.vector_load %arg16[%swap3A, %swap3A_776] {strides = array<i32>} : memref<40x128xf32, #tpu.memory_space<vmem>>, vector<1x16xf32>,
        %swap3A_778 = vector.shape_cast %swap3A_777 : vector<1x16xf32> to vector<16xf32>
        %swap3A_779 = vector.shape_cast %mul3A_775 : vector<16xf32> to vector<1x16xf32>
        tpu.vector_store %arg16[%swap3A, %swap3A_776], %swap3A_779 {strides = array<i32>} : memref<40x128xf32, #tpu.memory_space<vmem>>, vector<1x16xf32>,
        %get3A_780 = arith.index_cast %scan3A_764 : i32 to index
        %get3A_781 = arith.constant 16 : index
        %get3A_782 = tpu.vector_load %arg16[%get3A_780, %get3A_781] {strides = array<i32>} : memref<40x128xf32, #tpu.memory_space<vmem>>, vector<1x16xf32>,
        %get3A_783 = vector.shape_cast %get3A_782 : vector<1x16xf32> to vector<16xf32>
        %mul3A_784 = arith.constant 128 : i32
        %mul3A_785 = arith.muli %scan3A_764, %mul3A_784 : i32
        %add3A_786 = arith.constant 16 : i32
        %add3A_787 = arith.addi %mul3A_785, %add3A_786 : i32
        %get3A_788 = arith.index_cast %add3A_787 : i32 to index
        %get3A_789 = tpu.vector_load %arg18[%get3A_788] {strides = array<i32>} : memref<5120xf32, #tpu.memory_space<vmem>>, vector<16xf32>,
        %get3A_790 = vector.shape_cast %get3A_789 : vector<16xf32> to vector<16xf32>
        %mul3A_791 = arith.mulf %get3A_783, %get3A_790 : vector<16xf32>
        %swap3A_792 = arith.index_cast %scan3A_764 : i32 to index
        %swap3A_793 = arith.constant 16 : index
        %swap3A_794 = tpu.vector_load %arg16[%swap3A_792, %swap3A_793] {strides = array<i32>} : memref<40x128xf32, #tpu.memory_space<vmem>>, vector<1x16xf32>,
        %swap3A_795 = vector.shape_cast %swap3A_794 : vector<1x16xf32> to vector<16xf32>
        %swap3A_796 = vector.shape_cast %mul3A_791 : vector<16xf32> to vector<1x16xf32>
        tpu.vector_store %arg16[%swap3A_792, %swap3A_793], %swap3A_796 {strides = array<i32>} : memref<40x128xf32, #tpu.memory_space<vmem>>, vector<1x16xf32>,
        %get3A_797 = arith.index_cast %scan3A_764 : i32 to index
        %get3A_798 = arith.constant 32 : index
        %get3A_799 = tpu.vector_load %arg16[%get3A_797, %get3A_798] {strides = array<i32>} : memref<40x128xf32, #tpu.memory_space<vmem>>, vector<1x16xf32>,
        %get3A_800 = vector.shape_cast %get3A_799 : vector<1x16xf32> to vector<16xf32>
        %mul3A_801 = arith.constant 128 : i32
        %mul3A_802 = arith.muli %scan3A_764, %mul3A_801 : i32
        %add3A_803 = arith.constant 32 : i32
        %add3A_804 = arith.addi %mul3A_802, %add3A_803 : i32
        %get3A_805 = arith.index_cast %add3A_804 : i32 to index
        %get3A_806 = tpu.vector_load %arg18[%get3A_805] {strides = array<i32>} : memref<5120xf32, #tpu.memory_space<vmem>>, vector<16xf32>,
        %get3A_807 = vector.shape_cast %get3A_806 : vector<16xf32> to vector<16xf32>
        %mul3A_808 = arith.mulf %get3A_800, %get3A_807 : vector<16xf32>
        %swap3A_809 = arith.index_cast %scan3A_764 : i32 to index
        %swap3A_810 = arith.constant 32 : index
        %swap3A_811 = tpu.vector_load %arg16[%swap3A_809, %swap3A_810] {strides = array<i32>} : memref<40x128xf32, #tpu.memory_space<vmem>>, vector<1x16xf32>,
        %swap3A_812 = vector.shape_cast %swap3A_811 : vector<1x16xf32> to vector<16xf32>
        %swap3A_813 = vector.shape_cast %mul3A_808 : vector<16xf32> to vector<1x16xf32>
        tpu.vector_store %arg16[%swap3A_809, %swap3A_810], %swap3A_813 {strides = array<i32>} : memref<40x128xf32, #tpu.memory_space<vmem>>, vector<1x16xf32>,
        %get3A_814 = arith.index_cast %scan3A_764 : i32 to index
        %get3A_815 = arith.constant 48 : index
        %get3A_816 = tpu.vector_load %arg16[%get3A_814, %get3A_815] {strides = array<i32>} : memref<40x128xf32, #tpu.memory_space<vmem>>, vector<1x16xf32>,
        %get3A_817 = vector.shape_cast %get3A_816 : vector<1x16xf32> to vector<16xf32>
        %mul3A_818 = arith.constant 128 : i32
        %mul3A_819 = arith.muli %scan3A_764, %mul3A_818 : i32
        %add3A_820 = arith.constant 48 : i32
        %add3A_821 = arith.addi %mul3A_819, %add3A_820 : i32
        %get3A_822 = arith.index_cast %add3A_821 : i32 to index
        %get3A_823 = tpu.vector_load %arg18[%get3A_822] {strides = array<i32>} : memref<5120xf32, #tpu.memory_space<vmem>>, vector<16xf32>,
        %get3A_824 = vector.shape_cast %get3A_823 : vector<16xf32> to vector<16xf32>
        %mul3A_825 = arith.mulf %get3A_817, %get3A_824 : vector<16xf32>
        %swap3A_826 = arith.index_cast %scan3A_764 : i32 to index
        %swap3A_827 = arith.constant 48 : index
        %swap3A_828 = tpu.vector_load %arg16[%swap3A_826, %swap3A_827] {strides = array<i32>} : memref<40x128xf32, #tpu.memory_space<vmem>>, vector<1x16xf32>,
        %swap3A_829 = vector.shape_cast %swap3A_828 : vector<1x16xf32> to vector<16xf32>
        %swap3A_830 = vector.shape_cast %mul3A_825 : vector<16xf32> to vector<1x16xf32>
        tpu.vector_store %arg16[%swap3A_826, %swap3A_827], %swap3A_830 {strides = array<i32>} : memref<40x128xf32, #tpu.memory_space<vmem>>, vector<1x16xf32>,
        %get3A_831 = arith.index_cast %scan3A_764 : i32 to index
        %get3A_832 = arith.constant 64 : index
        %get3A_833 = tpu.vector_load %arg16[%get3A_831, %get3A_832] {strides = array<i32>} : memref<40x128xf32, #tpu.memory_space<vmem>>, vector<1x16xf32>,
        %get3A_834 = vector.shape_cast %get3A_833 : vector<1x16xf32> to vector<16xf32>
        %mul3A_835 = arith.constant 128 : i32
        %mul3A_836 = arith.muli %scan3A_764, %mul3A_835 : i32
        %add3A_837 = arith.constant 64 : i32
        %add3A_838 = arith.addi %mul3A_836, %add3A_837 : i32
        %get3A_839 = arith.index_cast %add3A_838 : i32 to index
        %get3A_840 = tpu.vector_load %arg18[%get3A_839] {strides = array<i32>} : memref<5120xf32, #tpu.memory_space<vmem>>, vector<16xf32>,
        %get3A_841 = vector.shape_cast %get3A_840 : vector<16xf32> to vector<16xf32>
        %mul3A_842 = arith.mulf %get3A_834, %get3A_841 : vector<16xf32>
        %swap3A_843 = arith.index_cast %scan3A_764 : i32 to index
        %swap3A_844 = arith.constant 64 : index
        %swap3A_845 = tpu.vector_load %arg16[%swap3A_843, %swap3A_844] {strides = array<i32>} : memref<40x128xf32, #tpu.memory_space<vmem>>, vector<1x16xf32>,
        %swap3A_846 = vector.shape_cast %swap3A_845 : vector<1x16xf32> to vector<16xf32>
        %swap3A_847 = vector.shape_cast %mul3A_842 : vector<16xf32> to vector<1x16xf32>
        tpu.vector_store %arg16[%swap3A_843, %swap3A_844], %swap3A_847 {strides = array<i32>} : memref<40x128xf32, #tpu.memory_space<vmem>>, vector<1x16xf32>,
        %get3A_848 = arith.index_cast %scan3A_764 : i32 to index
        %get3A_849 = arith.constant 80 : index
        %get3A_850 = tpu.vector_load %arg16[%get3A_848, %get3A_849] {strides = array<i32>} : memref<40x128xf32, #tpu.memory_space<vmem>>, vector<1x16xf32>,
        %get3A_851 = vector.shape_cast %get3A_850 : vector<1x16xf32> to vector<16xf32>
        %mul3A_852 = arith.constant 128 : i32
        %mul3A_853 = arith.muli %scan3A_764, %mul3A_852 : i32
        %add3A_854 = arith.constant 80 : i32
        %add3A_855 = arith.addi %mul3A_853, %add3A_854 : i32
        %get3A_856 = arith.index_cast %add3A_855 : i32 to index
        %get3A_857 = tpu.vector_load %arg18[%get3A_856] {strides = array<i32>} : memref<5120xf32, #tpu.memory_space<vmem>>, vector<16xf32>,
        %get3A_858 = vector.shape_cast %get3A_857 : vector<16xf32> to vector<16xf32>
        %mul3A_859 = arith.mulf %get3A_851, %get3A_858 : vector<16xf32>
        %swap3A_860 = arith.index_cast %scan3A_764 : i32 to index
        %swap3A_861 = arith.constant 80 : index
        %swap3A_862 = tpu.vector_load %arg16[%swap3A_860, %swap3A_861] {strides = array<i32>} : memref<40x128xf32, #tpu.memory_space<vmem>>, vector<1x16xf32>,
        %swap3A_863 = vector.shape_cast %swap3A_862 : vector<1x16xf32> to vector<16xf32>
        %swap3A_864 = vector.shape_cast %mul3A_859 : vector<16xf32> to vector<1x16xf32>
        tpu.vector_store %arg16[%swap3A_860, %swap3A_861], %swap3A_864 {strides = array<i32>} : memref<40x128xf32, #tpu.memory_space<vmem>>, vector<1x16xf32>,
        %get3A_865 = arith.index_cast %scan3A_764 : i32 to index
        %get3A_866 = arith.constant 96 : index
        %get3A_867 = tpu.vector_load %arg16[%get3A_865, %get3A_866] {strides = array<i32>} : memref<40x128xf32, #tpu.memory_space<vmem>>, vector<1x16xf32>,
        %get3A_868 = vector.shape_cast %get3A_867 : vector<1x16xf32> to vector<16xf32>
        %mul3A_869 = arith.constant 128 : i32
        %mul3A_870 = arith.muli %scan3A_764, %mul3A_869 : i32
        %add3A_871 = arith.constant 96 : i32
        %add3A_872 = arith.addi %mul3A_870, %add3A_871 : i32
        %get3A_873 = arith.index_cast %add3A_872 : i32 to index
        %get3A_874 = tpu.vector_load %arg18[%get3A_873] {strides = array<i32>} : memref<5120xf32, #tpu.memory_space<vmem>>, vector<16xf32>,
        %get3A_875 = vector.shape_cast %get3A_874 : vector<16xf32> to vector<16xf32>
        %mul3A_876 = arith.mulf %get3A_868, %get3A_875 : vector<16xf32>
        %swap3A_877 = arith.index_cast %scan3A_764 : i32 to index
        %swap3A_878 = arith.constant 96 : index
        %swap3A_879 = tpu.vector_load %arg16[%swap3A_877, %swap3A_878] {strides = array<i32>} : memref<40x128xf32, #tpu.memory_space<vmem>>, vector<1x16xf32>,
        %swap3A_880 = vector.shape_cast %swap3A_879 : vector<1x16xf32> to vector<16xf32>
        %swap3A_881 = vector.shape_cast %mul3A_876 : vector<16xf32> to vector<1x16xf32>
        tpu.vector_store %arg16[%swap3A_877, %swap3A_878], %swap3A_881 {strides = array<i32>} : memref<40x128xf32, #tpu.memory_space<vmem>>, vector<1x16xf32>,
        %get3A_882 = arith.index_cast %scan3A_764 : i32 to index
        %get3A_883 = arith.constant 112 : index
        %get3A_884 = tpu.vector_load %arg16[%get3A_882, %get3A_883] {strides = array<i32>} : memref<40x128xf32, #tpu.memory_space<vmem>>, vector<1x16xf32>,
        %get3A_885 = vector.shape_cast %get3A_884 : vector<1x16xf32> to vector<16xf32>
        %mul3A_886 = arith.constant 128 : i32
        %mul3A_887 = arith.muli %scan3A_764, %mul3A_886 : i32
        %add3A_888 = arith.constant 112 : i32
        %add3A_889 = arith.addi %mul3A_887, %add3A_888 : i32
        %get3A_890 = arith.index_cast %add3A_889 : i32 to index
        %get3A_891 = tpu.vector_load %arg18[%get3A_890] {strides = array<i32>} : memref<5120xf32, #tpu.memory_space<vmem>>, vector<16xf32>,
        %get3A_892 = vector.shape_cast %get3A_891 : vector<16xf32> to vector<16xf32>
        %mul3A_893 = arith.mulf %get3A_885, %get3A_892 : vector<16xf32>
        %swap3A_894 = arith.index_cast %scan3A_764 : i32 to index
        %swap3A_895 = arith.constant 112 : index
        %swap3A_896 = tpu.vector_load %arg16[%swap3A_894, %swap3A_895] {strides = array<i32>} : memref<40x128xf32, #tpu.memory_space<vmem>>, vector<1x16xf32>,
        %swap3A_897 = vector.shape_cast %swap3A_896 : vector<1x16xf32> to vector<16xf32>
        %swap3A_898 = vector.shape_cast %mul3A_893 : vector<16xf32> to vector<1x16xf32>
        tpu.vector_store %arg16[%swap3A_894, %swap3A_895], %swap3A_898 {strides = array<i32>} : memref<40x128xf32, #tpu.memory_space<vmem>>, vector<1x16xf32>,
      }
      %scan3A_751 = arith.constant 40 : i32
      "tpu.region"() ({
        %run_scoped3A = tpu.sem_alloc : memref<!tpu.dma_semaphore, #tpu.memory_space<semaphore_mem>>
        %dma_start3A_764 = arith.constant 0 : i32
        %dma_start3A_765 = arith.constant 0 : i32
        %dma_start3A_766 = tpu.memref_slice %arg19[%dma_start3A_764, %dma_start3A_765] : memref<10240x128xf32, #tpu.memory_space<vmem_shared>> -> memref<10240x128xf32, #tpu.memory_space<vmem_shared>>
        tpu.enqueue_indirect_dma source(%arg16 : memref<40x128xf32, #tpu.memory_space<vmem>>) target(%dma_start3A_766 : memref<10240x128xf32, #tpu.memory_space<vmem_shared>>) offsets(%arg14 : memref<40xi32, #tpu.memory_space<vmem>>) semaphore(%run_scoped3A : memref<!tpu.dma_semaphore, #tpu.memory_space<semaphore_mem>>) {add = true}
        %dma_wait3A_767 = arith.constant 0 : i32
        %dma_wait3A_768 = arith.constant 0 : i32
        %dma_wait3A_769 = tpu.memref_slice %arg19[%dma_wait3A_767, %dma_wait3A_768] : memref<10240x128xf32, #tpu.memory_space<vmem_shared>> -> memref<10240x128xf32, #tpu.memory_space<vmem_shared>>
        tpu.wait_indirect_dma semaphore(%run_scoped3A : memref<!tpu.dma_semaphore, #tpu.memory_space<semaphore_mem>>) src(%arg16 : memref<40x128xf32, #tpu.memory_space<vmem>>) dst(%dma_wait3A_769 : memref<10240x128xf32, #tpu.memory_space<vmem_shared>>)
        tpu.yield
      }) : () -> ()
      %add3A_752 = arith.constant 3 : i32
      %add3A_753 = arith.addi %add3A_705, %add3A_752 : i32
      %mul3A_754 = arith.constant 10000 : i32
      %mul3A_755 = arith.muli %add3A, %mul3A_754 : i32
      %mul3A_756 = arith.constant 40 : i32
      %mul3A_757 = arith.muli %add3A_753, %mul3A_756 : i32
      %add3A_758 = arith.addi %mul3A_755, %mul3A_757 : i32
      %multiple_of3A_759 = tpu.assume_multiple %add3A_758, 8 : i32
      %dma_start3A_760 = tpu.memref_slice %arg4[%multiple_of3A_759] : memref<320000xi32, #tpu.memory_space<hbm>> -> memref<40xi32, #tpu.memory_space<hbm>>
      %dma_start3A_761 = tpu.memref_slice %arg4[%multiple_of3A_759] : memref<320000xi32, #tpu.memory_space<hbm>> -> memref<40xi32, #tpu.memory_space<hbm>>
      tpu.enqueue_dma source(%dma_start3A_761 : memref<40xi32, #tpu.memory_space<hbm>>) target(%arg9 : memref<40xi32, #tpu.memory_space<vmem>>) target_semaphore(%arg22 : memref<!tpu.dma_semaphore, #tpu.memory_space<semaphore_mem>>)
      %dma_start3A_762 = tpu.memref_slice %arg5[%multiple_of3A_759] : memref<320000xi32, #tpu.memory_space<hbm>> -> memref<40xi32, #tpu.memory_space<hbm>>
      %dma_start3A_763 = tpu.memref_slice %arg5[%multiple_of3A_759] : memref<320000xi32, #tpu.memory_space<hbm>> -> memref<40xi32, #tpu.memory_space<hbm>>
      tpu.enqueue_dma source(%dma_start3A_763 : memref<40xi32, #tpu.memory_space<hbm>>) target(%arg13 : memref<40xi32, #tpu.memory_space<vmem>>) target_semaphore(%arg22 : memref<!tpu.dma_semaphore, #tpu.memory_space<semaphore_mem>>)
    }
    %scan3A_135 = arith.constant 61 : i32
    %mul3A_136 = arith.constant 10000 : i32
    %mul3A_137 = arith.muli %add3A, %mul3A_136 : i32
    %add3A_138 = arith.constant 9800 : i32
    %add3A_139 = arith.addi %mul3A_137, %add3A_138 : i32
    %multiple_of3A_140 = tpu.assume_multiple %add3A_139, 8 : i32
    %dma_wait3A_141 = tpu.memref_slice %arg4[%multiple_of3A_140] : memref<320000xi32, #tpu.memory_space<hbm>> -> memref<40xi32, #tpu.memory_space<hbm>>
    %dma_wait3A_142 = tpu.memref_slice %arg4[%multiple_of3A_140] : memref<320000xi32, #tpu.memory_space<hbm>> -> memref<40xi32, #tpu.memory_space<hbm>>
    tpu.wait_dma2 semaphore(%arg21 : memref<!tpu.dma_semaphore, #tpu.memory_space<semaphore_mem>>) src(%dma_wait3A_142 : memref<40xi32, #tpu.memory_space<hbm>>) dst(%arg8 : memref<40xi32, #tpu.memory_space<vmem>>)
    %dma_wait3A_143 = tpu.memref_slice %arg5[%multiple_of3A_140] : memref<320000xi32, #tpu.memory_space<hbm>> -> memref<40xi32, #tpu.memory_space<hbm>>
    %dma_wait3A_144 = tpu.memref_slice %arg5[%multiple_of3A_140] : memref<320000xi32, #tpu.memory_space<hbm>> -> memref<40xi32, #tpu.memory_space<hbm>>
    tpu.wait_dma2 semaphore(%arg21 : memref<!tpu.dma_semaphore, #tpu.memory_space<semaphore_mem>>) src(%dma_wait3A_144 : memref<40xi32, #tpu.memory_space<hbm>>) dst(%arg12 : memref<40xi32, #tpu.memory_space<vmem>>)
    %dma_start3A_145 = arith.constant 0 : i32
    %dma_start3A_146 = arith.constant 0 : i32
    %dma_start3A_147 = tpu.memref_slice %arg2[%dma_start3A_145, %dma_start3A_146] : memref<10000x128xf32, #tpu.memory_space<hbm>> -> memref<10000x128xf32, #tpu.memory_space<hbm>>
    tpu.enqueue_indirect_dma source(%dma_start3A_147 : memref<10000x128xf32, #tpu.memory_space<hbm>>) target(%arg16 : memref<40x128xf32, #tpu.memory_space<vmem>>) offsets(%arg8 : memref<40xi32, #tpu.memory_space<vmem>>) semaphore(%arg25 : memref<!tpu.dma_semaphore, #tpu.memory_space<semaphore_mem>>)
    %mul3A_148 = arith.constant 10000 : i32
    %mul3A_149 = arith.muli %add3A, %mul3A_148 : i32
    %add3A_150 = arith.constant 9800 : i32
    %add3A_151 = arith.addi %mul3A_149, %add3A_150 : i32
    %mul3A_152 = arith.constant 128 : i32
    %mul3A_153 = arith.muli %add3A_151, %mul3A_152 : i32
    %multiple_of3A_154 = tpu.assume_multiple %mul3A_153, 8 : i32
    %dma_start3A_155 = tpu.memref_slice %arg3[%multiple_of3A_154] : memref<40960000xf32, #tpu.memory_space<hbm>> -> memref<5120xf32, #tpu.memory_space<hbm>>
    %dma_start3A_156 = tpu.memref_slice %arg3[%multiple_of3A_154] : memref<40960000xf32, #tpu.memory_space<hbm>> -> memref<5120xf32, #tpu.memory_space<hbm>>
    tpu.enqueue_dma source(%dma_start3A_156 : memref<5120xf32, #tpu.memory_space<hbm>>) target(%arg18 : memref<5120xf32, #tpu.memory_space<vmem>>) target_semaphore(%arg27 : memref<!tpu.dma_semaphore, #tpu.memory_space<semaphore_mem>>)
    %dma_wait3A_157 = arith.constant 0 : i32
    %dma_wait3A_158 = arith.constant 0 : i32
    %dma_wait3A_159 = tpu.memref_slice %arg2[%dma_wait3A_157, %dma_wait3A_158] : memref<10000x128xf32, #tpu.memory_space<hbm>> -> memref<10000x128xf32, #tpu.memory_space<hbm>>
    tpu.wait_indirect_dma semaphore(%arg24 : memref<!tpu.dma_semaphore, #tpu.memory_space<semaphore_mem>>) src(%dma_wait3A_159 : memref<10000x128xf32, #tpu.memory_space<hbm>>) dst(%arg15 : memref<40x128xf32, #tpu.memory_space<vmem>>)
    %mul3A_160 = arith.constant 10000 : i32
    %mul3A_161 = arith.muli %add3A, %mul3A_160 : i32
    %add3A_162 = arith.constant 9760 : i32
    %add3A_163 = arith.addi %mul3A_161, %add3A_162 : i32
    %mul3A_164 = arith.constant 128 : i32
    %mul3A_165 = arith.muli %add3A_163, %mul3A_164 : i32
    %multiple_of3A_166 = tpu.assume_multiple %mul3A_165, 8 : i32
    %dma_wait3A_167 = tpu.memref_slice %arg3[%multiple_of3A_166] : memref<40960000xf32, #tpu.memory_space<hbm>> -> memref<5120xf32, #tpu.memory_space<hbm>>
    %dma_wait3A_168 = tpu.memref_slice %arg3[%multiple_of3A_166] : memref<40960000xf32, #tpu.memory_space<hbm>> -> memref<5120xf32, #tpu.memory_space<hbm>>
    tpu.wait_dma2 semaphore(%arg26 : memref<!tpu.dma_semaphore, #tpu.memory_space<semaphore_mem>>) src(%dma_wait3A_168 : memref<5120xf32, #tpu.memory_space<hbm>>) dst(%arg17 : memref<5120xf32, #tpu.memory_space<vmem>>)
    %scan3A_169 = arith.constant 0 : i32
    %scan3A_170 = arith.constant 0 : i32
    %scan3A_171 = arith.constant 40 : i32
    %scan3A_172 = arith.addi %scan3A_170, %scan3A_171 : i32
    %scan3A_173 = arith.constant 1 : i32
    scf.for %scan3A_521 = %scan3A_170 to %scan3A_172 step %scan3A_173  : i32 {
      %get3A = arith.index_cast %scan3A_521 : i32 to index
      %get3A_522 = arith.constant 0 : index
      %get3A_523 = tpu.vector_load %arg15[%get3A, %get3A_522] {strides = array<i32>} : memref<40x128xf32, #tpu.memory_space<vmem>>, vector<1x16xf32>,
      %get3A_524 = vector.shape_cast %get3A_523 : vector<1x16xf32> to vector<16xf32>
      %mul3A_525 = arith.constant 128 : i32
      %mul3A_526 = arith.muli %scan3A_521, %mul3A_525 : i32
      %add3A_527 = arith.constant 0 : i32
      %add3A_528 = arith.addi %mul3A_526, %add3A_527 : i32
      %get3A_529 = arith.index_cast %add3A_528 : i32 to index
      %get3A_530 = tpu.vector_load %arg17[%get3A_529] {strides = array<i32>} : memref<5120xf32, #tpu.memory_space<vmem>>, vector<16xf32>,
      %get3A_531 = vector.shape_cast %get3A_530 : vector<16xf32> to vector<16xf32>
      %mul3A_532 = arith.mulf %get3A_524, %get3A_531 : vector<16xf32>
      %swap3A = arith.index_cast %scan3A_521 : i32 to index
      %swap3A_533 = arith.constant 0 : index
      %swap3A_534 = tpu.vector_load %arg15[%swap3A, %swap3A_533] {strides = array<i32>} : memref<40x128xf32, #tpu.memory_space<vmem>>, vector<1x16xf32>,
      %swap3A_535 = vector.shape_cast %swap3A_534 : vector<1x16xf32> to vector<16xf32>
      %swap3A_536 = vector.shape_cast %mul3A_532 : vector<16xf32> to vector<1x16xf32>
      tpu.vector_store %arg15[%swap3A, %swap3A_533], %swap3A_536 {strides = array<i32>} : memref<40x128xf32, #tpu.memory_space<vmem>>, vector<1x16xf32>,
      %get3A_537 = arith.index_cast %scan3A_521 : i32 to index
      %get3A_538 = arith.constant 16 : index
      %get3A_539 = tpu.vector_load %arg15[%get3A_537, %get3A_538] {strides = array<i32>} : memref<40x128xf32, #tpu.memory_space<vmem>>, vector<1x16xf32>,
      %get3A_540 = vector.shape_cast %get3A_539 : vector<1x16xf32> to vector<16xf32>
      %mul3A_541 = arith.constant 128 : i32
      %mul3A_542 = arith.muli %scan3A_521, %mul3A_541 : i32
      %add3A_543 = arith.constant 16 : i32
      %add3A_544 = arith.addi %mul3A_542, %add3A_543 : i32
      %get3A_545 = arith.index_cast %add3A_544 : i32 to index
      %get3A_546 = tpu.vector_load %arg17[%get3A_545] {strides = array<i32>} : memref<5120xf32, #tpu.memory_space<vmem>>, vector<16xf32>,
      %get3A_547 = vector.shape_cast %get3A_546 : vector<16xf32> to vector<16xf32>
      %mul3A_548 = arith.mulf %get3A_540, %get3A_547 : vector<16xf32>
      %swap3A_549 = arith.index_cast %scan3A_521 : i32 to index
      %swap3A_550 = arith.constant 16 : index
      %swap3A_551 = tpu.vector_load %arg15[%swap3A_549, %swap3A_550] {strides = array<i32>} : memref<40x128xf32, #tpu.memory_space<vmem>>, vector<1x16xf32>,
      %swap3A_552 = vector.shape_cast %swap3A_551 : vector<1x16xf32> to vector<16xf32>
      %swap3A_553 = vector.shape_cast %mul3A_548 : vector<16xf32> to vector<1x16xf32>
      tpu.vector_store %arg15[%swap3A_549, %swap3A_550], %swap3A_553 {strides = array<i32>} : memref<40x128xf32, #tpu.memory_space<vmem>>, vector<1x16xf32>,
      %get3A_554 = arith.index_cast %scan3A_521 : i32 to index
      %get3A_555 = arith.constant 32 : index
      %get3A_556 = tpu.vector_load %arg15[%get3A_554, %get3A_555] {strides = array<i32>} : memref<40x128xf32, #tpu.memory_space<vmem>>, vector<1x16xf32>,
      %get3A_557 = vector.shape_cast %get3A_556 : vector<1x16xf32> to vector<16xf32>
      %mul3A_558 = arith.constant 128 : i32
      %mul3A_559 = arith.muli %scan3A_521, %mul3A_558 : i32
      %add3A_560 = arith.constant 32 : i32
      %add3A_561 = arith.addi %mul3A_559, %add3A_560 : i32
      %get3A_562 = arith.index_cast %add3A_561 : i32 to index
      %get3A_563 = tpu.vector_load %arg17[%get3A_562] {strides = array<i32>} : memref<5120xf32, #tpu.memory_space<vmem>>, vector<16xf32>,
      %get3A_564 = vector.shape_cast %get3A_563 : vector<16xf32> to vector<16xf32>
      %mul3A_565 = arith.mulf %get3A_557, %get3A_564 : vector<16xf32>
      %swap3A_566 = arith.index_cast %scan3A_521 : i32 to index
      %swap3A_567 = arith.constant 32 : index
      %swap3A_568 = tpu.vector_load %arg15[%swap3A_566, %swap3A_567] {strides = array<i32>} : memref<40x128xf32, #tpu.memory_space<vmem>>, vector<1x16xf32>,
      %swap3A_569 = vector.shape_cast %swap3A_568 : vector<1x16xf32> to vector<16xf32>
      %swap3A_570 = vector.shape_cast %mul3A_565 : vector<16xf32> to vector<1x16xf32>
      tpu.vector_store %arg15[%swap3A_566, %swap3A_567], %swap3A_570 {strides = array<i32>} : memref<40x128xf32, #tpu.memory_space<vmem>>, vector<1x16xf32>,
      %get3A_571 = arith.index_cast %scan3A_521 : i32 to index
      %get3A_572 = arith.constant 48 : index
      %get3A_573 = tpu.vector_load %arg15[%get3A_571, %get3A_572] {strides = array<i32>} : memref<40x128xf32, #tpu.memory_space<vmem>>, vector<1x16xf32>,
      %get3A_574 = vector.shape_cast %get3A_573 : vector<1x16xf32> to vector<16xf32>
      %mul3A_575 = arith.constant 128 : i32
      %mul3A_576 = arith.muli %scan3A_521, %mul3A_575 : i32
      %add3A_577 = arith.constant 48 : i32
      %add3A_578 = arith.addi %mul3A_576, %add3A_577 : i32
      %get3A_579 = arith.index_cast %add3A_578 : i32 to index
      %get3A_580 = tpu.vector_load %arg17[%get3A_579] {strides = array<i32>} : memref<5120xf32, #tpu.memory_space<vmem>>, vector<16xf32>,
      %get3A_581 = vector.shape_cast %get3A_580 : vector<16xf32> to vector<16xf32>
      %mul3A_582 = arith.mulf %get3A_574, %get3A_581 : vector<16xf32>
      %swap3A_583 = arith.index_cast %scan3A_521 : i32 to index
      %swap3A_584 = arith.constant 48 : index
      %swap3A_585 = tpu.vector_load %arg15[%swap3A_583, %swap3A_584] {strides = array<i32>} : memref<40x128xf32, #tpu.memory_space<vmem>>, vector<1x16xf32>,
      %swap3A_586 = vector.shape_cast %swap3A_585 : vector<1x16xf32> to vector<16xf32>
      %swap3A_587 = vector.shape_cast %mul3A_582 : vector<16xf32> to vector<1x16xf32>
      tpu.vector_store %arg15[%swap3A_583, %swap3A_584], %swap3A_587 {strides = array<i32>} : memref<40x128xf32, #tpu.memory_space<vmem>>, vector<1x16xf32>,
      %get3A_588 = arith.index_cast %scan3A_521 : i32 to index
      %get3A_589 = arith.constant 64 : index
      %get3A_590 = tpu.vector_load %arg15[%get3A_588, %get3A_589] {strides = array<i32>} : memref<40x128xf32, #tpu.memory_space<vmem>>, vector<1x16xf32>,
      %get3A_591 = vector.shape_cast %get3A_590 : vector<1x16xf32> to vector<16xf32>
      %mul3A_592 = arith.constant 128 : i32
      %mul3A_593 = arith.muli %scan3A_521, %mul3A_592 : i32
      %add3A_594 = arith.constant 64 : i32
      %add3A_595 = arith.addi %mul3A_593, %add3A_594 : i32
      %get3A_596 = arith.index_cast %add3A_595 : i32 to index
      %get3A_597 = tpu.vector_load %arg17[%get3A_596] {strides = array<i32>} : memref<5120xf32, #tpu.memory_space<vmem>>, vector<16xf32>,
      %get3A_598 = vector.shape_cast %get3A_597 : vector<16xf32> to vector<16xf32>
      %mul3A_599 = arith.mulf %get3A_591, %get3A_598 : vector<16xf32>
      %swap3A_600 = arith.index_cast %scan3A_521 : i32 to index
      %swap3A_601 = arith.constant 64 : index
      %swap3A_602 = tpu.vector_load %arg15[%swap3A_600, %swap3A_601] {strides = array<i32>} : memref<40x128xf32, #tpu.memory_space<vmem>>, vector<1x16xf32>,
      %swap3A_603 = vector.shape_cast %swap3A_602 : vector<1x16xf32> to vector<16xf32>
      %swap3A_604 = vector.shape_cast %mul3A_599 : vector<16xf32> to vector<1x16xf32>
      tpu.vector_store %arg15[%swap3A_600, %swap3A_601], %swap3A_604 {strides = array<i32>} : memref<40x128xf32, #tpu.memory_space<vmem>>, vector<1x16xf32>,
      %get3A_605 = arith.index_cast %scan3A_521 : i32 to index
      %get3A_606 = arith.constant 80 : index
      %get3A_607 = tpu.vector_load %arg15[%get3A_605, %get3A_606] {strides = array<i32>} : memref<40x128xf32, #tpu.memory_space<vmem>>, vector<1x16xf32>,
      %get3A_608 = vector.shape_cast %get3A_607 : vector<1x16xf32> to vector<16xf32>
      %mul3A_609 = arith.constant 128 : i32
      %mul3A_610 = arith.muli %scan3A_521, %mul3A_609 : i32
      %add3A_611 = arith.constant 80 : i32
      %add3A_612 = arith.addi %mul3A_610, %add3A_611 : i32
      %get3A_613 = arith.index_cast %add3A_612 : i32 to index
      %get3A_614 = tpu.vector_load %arg17[%get3A_613] {strides = array<i32>} : memref<5120xf32, #tpu.memory_space<vmem>>, vector<16xf32>,
      %get3A_615 = vector.shape_cast %get3A_614 : vector<16xf32> to vector<16xf32>
      %mul3A_616 = arith.mulf %get3A_608, %get3A_615 : vector<16xf32>
      %swap3A_617 = arith.index_cast %scan3A_521 : i32 to index
      %swap3A_618 = arith.constant 80 : index
      %swap3A_619 = tpu.vector_load %arg15[%swap3A_617, %swap3A_618] {strides = array<i32>} : memref<40x128xf32, #tpu.memory_space<vmem>>, vector<1x16xf32>,
      %swap3A_620 = vector.shape_cast %swap3A_619 : vector<1x16xf32> to vector<16xf32>
      %swap3A_621 = vector.shape_cast %mul3A_616 : vector<16xf32> to vector<1x16xf32>
      tpu.vector_store %arg15[%swap3A_617, %swap3A_618], %swap3A_621 {strides = array<i32>} : memref<40x128xf32, #tpu.memory_space<vmem>>, vector<1x16xf32>,
      %get3A_622 = arith.index_cast %scan3A_521 : i32 to index
      %get3A_623 = arith.constant 96 : index
      %get3A_624 = tpu.vector_load %arg15[%get3A_622, %get3A_623] {strides = array<i32>} : memref<40x128xf32, #tpu.memory_space<vmem>>, vector<1x16xf32>,
      %get3A_625 = vector.shape_cast %get3A_624 : vector<1x16xf32> to vector<16xf32>
      %mul3A_626 = arith.constant 128 : i32
      %mul3A_627 = arith.muli %scan3A_521, %mul3A_626 : i32
      %add3A_628 = arith.constant 96 : i32
      %add3A_629 = arith.addi %mul3A_627, %add3A_628 : i32
      %get3A_630 = arith.index_cast %add3A_629 : i32 to index
      %get3A_631 = tpu.vector_load %arg17[%get3A_630] {strides = array<i32>} : memref<5120xf32, #tpu.memory_space<vmem>>, vector<16xf32>,
      %get3A_632 = vector.shape_cast %get3A_631 : vector<16xf32> to vector<16xf32>
      %mul3A_633 = arith.mulf %get3A_625, %get3A_632 : vector<16xf32>
      %swap3A_634 = arith.index_cast %scan3A_521 : i32 to index
      %swap3A_635 = arith.constant 96 : index
      %swap3A_636 = tpu.vector_load %arg15[%swap3A_634, %swap3A_635] {strides = array<i32>} : memref<40x128xf32, #tpu.memory_space<vmem>>, vector<1x16xf32>,
      %swap3A_637 = vector.shape_cast %swap3A_636 : vector<1x16xf32> to vector<16xf32>
      %swap3A_638 = vector.shape_cast %mul3A_633 : vector<16xf32> to vector<1x16xf32>
      tpu.vector_store %arg15[%swap3A_634, %swap3A_635], %swap3A_638 {strides = array<i32>} : memref<40x128xf32, #tpu.memory_space<vmem>>, vector<1x16xf32>,
      %get3A_639 = arith.index_cast %scan3A_521 : i32 to index
      %get3A_640 = arith.constant 112 : index
      %get3A_641 = tpu.vector_load %arg15[%get3A_639, %get3A_640] {strides = array<i32>} : memref<40x128xf32, #tpu.memory_space<vmem>>, vector<1x16xf32>,
      %get3A_642 = vector.shape_cast %get3A_641 : vector<1x16xf32> to vector<16xf32>
      %mul3A_643 = arith.constant 128 : i32
      %mul3A_644 = arith.muli %scan3A_521, %mul3A_643 : i32
      %add3A_645 = arith.constant 112 : i32
      %add3A_646 = arith.addi %mul3A_644, %add3A_645 : i32
      %get3A_647 = arith.index_cast %add3A_646 : i32 to index
      %get3A_648 = tpu.vector_load %arg17[%get3A_647] {strides = array<i32>} : memref<5120xf32, #tpu.memory_space<vmem>>, vector<16xf32>,
      %get3A_649 = vector.shape_cast %get3A_648 : vector<16xf32> to vector<16xf32>
      %mul3A_650 = arith.mulf %get3A_642, %get3A_649 : vector<16xf32>
      %swap3A_651 = arith.index_cast %scan3A_521 : i32 to index
      %swap3A_652 = arith.constant 112 : index
      %swap3A_653 = tpu.vector_load %arg15[%swap3A_651, %swap3A_652] {strides = array<i32>} : memref<40x128xf32, #tpu.memory_space<vmem>>, vector<1x16xf32>,
      %swap3A_654 = vector.shape_cast %swap3A_653 : vector<1x16xf32> to vector<16xf32>
      %swap3A_655 = vector.shape_cast %mul3A_650 : vector<16xf32> to vector<1x16xf32>
      tpu.vector_store %arg15[%swap3A_651, %swap3A_652], %swap3A_655 {strides = array<i32>} : memref<40x128xf32, #tpu.memory_space<vmem>>, vector<1x16xf32>,
    }
    %scan3A_174 = arith.constant 40 : i32
    "tpu.region"() ({
      %run_scoped3A = tpu.sem_alloc : memref<!tpu.dma_semaphore, #tpu.memory_space<semaphore_mem>>
      %dma_start3A_521 = arith.constant 0 : i32
      %dma_start3A_522 = arith.constant 0 : i32
      %dma_start3A_523 = tpu.memref_slice %arg19[%dma_start3A_521, %dma_start3A_522] : memref<10240x128xf32, #tpu.memory_space<vmem_shared>> -> memref<10240x128xf32, #tpu.memory_space<vmem_shared>>
      tpu.enqueue_indirect_dma source(%arg15 : memref<40x128xf32, #tpu.memory_space<vmem>>) target(%dma_start3A_523 : memref<10240x128xf32, #tpu.memory_space<vmem_shared>>) offsets(%arg11 : memref<40xi32, #tpu.memory_space<vmem>>) semaphore(%run_scoped3A : memref<!tpu.dma_semaphore, #tpu.memory_space<semaphore_mem>>) {add = true}
      %dma_wait3A_524 = arith.constant 0 : i32
      %dma_wait3A_525 = arith.constant 0 : i32
      %dma_wait3A_526 = tpu.memref_slice %arg19[%dma_wait3A_524, %dma_wait3A_525] : memref<10240x128xf32, #tpu.memory_space<vmem_shared>> -> memref<10240x128xf32, #tpu.memory_space<vmem_shared>>
      tpu.wait_indirect_dma semaphore(%run_scoped3A : memref<!tpu.dma_semaphore, #tpu.memory_space<semaphore_mem>>) src(%arg15 : memref<40x128xf32, #tpu.memory_space<vmem>>) dst(%dma_wait3A_526 : memref<10240x128xf32, #tpu.memory_space<vmem_shared>>)
      tpu.yield
    }) : () -> ()
    %mul3A_175 = arith.constant 10000 : i32
    %mul3A_176 = arith.muli %add3A, %mul3A_175 : i32
    %add3A_177 = arith.constant 9880 : i32
    %add3A_178 = arith.addi %mul3A_176, %add3A_177 : i32
    %multiple_of3A_179 = tpu.assume_multiple %add3A_178, 8 : i32
    %dma_start3A_180 = tpu.memref_slice %arg4[%multiple_of3A_179] : memref<320000xi32, #tpu.memory_space<hbm>> -> memref<40xi32, #tpu.memory_space<hbm>>
    %dma_start3A_181 = tpu.memref_slice %arg4[%multiple_of3A_179] : memref<320000xi32, #tpu.memory_space<hbm>> -> memref<40xi32, #tpu.memory_space<hbm>>
    tpu.enqueue_dma source(%dma_start3A_181 : memref<40xi32, #tpu.memory_space<hbm>>) target(%arg10 : memref<40xi32, #tpu.memory_space<vmem>>) target_semaphore(%arg23 : memref<!tpu.dma_semaphore, #tpu.memory_space<semaphore_mem>>)
    %dma_start3A_182 = tpu.memref_slice %arg5[%multiple_of3A_179] : memref<320000xi32, #tpu.memory_space<hbm>> -> memref<40xi32, #tpu.memory_space<hbm>>
    %dma_start3A_183 = tpu.memref_slice %arg5[%multiple_of3A_179] : memref<320000xi32, #tpu.memory_space<hbm>> -> memref<40xi32, #tpu.memory_space<hbm>>
    tpu.enqueue_dma source(%dma_start3A_183 : memref<40xi32, #tpu.memory_space<hbm>>) target(%arg14 : memref<40xi32, #tpu.memory_space<vmem>>) target_semaphore(%arg23 : memref<!tpu.dma_semaphore, #tpu.memory_space<semaphore_mem>>)
    %mul3A_184 = arith.constant 10000 : i32
    %mul3A_185 = arith.muli %add3A, %mul3A_184 : i32
    %add3A_186 = arith.constant 9840 : i32
    %add3A_187 = arith.addi %mul3A_185, %add3A_186 : i32
    %multiple_of3A_188 = tpu.assume_multiple %add3A_187, 8 : i32
    %dma_wait3A_189 = tpu.memref_slice %arg4[%multiple_of3A_188] : memref<320000xi32, #tpu.memory_space<hbm>> -> memref<40xi32, #tpu.memory_space<hbm>>
    %dma_wait3A_190 = tpu.memref_slice %arg4[%multiple_of3A_188] : memref<320000xi32, #tpu.memory_space<hbm>> -> memref<40xi32, #tpu.memory_space<hbm>>
    tpu.wait_dma2 semaphore(%arg22 : memref<!tpu.dma_semaphore, #tpu.memory_space<semaphore_mem>>) src(%dma_wait3A_190 : memref<40xi32, #tpu.memory_space<hbm>>) dst(%arg9 : memref<40xi32, #tpu.memory_space<vmem>>)
    %dma_wait3A_191 = tpu.memref_slice %arg5[%multiple_of3A_188] : memref<320000xi32, #tpu.memory_space<hbm>> -> memref<40xi32, #tpu.memory_space<hbm>>
    %dma_wait3A_192 = tpu.memref_slice %arg5[%multiple_of3A_188] : memref<320000xi32, #tpu.memory_space<hbm>> -> memref<40xi32, #tpu.memory_space<hbm>>
    tpu.wait_dma2 semaphore(%arg22 : memref<!tpu.dma_semaphore, #tpu.memory_space<semaphore_mem>>) src(%dma_wait3A_192 : memref<40xi32, #tpu.memory_space<hbm>>) dst(%arg13 : memref<40xi32, #tpu.memory_space<vmem>>)
    %dma_start3A_193 = arith.constant 0 : i32
    %dma_start3A_194 = arith.constant 0 : i32
    %dma_start3A_195 = tpu.memref_slice %arg2[%dma_start3A_193, %dma_start3A_194] : memref<10000x128xf32, #tpu.memory_space<hbm>> -> memref<10000x128xf32, #tpu.memory_space<hbm>>
    tpu.enqueue_indirect_dma source(%dma_start3A_195 : memref<10000x128xf32, #tpu.memory_space<hbm>>) target(%arg15 : memref<40x128xf32, #tpu.memory_space<vmem>>) offsets(%arg9 : memref<40xi32, #tpu.memory_space<vmem>>) semaphore(%arg24 : memref<!tpu.dma_semaphore, #tpu.memory_space<semaphore_mem>>)
    %mul3A_196 = arith.constant 10000 : i32
    %mul3A_197 = arith.muli %add3A, %mul3A_196 : i32
    %add3A_198 = arith.constant 9840 : i32
    %add3A_199 = arith.addi %mul3A_197, %add3A_198 : i32
    %mul3A_200 = arith.constant 128 : i32
    %mul3A_201 = arith.muli %add3A_199, %mul3A_200 : i32
    %multiple_of3A_202 = tpu.assume_multiple %mul3A_201, 8 : i32
    %dma_start3A_203 = tpu.memref_slice %arg3[%multiple_of3A_202] : memref<40960000xf32, #tpu.memory_space<hbm>> -> memref<5120xf32, #tpu.memory_space<hbm>>
    %dma_start3A_204 = tpu.memref_slice %arg3[%multiple_of3A_202] : memref<40960000xf32, #tpu.memory_space<hbm>> -> memref<5120xf32, #tpu.memory_space<hbm>>
    tpu.enqueue_dma source(%dma_start3A_204 : memref<5120xf32, #tpu.memory_space<hbm>>) target(%arg17 : memref<5120xf32, #tpu.memory_space<vmem>>) target_semaphore(%arg26 : memref<!tpu.dma_semaphore, #tpu.memory_space<semaphore_mem>>)
    %dma_wait3A_205 = arith.constant 0 : i32
    %dma_wait3A_206 = arith.constant 0 : i32
    %dma_wait3A_207 = tpu.memref_slice %arg2[%dma_wait3A_205, %dma_wait3A_206] : memref<10000x128xf32, #tpu.memory_space<hbm>> -> memref<10000x128xf32, #tpu.memory_space<hbm>>
    tpu.wait_indirect_dma semaphore(%arg25 : memref<!tpu.dma_semaphore, #tpu.memory_space<semaphore_mem>>) src(%dma_wait3A_207 : memref<10000x128xf32, #tpu.memory_space<hbm>>) dst(%arg16 : memref<40x128xf32, #tpu.memory_space<vmem>>)
    %mul3A_208 = arith.constant 10000 : i32
    %mul3A_209 = arith.muli %add3A, %mul3A_208 : i32
    %add3A_210 = arith.constant 9800 : i32
    %add3A_211 = arith.addi %mul3A_209, %add3A_210 : i32
    %mul3A_212 = arith.constant 128 : i32
    %mul3A_213 = arith.muli %add3A_211, %mul3A_212 : i32
    %multiple_of3A_214 = tpu.assume_multiple %mul3A_213, 8 : i32
    %dma_wait3A_215 = tpu.memref_slice %arg3[%multiple_of3A_214] : memref<40960000xf32, #tpu.memory_space<hbm>> -> memref<5120xf32, #tpu.memory_space<hbm>>
    %dma_wait3A_216 = tpu.memref_slice %arg3[%multiple_of3A_214] : memref<40960000xf32, #tpu.memory_space<hbm>> -> memref<5120xf32, #tpu.memory_space<hbm>>
    tpu.wait_dma2 semaphore(%arg27 : memref<!tpu.dma_semaphore, #tpu.memory_space<semaphore_mem>>) src(%dma_wait3A_216 : memref<5120xf32, #tpu.memory_space<hbm>>) dst(%arg18 : memref<5120xf32, #tpu.memory_space<vmem>>)
    %scan3A_217 = arith.constant 0 : i32
    %scan3A_218 = arith.constant 0 : i32
    %scan3A_219 = arith.constant 40 : i32
    %scan3A_220 = arith.addi %scan3A_218, %scan3A_219 : i32
    %scan3A_221 = arith.constant 1 : i32
    scf.for %scan3A_521 = %scan3A_218 to %scan3A_220 step %scan3A_221  : i32 {
      %get3A = arith.index_cast %scan3A_521 : i32 to index
      %get3A_522 = arith.constant 0 : index
      %get3A_523 = tpu.vector_load %arg16[%get3A, %get3A_522] {strides = array<i32>} : memref<40x128xf32, #tpu.memory_space<vmem>>, vector<1x16xf32>,
      %get3A_524 = vector.shape_cast %get3A_523 : vector<1x16xf32> to vector<16xf32>
      %mul3A_525 = arith.constant 128 : i32
      %mul3A_526 = arith.muli %scan3A_521, %mul3A_525 : i32
      %add3A_527 = arith.constant 0 : i32
      %add3A_528 = arith.addi %mul3A_526, %add3A_527 : i32
      %get3A_529 = arith.index_cast %add3A_528 : i32 to index
      %get3A_530 = tpu.vector_load %arg18[%get3A_529] {strides = array<i32>} : memref<5120xf32, #tpu.memory_space<vmem>>, vector<16xf32>,
      %get3A_531 = vector.shape_cast %get3A_530 : vector<16xf32> to vector<16xf32>
      %mul3A_532 = arith.mulf %get3A_524, %get3A_531 : vector<16xf32>
      %swap3A = arith.index_cast %scan3A_521 : i32 to index
      %swap3A_533 = arith.constant 0 : index
      %swap3A_534 = tpu.vector_load %arg16[%swap3A, %swap3A_533] {strides = array<i32>} : memref<40x128xf32, #tpu.memory_space<vmem>>, vector<1x16xf32>,
      %swap3A_535 = vector.shape_cast %swap3A_534 : vector<1x16xf32> to vector<16xf32>
      %swap3A_536 = vector.shape_cast %mul3A_532 : vector<16xf32> to vector<1x16xf32>
      tpu.vector_store %arg16[%swap3A, %swap3A_533], %swap3A_536 {strides = array<i32>} : memref<40x128xf32, #tpu.memory_space<vmem>>, vector<1x16xf32>,
      %get3A_537 = arith.index_cast %scan3A_521 : i32 to index
      %get3A_538 = arith.constant 16 : index
      %get3A_539 = tpu.vector_load %arg16[%get3A_537, %get3A_538] {strides = array<i32>} : memref<40x128xf32, #tpu.memory_space<vmem>>, vector<1x16xf32>,
      %get3A_540 = vector.shape_cast %get3A_539 : vector<1x16xf32> to vector<16xf32>
      %mul3A_541 = arith.constant 128 : i32
      %mul3A_542 = arith.muli %scan3A_521, %mul3A_541 : i32
      %add3A_543 = arith.constant 16 : i32
      %add3A_544 = arith.addi %mul3A_542, %add3A_543 : i32
      %get3A_545 = arith.index_cast %add3A_544 : i32 to index
      %get3A_546 = tpu.vector_load %arg18[%get3A_545] {strides = array<i32>} : memref<5120xf32, #tpu.memory_space<vmem>>, vector<16xf32>,
      %get3A_547 = vector.shape_cast %get3A_546 : vector<16xf32> to vector<16xf32>
      %mul3A_548 = arith.mulf %get3A_540, %get3A_547 : vector<16xf32>
      %swap3A_549 = arith.index_cast %scan3A_521 : i32 to index
      %swap3A_550 = arith.constant 16 : index
      %swap3A_551 = tpu.vector_load %arg16[%swap3A_549, %swap3A_550] {strides = array<i32>} : memref<40x128xf32, #tpu.memory_space<vmem>>, vector<1x16xf32>,
      %swap3A_552 = vector.shape_cast %swap3A_551 : vector<1x16xf32> to vector<16xf32>
      %swap3A_553 = vector.shape_cast %mul3A_548 : vector<16xf32> to vector<1x16xf32>
      tpu.vector_store %arg16[%swap3A_549, %swap3A_550], %swap3A_553 {strides = array<i32>} : memref<40x128xf32, #tpu.memory_space<vmem>>, vector<1x16xf32>,
      %get3A_554 = arith.index_cast %scan3A_521 : i32 to index
      %get3A_555 = arith.constant 32 : index
      %get3A_556 = tpu.vector_load %arg16[%get3A_554, %get3A_555] {strides = array<i32>} : memref<40x128xf32, #tpu.memory_space<vmem>>, vector<1x16xf32>,
      %get3A_557 = vector.shape_cast %get3A_556 : vector<1x16xf32> to vector<16xf32>
      %mul3A_558 = arith.constant 128 : i32
      %mul3A_559 = arith.muli %scan3A_521, %mul3A_558 : i32
      %add3A_560 = arith.constant 32 : i32
      %add3A_561 = arith.addi %mul3A_559, %add3A_560 : i32
      %get3A_562 = arith.index_cast %add3A_561 : i32 to index
      %get3A_563 = tpu.vector_load %arg18[%get3A_562] {strides = array<i32>} : memref<5120xf32, #tpu.memory_space<vmem>>, vector<16xf32>,
      %get3A_564 = vector.shape_cast %get3A_563 : vector<16xf32> to vector<16xf32>
      %mul3A_565 = arith.mulf %get3A_557, %get3A_564 : vector<16xf32>
      %swap3A_566 = arith.index_cast %scan3A_521 : i32 to index
      %swap3A_567 = arith.constant 32 : index
      %swap3A_568 = tpu.vector_load %arg16[%swap3A_566, %swap3A_567] {strides = array<i32>} : memref<40x128xf32, #tpu.memory_space<vmem>>, vector<1x16xf32>,
      %swap3A_569 = vector.shape_cast %swap3A_568 : vector<1x16xf32> to vector<16xf32>
      %swap3A_570 = vector.shape_cast %mul3A_565 : vector<16xf32> to vector<1x16xf32>
      tpu.vector_store %arg16[%swap3A_566, %swap3A_567], %swap3A_570 {strides = array<i32>} : memref<40x128xf32, #tpu.memory_space<vmem>>, vector<1x16xf32>,
      %get3A_571 = arith.index_cast %scan3A_521 : i32 to index
      %get3A_572 = arith.constant 48 : index
      %get3A_573 = tpu.vector_load %arg16[%get3A_571, %get3A_572] {strides = array<i32>} : memref<40x128xf32, #tpu.memory_space<vmem>>, vector<1x16xf32>,
      %get3A_574 = vector.shape_cast %get3A_573 : vector<1x16xf32> to vector<16xf32>
      %mul3A_575 = arith.constant 128 : i32
      %mul3A_576 = arith.muli %scan3A_521, %mul3A_575 : i32
      %add3A_577 = arith.constant 48 : i32
      %add3A_578 = arith.addi %mul3A_576, %add3A_577 : i32
      %get3A_579 = arith.index_cast %add3A_578 : i32 to index
      %get3A_580 = tpu.vector_load %arg18[%get3A_579] {strides = array<i32>} : memref<5120xf32, #tpu.memory_space<vmem>>, vector<16xf32>,
      %get3A_581 = vector.shape_cast %get3A_580 : vector<16xf32> to vector<16xf32>
      %mul3A_582 = arith.mulf %get3A_574, %get3A_581 : vector<16xf32>
      %swap3A_583 = arith.index_cast %scan3A_521 : i32 to index
      %swap3A_584 = arith.constant 48 : index
      %swap3A_585 = tpu.vector_load %arg16[%swap3A_583, %swap3A_584] {strides = array<i32>} : memref<40x128xf32, #tpu.memory_space<vmem>>, vector<1x16xf32>,
      %swap3A_586 = vector.shape_cast %swap3A_585 : vector<1x16xf32> to vector<16xf32>
      %swap3A_587 = vector.shape_cast %mul3A_582 : vector<16xf32> to vector<1x16xf32>
      tpu.vector_store %arg16[%swap3A_583, %swap3A_584], %swap3A_587 {strides = array<i32>} : memref<40x128xf32, #tpu.memory_space<vmem>>, vector<1x16xf32>,
      %get3A_588 = arith.index_cast %scan3A_521 : i32 to index
      %get3A_589 = arith.constant 64 : index
      %get3A_590 = tpu.vector_load %arg16[%get3A_588, %get3A_589] {strides = array<i32>} : memref<40x128xf32, #tpu.memory_space<vmem>>, vector<1x16xf32>,
      %get3A_591 = vector.shape_cast %get3A_590 : vector<1x16xf32> to vector<16xf32>
      %mul3A_592 = arith.constant 128 : i32
      %mul3A_593 = arith.muli %scan3A_521, %mul3A_592 : i32
      %add3A_594 = arith.constant 64 : i32
      %add3A_595 = arith.addi %mul3A_593, %add3A_594 : i32
      %get3A_596 = arith.index_cast %add3A_595 : i32 to index
      %get3A_597 = tpu.vector_load %arg18[%get3A_596] {strides = array<i32>} : memref<5120xf32, #tpu.memory_space<vmem>>, vector<16xf32>,
      %get3A_598 = vector.shape_cast %get3A_597 : vector<16xf32> to vector<16xf32>
      %mul3A_599 = arith.mulf %get3A_591, %get3A_598 : vector<16xf32>
      %swap3A_600 = arith.index_cast %scan3A_521 : i32 to index
      %swap3A_601 = arith.constant 64 : index
      %swap3A_602 = tpu.vector_load %arg16[%swap3A_600, %swap3A_601] {strides = array<i32>} : memref<40x128xf32, #tpu.memory_space<vmem>>, vector<1x16xf32>,
      %swap3A_603 = vector.shape_cast %swap3A_602 : vector<1x16xf32> to vector<16xf32>
      %swap3A_604 = vector.shape_cast %mul3A_599 : vector<16xf32> to vector<1x16xf32>
      tpu.vector_store %arg16[%swap3A_600, %swap3A_601], %swap3A_604 {strides = array<i32>} : memref<40x128xf32, #tpu.memory_space<vmem>>, vector<1x16xf32>,
      %get3A_605 = arith.index_cast %scan3A_521 : i32 to index
      %get3A_606 = arith.constant 80 : index
      %get3A_607 = tpu.vector_load %arg16[%get3A_605, %get3A_606] {strides = array<i32>} : memref<40x128xf32, #tpu.memory_space<vmem>>, vector<1x16xf32>,
      %get3A_608 = vector.shape_cast %get3A_607 : vector<1x16xf32> to vector<16xf32>
      %mul3A_609 = arith.constant 128 : i32
      %mul3A_610 = arith.muli %scan3A_521, %mul3A_609 : i32
      %add3A_611 = arith.constant 80 : i32
      %add3A_612 = arith.addi %mul3A_610, %add3A_611 : i32
      %get3A_613 = arith.index_cast %add3A_612 : i32 to index
      %get3A_614 = tpu.vector_load %arg18[%get3A_613] {strides = array<i32>} : memref<5120xf32, #tpu.memory_space<vmem>>, vector<16xf32>,
      %get3A_615 = vector.shape_cast %get3A_614 : vector<16xf32> to vector<16xf32>
      %mul3A_616 = arith.mulf %get3A_608, %get3A_615 : vector<16xf32>
      %swap3A_617 = arith.index_cast %scan3A_521 : i32 to index
      %swap3A_618 = arith.constant 80 : index
      %swap3A_619 = tpu.vector_load %arg16[%swap3A_617, %swap3A_618] {strides = array<i32>} : memref<40x128xf32, #tpu.memory_space<vmem>>, vector<1x16xf32>,
      %swap3A_620 = vector.shape_cast %swap3A_619 : vector<1x16xf32> to vector<16xf32>
      %swap3A_621 = vector.shape_cast %mul3A_616 : vector<16xf32> to vector<1x16xf32>
      tpu.vector_store %arg16[%swap3A_617, %swap3A_618], %swap3A_621 {strides = array<i32>} : memref<40x128xf32, #tpu.memory_space<vmem>>, vector<1x16xf32>,
      %get3A_622 = arith.index_cast %scan3A_521 : i32 to index
      %get3A_623 = arith.constant 96 : index
      %get3A_624 = tpu.vector_load %arg16[%get3A_622, %get3A_623] {strides = array<i32>} : memref<40x128xf32, #tpu.memory_space<vmem>>, vector<1x16xf32>,
      %get3A_625 = vector.shape_cast %get3A_624 : vector<1x16xf32> to vector<16xf32>
      %mul3A_626 = arith.constant 128 : i32
      %mul3A_627 = arith.muli %scan3A_521, %mul3A_626 : i32
      %add3A_628 = arith.constant 96 : i32
      %add3A_629 = arith.addi %mul3A_627, %add3A_628 : i32
      %get3A_630 = arith.index_cast %add3A_629 : i32 to index
      %get3A_631 = tpu.vector_load %arg18[%get3A_630] {strides = array<i32>} : memref<5120xf32, #tpu.memory_space<vmem>>, vector<16xf32>,
      %get3A_632 = vector.shape_cast %get3A_631 : vector<16xf32> to vector<16xf32>
      %mul3A_633 = arith.mulf %get3A_625, %get3A_632 : vector<16xf32>
      %swap3A_634 = arith.index_cast %scan3A_521 : i32 to index
      %swap3A_635 = arith.constant 96 : index
      %swap3A_636 = tpu.vector_load %arg16[%swap3A_634, %swap3A_635] {strides = array<i32>} : memref<40x128xf32, #tpu.memory_space<vmem>>, vector<1x16xf32>,
      %swap3A_637 = vector.shape_cast %swap3A_636 : vector<1x16xf32> to vector<16xf32>
      %swap3A_638 = vector.shape_cast %mul3A_633 : vector<16xf32> to vector<1x16xf32>
      tpu.vector_store %arg16[%swap3A_634, %swap3A_635], %swap3A_638 {strides = array<i32>} : memref<40x128xf32, #tpu.memory_space<vmem>>, vector<1x16xf32>,
      %get3A_639 = arith.index_cast %scan3A_521 : i32 to index
      %get3A_640 = arith.constant 112 : index
      %get3A_641 = tpu.vector_load %arg16[%get3A_639, %get3A_640] {strides = array<i32>} : memref<40x128xf32, #tpu.memory_space<vmem>>, vector<1x16xf32>,
      %get3A_642 = vector.shape_cast %get3A_641 : vector<1x16xf32> to vector<16xf32>
      %mul3A_643 = arith.constant 128 : i32
      %mul3A_644 = arith.muli %scan3A_521, %mul3A_643 : i32
      %add3A_645 = arith.constant 112 : i32
      %add3A_646 = arith.addi %mul3A_644, %add3A_645 : i32
      %get3A_647 = arith.index_cast %add3A_646 : i32 to index
      %get3A_648 = tpu.vector_load %arg18[%get3A_647] {strides = array<i32>} : memref<5120xf32, #tpu.memory_space<vmem>>, vector<16xf32>,
      %get3A_649 = vector.shape_cast %get3A_648 : vector<16xf32> to vector<16xf32>
      %mul3A_650 = arith.mulf %get3A_642, %get3A_649 : vector<16xf32>
      %swap3A_651 = arith.index_cast %scan3A_521 : i32 to index
      %swap3A_652 = arith.constant 112 : index
      %swap3A_653 = tpu.vector_load %arg16[%swap3A_651, %swap3A_652] {strides = array<i32>} : memref<40x128xf32, #tpu.memory_space<vmem>>, vector<1x16xf32>,
      %swap3A_654 = vector.shape_cast %swap3A_653 : vector<1x16xf32> to vector<16xf32>
      %swap3A_655 = vector.shape_cast %mul3A_650 : vector<16xf32> to vector<1x16xf32>
      tpu.vector_store %arg16[%swap3A_651, %swap3A_652], %swap3A_655 {strides = array<i32>} : memref<40x128xf32, #tpu.memory_space<vmem>>, vector<1x16xf32>,
    }
    %scan3A_222 = arith.constant 40 : i32
    "tpu.region"() ({
      %run_scoped3A = tpu.sem_alloc : memref<!tpu.dma_semaphore, #tpu.memory_space<semaphore_mem>>
      %dma_start3A_521 = arith.constant 0 : i32
      %dma_start3A_522 = arith.constant 0 : i32
      %dma_start3A_523 = tpu.memref_slice %arg19[%dma_start3A_521, %dma_start3A_522] : memref<10240x128xf32, #tpu.memory_space<vmem_shared>> -> memref<10240x128xf32, #tpu.memory_space<vmem_shared>>
      tpu.enqueue_indirect_dma source(%arg16 : memref<40x128xf32, #tpu.memory_space<vmem>>) target(%dma_start3A_523 : memref<10240x128xf32, #tpu.memory_space<vmem_shared>>) offsets(%arg12 : memref<40xi32, #tpu.memory_space<vmem>>) semaphore(%run_scoped3A : memref<!tpu.dma_semaphore, #tpu.memory_space<semaphore_mem>>) {add = true}
      %dma_wait3A_524 = arith.constant 0 : i32
      %dma_wait3A_525 = arith.constant 0 : i32
      %dma_wait3A_526 = tpu.memref_slice %arg19[%dma_wait3A_524, %dma_wait3A_525] : memref<10240x128xf32, #tpu.memory_space<vmem_shared>> -> memref<10240x128xf32, #tpu.memory_space<vmem_shared>>
      tpu.wait_indirect_dma semaphore(%run_scoped3A : memref<!tpu.dma_semaphore, #tpu.memory_space<semaphore_mem>>) src(%arg16 : memref<40x128xf32, #tpu.memory_space<vmem>>) dst(%dma_wait3A_526 : memref<10240x128xf32, #tpu.memory_space<vmem_shared>>)
      tpu.yield
    }) : () -> ()
    %mul3A_223 = arith.constant 10000 : i32
    %mul3A_224 = arith.muli %add3A, %mul3A_223 : i32
    %add3A_225 = arith.constant 9920 : i32
    %add3A_226 = arith.addi %mul3A_224, %add3A_225 : i32
    %multiple_of3A_227 = tpu.assume_multiple %add3A_226, 8 : i32
    %dma_start3A_228 = tpu.memref_slice %arg4[%multiple_of3A_227] : memref<320000xi32, #tpu.memory_space<hbm>> -> memref<40xi32, #tpu.memory_space<hbm>>
    %dma_start3A_229 = tpu.memref_slice %arg4[%multiple_of3A_227] : memref<320000xi32, #tpu.memory_space<hbm>> -> memref<40xi32, #tpu.memory_space<hbm>>
    tpu.enqueue_dma source(%dma_start3A_229 : memref<40xi32, #tpu.memory_space<hbm>>) target(%arg7 : memref<40xi32, #tpu.memory_space<vmem>>) target_semaphore(%arg20 : memref<!tpu.dma_semaphore, #tpu.memory_space<semaphore_mem>>)
    %dma_start3A_230 = tpu.memref_slice %arg5[%multiple_of3A_227] : memref<320000xi32, #tpu.memory_space<hbm>> -> memref<40xi32, #tpu.memory_space<hbm>>
    %dma_start3A_231 = tpu.memref_slice %arg5[%multiple_of3A_227] : memref<320000xi32, #tpu.memory_space<hbm>> -> memref<40xi32, #tpu.memory_space<hbm>>
    tpu.enqueue_dma source(%dma_start3A_231 : memref<40xi32, #tpu.memory_space<hbm>>) target(%arg11 : memref<40xi32, #tpu.memory_space<vmem>>) target_semaphore(%arg20 : memref<!tpu.dma_semaphore, #tpu.memory_space<semaphore_mem>>)
    %mul3A_232 = arith.constant 10000 : i32
    %mul3A_233 = arith.muli %add3A, %mul3A_232 : i32
    %add3A_234 = arith.constant 9880 : i32
    %add3A_235 = arith.addi %mul3A_233, %add3A_234 : i32
    %multiple_of3A_236 = tpu.assume_multiple %add3A_235, 8 : i32
    %dma_wait3A_237 = tpu.memref_slice %arg4[%multiple_of3A_236] : memref<320000xi32, #tpu.memory_space<hbm>> -> memref<40xi32, #tpu.memory_space<hbm>>
    %dma_wait3A_238 = tpu.memref_slice %arg4[%multiple_of3A_236] : memref<320000xi32, #tpu.memory_space<hbm>> -> memref<40xi32, #tpu.memory_space<hbm>>
    tpu.wait_dma2 semaphore(%arg23 : memref<!tpu.dma_semaphore, #tpu.memory_space<semaphore_mem>>) src(%dma_wait3A_238 : memref<40xi32, #tpu.memory_space<hbm>>) dst(%arg10 : memref<40xi32, #tpu.memory_space<vmem>>)
    %dma_wait3A_239 = tpu.memref_slice %arg5[%multiple_of3A_236] : memref<320000xi32, #tpu.memory_space<hbm>> -> memref<40xi32, #tpu.memory_space<hbm>>
    %dma_wait3A_240 = tpu.memref_slice %arg5[%multiple_of3A_236] : memref<320000xi32, #tpu.memory_space<hbm>> -> memref<40xi32, #tpu.memory_space<hbm>>
    tpu.wait_dma2 semaphore(%arg23 : memref<!tpu.dma_semaphore, #tpu.memory_space<semaphore_mem>>) src(%dma_wait3A_240 : memref<40xi32, #tpu.memory_space<hbm>>) dst(%arg14 : memref<40xi32, #tpu.memory_space<vmem>>)
    %dma_start3A_241 = arith.constant 0 : i32
    %dma_start3A_242 = arith.constant 0 : i32
    %dma_start3A_243 = tpu.memref_slice %arg2[%dma_start3A_241, %dma_start3A_242] : memref<10000x128xf32, #tpu.memory_space<hbm>> -> memref<10000x128xf32, #tpu.memory_space<hbm>>
    tpu.enqueue_indirect_dma source(%dma_start3A_243 : memref<10000x128xf32, #tpu.memory_space<hbm>>) target(%arg16 : memref<40x128xf32, #tpu.memory_space<vmem>>) offsets(%arg10 : memref<40xi32, #tpu.memory_space<vmem>>) semaphore(%arg25 : memref<!tpu.dma_semaphore, #tpu.memory_space<semaphore_mem>>)
    %mul3A_244 = arith.constant 10000 : i32
    %mul3A_245 = arith.muli %add3A, %mul3A_244 : i32
    %add3A_246 = arith.constant 9880 : i32
    %add3A_247 = arith.addi %mul3A_245, %add3A_246 : i32
    %mul3A_248 = arith.constant 128 : i32
    %mul3A_249 = arith.muli %add3A_247, %mul3A_248 : i32
    %multiple_of3A_250 = tpu.assume_multiple %mul3A_249, 8 : i32
    %dma_start3A_251 = tpu.memref_slice %arg3[%multiple_of3A_250] : memref<40960000xf32, #tpu.memory_space<hbm>> -> memref<5120xf32, #tpu.memory_space<hbm>>
    %dma_start3A_252 = tpu.memref_slice %arg3[%multiple_of3A_250] : memref<40960000xf32, #tpu.memory_space<hbm>> -> memref<5120xf32, #tpu.memory_space<hbm>>
    tpu.enqueue_dma source(%dma_start3A_252 : memref<5120xf32, #tpu.memory_space<hbm>>) target(%arg18 : memref<5120xf32, #tpu.memory_space<vmem>>) target_semaphore(%arg27 : memref<!tpu.dma_semaphore, #tpu.memory_space<semaphore_mem>>)
    %dma_wait3A_253 = arith.constant 0 : i32
    %dma_wait3A_254 = arith.constant 0 : i32
    %dma_wait3A_255 = tpu.memref_slice %arg2[%dma_wait3A_253, %dma_wait3A_254] : memref<10000x128xf32, #tpu.memory_space<hbm>> -> memref<10000x128xf32, #tpu.memory_space<hbm>>
    tpu.wait_indirect_dma semaphore(%arg24 : memref<!tpu.dma_semaphore, #tpu.memory_space<semaphore_mem>>) src(%dma_wait3A_255 : memref<10000x128xf32, #tpu.memory_space<hbm>>) dst(%arg15 : memref<40x128xf32, #tpu.memory_space<vmem>>)
    %mul3A_256 = arith.constant 10000 : i32
    %mul3A_257 = arith.muli %add3A, %mul3A_256 : i32
    %add3A_258 = arith.constant 9840 : i32
    %add3A_259 = arith.addi %mul3A_257, %add3A_258 : i32
    %mul3A_260 = arith.constant 128 : i32
    %mul3A_261 = arith.muli %add3A_259, %mul3A_260 : i32
    %multiple_of3A_262 = tpu.assume_multiple %mul3A_261, 8 : i32
    %dma_wait3A_263 = tpu.memref_slice %arg3[%multiple_of3A_262] : memref<40960000xf32, #tpu.memory_space<hbm>> -> memref<5120xf32, #tpu.memory_space<hbm>>
    %dma_wait3A_264 = tpu.memref_slice %arg3[%multiple_of3A_262] : memref<40960000xf32, #tpu.memory_space<hbm>> -> memref<5120xf32, #tpu.memory_space<hbm>>
    tpu.wait_dma2 semaphore(%arg26 : memref<!tpu.dma_semaphore, #tpu.memory_space<semaphore_mem>>) src(%dma_wait3A_264 : memref<5120xf32, #tpu.memory_space<hbm>>) dst(%arg17 : memref<5120xf32, #tpu.memory_space<vmem>>)
    %scan3A_265 = arith.constant 0 : i32
    %scan3A_266 = arith.constant 0 : i32
    %scan3A_267 = arith.constant 40 : i32
    %scan3A_268 = arith.addi %scan3A_266, %scan3A_267 : i32
    %scan3A_269 = arith.constant 1 : i32
    scf.for %scan3A_521 = %scan3A_266 to %scan3A_268 step %scan3A_269  : i32 {
      %get3A = arith.index_cast %scan3A_521 : i32 to index
      %get3A_522 = arith.constant 0 : index
      %get3A_523 = tpu.vector_load %arg15[%get3A, %get3A_522] {strides = array<i32>} : memref<40x128xf32, #tpu.memory_space<vmem>>, vector<1x16xf32>,
      %get3A_524 = vector.shape_cast %get3A_523 : vector<1x16xf32> to vector<16xf32>
      %mul3A_525 = arith.constant 128 : i32
      %mul3A_526 = arith.muli %scan3A_521, %mul3A_525 : i32
      %add3A_527 = arith.constant 0 : i32
      %add3A_528 = arith.addi %mul3A_526, %add3A_527 : i32
      %get3A_529 = arith.index_cast %add3A_528 : i32 to index
      %get3A_530 = tpu.vector_load %arg17[%get3A_529] {strides = array<i32>} : memref<5120xf32, #tpu.memory_space<vmem>>, vector<16xf32>,
      %get3A_531 = vector.shape_cast %get3A_530 : vector<16xf32> to vector<16xf32>
      %mul3A_532 = arith.mulf %get3A_524, %get3A_531 : vector<16xf32>
      %swap3A = arith.index_cast %scan3A_521 : i32 to index
      %swap3A_533 = arith.constant 0 : index
      %swap3A_534 = tpu.vector_load %arg15[%swap3A, %swap3A_533] {strides = array<i32>} : memref<40x128xf32, #tpu.memory_space<vmem>>, vector<1x16xf32>,
      %swap3A_535 = vector.shape_cast %swap3A_534 : vector<1x16xf32> to vector<16xf32>
      %swap3A_536 = vector.shape_cast %mul3A_532 : vector<16xf32> to vector<1x16xf32>
      tpu.vector_store %arg15[%swap3A, %swap3A_533], %swap3A_536 {strides = array<i32>} : memref<40x128xf32, #tpu.memory_space<vmem>>, vector<1x16xf32>,
      %get3A_537 = arith.index_cast %scan3A_521 : i32 to index
      %get3A_538 = arith.constant 16 : index
      %get3A_539 = tpu.vector_load %arg15[%get3A_537, %get3A_538] {strides = array<i32>} : memref<40x128xf32, #tpu.memory_space<vmem>>, vector<1x16xf32>,
      %get3A_540 = vector.shape_cast %get3A_539 : vector<1x16xf32> to vector<16xf32>
      %mul3A_541 = arith.constant 128 : i32
      %mul3A_542 = arith.muli %scan3A_521, %mul3A_541 : i32
      %add3A_543 = arith.constant 16 : i32
      %add3A_544 = arith.addi %mul3A_542, %add3A_543 : i32
      %get3A_545 = arith.index_cast %add3A_544 : i32 to index
      %get3A_546 = tpu.vector_load %arg17[%get3A_545] {strides = array<i32>} : memref<5120xf32, #tpu.memory_space<vmem>>, vector<16xf32>,
      %get3A_547 = vector.shape_cast %get3A_546 : vector<16xf32> to vector<16xf32>
      %mul3A_548 = arith.mulf %get3A_540, %get3A_547 : vector<16xf32>
      %swap3A_549 = arith.index_cast %scan3A_521 : i32 to index
      %swap3A_550 = arith.constant 16 : index
      %swap3A_551 = tpu.vector_load %arg15[%swap3A_549, %swap3A_550] {strides = array<i32>} : memref<40x128xf32, #tpu.memory_space<vmem>>, vector<1x16xf32>,
      %swap3A_552 = vector.shape_cast %swap3A_551 : vector<1x16xf32> to vector<16xf32>
      %swap3A_553 = vector.shape_cast %mul3A_548 : vector<16xf32> to vector<1x16xf32>
      tpu.vector_store %arg15[%swap3A_549, %swap3A_550], %swap3A_553 {strides = array<i32>} : memref<40x128xf32, #tpu.memory_space<vmem>>, vector<1x16xf32>,
      %get3A_554 = arith.index_cast %scan3A_521 : i32 to index
      %get3A_555 = arith.constant 32 : index
      %get3A_556 = tpu.vector_load %arg15[%get3A_554, %get3A_555] {strides = array<i32>} : memref<40x128xf32, #tpu.memory_space<vmem>>, vector<1x16xf32>,
      %get3A_557 = vector.shape_cast %get3A_556 : vector<1x16xf32> to vector<16xf32>
      %mul3A_558 = arith.constant 128 : i32
      %mul3A_559 = arith.muli %scan3A_521, %mul3A_558 : i32
      %add3A_560 = arith.constant 32 : i32
      %add3A_561 = arith.addi %mul3A_559, %add3A_560 : i32
      %get3A_562 = arith.index_cast %add3A_561 : i32 to index
      %get3A_563 = tpu.vector_load %arg17[%get3A_562] {strides = array<i32>} : memref<5120xf32, #tpu.memory_space<vmem>>, vector<16xf32>,
      %get3A_564 = vector.shape_cast %get3A_563 : vector<16xf32> to vector<16xf32>
      %mul3A_565 = arith.mulf %get3A_557, %get3A_564 : vector<16xf32>
      %swap3A_566 = arith.index_cast %scan3A_521 : i32 to index
      %swap3A_567 = arith.constant 32 : index
      %swap3A_568 = tpu.vector_load %arg15[%swap3A_566, %swap3A_567] {strides = array<i32>} : memref<40x128xf32, #tpu.memory_space<vmem>>, vector<1x16xf32>,
      %swap3A_569 = vector.shape_cast %swap3A_568 : vector<1x16xf32> to vector<16xf32>
      %swap3A_570 = vector.shape_cast %mul3A_565 : vector<16xf32> to vector<1x16xf32>
      tpu.vector_store %arg15[%swap3A_566, %swap3A_567], %swap3A_570 {strides = array<i32>} : memref<40x128xf32, #tpu.memory_space<vmem>>, vector<1x16xf32>,
      %get3A_571 = arith.index_cast %scan3A_521 : i32 to index
      %get3A_572 = arith.constant 48 : index
      %get3A_573 = tpu.vector_load %arg15[%get3A_571, %get3A_572] {strides = array<i32>} : memref<40x128xf32, #tpu.memory_space<vmem>>, vector<1x16xf32>,
      %get3A_574 = vector.shape_cast %get3A_573 : vector<1x16xf32> to vector<16xf32>
      %mul3A_575 = arith.constant 128 : i32
      %mul3A_576 = arith.muli %scan3A_521, %mul3A_575 : i32
      %add3A_577 = arith.constant 48 : i32
      %add3A_578 = arith.addi %mul3A_576, %add3A_577 : i32
      %get3A_579 = arith.index_cast %add3A_578 : i32 to index
      %get3A_580 = tpu.vector_load %arg17[%get3A_579] {strides = array<i32>} : memref<5120xf32, #tpu.memory_space<vmem>>, vector<16xf32>,
      %get3A_581 = vector.shape_cast %get3A_580 : vector<16xf32> to vector<16xf32>
      %mul3A_582 = arith.mulf %get3A_574, %get3A_581 : vector<16xf32>
      %swap3A_583 = arith.index_cast %scan3A_521 : i32 to index
      %swap3A_584 = arith.constant 48 : index
      %swap3A_585 = tpu.vector_load %arg15[%swap3A_583, %swap3A_584] {strides = array<i32>} : memref<40x128xf32, #tpu.memory_space<vmem>>, vector<1x16xf32>,
      %swap3A_586 = vector.shape_cast %swap3A_585 : vector<1x16xf32> to vector<16xf32>
      %swap3A_587 = vector.shape_cast %mul3A_582 : vector<16xf32> to vector<1x16xf32>
      tpu.vector_store %arg15[%swap3A_583, %swap3A_584], %swap3A_587 {strides = array<i32>} : memref<40x128xf32, #tpu.memory_space<vmem>>, vector<1x16xf32>,
      %get3A_588 = arith.index_cast %scan3A_521 : i32 to index
      %get3A_589 = arith.constant 64 : index
      %get3A_590 = tpu.vector_load %arg15[%get3A_588, %get3A_589] {strides = array<i32>} : memref<40x128xf32, #tpu.memory_space<vmem>>, vector<1x16xf32>,
      %get3A_591 = vector.shape_cast %get3A_590 : vector<1x16xf32> to vector<16xf32>
      %mul3A_592 = arith.constant 128 : i32
      %mul3A_593 = arith.muli %scan3A_521, %mul3A_592 : i32
      %add3A_594 = arith.constant 64 : i32
      %add3A_595 = arith.addi %mul3A_593, %add3A_594 : i32
      %get3A_596 = arith.index_cast %add3A_595 : i32 to index
      %get3A_597 = tpu.vector_load %arg17[%get3A_596] {strides = array<i32>} : memref<5120xf32, #tpu.memory_space<vmem>>, vector<16xf32>,
      %get3A_598 = vector.shape_cast %get3A_597 : vector<16xf32> to vector<16xf32>
      %mul3A_599 = arith.mulf %get3A_591, %get3A_598 : vector<16xf32>
      %swap3A_600 = arith.index_cast %scan3A_521 : i32 to index
      %swap3A_601 = arith.constant 64 : index
      %swap3A_602 = tpu.vector_load %arg15[%swap3A_600, %swap3A_601] {strides = array<i32>} : memref<40x128xf32, #tpu.memory_space<vmem>>, vector<1x16xf32>,
      %swap3A_603 = vector.shape_cast %swap3A_602 : vector<1x16xf32> to vector<16xf32>
      %swap3A_604 = vector.shape_cast %mul3A_599 : vector<16xf32> to vector<1x16xf32>
      tpu.vector_store %arg15[%swap3A_600, %swap3A_601], %swap3A_604 {strides = array<i32>} : memref<40x128xf32, #tpu.memory_space<vmem>>, vector<1x16xf32>,
      %get3A_605 = arith.index_cast %scan3A_521 : i32 to index
      %get3A_606 = arith.constant 80 : index
      %get3A_607 = tpu.vector_load %arg15[%get3A_605, %get3A_606] {strides = array<i32>} : memref<40x128xf32, #tpu.memory_space<vmem>>, vector<1x16xf32>,
      %get3A_608 = vector.shape_cast %get3A_607 : vector<1x16xf32> to vector<16xf32>
      %mul3A_609 = arith.constant 128 : i32
      %mul3A_610 = arith.muli %scan3A_521, %mul3A_609 : i32
      %add3A_611 = arith.constant 80 : i32
      %add3A_612 = arith.addi %mul3A_610, %add3A_611 : i32
      %get3A_613 = arith.index_cast %add3A_612 : i32 to index
      %get3A_614 = tpu.vector_load %arg17[%get3A_613] {strides = array<i32>} : memref<5120xf32, #tpu.memory_space<vmem>>, vector<16xf32>,
      %get3A_615 = vector.shape_cast %get3A_614 : vector<16xf32> to vector<16xf32>
      %mul3A_616 = arith.mulf %get3A_608, %get3A_615 : vector<16xf32>
      %swap3A_617 = arith.index_cast %scan3A_521 : i32 to index
      %swap3A_618 = arith.constant 80 : index
      %swap3A_619 = tpu.vector_load %arg15[%swap3A_617, %swap3A_618] {strides = array<i32>} : memref<40x128xf32, #tpu.memory_space<vmem>>, vector<1x16xf32>,
      %swap3A_620 = vector.shape_cast %swap3A_619 : vector<1x16xf32> to vector<16xf32>
      %swap3A_621 = vector.shape_cast %mul3A_616 : vector<16xf32> to vector<1x16xf32>
      tpu.vector_store %arg15[%swap3A_617, %swap3A_618], %swap3A_621 {strides = array<i32>} : memref<40x128xf32, #tpu.memory_space<vmem>>, vector<1x16xf32>,
      %get3A_622 = arith.index_cast %scan3A_521 : i32 to index
      %get3A_623 = arith.constant 96 : index
      %get3A_624 = tpu.vector_load %arg15[%get3A_622, %get3A_623] {strides = array<i32>} : memref<40x128xf32, #tpu.memory_space<vmem>>, vector<1x16xf32>,
      %get3A_625 = vector.shape_cast %get3A_624 : vector<1x16xf32> to vector<16xf32>
      %mul3A_626 = arith.constant 128 : i32
      %mul3A_627 = arith.muli %scan3A_521, %mul3A_626 : i32
      %add3A_628 = arith.constant 96 : i32
      %add3A_629 = arith.addi %mul3A_627, %add3A_628 : i32
      %get3A_630 = arith.index_cast %add3A_629 : i32 to index
      %get3A_631 = tpu.vector_load %arg17[%get3A_630] {strides = array<i32>} : memref<5120xf32, #tpu.memory_space<vmem>>, vector<16xf32>,
      %get3A_632 = vector.shape_cast %get3A_631 : vector<16xf32> to vector<16xf32>
      %mul3A_633 = arith.mulf %get3A_625, %get3A_632 : vector<16xf32>
      %swap3A_634 = arith.index_cast %scan3A_521 : i32 to index
      %swap3A_635 = arith.constant 96 : index
      %swap3A_636 = tpu.vector_load %arg15[%swap3A_634, %swap3A_635] {strides = array<i32>} : memref<40x128xf32, #tpu.memory_space<vmem>>, vector<1x16xf32>,
      %swap3A_637 = vector.shape_cast %swap3A_636 : vector<1x16xf32> to vector<16xf32>
      %swap3A_638 = vector.shape_cast %mul3A_633 : vector<16xf32> to vector<1x16xf32>
      tpu.vector_store %arg15[%swap3A_634, %swap3A_635], %swap3A_638 {strides = array<i32>} : memref<40x128xf32, #tpu.memory_space<vmem>>, vector<1x16xf32>,
      %get3A_639 = arith.index_cast %scan3A_521 : i32 to index
      %get3A_640 = arith.constant 112 : index
      %get3A_641 = tpu.vector_load %arg15[%get3A_639, %get3A_640] {strides = array<i32>} : memref<40x128xf32, #tpu.memory_space<vmem>>, vector<1x16xf32>,
      %get3A_642 = vector.shape_cast %get3A_641 : vector<1x16xf32> to vector<16xf32>
      %mul3A_643 = arith.constant 128 : i32
      %mul3A_644 = arith.muli %scan3A_521, %mul3A_643 : i32
      %add3A_645 = arith.constant 112 : i32
      %add3A_646 = arith.addi %mul3A_644, %add3A_645 : i32
      %get3A_647 = arith.index_cast %add3A_646 : i32 to index
      %get3A_648 = tpu.vector_load %arg17[%get3A_647] {strides = array<i32>} : memref<5120xf32, #tpu.memory_space<vmem>>, vector<16xf32>,
      %get3A_649 = vector.shape_cast %get3A_648 : vector<16xf32> to vector<16xf32>
      %mul3A_650 = arith.mulf %get3A_642, %get3A_649 : vector<16xf32>
      %swap3A_651 = arith.index_cast %scan3A_521 : i32 to index
      %swap3A_652 = arith.constant 112 : index
      %swap3A_653 = tpu.vector_load %arg15[%swap3A_651, %swap3A_652] {strides = array<i32>} : memref<40x128xf32, #tpu.memory_space<vmem>>, vector<1x16xf32>,
      %swap3A_654 = vector.shape_cast %swap3A_653 : vector<1x16xf32> to vector<16xf32>
      %swap3A_655 = vector.shape_cast %mul3A_650 : vector<16xf32> to vector<1x16xf32>
      tpu.vector_store %arg15[%swap3A_651, %swap3A_652], %swap3A_655 {strides = array<i32>} : memref<40x128xf32, #tpu.memory_space<vmem>>, vector<1x16xf32>,
    }
    %scan3A_270 = arith.constant 40 : i32
    "tpu.region"() ({
      %run_scoped3A = tpu.sem_alloc : memref<!tpu.dma_semaphore, #tpu.memory_space<semaphore_mem>>
      %dma_start3A_521 = arith.constant 0 : i32
      %dma_start3A_522 = arith.constant 0 : i32
      %dma_start3A_523 = tpu.memref_slice %arg19[%dma_start3A_521, %dma_start3A_522] : memref<10240x128xf32, #tpu.memory_space<vmem_shared>> -> memref<10240x128xf32, #tpu.memory_space<vmem_shared>>
      tpu.enqueue_indirect_dma source(%arg15 : memref<40x128xf32, #tpu.memory_space<vmem>>) target(%dma_start3A_523 : memref<10240x128xf32, #tpu.memory_space<vmem_shared>>) offsets(%arg13 : memref<40xi32, #tpu.memory_space<vmem>>) semaphore(%run_scoped3A : memref<!tpu.dma_semaphore, #tpu.memory_space<semaphore_mem>>) {add = true}
      %dma_wait3A_524 = arith.constant 0 : i32
      %dma_wait3A_525 = arith.constant 0 : i32
      %dma_wait3A_526 = tpu.memref_slice %arg19[%dma_wait3A_524, %dma_wait3A_525] : memref<10240x128xf32, #tpu.memory_space<vmem_shared>> -> memref<10240x128xf32, #tpu.memory_space<vmem_shared>>
      tpu.wait_indirect_dma semaphore(%run_scoped3A : memref<!tpu.dma_semaphore, #tpu.memory_space<semaphore_mem>>) src(%arg15 : memref<40x128xf32, #tpu.memory_space<vmem>>) dst(%dma_wait3A_526 : memref<10240x128xf32, #tpu.memory_space<vmem_shared>>)
      tpu.yield
    }) : () -> ()
    %mul3A_271 = arith.constant 10000 : i32
    %mul3A_272 = arith.muli %add3A, %mul3A_271 : i32
    %add3A_273 = arith.constant 9960 : i32
    %add3A_274 = arith.addi %mul3A_272, %add3A_273 : i32
    %multiple_of3A_275 = tpu.assume_multiple %add3A_274, 8 : i32
    %dma_start3A_276 = tpu.memref_slice %arg4[%multiple_of3A_275] : memref<320000xi32, #tpu.memory_space<hbm>> -> memref<40xi32, #tpu.memory_space<hbm>>
    %dma_start3A_277 = tpu.memref_slice %arg4[%multiple_of3A_275] : memref<320000xi32, #tpu.memory_space<hbm>> -> memref<40xi32, #tpu.memory_space<hbm>>
    tpu.enqueue_dma source(%dma_start3A_277 : memref<40xi32, #tpu.memory_space<hbm>>) target(%arg8 : memref<40xi32, #tpu.memory_space<vmem>>) target_semaphore(%arg21 : memref<!tpu.dma_semaphore, #tpu.memory_space<semaphore_mem>>)
    %dma_start3A_278 = tpu.memref_slice %arg5[%multiple_of3A_275] : memref<320000xi32, #tpu.memory_space<hbm>> -> memref<40xi32, #tpu.memory_space<hbm>>
    %dma_start3A_279 = tpu.memref_slice %arg5[%multiple_of3A_275] : memref<320000xi32, #tpu.memory_space<hbm>> -> memref<40xi32, #tpu.memory_space<hbm>>
    tpu.enqueue_dma source(%dma_start3A_279 : memref<40xi32, #tpu.memory_space<hbm>>) target(%arg12 : memref<40xi32, #tpu.memory_space<vmem>>) target_semaphore(%arg21 : memref<!tpu.dma_semaphore, #tpu.memory_space<semaphore_mem>>)
    %mul3A_280 = arith.constant 10000 : i32
    %mul3A_281 = arith.muli %add3A, %mul3A_280 : i32
    %add3A_282 = arith.constant 9920 : i32
    %add3A_283 = arith.addi %mul3A_281, %add3A_282 : i32
    %multiple_of3A_284 = tpu.assume_multiple %add3A_283, 8 : i32
    %dma_wait3A_285 = tpu.memref_slice %arg4[%multiple_of3A_284] : memref<320000xi32, #tpu.memory_space<hbm>> -> memref<40xi32, #tpu.memory_space<hbm>>
    %dma_wait3A_286 = tpu.memref_slice %arg4[%multiple_of3A_284] : memref<320000xi32, #tpu.memory_space<hbm>> -> memref<40xi32, #tpu.memory_space<hbm>>
    tpu.wait_dma2 semaphore(%arg20 : memref<!tpu.dma_semaphore, #tpu.memory_space<semaphore_mem>>) src(%dma_wait3A_286 : memref<40xi32, #tpu.memory_space<hbm>>) dst(%arg7 : memref<40xi32, #tpu.memory_space<vmem>>)
    %dma_wait3A_287 = tpu.memref_slice %arg5[%multiple_of3A_284] : memref<320000xi32, #tpu.memory_space<hbm>> -> memref<40xi32, #tpu.memory_space<hbm>>
    %dma_wait3A_288 = tpu.memref_slice %arg5[%multiple_of3A_284] : memref<320000xi32, #tpu.memory_space<hbm>> -> memref<40xi32, #tpu.memory_space<hbm>>
    tpu.wait_dma2 semaphore(%arg20 : memref<!tpu.dma_semaphore, #tpu.memory_space<semaphore_mem>>) src(%dma_wait3A_288 : memref<40xi32, #tpu.memory_space<hbm>>) dst(%arg11 : memref<40xi32, #tpu.memory_space<vmem>>)
    %dma_start3A_289 = arith.constant 0 : i32
    %dma_start3A_290 = arith.constant 0 : i32
    %dma_start3A_291 = tpu.memref_slice %arg2[%dma_start3A_289, %dma_start3A_290] : memref<10000x128xf32, #tpu.memory_space<hbm>> -> memref<10000x128xf32, #tpu.memory_space<hbm>>
    tpu.enqueue_indirect_dma source(%dma_start3A_291 : memref<10000x128xf32, #tpu.memory_space<hbm>>) target(%arg15 : memref<40x128xf32, #tpu.memory_space<vmem>>) offsets(%arg7 : memref<40xi32, #tpu.memory_space<vmem>>) semaphore(%arg24 : memref<!tpu.dma_semaphore, #tpu.memory_space<semaphore_mem>>)
    %mul3A_292 = arith.constant 10000 : i32
    %mul3A_293 = arith.muli %add3A, %mul3A_292 : i32
    %add3A_294 = arith.constant 9920 : i32
    %add3A_295 = arith.addi %mul3A_293, %add3A_294 : i32
    %mul3A_296 = arith.constant 128 : i32
    %mul3A_297 = arith.muli %add3A_295, %mul3A_296 : i32
    %multiple_of3A_298 = tpu.assume_multiple %mul3A_297, 8 : i32
    %dma_start3A_299 = tpu.memref_slice %arg3[%multiple_of3A_298] : memref<40960000xf32, #tpu.memory_space<hbm>> -> memref<5120xf32, #tpu.memory_space<hbm>>
    %dma_start3A_300 = tpu.memref_slice %arg3[%multiple_of3A_298] : memref<40960000xf32, #tpu.memory_space<hbm>> -> memref<5120xf32, #tpu.memory_space<hbm>>
    tpu.enqueue_dma source(%dma_start3A_300 : memref<5120xf32, #tpu.memory_space<hbm>>) target(%arg17 : memref<5120xf32, #tpu.memory_space<vmem>>) target_semaphore(%arg26 : memref<!tpu.dma_semaphore, #tpu.memory_space<semaphore_mem>>)
    %dma_wait3A_301 = arith.constant 0 : i32
    %dma_wait3A_302 = arith.constant 0 : i32
    %dma_wait3A_303 = tpu.memref_slice %arg2[%dma_wait3A_301, %dma_wait3A_302] : memref<10000x128xf32, #tpu.memory_space<hbm>> -> memref<10000x128xf32, #tpu.memory_space<hbm>>
    tpu.wait_indirect_dma semaphore(%arg25 : memref<!tpu.dma_semaphore, #tpu.memory_space<semaphore_mem>>) src(%dma_wait3A_303 : memref<10000x128xf32, #tpu.memory_space<hbm>>) dst(%arg16 : memref<40x128xf32, #tpu.memory_space<vmem>>)
    %mul3A_304 = arith.constant 10000 : i32
    %mul3A_305 = arith.muli %add3A, %mul3A_304 : i32
    %add3A_306 = arith.constant 9880 : i32
    %add3A_307 = arith.addi %mul3A_305, %add3A_306 : i32
    %mul3A_308 = arith.constant 128 : i32
    %mul3A_309 = arith.muli %add3A_307, %mul3A_308 : i32
    %multiple_of3A_310 = tpu.assume_multiple %mul3A_309, 8 : i32
    %dma_wait3A_311 = tpu.memref_slice %arg3[%multiple_of3A_310] : memref<40960000xf32, #tpu.memory_space<hbm>> -> memref<5120xf32, #tpu.memory_space<hbm>>
    %dma_wait3A_312 = tpu.memref_slice %arg3[%multiple_of3A_310] : memref<40960000xf32, #tpu.memory_space<hbm>> -> memref<5120xf32, #tpu.memory_space<hbm>>
    tpu.wait_dma2 semaphore(%arg27 : memref<!tpu.dma_semaphore, #tpu.memory_space<semaphore_mem>>) src(%dma_wait3A_312 : memref<5120xf32, #tpu.memory_space<hbm>>) dst(%arg18 : memref<5120xf32, #tpu.memory_space<vmem>>)
    %scan3A_313 = arith.constant 0 : i32
    %scan3A_314 = arith.constant 0 : i32
    %scan3A_315 = arith.constant 40 : i32
    %scan3A_316 = arith.addi %scan3A_314, %scan3A_315 : i32
    %scan3A_317 = arith.constant 1 : i32
    scf.for %scan3A_521 = %scan3A_314 to %scan3A_316 step %scan3A_317  : i32 {
      %get3A = arith.index_cast %scan3A_521 : i32 to index
      %get3A_522 = arith.constant 0 : index
      %get3A_523 = tpu.vector_load %arg16[%get3A, %get3A_522] {strides = array<i32>} : memref<40x128xf32, #tpu.memory_space<vmem>>, vector<1x16xf32>,
      %get3A_524 = vector.shape_cast %get3A_523 : vector<1x16xf32> to vector<16xf32>
      %mul3A_525 = arith.constant 128 : i32
      %mul3A_526 = arith.muli %scan3A_521, %mul3A_525 : i32
      %add3A_527 = arith.constant 0 : i32
      %add3A_528 = arith.addi %mul3A_526, %add3A_527 : i32
      %get3A_529 = arith.index_cast %add3A_528 : i32 to index
      %get3A_530 = tpu.vector_load %arg18[%get3A_529] {strides = array<i32>} : memref<5120xf32, #tpu.memory_space<vmem>>, vector<16xf32>,
      %get3A_531 = vector.shape_cast %get3A_530 : vector<16xf32> to vector<16xf32>
      %mul3A_532 = arith.mulf %get3A_524, %get3A_531 : vector<16xf32>
      %swap3A = arith.index_cast %scan3A_521 : i32 to index
      %swap3A_533 = arith.constant 0 : index
      %swap3A_534 = tpu.vector_load %arg16[%swap3A, %swap3A_533] {strides = array<i32>} : memref<40x128xf32, #tpu.memory_space<vmem>>, vector<1x16xf32>,
      %swap3A_535 = vector.shape_cast %swap3A_534 : vector<1x16xf32> to vector<16xf32>
      %swap3A_536 = vector.shape_cast %mul3A_532 : vector<16xf32> to vector<1x16xf32>
      tpu.vector_store %arg16[%swap3A, %swap3A_533], %swap3A_536 {strides = array<i32>} : memref<40x128xf32, #tpu.memory_space<vmem>>, vector<1x16xf32>,
      %get3A_537 = arith.index_cast %scan3A_521 : i32 to index
      %get3A_538 = arith.constant 16 : index
      %get3A_539 = tpu.vector_load %arg16[%get3A_537, %get3A_538] {strides = array<i32>} : memref<40x128xf32, #tpu.memory_space<vmem>>, vector<1x16xf32>,
      %get3A_540 = vector.shape_cast %get3A_539 : vector<1x16xf32> to vector<16xf32>
      %mul3A_541 = arith.constant 128 : i32
      %mul3A_542 = arith.muli %scan3A_521, %mul3A_541 : i32
      %add3A_543 = arith.constant 16 : i32
      %add3A_544 = arith.addi %mul3A_542, %add3A_543 : i32
      %get3A_545 = arith.index_cast %add3A_544 : i32 to index
      %get3A_546 = tpu.vector_load %arg18[%get3A_545] {strides = array<i32>} : memref<5120xf32, #tpu.memory_space<vmem>>, vector<16xf32>,
      %get3A_547 = vector.shape_cast %get3A_546 : vector<16xf32> to vector<16xf32>
      %mul3A_548 = arith.mulf %get3A_540, %get3A_547 : vector<16xf32>
      %swap3A_549 = arith.index_cast %scan3A_521 : i32 to index
      %swap3A_550 = arith.constant 16 : index
      %swap3A_551 = tpu.vector_load %arg16[%swap3A_549, %swap3A_550] {strides = array<i32>} : memref<40x128xf32, #tpu.memory_space<vmem>>, vector<1x16xf32>,
      %swap3A_552 = vector.shape_cast %swap3A_551 : vector<1x16xf32> to vector<16xf32>
      %swap3A_553 = vector.shape_cast %mul3A_548 : vector<16xf32> to vector<1x16xf32>
      tpu.vector_store %arg16[%swap3A_549, %swap3A_550], %swap3A_553 {strides = array<i32>} : memref<40x128xf32, #tpu.memory_space<vmem>>, vector<1x16xf32>,
      %get3A_554 = arith.index_cast %scan3A_521 : i32 to index
      %get3A_555 = arith.constant 32 : index
      %get3A_556 = tpu.vector_load %arg16[%get3A_554, %get3A_555] {strides = array<i32>} : memref<40x128xf32, #tpu.memory_space<vmem>>, vector<1x16xf32>,
      %get3A_557 = vector.shape_cast %get3A_556 : vector<1x16xf32> to vector<16xf32>
      %mul3A_558 = arith.constant 128 : i32
      %mul3A_559 = arith.muli %scan3A_521, %mul3A_558 : i32
      %add3A_560 = arith.constant 32 : i32
      %add3A_561 = arith.addi %mul3A_559, %add3A_560 : i32
      %get3A_562 = arith.index_cast %add3A_561 : i32 to index
      %get3A_563 = tpu.vector_load %arg18[%get3A_562] {strides = array<i32>} : memref<5120xf32, #tpu.memory_space<vmem>>, vector<16xf32>,
      %get3A_564 = vector.shape_cast %get3A_563 : vector<16xf32> to vector<16xf32>
      %mul3A_565 = arith.mulf %get3A_557, %get3A_564 : vector<16xf32>
      %swap3A_566 = arith.index_cast %scan3A_521 : i32 to index
      %swap3A_567 = arith.constant 32 : index
      %swap3A_568 = tpu.vector_load %arg16[%swap3A_566, %swap3A_567] {strides = array<i32>} : memref<40x128xf32, #tpu.memory_space<vmem>>, vector<1x16xf32>,
      %swap3A_569 = vector.shape_cast %swap3A_568 : vector<1x16xf32> to vector<16xf32>
      %swap3A_570 = vector.shape_cast %mul3A_565 : vector<16xf32> to vector<1x16xf32>
      tpu.vector_store %arg16[%swap3A_566, %swap3A_567], %swap3A_570 {strides = array<i32>} : memref<40x128xf32, #tpu.memory_space<vmem>>, vector<1x16xf32>,
      %get3A_571 = arith.index_cast %scan3A_521 : i32 to index
      %get3A_572 = arith.constant 48 : index
      %get3A_573 = tpu.vector_load %arg16[%get3A_571, %get3A_572] {strides = array<i32>} : memref<40x128xf32, #tpu.memory_space<vmem>>, vector<1x16xf32>,
      %get3A_574 = vector.shape_cast %get3A_573 : vector<1x16xf32> to vector<16xf32>
      %mul3A_575 = arith.constant 128 : i32
      %mul3A_576 = arith.muli %scan3A_521, %mul3A_575 : i32
      %add3A_577 = arith.constant 48 : i32
      %add3A_578 = arith.addi %mul3A_576, %add3A_577 : i32
      %get3A_579 = arith.index_cast %add3A_578 : i32 to index
      %get3A_580 = tpu.vector_load %arg18[%get3A_579] {strides = array<i32>} : memref<5120xf32, #tpu.memory_space<vmem>>, vector<16xf32>,
      %get3A_581 = vector.shape_cast %get3A_580 : vector<16xf32> to vector<16xf32>
      %mul3A_582 = arith.mulf %get3A_574, %get3A_581 : vector<16xf32>
      %swap3A_583 = arith.index_cast %scan3A_521 : i32 to index
      %swap3A_584 = arith.constant 48 : index
      %swap3A_585 = tpu.vector_load %arg16[%swap3A_583, %swap3A_584] {strides = array<i32>} : memref<40x128xf32, #tpu.memory_space<vmem>>, vector<1x16xf32>,
      %swap3A_586 = vector.shape_cast %swap3A_585 : vector<1x16xf32> to vector<16xf32>
      %swap3A_587 = vector.shape_cast %mul3A_582 : vector<16xf32> to vector<1x16xf32>
      tpu.vector_store %arg16[%swap3A_583, %swap3A_584], %swap3A_587 {strides = array<i32>} : memref<40x128xf32, #tpu.memory_space<vmem>>, vector<1x16xf32>,
      %get3A_588 = arith.index_cast %scan3A_521 : i32 to index
      %get3A_589 = arith.constant 64 : index
      %get3A_590 = tpu.vector_load %arg16[%get3A_588, %get3A_589] {strides = array<i32>} : memref<40x128xf32, #tpu.memory_space<vmem>>, vector<1x16xf32>,
      %get3A_591 = vector.shape_cast %get3A_590 : vector<1x16xf32> to vector<16xf32>
      %mul3A_592 = arith.constant 128 : i32
      %mul3A_593 = arith.muli %scan3A_521, %mul3A_592 : i32
      %add3A_594 = arith.constant 64 : i32
      %add3A_595 = arith.addi %mul3A_593, %add3A_594 : i32
      %get3A_596 = arith.index_cast %add3A_595 : i32 to index
      %get3A_597 = tpu.vector_load %arg18[%get3A_596] {strides = array<i32>} : memref<5120xf32, #tpu.memory_space<vmem>>, vector<16xf32>,
      %get3A_598 = vector.shape_cast %get3A_597 : vector<16xf32> to vector<16xf32>
      %mul3A_599 = arith.mulf %get3A_591, %get3A_598 : vector<16xf32>
      %swap3A_600 = arith.index_cast %scan3A_521 : i32 to index
      %swap3A_601 = arith.constant 64 : index
      %swap3A_602 = tpu.vector_load %arg16[%swap3A_600, %swap3A_601] {strides = array<i32>} : memref<40x128xf32, #tpu.memory_space<vmem>>, vector<1x16xf32>,
      %swap3A_603 = vector.shape_cast %swap3A_602 : vector<1x16xf32> to vector<16xf32>
      %swap3A_604 = vector.shape_cast %mul3A_599 : vector<16xf32> to vector<1x16xf32>
      tpu.vector_store %arg16[%swap3A_600, %swap3A_601], %swap3A_604 {strides = array<i32>} : memref<40x128xf32, #tpu.memory_space<vmem>>, vector<1x16xf32>,
      %get3A_605 = arith.index_cast %scan3A_521 : i32 to index
      %get3A_606 = arith.constant 80 : index
      %get3A_607 = tpu.vector_load %arg16[%get3A_605, %get3A_606] {strides = array<i32>} : memref<40x128xf32, #tpu.memory_space<vmem>>, vector<1x16xf32>,
      %get3A_608 = vector.shape_cast %get3A_607 : vector<1x16xf32> to vector<16xf32>
      %mul3A_609 = arith.constant 128 : i32
      %mul3A_610 = arith.muli %scan3A_521, %mul3A_609 : i32
      %add3A_611 = arith.constant 80 : i32
      %add3A_612 = arith.addi %mul3A_610, %add3A_611 : i32
      %get3A_613 = arith.index_cast %add3A_612 : i32 to index
      %get3A_614 = tpu.vector_load %arg18[%get3A_613] {strides = array<i32>} : memref<5120xf32, #tpu.memory_space<vmem>>, vector<16xf32>,
      %get3A_615 = vector.shape_cast %get3A_614 : vector<16xf32> to vector<16xf32>
      %mul3A_616 = arith.mulf %get3A_608, %get3A_615 : vector<16xf32>
      %swap3A_617 = arith.index_cast %scan3A_521 : i32 to index
      %swap3A_618 = arith.constant 80 : index
      %swap3A_619 = tpu.vector_load %arg16[%swap3A_617, %swap3A_618] {strides = array<i32>} : memref<40x128xf32, #tpu.memory_space<vmem>>, vector<1x16xf32>,
      %swap3A_620 = vector.shape_cast %swap3A_619 : vector<1x16xf32> to vector<16xf32>
      %swap3A_621 = vector.shape_cast %mul3A_616 : vector<16xf32> to vector<1x16xf32>
      tpu.vector_store %arg16[%swap3A_617, %swap3A_618], %swap3A_621 {strides = array<i32>} : memref<40x128xf32, #tpu.memory_space<vmem>>, vector<1x16xf32>,
      %get3A_622 = arith.index_cast %scan3A_521 : i32 to index
      %get3A_623 = arith.constant 96 : index
      %get3A_624 = tpu.vector_load %arg16[%get3A_622, %get3A_623] {strides = array<i32>} : memref<40x128xf32, #tpu.memory_space<vmem>>, vector<1x16xf32>,
      %get3A_625 = vector.shape_cast %get3A_624 : vector<1x16xf32> to vector<16xf32>
      %mul3A_626 = arith.constant 128 : i32
      %mul3A_627 = arith.muli %scan3A_521, %mul3A_626 : i32
      %add3A_628 = arith.constant 96 : i32
      %add3A_629 = arith.addi %mul3A_627, %add3A_628 : i32
      %get3A_630 = arith.index_cast %add3A_629 : i32 to index
      %get3A_631 = tpu.vector_load %arg18[%get3A_630] {strides = array<i32>} : memref<5120xf32, #tpu.memory_space<vmem>>, vector<16xf32>,
      %get3A_632 = vector.shape_cast %get3A_631 : vector<16xf32> to vector<16xf32>
      %mul3A_633 = arith.mulf %get3A_625, %get3A_632 : vector<16xf32>
      %swap3A_634 = arith.index_cast %scan3A_521 : i32 to index
      %swap3A_635 = arith.constant 96 : index
      %swap3A_636 = tpu.vector_load %arg16[%swap3A_634, %swap3A_635] {strides = array<i32>} : memref<40x128xf32, #tpu.memory_space<vmem>>, vector<1x16xf32>,
      %swap3A_637 = vector.shape_cast %swap3A_636 : vector<1x16xf32> to vector<16xf32>
      %swap3A_638 = vector.shape_cast %mul3A_633 : vector<16xf32> to vector<1x16xf32>
      tpu.vector_store %arg16[%swap3A_634, %swap3A_635], %swap3A_638 {strides = array<i32>} : memref<40x128xf32, #tpu.memory_space<vmem>>, vector<1x16xf32>,
      %get3A_639 = arith.index_cast %scan3A_521 : i32 to index
      %get3A_640 = arith.constant 112 : index
      %get3A_641 = tpu.vector_load %arg16[%get3A_639, %get3A_640] {strides = array<i32>} : memref<40x128xf32, #tpu.memory_space<vmem>>, vector<1x16xf32>,
      %get3A_642 = vector.shape_cast %get3A_641 : vector<1x16xf32> to vector<16xf32>
      %mul3A_643 = arith.constant 128 : i32
      %mul3A_644 = arith.muli %scan3A_521, %mul3A_643 : i32
      %add3A_645 = arith.constant 112 : i32
      %add3A_646 = arith.addi %mul3A_644, %add3A_645 : i32
      %get3A_647 = arith.index_cast %add3A_646 : i32 to index
      %get3A_648 = tpu.vector_load %arg18[%get3A_647] {strides = array<i32>} : memref<5120xf32, #tpu.memory_space<vmem>>, vector<16xf32>,
      %get3A_649 = vector.shape_cast %get3A_648 : vector<16xf32> to vector<16xf32>
      %mul3A_650 = arith.mulf %get3A_642, %get3A_649 : vector<16xf32>
      %swap3A_651 = arith.index_cast %scan3A_521 : i32 to index
      %swap3A_652 = arith.constant 112 : index
      %swap3A_653 = tpu.vector_load %arg16[%swap3A_651, %swap3A_652] {strides = array<i32>} : memref<40x128xf32, #tpu.memory_space<vmem>>, vector<1x16xf32>,
      %swap3A_654 = vector.shape_cast %swap3A_653 : vector<1x16xf32> to vector<16xf32>
      %swap3A_655 = vector.shape_cast %mul3A_650 : vector<16xf32> to vector<1x16xf32>
      tpu.vector_store %arg16[%swap3A_651, %swap3A_652], %swap3A_655 {strides = array<i32>} : memref<40x128xf32, #tpu.memory_space<vmem>>, vector<1x16xf32>,
    }
    %scan3A_318 = arith.constant 40 : i32
    "tpu.region"() ({
      %run_scoped3A = tpu.sem_alloc : memref<!tpu.dma_semaphore, #tpu.memory_space<semaphore_mem>>
      %dma_start3A_521 = arith.constant 0 : i32
      %dma_start3A_522 = arith.constant 0 : i32
      %dma_start3A_523 = tpu.memref_slice %arg19[%dma_start3A_521, %dma_start3A_522] : memref<10240x128xf32, #tpu.memory_space<vmem_shared>> -> memref<10240x128xf32, #tpu.memory_space<vmem_shared>>
      tpu.enqueue_indirect_dma source(%arg16 : memref<40x128xf32, #tpu.memory_space<vmem>>) target(%dma_start3A_523 : memref<10240x128xf32, #tpu.memory_space<vmem_shared>>) offsets(%arg14 : memref<40xi32, #tpu.memory_space<vmem>>) semaphore(%run_scoped3A : memref<!tpu.dma_semaphore, #tpu.memory_space<semaphore_mem>>) {add = true}
      %dma_wait3A_524 = arith.constant 0 : i32
      %dma_wait3A_525 = arith.constant 0 : i32
      %dma_wait3A_526 = tpu.memref_slice %arg19[%dma_wait3A_524, %dma_wait3A_525] : memref<10240x128xf32, #tpu.memory_space<vmem_shared>> -> memref<10240x128xf32, #tpu.memory_space<vmem_shared>>
      tpu.wait_indirect_dma semaphore(%run_scoped3A : memref<!tpu.dma_semaphore, #tpu.memory_space<semaphore_mem>>) src(%arg16 : memref<40x128xf32, #tpu.memory_space<vmem>>) dst(%dma_wait3A_526 : memref<10240x128xf32, #tpu.memory_space<vmem_shared>>)
      tpu.yield
    }) : () -> ()
    %mul3A_319 = arith.constant 10000 : i32
    %mul3A_320 = arith.muli %add3A, %mul3A_319 : i32
    %add3A_321 = arith.constant 9960 : i32
    %add3A_322 = arith.addi %mul3A_320, %add3A_321 : i32
    %multiple_of3A_323 = tpu.assume_multiple %add3A_322, 8 : i32
    %dma_wait3A_324 = tpu.memref_slice %arg4[%multiple_of3A_323] : memref<320000xi32, #tpu.memory_space<hbm>> -> memref<40xi32, #tpu.memory_space<hbm>>
    %dma_wait3A_325 = tpu.memref_slice %arg4[%multiple_of3A_323] : memref<320000xi32, #tpu.memory_space<hbm>> -> memref<40xi32, #tpu.memory_space<hbm>>
    tpu.wait_dma2 semaphore(%arg21 : memref<!tpu.dma_semaphore, #tpu.memory_space<semaphore_mem>>) src(%dma_wait3A_325 : memref<40xi32, #tpu.memory_space<hbm>>) dst(%arg8 : memref<40xi32, #tpu.memory_space<vmem>>)
    %dma_wait3A_326 = tpu.memref_slice %arg5[%multiple_of3A_323] : memref<320000xi32, #tpu.memory_space<hbm>> -> memref<40xi32, #tpu.memory_space<hbm>>
    %dma_wait3A_327 = tpu.memref_slice %arg5[%multiple_of3A_323] : memref<320000xi32, #tpu.memory_space<hbm>> -> memref<40xi32, #tpu.memory_space<hbm>>
    tpu.wait_dma2 semaphore(%arg21 : memref<!tpu.dma_semaphore, #tpu.memory_space<semaphore_mem>>) src(%dma_wait3A_327 : memref<40xi32, #tpu.memory_space<hbm>>) dst(%arg12 : memref<40xi32, #tpu.memory_space<vmem>>)
    %dma_start3A_328 = arith.constant 0 : i32
    %dma_start3A_329 = arith.constant 0 : i32
    %dma_start3A_330 = tpu.memref_slice %arg2[%dma_start3A_328, %dma_start3A_329] : memref<10000x128xf32, #tpu.memory_space<hbm>> -> memref<10000x128xf32, #tpu.memory_space<hbm>>
    tpu.enqueue_indirect_dma source(%dma_start3A_330 : memref<10000x128xf32, #tpu.memory_space<hbm>>) target(%arg16 : memref<40x128xf32, #tpu.memory_space<vmem>>) offsets(%arg8 : memref<40xi32, #tpu.memory_space<vmem>>) semaphore(%arg25 : memref<!tpu.dma_semaphore, #tpu.memory_space<semaphore_mem>>)
    %mul3A_331 = arith.constant 10000 : i32
    %mul3A_332 = arith.muli %add3A, %mul3A_331 : i32
    %add3A_333 = arith.constant 9960 : i32
    %add3A_334 = arith.addi %mul3A_332, %add3A_333 : i32
    %mul3A_335 = arith.constant 128 : i32
    %mul3A_336 = arith.muli %add3A_334, %mul3A_335 : i32
    %multiple_of3A_337 = tpu.assume_multiple %mul3A_336, 8 : i32
    %dma_start3A_338 = tpu.memref_slice %arg3[%multiple_of3A_337] : memref<40960000xf32, #tpu.memory_space<hbm>> -> memref<5120xf32, #tpu.memory_space<hbm>>
    %dma_start3A_339 = tpu.memref_slice %arg3[%multiple_of3A_337] : memref<40960000xf32, #tpu.memory_space<hbm>> -> memref<5120xf32, #tpu.memory_space<hbm>>
    tpu.enqueue_dma source(%dma_start3A_339 : memref<5120xf32, #tpu.memory_space<hbm>>) target(%arg18 : memref<5120xf32, #tpu.memory_space<vmem>>) target_semaphore(%arg27 : memref<!tpu.dma_semaphore, #tpu.memory_space<semaphore_mem>>)
    %dma_wait3A_340 = arith.constant 0 : i32
    %dma_wait3A_341 = arith.constant 0 : i32
    %dma_wait3A_342 = tpu.memref_slice %arg2[%dma_wait3A_340, %dma_wait3A_341] : memref<10000x128xf32, #tpu.memory_space<hbm>> -> memref<10000x128xf32, #tpu.memory_space<hbm>>
    tpu.wait_indirect_dma semaphore(%arg24 : memref<!tpu.dma_semaphore, #tpu.memory_space<semaphore_mem>>) src(%dma_wait3A_342 : memref<10000x128xf32, #tpu.memory_space<hbm>>) dst(%arg15 : memref<40x128xf32, #tpu.memory_space<vmem>>)
    %mul3A_343 = arith.constant 10000 : i32
    %mul3A_344 = arith.muli %add3A, %mul3A_343 : i32
    %add3A_345 = arith.constant 9920 : i32
    %add3A_346 = arith.addi %mul3A_344, %add3A_345 : i32
    %mul3A_347 = arith.constant 128 : i32
    %mul3A_348 = arith.muli %add3A_346, %mul3A_347 : i32
    %multiple_of3A_349 = tpu.assume_multiple %mul3A_348, 8 : i32
    %dma_wait3A_350 = tpu.memref_slice %arg3[%multiple_of3A_349] : memref<40960000xf32, #tpu.memory_space<hbm>> -> memref<5120xf32, #tpu.memory_space<hbm>>
    %dma_wait3A_351 = tpu.memref_slice %arg3[%multiple_of3A_349] : memref<40960000xf32, #tpu.memory_space<hbm>> -> memref<5120xf32, #tpu.memory_space<hbm>>
    tpu.wait_dma2 semaphore(%arg26 : memref<!tpu.dma_semaphore, #tpu.memory_space<semaphore_mem>>) src(%dma_wait3A_351 : memref<5120xf32, #tpu.memory_space<hbm>>) dst(%arg17 : memref<5120xf32, #tpu.memory_space<vmem>>)
    %scan3A_352 = arith.constant 0 : i32
    %scan3A_353 = arith.constant 0 : i32
    %scan3A_354 = arith.constant 40 : i32
    %scan3A_355 = arith.addi %scan3A_353, %scan3A_354 : i32
    %scan3A_356 = arith.constant 1 : i32
    scf.for %scan3A_521 = %scan3A_353 to %scan3A_355 step %scan3A_356  : i32 {
      %get3A = arith.index_cast %scan3A_521 : i32 to index
      %get3A_522 = arith.constant 0 : index
      %get3A_523 = tpu.vector_load %arg15[%get3A, %get3A_522] {strides = array<i32>} : memref<40x128xf32, #tpu.memory_space<vmem>>, vector<1x16xf32>,
      %get3A_524 = vector.shape_cast %get3A_523 : vector<1x16xf32> to vector<16xf32>
      %mul3A_525 = arith.constant 128 : i32
      %mul3A_526 = arith.muli %scan3A_521, %mul3A_525 : i32
      %add3A_527 = arith.constant 0 : i32
      %add3A_528 = arith.addi %mul3A_526, %add3A_527 : i32
      %get3A_529 = arith.index_cast %add3A_528 : i32 to index
      %get3A_530 = tpu.vector_load %arg17[%get3A_529] {strides = array<i32>} : memref<5120xf32, #tpu.memory_space<vmem>>, vector<16xf32>,
      %get3A_531 = vector.shape_cast %get3A_530 : vector<16xf32> to vector<16xf32>
      %mul3A_532 = arith.mulf %get3A_524, %get3A_531 : vector<16xf32>
      %swap3A = arith.index_cast %scan3A_521 : i32 to index
      %swap3A_533 = arith.constant 0 : index
      %swap3A_534 = tpu.vector_load %arg15[%swap3A, %swap3A_533] {strides = array<i32>} : memref<40x128xf32, #tpu.memory_space<vmem>>, vector<1x16xf32>,
      %swap3A_535 = vector.shape_cast %swap3A_534 : vector<1x16xf32> to vector<16xf32>
      %swap3A_536 = vector.shape_cast %mul3A_532 : vector<16xf32> to vector<1x16xf32>
      tpu.vector_store %arg15[%swap3A, %swap3A_533], %swap3A_536 {strides = array<i32>} : memref<40x128xf32, #tpu.memory_space<vmem>>, vector<1x16xf32>,
      %get3A_537 = arith.index_cast %scan3A_521 : i32 to index
      %get3A_538 = arith.constant 16 : index
      %get3A_539 = tpu.vector_load %arg15[%get3A_537, %get3A_538] {strides = array<i32>} : memref<40x128xf32, #tpu.memory_space<vmem>>, vector<1x16xf32>,
      %get3A_540 = vector.shape_cast %get3A_539 : vector<1x16xf32> to vector<16xf32>
      %mul3A_541 = arith.constant 128 : i32
      %mul3A_542 = arith.muli %scan3A_521, %mul3A_541 : i32
      %add3A_543 = arith.constant 16 : i32
      %add3A_544 = arith.addi %mul3A_542, %add3A_543 : i32
      %get3A_545 = arith.index_cast %add3A_544 : i32 to index
      %get3A_546 = tpu.vector_load %arg17[%get3A_545] {strides = array<i32>} : memref<5120xf32, #tpu.memory_space<vmem>>, vector<16xf32>,
      %get3A_547 = vector.shape_cast %get3A_546 : vector<16xf32> to vector<16xf32>
      %mul3A_548 = arith.mulf %get3A_540, %get3A_547 : vector<16xf32>
      %swap3A_549 = arith.index_cast %scan3A_521 : i32 to index
      %swap3A_550 = arith.constant 16 : index
      %swap3A_551 = tpu.vector_load %arg15[%swap3A_549, %swap3A_550] {strides = array<i32>} : memref<40x128xf32, #tpu.memory_space<vmem>>, vector<1x16xf32>,
      %swap3A_552 = vector.shape_cast %swap3A_551 : vector<1x16xf32> to vector<16xf32>
      %swap3A_553 = vector.shape_cast %mul3A_548 : vector<16xf32> to vector<1x16xf32>
      tpu.vector_store %arg15[%swap3A_549, %swap3A_550], %swap3A_553 {strides = array<i32>} : memref<40x128xf32, #tpu.memory_space<vmem>>, vector<1x16xf32>,
      %get3A_554 = arith.index_cast %scan3A_521 : i32 to index
      %get3A_555 = arith.constant 32 : index
      %get3A_556 = tpu.vector_load %arg15[%get3A_554, %get3A_555] {strides = array<i32>} : memref<40x128xf32, #tpu.memory_space<vmem>>, vector<1x16xf32>,
      %get3A_557 = vector.shape_cast %get3A_556 : vector<1x16xf32> to vector<16xf32>
      %mul3A_558 = arith.constant 128 : i32
      %mul3A_559 = arith.muli %scan3A_521, %mul3A_558 : i32
      %add3A_560 = arith.constant 32 : i32
      %add3A_561 = arith.addi %mul3A_559, %add3A_560 : i32
      %get3A_562 = arith.index_cast %add3A_561 : i32 to index
      %get3A_563 = tpu.vector_load %arg17[%get3A_562] {strides = array<i32>} : memref<5120xf32, #tpu.memory_space<vmem>>, vector<16xf32>,
      %get3A_564 = vector.shape_cast %get3A_563 : vector<16xf32> to vector<16xf32>
      %mul3A_565 = arith.mulf %get3A_557, %get3A_564 : vector<16xf32>
      %swap3A_566 = arith.index_cast %scan3A_521 : i32 to index
      %swap3A_567 = arith.constant 32 : index
      %swap3A_568 = tpu.vector_load %arg15[%swap3A_566, %swap3A_567] {strides = array<i32>} : memref<40x128xf32, #tpu.memory_space<vmem>>, vector<1x16xf32>,
      %swap3A_569 = vector.shape_cast %swap3A_568 : vector<1x16xf32> to vector<16xf32>
      %swap3A_570 = vector.shape_cast %mul3A_565 : vector<16xf32> to vector<1x16xf32>
      tpu.vector_store %arg15[%swap3A_566, %swap3A_567], %swap3A_570 {strides = array<i32>} : memref<40x128xf32, #tpu.memory_space<vmem>>, vector<1x16xf32>,
      %get3A_571 = arith.index_cast %scan3A_521 : i32 to index
      %get3A_572 = arith.constant 48 : index
      %get3A_573 = tpu.vector_load %arg15[%get3A_571, %get3A_572] {strides = array<i32>} : memref<40x128xf32, #tpu.memory_space<vmem>>, vector<1x16xf32>,
      %get3A_574 = vector.shape_cast %get3A_573 : vector<1x16xf32> to vector<16xf32>
      %mul3A_575 = arith.constant 128 : i32
      %mul3A_576 = arith.muli %scan3A_521, %mul3A_575 : i32
      %add3A_577 = arith.constant 48 : i32
      %add3A_578 = arith.addi %mul3A_576, %add3A_577 : i32
      %get3A_579 = arith.index_cast %add3A_578 : i32 to index
      %get3A_580 = tpu.vector_load %arg17[%get3A_579] {strides = array<i32>} : memref<5120xf32, #tpu.memory_space<vmem>>, vector<16xf32>,
      %get3A_581 = vector.shape_cast %get3A_580 : vector<16xf32> to vector<16xf32>
      %mul3A_582 = arith.mulf %get3A_574, %get3A_581 : vector<16xf32>
      %swap3A_583 = arith.index_cast %scan3A_521 : i32 to index
      %swap3A_584 = arith.constant 48 : index
      %swap3A_585 = tpu.vector_load %arg15[%swap3A_583, %swap3A_584] {strides = array<i32>} : memref<40x128xf32, #tpu.memory_space<vmem>>, vector<1x16xf32>,
      %swap3A_586 = vector.shape_cast %swap3A_585 : vector<1x16xf32> to vector<16xf32>
      %swap3A_587 = vector.shape_cast %mul3A_582 : vector<16xf32> to vector<1x16xf32>
      tpu.vector_store %arg15[%swap3A_583, %swap3A_584], %swap3A_587 {strides = array<i32>} : memref<40x128xf32, #tpu.memory_space<vmem>>, vector<1x16xf32>,
      %get3A_588 = arith.index_cast %scan3A_521 : i32 to index
      %get3A_589 = arith.constant 64 : index
      %get3A_590 = tpu.vector_load %arg15[%get3A_588, %get3A_589] {strides = array<i32>} : memref<40x128xf32, #tpu.memory_space<vmem>>, vector<1x16xf32>,
      %get3A_591 = vector.shape_cast %get3A_590 : vector<1x16xf32> to vector<16xf32>
      %mul3A_592 = arith.constant 128 : i32
      %mul3A_593 = arith.muli %scan3A_521, %mul3A_592 : i32
      %add3A_594 = arith.constant 64 : i32
      %add3A_595 = arith.addi %mul3A_593, %add3A_594 : i32
      %get3A_596 = arith.index_cast %add3A_595 : i32 to index
      %get3A_597 = tpu.vector_load %arg17[%get3A_596] {strides = array<i32>} : memref<5120xf32, #tpu.memory_space<vmem>>, vector<16xf32>,
      %get3A_598 = vector.shape_cast %get3A_597 : vector<16xf32> to vector<16xf32>
      %mul3A_599 = arith.mulf %get3A_591, %get3A_598 : vector<16xf32>
      %swap3A_600 = arith.index_cast %scan3A_521 : i32 to index
      %swap3A_601 = arith.constant 64 : index
      %swap3A_602 = tpu.vector_load %arg15[%swap3A_600, %swap3A_601] {strides = array<i32>} : memref<40x128xf32, #tpu.memory_space<vmem>>, vector<1x16xf32>,
      %swap3A_603 = vector.shape_cast %swap3A_602 : vector<1x16xf32> to vector<16xf32>
      %swap3A_604 = vector.shape_cast %mul3A_599 : vector<16xf32> to vector<1x16xf32>
      tpu.vector_store %arg15[%swap3A_600, %swap3A_601], %swap3A_604 {strides = array<i32>} : memref<40x128xf32, #tpu.memory_space<vmem>>, vector<1x16xf32>,
      %get3A_605 = arith.index_cast %scan3A_521 : i32 to index
      %get3A_606 = arith.constant 80 : index
      %get3A_607 = tpu.vector_load %arg15[%get3A_605, %get3A_606] {strides = array<i32>} : memref<40x128xf32, #tpu.memory_space<vmem>>, vector<1x16xf32>,
      %get3A_608 = vector.shape_cast %get3A_607 : vector<1x16xf32> to vector<16xf32>
      %mul3A_609 = arith.constant 128 : i32
      %mul3A_610 = arith.muli %scan3A_521, %mul3A_609 : i32
      %add3A_611 = arith.constant 80 : i32
      %add3A_612 = arith.addi %mul3A_610, %add3A_611 : i32
      %get3A_613 = arith.index_cast %add3A_612 : i32 to index
      %get3A_614 = tpu.vector_load %arg17[%get3A_613] {strides = array<i32>} : memref<5120xf32, #tpu.memory_space<vmem>>, vector<16xf32>,
      %get3A_615 = vector.shape_cast %get3A_614 : vector<16xf32> to vector<16xf32>
      %mul3A_616 = arith.mulf %get3A_608, %get3A_615 : vector<16xf32>
      %swap3A_617 = arith.index_cast %scan3A_521 : i32 to index
      %swap3A_618 = arith.constant 80 : index
      %swap3A_619 = tpu.vector_load %arg15[%swap3A_617, %swap3A_618] {strides = array<i32>} : memref<40x128xf32, #tpu.memory_space<vmem>>, vector<1x16xf32>,
      %swap3A_620 = vector.shape_cast %swap3A_619 : vector<1x16xf32> to vector<16xf32>
      %swap3A_621 = vector.shape_cast %mul3A_616 : vector<16xf32> to vector<1x16xf32>
      tpu.vector_store %arg15[%swap3A_617, %swap3A_618], %swap3A_621 {strides = array<i32>} : memref<40x128xf32, #tpu.memory_space<vmem>>, vector<1x16xf32>,
      %get3A_622 = arith.index_cast %scan3A_521 : i32 to index
      %get3A_623 = arith.constant 96 : index
      %get3A_624 = tpu.vector_load %arg15[%get3A_622, %get3A_623] {strides = array<i32>} : memref<40x128xf32, #tpu.memory_space<vmem>>, vector<1x16xf32>,
      %get3A_625 = vector.shape_cast %get3A_624 : vector<1x16xf32> to vector<16xf32>
      %mul3A_626 = arith.constant 128 : i32
      %mul3A_627 = arith.muli %scan3A_521, %mul3A_626 : i32
      %add3A_628 = arith.constant 96 : i32
      %add3A_629 = arith.addi %mul3A_627, %add3A_628 : i32
      %get3A_630 = arith.index_cast %add3A_629 : i32 to index
      %get3A_631 = tpu.vector_load %arg17[%get3A_630] {strides = array<i32>} : memref<5120xf32, #tpu.memory_space<vmem>>, vector<16xf32>,
      %get3A_632 = vector.shape_cast %get3A_631 : vector<16xf32> to vector<16xf32>
      %mul3A_633 = arith.mulf %get3A_625, %get3A_632 : vector<16xf32>
      %swap3A_634 = arith.index_cast %scan3A_521 : i32 to index
      %swap3A_635 = arith.constant 96 : index
      %swap3A_636 = tpu.vector_load %arg15[%swap3A_634, %swap3A_635] {strides = array<i32>} : memref<40x128xf32, #tpu.memory_space<vmem>>, vector<1x16xf32>,
      %swap3A_637 = vector.shape_cast %swap3A_636 : vector<1x16xf32> to vector<16xf32>
      %swap3A_638 = vector.shape_cast %mul3A_633 : vector<16xf32> to vector<1x16xf32>
      tpu.vector_store %arg15[%swap3A_634, %swap3A_635], %swap3A_638 {strides = array<i32>} : memref<40x128xf32, #tpu.memory_space<vmem>>, vector<1x16xf32>,
      %get3A_639 = arith.index_cast %scan3A_521 : i32 to index
      %get3A_640 = arith.constant 112 : index
      %get3A_641 = tpu.vector_load %arg15[%get3A_639, %get3A_640] {strides = array<i32>} : memref<40x128xf32, #tpu.memory_space<vmem>>, vector<1x16xf32>,
      %get3A_642 = vector.shape_cast %get3A_641 : vector<1x16xf32> to vector<16xf32>
      %mul3A_643 = arith.constant 128 : i32
      %mul3A_644 = arith.muli %scan3A_521, %mul3A_643 : i32
      %add3A_645 = arith.constant 112 : i32
      %add3A_646 = arith.addi %mul3A_644, %add3A_645 : i32
      %get3A_647 = arith.index_cast %add3A_646 : i32 to index
      %get3A_648 = tpu.vector_load %arg17[%get3A_647] {strides = array<i32>} : memref<5120xf32, #tpu.memory_space<vmem>>, vector<16xf32>,
      %get3A_649 = vector.shape_cast %get3A_648 : vector<16xf32> to vector<16xf32>
      %mul3A_650 = arith.mulf %get3A_642, %get3A_649 : vector<16xf32>
      %swap3A_651 = arith.index_cast %scan3A_521 : i32 to index
      %swap3A_652 = arith.constant 112 : index
      %swap3A_653 = tpu.vector_load %arg15[%swap3A_651, %swap3A_652] {strides = array<i32>} : memref<40x128xf32, #tpu.memory_space<vmem>>, vector<1x16xf32>,
      %swap3A_654 = vector.shape_cast %swap3A_653 : vector<1x16xf32> to vector<16xf32>
      %swap3A_655 = vector.shape_cast %mul3A_650 : vector<16xf32> to vector<1x16xf32>
      tpu.vector_store %arg15[%swap3A_651, %swap3A_652], %swap3A_655 {strides = array<i32>} : memref<40x128xf32, #tpu.memory_space<vmem>>, vector<1x16xf32>,
    }
    %scan3A_357 = arith.constant 40 : i32
    "tpu.region"() ({
      %run_scoped3A = tpu.sem_alloc : memref<!tpu.dma_semaphore, #tpu.memory_space<semaphore_mem>>
      %dma_start3A_521 = arith.constant 0 : i32
      %dma_start3A_522 = arith.constant 0 : i32
      %dma_start3A_523 = tpu.memref_slice %arg19[%dma_start3A_521, %dma_start3A_522] : memref<10240x128xf32, #tpu.memory_space<vmem_shared>> -> memref<10240x128xf32, #tpu.memory_space<vmem_shared>>
      tpu.enqueue_indirect_dma source(%arg15 : memref<40x128xf32, #tpu.memory_space<vmem>>) target(%dma_start3A_523 : memref<10240x128xf32, #tpu.memory_space<vmem_shared>>) offsets(%arg11 : memref<40xi32, #tpu.memory_space<vmem>>) semaphore(%run_scoped3A : memref<!tpu.dma_semaphore, #tpu.memory_space<semaphore_mem>>) {add = true}
      %dma_wait3A_524 = arith.constant 0 : i32
      %dma_wait3A_525 = arith.constant 0 : i32
      %dma_wait3A_526 = tpu.memref_slice %arg19[%dma_wait3A_524, %dma_wait3A_525] : memref<10240x128xf32, #tpu.memory_space<vmem_shared>> -> memref<10240x128xf32, #tpu.memory_space<vmem_shared>>
      tpu.wait_indirect_dma semaphore(%run_scoped3A : memref<!tpu.dma_semaphore, #tpu.memory_space<semaphore_mem>>) src(%arg15 : memref<40x128xf32, #tpu.memory_space<vmem>>) dst(%dma_wait3A_526 : memref<10240x128xf32, #tpu.memory_space<vmem_shared>>)
      tpu.yield
    }) : () -> ()
    %dma_wait3A_358 = arith.constant 0 : i32
    %dma_wait3A_359 = arith.constant 0 : i32
    %dma_wait3A_360 = tpu.memref_slice %arg2[%dma_wait3A_358, %dma_wait3A_359] : memref<10000x128xf32, #tpu.memory_space<hbm>> -> memref<10000x128xf32, #tpu.memory_space<hbm>>
    tpu.wait_indirect_dma semaphore(%arg25 : memref<!tpu.dma_semaphore, #tpu.memory_space<semaphore_mem>>) src(%dma_wait3A_360 : memref<10000x128xf32, #tpu.memory_space<hbm>>) dst(%arg16 : memref<40x128xf32, #tpu.memory_space<vmem>>)
    %mul3A_361 = arith.constant 10000 : i32
    %mul3A_362 = arith.muli %add3A, %mul3A_361 : i32
    %add3A_363 = arith.constant 9960 : i32
    %add3A_364 = arith.addi %mul3A_362, %add3A_363 : i32
    %mul3A_365 = arith.constant 128 : i32
    %mul3A_366 = arith.muli %add3A_364, %mul3A_365 : i32
    %multiple_of3A_367 = tpu.assume_multiple %mul3A_366, 8 : i32
    %dma_wait3A_368 = tpu.memref_slice %arg3[%multiple_of3A_367] : memref<40960000xf32, #tpu.memory_space<hbm>> -> memref<5120xf32, #tpu.memory_space<hbm>>
    %dma_wait3A_369 = tpu.memref_slice %arg3[%multiple_of3A_367] : memref<40960000xf32, #tpu.memory_space<hbm>> -> memref<5120xf32, #tpu.memory_space<hbm>>
    tpu.wait_dma2 semaphore(%arg27 : memref<!tpu.dma_semaphore, #tpu.memory_space<semaphore_mem>>) src(%dma_wait3A_369 : memref<5120xf32, #tpu.memory_space<hbm>>) dst(%arg18 : memref<5120xf32, #tpu.memory_space<vmem>>)
    %scan3A_370 = arith.constant 0 : i32
    %scan3A_371 = arith.constant 0 : i32
    %scan3A_372 = arith.constant 40 : i32
    %scan3A_373 = arith.addi %scan3A_371, %scan3A_372 : i32
    %scan3A_374 = arith.constant 1 : i32
    scf.for %scan3A_521 = %scan3A_371 to %scan3A_373 step %scan3A_374  : i32 {
      %get3A = arith.index_cast %scan3A_521 : i32 to index
      %get3A_522 = arith.constant 0 : index
      %get3A_523 = tpu.vector_load %arg16[%get3A, %get3A_522] {strides = array<i32>} : memref<40x128xf32, #tpu.memory_space<vmem>>, vector<1x16xf32>,
      %get3A_524 = vector.shape_cast %get3A_523 : vector<1x16xf32> to vector<16xf32>
      %mul3A_525 = arith.constant 128 : i32
      %mul3A_526 = arith.muli %scan3A_521, %mul3A_525 : i32
      %add3A_527 = arith.constant 0 : i32
      %add3A_528 = arith.addi %mul3A_526, %add3A_527 : i32
      %get3A_529 = arith.index_cast %add3A_528 : i32 to index
      %get3A_530 = tpu.vector_load %arg18[%get3A_529] {strides = array<i32>} : memref<5120xf32, #tpu.memory_space<vmem>>, vector<16xf32>,
      %get3A_531 = vector.shape_cast %get3A_530 : vector<16xf32> to vector<16xf32>
      %mul3A_532 = arith.mulf %get3A_524, %get3A_531 : vector<16xf32>
      %swap3A = arith.index_cast %scan3A_521 : i32 to index
      %swap3A_533 = arith.constant 0 : index
      %swap3A_534 = tpu.vector_load %arg16[%swap3A, %swap3A_533] {strides = array<i32>} : memref<40x128xf32, #tpu.memory_space<vmem>>, vector<1x16xf32>,
      %swap3A_535 = vector.shape_cast %swap3A_534 : vector<1x16xf32> to vector<16xf32>
      %swap3A_536 = vector.shape_cast %mul3A_532 : vector<16xf32> to vector<1x16xf32>
      tpu.vector_store %arg16[%swap3A, %swap3A_533], %swap3A_536 {strides = array<i32>} : memref<40x128xf32, #tpu.memory_space<vmem>>, vector<1x16xf32>,
      %get3A_537 = arith.index_cast %scan3A_521 : i32 to index
      %get3A_538 = arith.constant 16 : index
      %get3A_539 = tpu.vector_load %arg16[%get3A_537, %get3A_538] {strides = array<i32>} : memref<40x128xf32, #tpu.memory_space<vmem>>, vector<1x16xf32>,
      %get3A_540 = vector.shape_cast %get3A_539 : vector<1x16xf32> to vector<16xf32>
      %mul3A_541 = arith.constant 128 : i32
      %mul3A_542 = arith.muli %scan3A_521, %mul3A_541 : i32
      %add3A_543 = arith.constant 16 : i32
      %add3A_544 = arith.addi %mul3A_542, %add3A_543 : i32
      %get3A_545 = arith.index_cast %add3A_544 : i32 to index
      %get3A_546 = tpu.vector_load %arg18[%get3A_545] {strides = array<i32>} : memref<5120xf32, #tpu.memory_space<vmem>>, vector<16xf32>,
      %get3A_547 = vector.shape_cast %get3A_546 : vector<16xf32> to vector<16xf32>
      %mul3A_548 = arith.mulf %get3A_540, %get3A_547 : vector<16xf32>
      %swap3A_549 = arith.index_cast %scan3A_521 : i32 to index
      %swap3A_550 = arith.constant 16 : index
      %swap3A_551 = tpu.vector_load %arg16[%swap3A_549, %swap3A_550] {strides = array<i32>} : memref<40x128xf32, #tpu.memory_space<vmem>>, vector<1x16xf32>,
      %swap3A_552 = vector.shape_cast %swap3A_551 : vector<1x16xf32> to vector<16xf32>
      %swap3A_553 = vector.shape_cast %mul3A_548 : vector<16xf32> to vector<1x16xf32>
      tpu.vector_store %arg16[%swap3A_549, %swap3A_550], %swap3A_553 {strides = array<i32>} : memref<40x128xf32, #tpu.memory_space<vmem>>, vector<1x16xf32>,
      %get3A_554 = arith.index_cast %scan3A_521 : i32 to index
      %get3A_555 = arith.constant 32 : index
      %get3A_556 = tpu.vector_load %arg16[%get3A_554, %get3A_555] {strides = array<i32>} : memref<40x128xf32, #tpu.memory_space<vmem>>, vector<1x16xf32>,
      %get3A_557 = vector.shape_cast %get3A_556 : vector<1x16xf32> to vector<16xf32>
      %mul3A_558 = arith.constant 128 : i32
      %mul3A_559 = arith.muli %scan3A_521, %mul3A_558 : i32
      %add3A_560 = arith.constant 32 : i32
      %add3A_561 = arith.addi %mul3A_559, %add3A_560 : i32
      %get3A_562 = arith.index_cast %add3A_561 : i32 to index
      %get3A_563 = tpu.vector_load %arg18[%get3A_562] {strides = array<i32>} : memref<5120xf32, #tpu.memory_space<vmem>>, vector<16xf32>,
      %get3A_564 = vector.shape_cast %get3A_563 : vector<16xf32> to vector<16xf32>
      %mul3A_565 = arith.mulf %get3A_557, %get3A_564 : vector<16xf32>
      %swap3A_566 = arith.index_cast %scan3A_521 : i32 to index
      %swap3A_567 = arith.constant 32 : index
      %swap3A_568 = tpu.vector_load %arg16[%swap3A_566, %swap3A_567] {strides = array<i32>} : memref<40x128xf32, #tpu.memory_space<vmem>>, vector<1x16xf32>,
      %swap3A_569 = vector.shape_cast %swap3A_568 : vector<1x16xf32> to vector<16xf32>
      %swap3A_570 = vector.shape_cast %mul3A_565 : vector<16xf32> to vector<1x16xf32>
      tpu.vector_store %arg16[%swap3A_566, %swap3A_567], %swap3A_570 {strides = array<i32>} : memref<40x128xf32, #tpu.memory_space<vmem>>, vector<1x16xf32>,
      %get3A_571 = arith.index_cast %scan3A_521 : i32 to index
      %get3A_572 = arith.constant 48 : index
      %get3A_573 = tpu.vector_load %arg16[%get3A_571, %get3A_572] {strides = array<i32>} : memref<40x128xf32, #tpu.memory_space<vmem>>, vector<1x16xf32>,
      %get3A_574 = vector.shape_cast %get3A_573 : vector<1x16xf32> to vector<16xf32>
      %mul3A_575 = arith.constant 128 : i32
      %mul3A_576 = arith.muli %scan3A_521, %mul3A_575 : i32
      %add3A_577 = arith.constant 48 : i32
      %add3A_578 = arith.addi %mul3A_576, %add3A_577 : i32
      %get3A_579 = arith.index_cast %add3A_578 : i32 to index
      %get3A_580 = tpu.vector_load %arg18[%get3A_579] {strides = array<i32>} : memref<5120xf32, #tpu.memory_space<vmem>>, vector<16xf32>,
      %get3A_581 = vector.shape_cast %get3A_580 : vector<16xf32> to vector<16xf32>
      %mul3A_582 = arith.mulf %get3A_574, %get3A_581 : vector<16xf32>
      %swap3A_583 = arith.index_cast %scan3A_521 : i32 to index
      %swap3A_584 = arith.constant 48 : index
      %swap3A_585 = tpu.vector_load %arg16[%swap3A_583, %swap3A_584] {strides = array<i32>} : memref<40x128xf32, #tpu.memory_space<vmem>>, vector<1x16xf32>,
      %swap3A_586 = vector.shape_cast %swap3A_585 : vector<1x16xf32> to vector<16xf32>
      %swap3A_587 = vector.shape_cast %mul3A_582 : vector<16xf32> to vector<1x16xf32>
      tpu.vector_store %arg16[%swap3A_583, %swap3A_584], %swap3A_587 {strides = array<i32>} : memref<40x128xf32, #tpu.memory_space<vmem>>, vector<1x16xf32>,
      %get3A_588 = arith.index_cast %scan3A_521 : i32 to index
      %get3A_589 = arith.constant 64 : index
      %get3A_590 = tpu.vector_load %arg16[%get3A_588, %get3A_589] {strides = array<i32>} : memref<40x128xf32, #tpu.memory_space<vmem>>, vector<1x16xf32>,
      %get3A_591 = vector.shape_cast %get3A_590 : vector<1x16xf32> to vector<16xf32>
      %mul3A_592 = arith.constant 128 : i32
      %mul3A_593 = arith.muli %scan3A_521, %mul3A_592 : i32
      %add3A_594 = arith.constant 64 : i32
      %add3A_595 = arith.addi %mul3A_593, %add3A_594 : i32
      %get3A_596 = arith.index_cast %add3A_595 : i32 to index
      %get3A_597 = tpu.vector_load %arg18[%get3A_596] {strides = array<i32>} : memref<5120xf32, #tpu.memory_space<vmem>>, vector<16xf32>,
      %get3A_598 = vector.shape_cast %get3A_597 : vector<16xf32> to vector<16xf32>
      %mul3A_599 = arith.mulf %get3A_591, %get3A_598 : vector<16xf32>
      %swap3A_600 = arith.index_cast %scan3A_521 : i32 to index
      %swap3A_601 = arith.constant 64 : index
      %swap3A_602 = tpu.vector_load %arg16[%swap3A_600, %swap3A_601] {strides = array<i32>} : memref<40x128xf32, #tpu.memory_space<vmem>>, vector<1x16xf32>,
      %swap3A_603 = vector.shape_cast %swap3A_602 : vector<1x16xf32> to vector<16xf32>
      %swap3A_604 = vector.shape_cast %mul3A_599 : vector<16xf32> to vector<1x16xf32>
      tpu.vector_store %arg16[%swap3A_600, %swap3A_601], %swap3A_604 {strides = array<i32>} : memref<40x128xf32, #tpu.memory_space<vmem>>, vector<1x16xf32>,
      %get3A_605 = arith.index_cast %scan3A_521 : i32 to index
      %get3A_606 = arith.constant 80 : index
      %get3A_607 = tpu.vector_load %arg16[%get3A_605, %get3A_606] {strides = array<i32>} : memref<40x128xf32, #tpu.memory_space<vmem>>, vector<1x16xf32>,
      %get3A_608 = vector.shape_cast %get3A_607 : vector<1x16xf32> to vector<16xf32>
      %mul3A_609 = arith.constant 128 : i32
      %mul3A_610 = arith.muli %scan3A_521, %mul3A_609 : i32
      %add3A_611 = arith.constant 80 : i32
      %add3A_612 = arith.addi %mul3A_610, %add3A_611 : i32
      %get3A_613 = arith.index_cast %add3A_612 : i32 to index
      %get3A_614 = tpu.vector_load %arg18[%get3A_613] {strides = array<i32>} : memref<5120xf32, #tpu.memory_space<vmem>>, vector<16xf32>,
      %get3A_615 = vector.shape_cast %get3A_614 : vector<16xf32> to vector<16xf32>
      %mul3A_616 = arith.mulf %get3A_608, %get3A_615 : vector<16xf32>
      %swap3A_617 = arith.index_cast %scan3A_521 : i32 to index
      %swap3A_618 = arith.constant 80 : index
      %swap3A_619 = tpu.vector_load %arg16[%swap3A_617, %swap3A_618] {strides = array<i32>} : memref<40x128xf32, #tpu.memory_space<vmem>>, vector<1x16xf32>,
      %swap3A_620 = vector.shape_cast %swap3A_619 : vector<1x16xf32> to vector<16xf32>
      %swap3A_621 = vector.shape_cast %mul3A_616 : vector<16xf32> to vector<1x16xf32>
      tpu.vector_store %arg16[%swap3A_617, %swap3A_618], %swap3A_621 {strides = array<i32>} : memref<40x128xf32, #tpu.memory_space<vmem>>, vector<1x16xf32>,
      %get3A_622 = arith.index_cast %scan3A_521 : i32 to index
      %get3A_623 = arith.constant 96 : index
      %get3A_624 = tpu.vector_load %arg16[%get3A_622, %get3A_623] {strides = array<i32>} : memref<40x128xf32, #tpu.memory_space<vmem>>, vector<1x16xf32>,
      %get3A_625 = vector.shape_cast %get3A_624 : vector<1x16xf32> to vector<16xf32>
      %mul3A_626 = arith.constant 128 : i32
      %mul3A_627 = arith.muli %scan3A_521, %mul3A_626 : i32
      %add3A_628 = arith.constant 96 : i32
      %add3A_629 = arith.addi %mul3A_627, %add3A_628 : i32
      %get3A_630 = arith.index_cast %add3A_629 : i32 to index
      %get3A_631 = tpu.vector_load %arg18[%get3A_630] {strides = array<i32>} : memref<5120xf32, #tpu.memory_space<vmem>>, vector<16xf32>,
      %get3A_632 = vector.shape_cast %get3A_631 : vector<16xf32> to vector<16xf32>
      %mul3A_633 = arith.mulf %get3A_625, %get3A_632 : vector<16xf32>
      %swap3A_634 = arith.index_cast %scan3A_521 : i32 to index
      %swap3A_635 = arith.constant 96 : index
      %swap3A_636 = tpu.vector_load %arg16[%swap3A_634, %swap3A_635] {strides = array<i32>} : memref<40x128xf32, #tpu.memory_space<vmem>>, vector<1x16xf32>,
      %swap3A_637 = vector.shape_cast %swap3A_636 : vector<1x16xf32> to vector<16xf32>
      %swap3A_638 = vector.shape_cast %mul3A_633 : vector<16xf32> to vector<1x16xf32>
      tpu.vector_store %arg16[%swap3A_634, %swap3A_635], %swap3A_638 {strides = array<i32>} : memref<40x128xf32, #tpu.memory_space<vmem>>, vector<1x16xf32>,
      %get3A_639 = arith.index_cast %scan3A_521 : i32 to index
      %get3A_640 = arith.constant 112 : index
      %get3A_641 = tpu.vector_load %arg16[%get3A_639, %get3A_640] {strides = array<i32>} : memref<40x128xf32, #tpu.memory_space<vmem>>, vector<1x16xf32>,
      %get3A_642 = vector.shape_cast %get3A_641 : vector<1x16xf32> to vector<16xf32>
      %mul3A_643 = arith.constant 128 : i32
      %mul3A_644 = arith.muli %scan3A_521, %mul3A_643 : i32
      %add3A_645 = arith.constant 112 : i32
      %add3A_646 = arith.addi %mul3A_644, %add3A_645 : i32
      %get3A_647 = arith.index_cast %add3A_646 : i32 to index
      %get3A_648 = tpu.vector_load %arg18[%get3A_647] {strides = array<i32>} : memref<5120xf32, #tpu.memory_space<vmem>>, vector<16xf32>,
      %get3A_649 = vector.shape_cast %get3A_648 : vector<16xf32> to vector<16xf32>
      %mul3A_650 = arith.mulf %get3A_642, %get3A_649 : vector<16xf32>
      %swap3A_651 = arith.index_cast %scan3A_521 : i32 to index
      %swap3A_652 = arith.constant 112 : index
      %swap3A_653 = tpu.vector_load %arg16[%swap3A_651, %swap3A_652] {strides = array<i32>} : memref<40x128xf32, #tpu.memory_space<vmem>>, vector<1x16xf32>,
      %swap3A_654 = vector.shape_cast %swap3A_653 : vector<1x16xf32> to vector<16xf32>
      %swap3A_655 = vector.shape_cast %mul3A_650 : vector<16xf32> to vector<1x16xf32>
      tpu.vector_store %arg16[%swap3A_651, %swap3A_652], %swap3A_655 {strides = array<i32>} : memref<40x128xf32, #tpu.memory_space<vmem>>, vector<1x16xf32>,
    }
    %scan3A_375 = arith.constant 40 : i32
    "tpu.region"() ({
      %run_scoped3A = tpu.sem_alloc : memref<!tpu.dma_semaphore, #tpu.memory_space<semaphore_mem>>
      %dma_start3A_521 = arith.constant 0 : i32
      %dma_start3A_522 = arith.constant 0 : i32
      %dma_start3A_523 = tpu.memref_slice %arg19[%dma_start3A_521, %dma_start3A_522] : memref<10240x128xf32, #tpu.memory_space<vmem_shared>> -> memref<10240x128xf32, #tpu.memory_space<vmem_shared>>
      tpu.enqueue_indirect_dma source(%arg16 : memref<40x128xf32, #tpu.memory_space<vmem>>) target(%dma_start3A_523 : memref<10240x128xf32, #tpu.memory_space<vmem_shared>>) offsets(%arg12 : memref<40xi32, #tpu.memory_space<vmem>>) semaphore(%run_scoped3A : memref<!tpu.dma_semaphore, #tpu.memory_space<semaphore_mem>>) {add = true}
      %dma_wait3A_524 = arith.constant 0 : i32
      %dma_wait3A_525 = arith.constant 0 : i32
      %dma_wait3A_526 = tpu.memref_slice %arg19[%dma_wait3A_524, %dma_wait3A_525] : memref<10240x128xf32, #tpu.memory_space<vmem_shared>> -> memref<10240x128xf32, #tpu.memory_space<vmem_shared>>
      tpu.wait_indirect_dma semaphore(%run_scoped3A : memref<!tpu.dma_semaphore, #tpu.memory_space<semaphore_mem>>) src(%arg16 : memref<40x128xf32, #tpu.memory_space<vmem>>) dst(%dma_wait3A_526 : memref<10240x128xf32, #tpu.memory_space<vmem_shared>>)
      tpu.yield
    }) : () -> ()
    %barrier3A_376 = arith.constant 0 : index
    tpu.barrier barrier_id(%barrier3A_376)
    %mul3A_377 = arith.constant 640 : i32
    %mul3A_378 = arith.muli %arg1, %mul3A_377 : i32
    %add3A_379 = arith.constant 0 : i32
    %add3A_380 = arith.addi %mul3A_378, %add3A_379 : i32
    %multiple_of3A_381 = tpu.assume_multiple %add3A_380, 8 : i32
    "tpu.region"() ({
      %run_scoped3A = tpu.sem_alloc : memref<!tpu.dma_semaphore, #tpu.memory_space<semaphore_mem>>
      %dma_start3A_521 = arith.constant 0 : i32
      %dma_start3A_522 = tpu.memref_slice %arg19[%multiple_of3A_381, %dma_start3A_521] : memref<10240x128xf32, #tpu.memory_space<vmem_shared>> -> memref<40x128xf32, #tpu.memory_space<vmem_shared>>
      %dma_start3A_523 = arith.constant 0 : i32
      %dma_start3A_524 = tpu.memref_slice %arg19[%multiple_of3A_381, %dma_start3A_523] : memref<10240x128xf32, #tpu.memory_space<vmem_shared>> -> memref<40x128xf32, #tpu.memory_space<vmem_shared>>
      tpu.enqueue_dma source(%dma_start3A_524 : memref<40x128xf32, #tpu.memory_space<vmem_shared>>) target(%arg15 : memref<40x128xf32, #tpu.memory_space<vmem>>) target_semaphore(%run_scoped3A : memref<!tpu.dma_semaphore, #tpu.memory_space<semaphore_mem>>)
      %dma_wait3A_525 = arith.constant 0 : i32
      %dma_wait3A_526 = tpu.memref_slice %arg19[%multiple_of3A_381, %dma_wait3A_525] : memref<10240x128xf32, #tpu.memory_space<vmem_shared>> -> memref<40x128xf32, #tpu.memory_space<vmem_shared>>
      %dma_wait3A_527 = arith.constant 0 : i32
      %dma_wait3A_528 = tpu.memref_slice %arg19[%multiple_of3A_381, %dma_wait3A_527] : memref<10240x128xf32, #tpu.memory_space<vmem_shared>> -> memref<40x128xf32, #tpu.memory_space<vmem_shared>>
      tpu.wait_dma2 semaphore(%run_scoped3A : memref<!tpu.dma_semaphore, #tpu.memory_space<semaphore_mem>>) src(%dma_wait3A_528 : memref<40x128xf32, #tpu.memory_space<vmem_shared>>) dst(%arg15 : memref<40x128xf32, #tpu.memory_space<vmem>>)
      tpu.yield
    }) : () -> ()
    %mul3A_382 = arith.constant 10240 : i32
    %mul3A_383 = arith.muli %arg0, %mul3A_382 : i32
    %add3A_384 = arith.addi %mul3A_383, %multiple_of3A_381 : i32
    %multiple_of3A_385 = tpu.assume_multiple %add3A_384, 8 : i32
    "tpu.region"() ({
      %run_scoped3A = tpu.sem_alloc : memref<!tpu.dma_semaphore, #tpu.memory_space<semaphore_mem>>
      %dma_start3A_521 = arith.constant 0 : i32
      %dma_start3A_522 = tpu.memref_slice %arg6[%multiple_of3A_385, %dma_start3A_521] : memref<20480x128xf32, #tpu.memory_space<hbm>> -> memref<40x128xf32, #tpu.memory_space<hbm>>
      %dma_start3A_523 = arith.constant 0 : i32
      %dma_start3A_524 = tpu.memref_slice %arg6[%multiple_of3A_385, %dma_start3A_523] : memref<20480x128xf32, #tpu.memory_space<hbm>> -> memref<40x128xf32, #tpu.memory_space<hbm>>
      tpu.enqueue_dma source(%arg15 : memref<40x128xf32, #tpu.memory_space<vmem>>) target(%dma_start3A_524 : memref<40x128xf32, #tpu.memory_space<hbm>>) target_semaphore(%run_scoped3A : memref<!tpu.dma_semaphore, #tpu.memory_space<semaphore_mem>>)
      %dma_wait3A_525 = arith.constant 0 : i32
      %dma_wait3A_526 = tpu.memref_slice %arg6[%multiple_of3A_385, %dma_wait3A_525] : memref<20480x128xf32, #tpu.memory_space<hbm>> -> memref<40x128xf32, #tpu.memory_space<hbm>>
      %dma_wait3A_527 = arith.constant 0 : i32
      %dma_wait3A_528 = tpu.memref_slice %arg6[%multiple_of3A_385, %dma_wait3A_527] : memref<20480x128xf32, #tpu.memory_space<hbm>> -> memref<40x128xf32, #tpu.memory_space<hbm>>
      tpu.wait_dma2 semaphore(%run_scoped3A : memref<!tpu.dma_semaphore, #tpu.memory_space<semaphore_mem>>) src(%arg15 : memref<40x128xf32, #tpu.memory_space<vmem>>) dst(%dma_wait3A_528 : memref<40x128xf32, #tpu.memory_space<hbm>>)
      tpu.yield
    }) : () -> ()
    %mul3A_386 = arith.constant 640 : i32
    %mul3A_387 = arith.muli %arg1, %mul3A_386 : i32
    %add3A_388 = arith.constant 40 : i32
    %add3A_389 = arith.addi %mul3A_387, %add3A_388 : i32
    %multiple_of3A_390 = tpu.assume_multiple %add3A_389, 8 : i32
    "tpu.region"() ({
      %run_scoped3A = tpu.sem_alloc : memref<!tpu.dma_semaphore, #tpu.memory_space<semaphore_mem>>
      %dma_start3A_521 = arith.constant 0 : i32
      %dma_start3A_522 = tpu.memref_slice %arg19[%multiple_of3A_390, %dma_start3A_521] : memref<10240x128xf32, #tpu.memory_space<vmem_shared>> -> memref<40x128xf32, #tpu.memory_space<vmem_shared>>
      %dma_start3A_523 = arith.constant 0 : i32
      %dma_start3A_524 = tpu.memref_slice %arg19[%multiple_of3A_390, %dma_start3A_523] : memref<10240x128xf32, #tpu.memory_space<vmem_shared>> -> memref<40x128xf32, #tpu.memory_space<vmem_shared>>
      tpu.enqueue_dma source(%dma_start3A_524 : memref<40x128xf32, #tpu.memory_space<vmem_shared>>) target(%arg16 : memref<40x128xf32, #tpu.memory_space<vmem>>) target_semaphore(%run_scoped3A : memref<!tpu.dma_semaphore, #tpu.memory_space<semaphore_mem>>)
      %dma_wait3A_525 = arith.constant 0 : i32
      %dma_wait3A_526 = tpu.memref_slice %arg19[%multiple_of3A_390, %dma_wait3A_525] : memref<10240x128xf32, #tpu.memory_space<vmem_shared>> -> memref<40x128xf32, #tpu.memory_space<vmem_shared>>
      %dma_wait3A_527 = arith.constant 0 : i32
      %dma_wait3A_528 = tpu.memref_slice %arg19[%multiple_of3A_390, %dma_wait3A_527] : memref<10240x128xf32, #tpu.memory_space<vmem_shared>> -> memref<40x128xf32, #tpu.memory_space<vmem_shared>>
      tpu.wait_dma2 semaphore(%run_scoped3A : memref<!tpu.dma_semaphore, #tpu.memory_space<semaphore_mem>>) src(%dma_wait3A_528 : memref<40x128xf32, #tpu.memory_space<vmem_shared>>) dst(%arg16 : memref<40x128xf32, #tpu.memory_space<vmem>>)
      tpu.yield
    }) : () -> ()
    %mul3A_391 = arith.constant 10240 : i32
    %mul3A_392 = arith.muli %arg0, %mul3A_391 : i32
    %add3A_393 = arith.addi %mul3A_392, %multiple_of3A_390 : i32
    %multiple_of3A_394 = tpu.assume_multiple %add3A_393, 8 : i32
    "tpu.region"() ({
      %run_scoped3A = tpu.sem_alloc : memref<!tpu.dma_semaphore, #tpu.memory_space<semaphore_mem>>
      %dma_start3A_521 = arith.constant 0 : i32
      %dma_start3A_522 = tpu.memref_slice %arg6[%multiple_of3A_394, %dma_start3A_521] : memref<20480x128xf32, #tpu.memory_space<hbm>> -> memref<40x128xf32, #tpu.memory_space<hbm>>
      %dma_start3A_523 = arith.constant 0 : i32
      %dma_start3A_524 = tpu.memref_slice %arg6[%multiple_of3A_394, %dma_start3A_523] : memref<20480x128xf32, #tpu.memory_space<hbm>> -> memref<40x128xf32, #tpu.memory_space<hbm>>
      tpu.enqueue_dma source(%arg16 : memref<40x128xf32, #tpu.memory_space<vmem>>) target(%dma_start3A_524 : memref<40x128xf32, #tpu.memory_space<hbm>>) target_semaphore(%run_scoped3A : memref<!tpu.dma_semaphore, #tpu.memory_space<semaphore_mem>>)
      %dma_wait3A_525 = arith.constant 0 : i32
      %dma_wait3A_526 = tpu.memref_slice %arg6[%multiple_of3A_394, %dma_wait3A_525] : memref<20480x128xf32, #tpu.memory_space<hbm>> -> memref<40x128xf32, #tpu.memory_space<hbm>>
      %dma_wait3A_527 = arith.constant 0 : i32
      %dma_wait3A_528 = tpu.memref_slice %arg6[%multiple_of3A_394, %dma_wait3A_527] : memref<20480x128xf32, #tpu.memory_space<hbm>> -> memref<40x128xf32, #tpu.memory_space<hbm>>
      tpu.wait_dma2 semaphore(%run_scoped3A : memref<!tpu.dma_semaphore, #tpu.memory_space<semaphore_mem>>) src(%arg16 : memref<40x128xf32, #tpu.memory_space<vmem>>) dst(%dma_wait3A_528 : memref<40x128xf32, #tpu.memory_space<hbm>>)
      tpu.yield
    }) : () -> ()
    %mul3A_395 = arith.constant 640 : i32
    %mul3A_396 = arith.muli %arg1, %mul3A_395 : i32
    %add3A_397 = arith.constant 80 : i32
    %add3A_398 = arith.addi %mul3A_396, %add3A_397 : i32
    %multiple_of3A_399 = tpu.assume_multiple %add3A_398, 8 : i32
    "tpu.region"() ({
      %run_scoped3A = tpu.sem_alloc : memref<!tpu.dma_semaphore, #tpu.memory_space<semaphore_mem>>
      %dma_start3A_521 = arith.constant 0 : i32
      %dma_start3A_522 = tpu.memref_slice %arg19[%multiple_of3A_399, %dma_start3A_521] : memref<10240x128xf32, #tpu.memory_space<vmem_shared>> -> memref<40x128xf32, #tpu.memory_space<vmem_shared>>
      %dma_start3A_523 = arith.constant 0 : i32
      %dma_start3A_524 = tpu.memref_slice %arg19[%multiple_of3A_399, %dma_start3A_523] : memref<10240x128xf32, #tpu.memory_space<vmem_shared>> -> memref<40x128xf32, #tpu.memory_space<vmem_shared>>
      tpu.enqueue_dma source(%dma_start3A_524 : memref<40x128xf32, #tpu.memory_space<vmem_shared>>) target(%arg15 : memref<40x128xf32, #tpu.memory_space<vmem>>) target_semaphore(%run_scoped3A : memref<!tpu.dma_semaphore, #tpu.memory_space<semaphore_mem>>)
      %dma_wait3A_525 = arith.constant 0 : i32
      %dma_wait3A_526 = tpu.memref_slice %arg19[%multiple_of3A_399, %dma_wait3A_525] : memref<10240x128xf32, #tpu.memory_space<vmem_shared>> -> memref<40x128xf32, #tpu.memory_space<vmem_shared>>
      %dma_wait3A_527 = arith.constant 0 : i32
      %dma_wait3A_528 = tpu.memref_slice %arg19[%multiple_of3A_399, %dma_wait3A_527] : memref<10240x128xf32, #tpu.memory_space<vmem_shared>> -> memref<40x128xf32, #tpu.memory_space<vmem_shared>>
      tpu.wait_dma2 semaphore(%run_scoped3A : memref<!tpu.dma_semaphore, #tpu.memory_space<semaphore_mem>>) src(%dma_wait3A_528 : memref<40x128xf32, #tpu.memory_space<vmem_shared>>) dst(%arg15 : memref<40x128xf32, #tpu.memory_space<vmem>>)
      tpu.yield
    }) : () -> ()
    %mul3A_400 = arith.constant 10240 : i32
    %mul3A_401 = arith.muli %arg0, %mul3A_400 : i32
    %add3A_402 = arith.addi %mul3A_401, %multiple_of3A_399 : i32
    %multiple_of3A_403 = tpu.assume_multiple %add3A_402, 8 : i32
    "tpu.region"() ({
      %run_scoped3A = tpu.sem_alloc : memref<!tpu.dma_semaphore, #tpu.memory_space<semaphore_mem>>
      %dma_start3A_521 = arith.constant 0 : i32
      %dma_start3A_522 = tpu.memref_slice %arg6[%multiple_of3A_403, %dma_start3A_521] : memref<20480x128xf32, #tpu.memory_space<hbm>> -> memref<40x128xf32, #tpu.memory_space<hbm>>
      %dma_start3A_523 = arith.constant 0 : i32
      %dma_start3A_524 = tpu.memref_slice %arg6[%multiple_of3A_403, %dma_start3A_523] : memref<20480x128xf32, #tpu.memory_space<hbm>> -> memref<40x128xf32, #tpu.memory_space<hbm>>
      tpu.enqueue_dma source(%arg15 : memref<40x128xf32, #tpu.memory_space<vmem>>) target(%dma_start3A_524 : memref<40x128xf32, #tpu.memory_space<hbm>>) target_semaphore(%run_scoped3A : memref<!tpu.dma_semaphore, #tpu.memory_space<semaphore_mem>>)
      %dma_wait3A_525 = arith.constant 0 : i32
      %dma_wait3A_526 = tpu.memref_slice %arg6[%multiple_of3A_403, %dma_wait3A_525] : memref<20480x128xf32, #tpu.memory_space<hbm>> -> memref<40x128xf32, #tpu.memory_space<hbm>>
      %dma_wait3A_527 = arith.constant 0 : i32
      %dma_wait3A_528 = tpu.memref_slice %arg6[%multiple_of3A_403, %dma_wait3A_527] : memref<20480x128xf32, #tpu.memory_space<hbm>> -> memref<40x128xf32, #tpu.memory_space<hbm>>
      tpu.wait_dma2 semaphore(%run_scoped3A : memref<!tpu.dma_semaphore, #tpu.memory_space<semaphore_mem>>) src(%arg15 : memref<40x128xf32, #tpu.memory_space<vmem>>) dst(%dma_wait3A_528 : memref<40x128xf32, #tpu.memory_space<hbm>>)
      tpu.yield
    }) : () -> ()
    %mul3A_404 = arith.constant 640 : i32
    %mul3A_405 = arith.muli %arg1, %mul3A_404 : i32
    %add3A_406 = arith.constant 120 : i32
    %add3A_407 = arith.addi %mul3A_405, %add3A_406 : i32
    %multiple_of3A_408 = tpu.assume_multiple %add3A_407, 8 : i32
    "tpu.region"() ({
      %run_scoped3A = tpu.sem_alloc : memref<!tpu.dma_semaphore, #tpu.memory_space<semaphore_mem>>
      %dma_start3A_521 = arith.constant 0 : i32
      %dma_start3A_522 = tpu.memref_slice %arg19[%multiple_of3A_408, %dma_start3A_521] : memref<10240x128xf32, #tpu.memory_space<vmem_shared>> -> memref<40x128xf32, #tpu.memory_space<vmem_shared>>
      %dma_start3A_523 = arith.constant 0 : i32
      %dma_start3A_524 = tpu.memref_slice %arg19[%multiple_of3A_408, %dma_start3A_523] : memref<10240x128xf32, #tpu.memory_space<vmem_shared>> -> memref<40x128xf32, #tpu.memory_space<vmem_shared>>
      tpu.enqueue_dma source(%dma_start3A_524 : memref<40x128xf32, #tpu.memory_space<vmem_shared>>) target(%arg16 : memref<40x128xf32, #tpu.memory_space<vmem>>) target_semaphore(%run_scoped3A : memref<!tpu.dma_semaphore, #tpu.memory_space<semaphore_mem>>)
      %dma_wait3A_525 = arith.constant 0 : i32
      %dma_wait3A_526 = tpu.memref_slice %arg19[%multiple_of3A_408, %dma_wait3A_525] : memref<10240x128xf32, #tpu.memory_space<vmem_shared>> -> memref<40x128xf32, #tpu.memory_space<vmem_shared>>
      %dma_wait3A_527 = arith.constant 0 : i32
      %dma_wait3A_528 = tpu.memref_slice %arg19[%multiple_of3A_408, %dma_wait3A_527] : memref<10240x128xf32, #tpu.memory_space<vmem_shared>> -> memref<40x128xf32, #tpu.memory_space<vmem_shared>>
      tpu.wait_dma2 semaphore(%run_scoped3A : memref<!tpu.dma_semaphore, #tpu.memory_space<semaphore_mem>>) src(%dma_wait3A_528 : memref<40x128xf32, #tpu.memory_space<vmem_shared>>) dst(%arg16 : memref<40x128xf32, #tpu.memory_space<vmem>>)
      tpu.yield
    }) : () -> ()
    %mul3A_409 = arith.constant 10240 : i32
    %mul3A_410 = arith.muli %arg0, %mul3A_409 : i32
    %add3A_411 = arith.addi %mul3A_410, %multiple_of3A_408 : i32
    %multiple_of3A_412 = tpu.assume_multiple %add3A_411, 8 : i32
    "tpu.region"() ({
      %run_scoped3A = tpu.sem_alloc : memref<!tpu.dma_semaphore, #tpu.memory_space<semaphore_mem>>
      %dma_start3A_521 = arith.constant 0 : i32
      %dma_start3A_522 = tpu.memref_slice %arg6[%multiple_of3A_412, %dma_start3A_521] : memref<20480x128xf32, #tpu.memory_space<hbm>> -> memref<40x128xf32, #tpu.memory_space<hbm>>
      %dma_start3A_523 = arith.constant 0 : i32
      %dma_start3A_524 = tpu.memref_slice %arg6[%multiple_of3A_412, %dma_start3A_523] : memref<20480x128xf32, #tpu.memory_space<hbm>> -> memref<40x128xf32, #tpu.memory_space<hbm>>
      tpu.enqueue_dma source(%arg16 : memref<40x128xf32, #tpu.memory_space<vmem>>) target(%dma_start3A_524 : memref<40x128xf32, #tpu.memory_space<hbm>>) target_semaphore(%run_scoped3A : memref<!tpu.dma_semaphore, #tpu.memory_space<semaphore_mem>>)
      %dma_wait3A_525 = arith.constant 0 : i32
      %dma_wait3A_526 = tpu.memref_slice %arg6[%multiple_of3A_412, %dma_wait3A_525] : memref<20480x128xf32, #tpu.memory_space<hbm>> -> memref<40x128xf32, #tpu.memory_space<hbm>>
      %dma_wait3A_527 = arith.constant 0 : i32
      %dma_wait3A_528 = tpu.memref_slice %arg6[%multiple_of3A_412, %dma_wait3A_527] : memref<20480x128xf32, #tpu.memory_space<hbm>> -> memref<40x128xf32, #tpu.memory_space<hbm>>
      tpu.wait_dma2 semaphore(%run_scoped3A : memref<!tpu.dma_semaphore, #tpu.memory_space<semaphore_mem>>) src(%arg16 : memref<40x128xf32, #tpu.memory_space<vmem>>) dst(%dma_wait3A_528 : memref<40x128xf32, #tpu.memory_space<hbm>>)
      tpu.yield
    }) : () -> ()
    %mul3A_413 = arith.constant 640 : i32
    %mul3A_414 = arith.muli %arg1, %mul3A_413 : i32
    %add3A_415 = arith.constant 160 : i32
    %add3A_416 = arith.addi %mul3A_414, %add3A_415 : i32
    %multiple_of3A_417 = tpu.assume_multiple %add3A_416, 8 : i32
    "tpu.region"() ({
      %run_scoped3A = tpu.sem_alloc : memref<!tpu.dma_semaphore, #tpu.memory_space<semaphore_mem>>
      %dma_start3A_521 = arith.constant 0 : i32
      %dma_start3A_522 = tpu.memref_slice %arg19[%multiple_of3A_417, %dma_start3A_521] : memref<10240x128xf32, #tpu.memory_space<vmem_shared>> -> memref<40x128xf32, #tpu.memory_space<vmem_shared>>
      %dma_start3A_523 = arith.constant 0 : i32
      %dma_start3A_524 = tpu.memref_slice %arg19[%multiple_of3A_417, %dma_start3A_523] : memref<10240x128xf32, #tpu.memory_space<vmem_shared>> -> memref<40x128xf32, #tpu.memory_space<vmem_shared>>
      tpu.enqueue_dma source(%dma_start3A_524 : memref<40x128xf32, #tpu.memory_space<vmem_shared>>) target(%arg15 : memref<40x128xf32, #tpu.memory_space<vmem>>) target_semaphore(%run_scoped3A : memref<!tpu.dma_semaphore, #tpu.memory_space<semaphore_mem>>)
      %dma_wait3A_525 = arith.constant 0 : i32
      %dma_wait3A_526 = tpu.memref_slice %arg19[%multiple_of3A_417, %dma_wait3A_525] : memref<10240x128xf32, #tpu.memory_space<vmem_shared>> -> memref<40x128xf32, #tpu.memory_space<vmem_shared>>
      %dma_wait3A_527 = arith.constant 0 : i32
      %dma_wait3A_528 = tpu.memref_slice %arg19[%multiple_of3A_417, %dma_wait3A_527] : memref<10240x128xf32, #tpu.memory_space<vmem_shared>> -> memref<40x128xf32, #tpu.memory_space<vmem_shared>>
      tpu.wait_dma2 semaphore(%run_scoped3A : memref<!tpu.dma_semaphore, #tpu.memory_space<semaphore_mem>>) src(%dma_wait3A_528 : memref<40x128xf32, #tpu.memory_space<vmem_shared>>) dst(%arg15 : memref<40x128xf32, #tpu.memory_space<vmem>>)
      tpu.yield
    }) : () -> ()
    %mul3A_418 = arith.constant 10240 : i32
    %mul3A_419 = arith.muli %arg0, %mul3A_418 : i32
    %add3A_420 = arith.addi %mul3A_419, %multiple_of3A_417 : i32
    %multiple_of3A_421 = tpu.assume_multiple %add3A_420, 8 : i32
    "tpu.region"() ({
      %run_scoped3A = tpu.sem_alloc : memref<!tpu.dma_semaphore, #tpu.memory_space<semaphore_mem>>
      %dma_start3A_521 = arith.constant 0 : i32
      %dma_start3A_522 = tpu.memref_slice %arg6[%multiple_of3A_421, %dma_start3A_521] : memref<20480x128xf32, #tpu.memory_space<hbm>> -> memref<40x128xf32, #tpu.memory_space<hbm>>
      %dma_start3A_523 = arith.constant 0 : i32
      %dma_start3A_524 = tpu.memref_slice %arg6[%multiple_of3A_421, %dma_start3A_523] : memref<20480x128xf32, #tpu.memory_space<hbm>> -> memref<40x128xf32, #tpu.memory_space<hbm>>
      tpu.enqueue_dma source(%arg15 : memref<40x128xf32, #tpu.memory_space<vmem>>) target(%dma_start3A_524 : memref<40x128xf32, #tpu.memory_space<hbm>>) target_semaphore(%run_scoped3A : memref<!tpu.dma_semaphore, #tpu.memory_space<semaphore_mem>>)
      %dma_wait3A_525 = arith.constant 0 : i32
      %dma_wait3A_526 = tpu.memref_slice %arg6[%multiple_of3A_421, %dma_wait3A_525] : memref<20480x128xf32, #tpu.memory_space<hbm>> -> memref<40x128xf32, #tpu.memory_space<hbm>>
      %dma_wait3A_527 = arith.constant 0 : i32
      %dma_wait3A_528 = tpu.memref_slice %arg6[%multiple_of3A_421, %dma_wait3A_527] : memref<20480x128xf32, #tpu.memory_space<hbm>> -> memref<40x128xf32, #tpu.memory_space<hbm>>
      tpu.wait_dma2 semaphore(%run_scoped3A : memref<!tpu.dma_semaphore, #tpu.memory_space<semaphore_mem>>) src(%arg15 : memref<40x128xf32, #tpu.memory_space<vmem>>) dst(%dma_wait3A_528 : memref<40x128xf32, #tpu.memory_space<hbm>>)
      tpu.yield
    }) : () -> ()
    %mul3A_422 = arith.constant 640 : i32
    %mul3A_423 = arith.muli %arg1, %mul3A_422 : i32
    %add3A_424 = arith.constant 200 : i32
    %add3A_425 = arith.addi %mul3A_423, %add3A_424 : i32
    %multiple_of3A_426 = tpu.assume_multiple %add3A_425, 8 : i32
    "tpu.region"() ({
      %run_scoped3A = tpu.sem_alloc : memref<!tpu.dma_semaphore, #tpu.memory_space<semaphore_mem>>
      %dma_start3A_521 = arith.constant 0 : i32
      %dma_start3A_522 = tpu.memref_slice %arg19[%multiple_of3A_426, %dma_start3A_521] : memref<10240x128xf32, #tpu.memory_space<vmem_shared>> -> memref<40x128xf32, #tpu.memory_space<vmem_shared>>
      %dma_start3A_523 = arith.constant 0 : i32
      %dma_start3A_524 = tpu.memref_slice %arg19[%multiple_of3A_426, %dma_start3A_523] : memref<10240x128xf32, #tpu.memory_space<vmem_shared>> -> memref<40x128xf32, #tpu.memory_space<vmem_shared>>
      tpu.enqueue_dma source(%dma_start3A_524 : memref<40x128xf32, #tpu.memory_space<vmem_shared>>) target(%arg16 : memref<40x128xf32, #tpu.memory_space<vmem>>) target_semaphore(%run_scoped3A : memref<!tpu.dma_semaphore, #tpu.memory_space<semaphore_mem>>)
      %dma_wait3A_525 = arith.constant 0 : i32
      %dma_wait3A_526 = tpu.memref_slice %arg19[%multiple_of3A_426, %dma_wait3A_525] : memref<10240x128xf32, #tpu.memory_space<vmem_shared>> -> memref<40x128xf32, #tpu.memory_space<vmem_shared>>
      %dma_wait3A_527 = arith.constant 0 : i32
      %dma_wait3A_528 = tpu.memref_slice %arg19[%multiple_of3A_426, %dma_wait3A_527] : memref<10240x128xf32, #tpu.memory_space<vmem_shared>> -> memref<40x128xf32, #tpu.memory_space<vmem_shared>>
      tpu.wait_dma2 semaphore(%run_scoped3A : memref<!tpu.dma_semaphore, #tpu.memory_space<semaphore_mem>>) src(%dma_wait3A_528 : memref<40x128xf32, #tpu.memory_space<vmem_shared>>) dst(%arg16 : memref<40x128xf32, #tpu.memory_space<vmem>>)
      tpu.yield
    }) : () -> ()
    %mul3A_427 = arith.constant 10240 : i32
    %mul3A_428 = arith.muli %arg0, %mul3A_427 : i32
    %add3A_429 = arith.addi %mul3A_428, %multiple_of3A_426 : i32
    %multiple_of3A_430 = tpu.assume_multiple %add3A_429, 8 : i32
    "tpu.region"() ({
      %run_scoped3A = tpu.sem_alloc : memref<!tpu.dma_semaphore, #tpu.memory_space<semaphore_mem>>
      %dma_start3A_521 = arith.constant 0 : i32
      %dma_start3A_522 = tpu.memref_slice %arg6[%multiple_of3A_430, %dma_start3A_521] : memref<20480x128xf32, #tpu.memory_space<hbm>> -> memref<40x128xf32, #tpu.memory_space<hbm>>
      %dma_start3A_523 = arith.constant 0 : i32
      %dma_start3A_524 = tpu.memref_slice %arg6[%multiple_of3A_430, %dma_start3A_523] : memref<20480x128xf32, #tpu.memory_space<hbm>> -> memref<40x128xf32, #tpu.memory_space<hbm>>
      tpu.enqueue_dma source(%arg16 : memref<40x128xf32, #tpu.memory_space<vmem>>) target(%dma_start3A_524 : memref<40x128xf32, #tpu.memory_space<hbm>>) target_semaphore(%run_scoped3A : memref<!tpu.dma_semaphore, #tpu.memory_space<semaphore_mem>>)
      %dma_wait3A_525 = arith.constant 0 : i32
      %dma_wait3A_526 = tpu.memref_slice %arg6[%multiple_of3A_430, %dma_wait3A_525] : memref<20480x128xf32, #tpu.memory_space<hbm>> -> memref<40x128xf32, #tpu.memory_space<hbm>>
      %dma_wait3A_527 = arith.constant 0 : i32
      %dma_wait3A_528 = tpu.memref_slice %arg6[%multiple_of3A_430, %dma_wait3A_527] : memref<20480x128xf32, #tpu.memory_space<hbm>> -> memref<40x128xf32, #tpu.memory_space<hbm>>
      tpu.wait_dma2 semaphore(%run_scoped3A : memref<!tpu.dma_semaphore, #tpu.memory_space<semaphore_mem>>) src(%arg16 : memref<40x128xf32, #tpu.memory_space<vmem>>) dst(%dma_wait3A_528 : memref<40x128xf32, #tpu.memory_space<hbm>>)
      tpu.yield
    }) : () -> ()
    %mul3A_431 = arith.constant 640 : i32
    %mul3A_432 = arith.muli %arg1, %mul3A_431 : i32
    %add3A_433 = arith.constant 240 : i32
    %add3A_434 = arith.addi %mul3A_432, %add3A_433 : i32
    %multiple_of3A_435 = tpu.assume_multiple %add3A_434, 8 : i32
    "tpu.region"() ({
      %run_scoped3A = tpu.sem_alloc : memref<!tpu.dma_semaphore, #tpu.memory_space<semaphore_mem>>
      %dma_start3A_521 = arith.constant 0 : i32
      %dma_start3A_522 = tpu.memref_slice %arg19[%multiple_of3A_435, %dma_start3A_521] : memref<10240x128xf32, #tpu.memory_space<vmem_shared>> -> memref<40x128xf32, #tpu.memory_space<vmem_shared>>
      %dma_start3A_523 = arith.constant 0 : i32
      %dma_start3A_524 = tpu.memref_slice %arg19[%multiple_of3A_435, %dma_start3A_523] : memref<10240x128xf32, #tpu.memory_space<vmem_shared>> -> memref<40x128xf32, #tpu.memory_space<vmem_shared>>
      tpu.enqueue_dma source(%dma_start3A_524 : memref<40x128xf32, #tpu.memory_space<vmem_shared>>) target(%arg15 : memref<40x128xf32, #tpu.memory_space<vmem>>) target_semaphore(%run_scoped3A : memref<!tpu.dma_semaphore, #tpu.memory_space<semaphore_mem>>)
      %dma_wait3A_525 = arith.constant 0 : i32
      %dma_wait3A_526 = tpu.memref_slice %arg19[%multiple_of3A_435, %dma_wait3A_525] : memref<10240x128xf32, #tpu.memory_space<vmem_shared>> -> memref<40x128xf32, #tpu.memory_space<vmem_shared>>
      %dma_wait3A_527 = arith.constant 0 : i32
      %dma_wait3A_528 = tpu.memref_slice %arg19[%multiple_of3A_435, %dma_wait3A_527] : memref<10240x128xf32, #tpu.memory_space<vmem_shared>> -> memref<40x128xf32, #tpu.memory_space<vmem_shared>>
      tpu.wait_dma2 semaphore(%run_scoped3A : memref<!tpu.dma_semaphore, #tpu.memory_space<semaphore_mem>>) src(%dma_wait3A_528 : memref<40x128xf32, #tpu.memory_space<vmem_shared>>) dst(%arg15 : memref<40x128xf32, #tpu.memory_space<vmem>>)
      tpu.yield
    }) : () -> ()
    %mul3A_436 = arith.constant 10240 : i32
    %mul3A_437 = arith.muli %arg0, %mul3A_436 : i32
    %add3A_438 = arith.addi %mul3A_437, %multiple_of3A_435 : i32
    %multiple_of3A_439 = tpu.assume_multiple %add3A_438, 8 : i32
    "tpu.region"() ({
      %run_scoped3A = tpu.sem_alloc : memref<!tpu.dma_semaphore, #tpu.memory_space<semaphore_mem>>
      %dma_start3A_521 = arith.constant 0 : i32
      %dma_start3A_522 = tpu.memref_slice %arg6[%multiple_of3A_439, %dma_start3A_521] : memref<20480x128xf32, #tpu.memory_space<hbm>> -> memref<40x128xf32, #tpu.memory_space<hbm>>
      %dma_start3A_523 = arith.constant 0 : i32
      %dma_start3A_524 = tpu.memref_slice %arg6[%multiple_of3A_439, %dma_start3A_523] : memref<20480x128xf32, #tpu.memory_space<hbm>> -> memref<40x128xf32, #tpu.memory_space<hbm>>
      tpu.enqueue_dma source(%arg15 : memref<40x128xf32, #tpu.memory_space<vmem>>) target(%dma_start3A_524 : memref<40x128xf32, #tpu.memory_space<hbm>>) target_semaphore(%run_scoped3A : memref<!tpu.dma_semaphore, #tpu.memory_space<semaphore_mem>>)
      %dma_wait3A_525 = arith.constant 0 : i32
      %dma_wait3A_526 = tpu.memref_slice %arg6[%multiple_of3A_439, %dma_wait3A_525] : memref<20480x128xf32, #tpu.memory_space<hbm>> -> memref<40x128xf32, #tpu.memory_space<hbm>>
      %dma_wait3A_527 = arith.constant 0 : i32
      %dma_wait3A_528 = tpu.memref_slice %arg6[%multiple_of3A_439, %dma_wait3A_527] : memref<20480x128xf32, #tpu.memory_space<hbm>> -> memref<40x128xf32, #tpu.memory_space<hbm>>
      tpu.wait_dma2 semaphore(%run_scoped3A : memref<!tpu.dma_semaphore, #tpu.memory_space<semaphore_mem>>) src(%arg15 : memref<40x128xf32, #tpu.memory_space<vmem>>) dst(%dma_wait3A_528 : memref<40x128xf32, #tpu.memory_space<hbm>>)
      tpu.yield
    }) : () -> ()
    %mul3A_440 = arith.constant 640 : i32
    %mul3A_441 = arith.muli %arg1, %mul3A_440 : i32
    %add3A_442 = arith.constant 280 : i32
    %add3A_443 = arith.addi %mul3A_441, %add3A_442 : i32
    %multiple_of3A_444 = tpu.assume_multiple %add3A_443, 8 : i32
    "tpu.region"() ({
      %run_scoped3A = tpu.sem_alloc : memref<!tpu.dma_semaphore, #tpu.memory_space<semaphore_mem>>
      %dma_start3A_521 = arith.constant 0 : i32
      %dma_start3A_522 = tpu.memref_slice %arg19[%multiple_of3A_444, %dma_start3A_521] : memref<10240x128xf32, #tpu.memory_space<vmem_shared>> -> memref<40x128xf32, #tpu.memory_space<vmem_shared>>
      %dma_start3A_523 = arith.constant 0 : i32
      %dma_start3A_524 = tpu.memref_slice %arg19[%multiple_of3A_444, %dma_start3A_523] : memref<10240x128xf32, #tpu.memory_space<vmem_shared>> -> memref<40x128xf32, #tpu.memory_space<vmem_shared>>
      tpu.enqueue_dma source(%dma_start3A_524 : memref<40x128xf32, #tpu.memory_space<vmem_shared>>) target(%arg16 : memref<40x128xf32, #tpu.memory_space<vmem>>) target_semaphore(%run_scoped3A : memref<!tpu.dma_semaphore, #tpu.memory_space<semaphore_mem>>)
      %dma_wait3A_525 = arith.constant 0 : i32
      %dma_wait3A_526 = tpu.memref_slice %arg19[%multiple_of3A_444, %dma_wait3A_525] : memref<10240x128xf32, #tpu.memory_space<vmem_shared>> -> memref<40x128xf32, #tpu.memory_space<vmem_shared>>
      %dma_wait3A_527 = arith.constant 0 : i32
      %dma_wait3A_528 = tpu.memref_slice %arg19[%multiple_of3A_444, %dma_wait3A_527] : memref<10240x128xf32, #tpu.memory_space<vmem_shared>> -> memref<40x128xf32, #tpu.memory_space<vmem_shared>>
      tpu.wait_dma2 semaphore(%run_scoped3A : memref<!tpu.dma_semaphore, #tpu.memory_space<semaphore_mem>>) src(%dma_wait3A_528 : memref<40x128xf32, #tpu.memory_space<vmem_shared>>) dst(%arg16 : memref<40x128xf32, #tpu.memory_space<vmem>>)
      tpu.yield
    }) : () -> ()
    %mul3A_445 = arith.constant 10240 : i32
    %mul3A_446 = arith.muli %arg0, %mul3A_445 : i32
    %add3A_447 = arith.addi %mul3A_446, %multiple_of3A_444 : i32
    %multiple_of3A_448 = tpu.assume_multiple %add3A_447, 8 : i32
    "tpu.region"() ({
      %run_scoped3A = tpu.sem_alloc : memref<!tpu.dma_semaphore, #tpu.memory_space<semaphore_mem>>
      %dma_start3A_521 = arith.constant 0 : i32
      %dma_start3A_522 = tpu.memref_slice %arg6[%multiple_of3A_448, %dma_start3A_521] : memref<20480x128xf32, #tpu.memory_space<hbm>> -> memref<40x128xf32, #tpu.memory_space<hbm>>
      %dma_start3A_523 = arith.constant 0 : i32
      %dma_start3A_524 = tpu.memref_slice %arg6[%multiple_of3A_448, %dma_start3A_523] : memref<20480x128xf32, #tpu.memory_space<hbm>> -> memref<40x128xf32, #tpu.memory_space<hbm>>
      tpu.enqueue_dma source(%arg16 : memref<40x128xf32, #tpu.memory_space<vmem>>) target(%dma_start3A_524 : memref<40x128xf32, #tpu.memory_space<hbm>>) target_semaphore(%run_scoped3A : memref<!tpu.dma_semaphore, #tpu.memory_space<semaphore_mem>>)
      %dma_wait3A_525 = arith.constant 0 : i32
      %dma_wait3A_526 = tpu.memref_slice %arg6[%multiple_of3A_448, %dma_wait3A_525] : memref<20480x128xf32, #tpu.memory_space<hbm>> -> memref<40x128xf32, #tpu.memory_space<hbm>>
      %dma_wait3A_527 = arith.constant 0 : i32
      %dma_wait3A_528 = tpu.memref_slice %arg6[%multiple_of3A_448, %dma_wait3A_527] : memref<20480x128xf32, #tpu.memory_space<hbm>> -> memref<40x128xf32, #tpu.memory_space<hbm>>
      tpu.wait_dma2 semaphore(%run_scoped3A : memref<!tpu.dma_semaphore, #tpu.memory_space<semaphore_mem>>) src(%arg16 : memref<40x128xf32, #tpu.memory_space<vmem>>) dst(%dma_wait3A_528 : memref<40x128xf32, #tpu.memory_space<hbm>>)
      tpu.yield
    }) : () -> ()
    %mul3A_449 = arith.constant 640 : i32
    %mul3A_450 = arith.muli %arg1, %mul3A_449 : i32
    %add3A_451 = arith.constant 320 : i32
    %add3A_452 = arith.addi %mul3A_450, %add3A_451 : i32
    %multiple_of3A_453 = tpu.assume_multiple %add3A_452, 8 : i32
    "tpu.region"() ({
      %run_scoped3A = tpu.sem_alloc : memref<!tpu.dma_semaphore, #tpu.memory_space<semaphore_mem>>
      %dma_start3A_521 = arith.constant 0 : i32
      %dma_start3A_522 = tpu.memref_slice %arg19[%multiple_of3A_453, %dma_start3A_521] : memref<10240x128xf32, #tpu.memory_space<vmem_shared>> -> memref<40x128xf32, #tpu.memory_space<vmem_shared>>
      %dma_start3A_523 = arith.constant 0 : i32
      %dma_start3A_524 = tpu.memref_slice %arg19[%multiple_of3A_453, %dma_start3A_523] : memref<10240x128xf32, #tpu.memory_space<vmem_shared>> -> memref<40x128xf32, #tpu.memory_space<vmem_shared>>
      tpu.enqueue_dma source(%dma_start3A_524 : memref<40x128xf32, #tpu.memory_space<vmem_shared>>) target(%arg15 : memref<40x128xf32, #tpu.memory_space<vmem>>) target_semaphore(%run_scoped3A : memref<!tpu.dma_semaphore, #tpu.memory_space<semaphore_mem>>)
      %dma_wait3A_525 = arith.constant 0 : i32
      %dma_wait3A_526 = tpu.memref_slice %arg19[%multiple_of3A_453, %dma_wait3A_525] : memref<10240x128xf32, #tpu.memory_space<vmem_shared>> -> memref<40x128xf32, #tpu.memory_space<vmem_shared>>
      %dma_wait3A_527 = arith.constant 0 : i32
      %dma_wait3A_528 = tpu.memref_slice %arg19[%multiple_of3A_453, %dma_wait3A_527] : memref<10240x128xf32, #tpu.memory_space<vmem_shared>> -> memref<40x128xf32, #tpu.memory_space<vmem_shared>>
      tpu.wait_dma2 semaphore(%run_scoped3A : memref<!tpu.dma_semaphore, #tpu.memory_space<semaphore_mem>>) src(%dma_wait3A_528 : memref<40x128xf32, #tpu.memory_space<vmem_shared>>) dst(%arg15 : memref<40x128xf32, #tpu.memory_space<vmem>>)
      tpu.yield
    }) : () -> ()
    %mul3A_454 = arith.constant 10240 : i32
    %mul3A_455 = arith.muli %arg0, %mul3A_454 : i32
    %add3A_456 = arith.addi %mul3A_455, %multiple_of3A_453 : i32
    %multiple_of3A_457 = tpu.assume_multiple %add3A_456, 8 : i32
    "tpu.region"() ({
      %run_scoped3A = tpu.sem_alloc : memref<!tpu.dma_semaphore, #tpu.memory_space<semaphore_mem>>
      %dma_start3A_521 = arith.constant 0 : i32
      %dma_start3A_522 = tpu.memref_slice %arg6[%multiple_of3A_457, %dma_start3A_521] : memref<20480x128xf32, #tpu.memory_space<hbm>> -> memref<40x128xf32, #tpu.memory_space<hbm>>
      %dma_start3A_523 = arith.constant 0 : i32
      %dma_start3A_524 = tpu.memref_slice %arg6[%multiple_of3A_457, %dma_start3A_523] : memref<20480x128xf32, #tpu.memory_space<hbm>> -> memref<40x128xf32, #tpu.memory_space<hbm>>
      tpu.enqueue_dma source(%arg15 : memref<40x128xf32, #tpu.memory_space<vmem>>) target(%dma_start3A_524 : memref<40x128xf32, #tpu.memory_space<hbm>>) target_semaphore(%run_scoped3A : memref<!tpu.dma_semaphore, #tpu.memory_space<semaphore_mem>>)
      %dma_wait3A_525 = arith.constant 0 : i32
      %dma_wait3A_526 = tpu.memref_slice %arg6[%multiple_of3A_457, %dma_wait3A_525] : memref<20480x128xf32, #tpu.memory_space<hbm>> -> memref<40x128xf32, #tpu.memory_space<hbm>>
      %dma_wait3A_527 = arith.constant 0 : i32
      %dma_wait3A_528 = tpu.memref_slice %arg6[%multiple_of3A_457, %dma_wait3A_527] : memref<20480x128xf32, #tpu.memory_space<hbm>> -> memref<40x128xf32, #tpu.memory_space<hbm>>
      tpu.wait_dma2 semaphore(%run_scoped3A : memref<!tpu.dma_semaphore, #tpu.memory_space<semaphore_mem>>) src(%arg15 : memref<40x128xf32, #tpu.memory_space<vmem>>) dst(%dma_wait3A_528 : memref<40x128xf32, #tpu.memory_space<hbm>>)
      tpu.yield
    }) : () -> ()
    %mul3A_458 = arith.constant 640 : i32
    %mul3A_459 = arith.muli %arg1, %mul3A_458 : i32
    %add3A_460 = arith.constant 360 : i32
    %add3A_461 = arith.addi %mul3A_459, %add3A_460 : i32
    %multiple_of3A_462 = tpu.assume_multiple %add3A_461, 8 : i32
    "tpu.region"() ({
      %run_scoped3A = tpu.sem_alloc : memref<!tpu.dma_semaphore, #tpu.memory_space<semaphore_mem>>
      %dma_start3A_521 = arith.constant 0 : i32
      %dma_start3A_522 = tpu.memref_slice %arg19[%multiple_of3A_462, %dma_start3A_521] : memref<10240x128xf32, #tpu.memory_space<vmem_shared>> -> memref<40x128xf32, #tpu.memory_space<vmem_shared>>
      %dma_start3A_523 = arith.constant 0 : i32
      %dma_start3A_524 = tpu.memref_slice %arg19[%multiple_of3A_462, %dma_start3A_523] : memref<10240x128xf32, #tpu.memory_space<vmem_shared>> -> memref<40x128xf32, #tpu.memory_space<vmem_shared>>
      tpu.enqueue_dma source(%dma_start3A_524 : memref<40x128xf32, #tpu.memory_space<vmem_shared>>) target(%arg16 : memref<40x128xf32, #tpu.memory_space<vmem>>) target_semaphore(%run_scoped3A : memref<!tpu.dma_semaphore, #tpu.memory_space<semaphore_mem>>)
      %dma_wait3A_525 = arith.constant 0 : i32
      %dma_wait3A_526 = tpu.memref_slice %arg19[%multiple_of3A_462, %dma_wait3A_525] : memref<10240x128xf32, #tpu.memory_space<vmem_shared>> -> memref<40x128xf32, #tpu.memory_space<vmem_shared>>
      %dma_wait3A_527 = arith.constant 0 : i32
      %dma_wait3A_528 = tpu.memref_slice %arg19[%multiple_of3A_462, %dma_wait3A_527] : memref<10240x128xf32, #tpu.memory_space<vmem_shared>> -> memref<40x128xf32, #tpu.memory_space<vmem_shared>>
      tpu.wait_dma2 semaphore(%run_scoped3A : memref<!tpu.dma_semaphore, #tpu.memory_space<semaphore_mem>>) src(%dma_wait3A_528 : memref<40x128xf32, #tpu.memory_space<vmem_shared>>) dst(%arg16 : memref<40x128xf32, #tpu.memory_space<vmem>>)
      tpu.yield
    }) : () -> ()
    %mul3A_463 = arith.constant 10240 : i32
    %mul3A_464 = arith.muli %arg0, %mul3A_463 : i32
    %add3A_465 = arith.addi %mul3A_464, %multiple_of3A_462 : i32
    %multiple_of3A_466 = tpu.assume_multiple %add3A_465, 8 : i32
    "tpu.region"() ({
      %run_scoped3A = tpu.sem_alloc : memref<!tpu.dma_semaphore, #tpu.memory_space<semaphore_mem>>
      %dma_start3A_521 = arith.constant 0 : i32
      %dma_start3A_522 = tpu.memref_slice %arg6[%multiple_of3A_466, %dma_start3A_521] : memref<20480x128xf32, #tpu.memory_space<hbm>> -> memref<40x128xf32, #tpu.memory_space<hbm>>
      %dma_start3A_523 = arith.constant 0 : i32
      %dma_start3A_524 = tpu.memref_slice %arg6[%multiple_of3A_466, %dma_start3A_523] : memref<20480x128xf32, #tpu.memory_space<hbm>> -> memref<40x128xf32, #tpu.memory_space<hbm>>
      tpu.enqueue_dma source(%arg16 : memref<40x128xf32, #tpu.memory_space<vmem>>) target(%dma_start3A_524 : memref<40x128xf32, #tpu.memory_space<hbm>>) target_semaphore(%run_scoped3A : memref<!tpu.dma_semaphore, #tpu.memory_space<semaphore_mem>>)
      %dma_wait3A_525 = arith.constant 0 : i32
      %dma_wait3A_526 = tpu.memref_slice %arg6[%multiple_of3A_466, %dma_wait3A_525] : memref<20480x128xf32, #tpu.memory_space<hbm>> -> memref<40x128xf32, #tpu.memory_space<hbm>>
      %dma_wait3A_527 = arith.constant 0 : i32
      %dma_wait3A_528 = tpu.memref_slice %arg6[%multiple_of3A_466, %dma_wait3A_527] : memref<20480x128xf32, #tpu.memory_space<hbm>> -> memref<40x128xf32, #tpu.memory_space<hbm>>
      tpu.wait_dma2 semaphore(%run_scoped3A : memref<!tpu.dma_semaphore, #tpu.memory_space<semaphore_mem>>) src(%arg16 : memref<40x128xf32, #tpu.memory_space<vmem>>) dst(%dma_wait3A_528 : memref<40x128xf32, #tpu.memory_space<hbm>>)
      tpu.yield
    }) : () -> ()
    %mul3A_467 = arith.constant 640 : i32
    %mul3A_468 = arith.muli %arg1, %mul3A_467 : i32
    %add3A_469 = arith.constant 400 : i32
    %add3A_470 = arith.addi %mul3A_468, %add3A_469 : i32
    %multiple_of3A_471 = tpu.assume_multiple %add3A_470, 8 : i32
    "tpu.region"() ({
      %run_scoped3A = tpu.sem_alloc : memref<!tpu.dma_semaphore, #tpu.memory_space<semaphore_mem>>
      %dma_start3A_521 = arith.constant 0 : i32
      %dma_start3A_522 = tpu.memref_slice %arg19[%multiple_of3A_471, %dma_start3A_521] : memref<10240x128xf32, #tpu.memory_space<vmem_shared>> -> memref<40x128xf32, #tpu.memory_space<vmem_shared>>
      %dma_start3A_523 = arith.constant 0 : i32
      %dma_start3A_524 = tpu.memref_slice %arg19[%multiple_of3A_471, %dma_start3A_523] : memref<10240x128xf32, #tpu.memory_space<vmem_shared>> -> memref<40x128xf32, #tpu.memory_space<vmem_shared>>
      tpu.enqueue_dma source(%dma_start3A_524 : memref<40x128xf32, #tpu.memory_space<vmem_shared>>) target(%arg15 : memref<40x128xf32, #tpu.memory_space<vmem>>) target_semaphore(%run_scoped3A : memref<!tpu.dma_semaphore, #tpu.memory_space<semaphore_mem>>)
      %dma_wait3A_525 = arith.constant 0 : i32
      %dma_wait3A_526 = tpu.memref_slice %arg19[%multiple_of3A_471, %dma_wait3A_525] : memref<10240x128xf32, #tpu.memory_space<vmem_shared>> -> memref<40x128xf32, #tpu.memory_space<vmem_shared>>
      %dma_wait3A_527 = arith.constant 0 : i32
      %dma_wait3A_528 = tpu.memref_slice %arg19[%multiple_of3A_471, %dma_wait3A_527] : memref<10240x128xf32, #tpu.memory_space<vmem_shared>> -> memref<40x128xf32, #tpu.memory_space<vmem_shared>>
      tpu.wait_dma2 semaphore(%run_scoped3A : memref<!tpu.dma_semaphore, #tpu.memory_space<semaphore_mem>>) src(%dma_wait3A_528 : memref<40x128xf32, #tpu.memory_space<vmem_shared>>) dst(%arg15 : memref<40x128xf32, #tpu.memory_space<vmem>>)
      tpu.yield
    }) : () -> ()
    %mul3A_472 = arith.constant 10240 : i32
    %mul3A_473 = arith.muli %arg0, %mul3A_472 : i32
    %add3A_474 = arith.addi %mul3A_473, %multiple_of3A_471 : i32
    %multiple_of3A_475 = tpu.assume_multiple %add3A_474, 8 : i32
    "tpu.region"() ({
      %run_scoped3A = tpu.sem_alloc : memref<!tpu.dma_semaphore, #tpu.memory_space<semaphore_mem>>
      %dma_start3A_521 = arith.constant 0 : i32
      %dma_start3A_522 = tpu.memref_slice %arg6[%multiple_of3A_475, %dma_start3A_521] : memref<20480x128xf32, #tpu.memory_space<hbm>> -> memref<40x128xf32, #tpu.memory_space<hbm>>
      %dma_start3A_523 = arith.constant 0 : i32
      %dma_start3A_524 = tpu.memref_slice %arg6[%multiple_of3A_475, %dma_start3A_523] : memref<20480x128xf32, #tpu.memory_space<hbm>> -> memref<40x128xf32, #tpu.memory_space<hbm>>
      tpu.enqueue_dma source(%arg15 : memref<40x128xf32, #tpu.memory_space<vmem>>) target(%dma_start3A_524 : memref<40x128xf32, #tpu.memory_space<hbm>>) target_semaphore(%run_scoped3A : memref<!tpu.dma_semaphore, #tpu.memory_space<semaphore_mem>>)
      %dma_wait3A_525 = arith.constant 0 : i32
      %dma_wait3A_526 = tpu.memref_slice %arg6[%multiple_of3A_475, %dma_wait3A_525] : memref<20480x128xf32, #tpu.memory_space<hbm>> -> memref<40x128xf32, #tpu.memory_space<hbm>>
      %dma_wait3A_527 = arith.constant 0 : i32
      %dma_wait3A_528 = tpu.memref_slice %arg6[%multiple_of3A_475, %dma_wait3A_527] : memref<20480x128xf32, #tpu.memory_space<hbm>> -> memref<40x128xf32, #tpu.memory_space<hbm>>
      tpu.wait_dma2 semaphore(%run_scoped3A : memref<!tpu.dma_semaphore, #tpu.memory_space<semaphore_mem>>) src(%arg15 : memref<40x128xf32, #tpu.memory_space<vmem>>) dst(%dma_wait3A_528 : memref<40x128xf32, #tpu.memory_space<hbm>>)
      tpu.yield
    }) : () -> ()
    %mul3A_476 = arith.constant 640 : i32
    %mul3A_477 = arith.muli %arg1, %mul3A_476 : i32
    %add3A_478 = arith.constant 440 : i32
    %add3A_479 = arith.addi %mul3A_477, %add3A_478 : i32
    %multiple_of3A_480 = tpu.assume_multiple %add3A_479, 8 : i32
    "tpu.region"() ({
      %run_scoped3A = tpu.sem_alloc : memref<!tpu.dma_semaphore, #tpu.memory_space<semaphore_mem>>
      %dma_start3A_521 = arith.constant 0 : i32
      %dma_start3A_522 = tpu.memref_slice %arg19[%multiple_of3A_480, %dma_start3A_521] : memref<10240x128xf32, #tpu.memory_space<vmem_shared>> -> memref<40x128xf32, #tpu.memory_space<vmem_shared>>
      %dma_start3A_523 = arith.constant 0 : i32
      %dma_start3A_524 = tpu.memref_slice %arg19[%multiple_of3A_480, %dma_start3A_523] : memref<10240x128xf32, #tpu.memory_space<vmem_shared>> -> memref<40x128xf32, #tpu.memory_space<vmem_shared>>
      tpu.enqueue_dma source(%dma_start3A_524 : memref<40x128xf32, #tpu.memory_space<vmem_shared>>) target(%arg16 : memref<40x128xf32, #tpu.memory_space<vmem>>) target_semaphore(%run_scoped3A : memref<!tpu.dma_semaphore, #tpu.memory_space<semaphore_mem>>)
      %dma_wait3A_525 = arith.constant 0 : i32
      %dma_wait3A_526 = tpu.memref_slice %arg19[%multiple_of3A_480, %dma_wait3A_525] : memref<10240x128xf32, #tpu.memory_space<vmem_shared>> -> memref<40x128xf32, #tpu.memory_space<vmem_shared>>
      %dma_wait3A_527 = arith.constant 0 : i32
      %dma_wait3A_528 = tpu.memref_slice %arg19[%multiple_of3A_480, %dma_wait3A_527] : memref<10240x128xf32, #tpu.memory_space<vmem_shared>> -> memref<40x128xf32, #tpu.memory_space<vmem_shared>>
      tpu.wait_dma2 semaphore(%run_scoped3A : memref<!tpu.dma_semaphore, #tpu.memory_space<semaphore_mem>>) src(%dma_wait3A_528 : memref<40x128xf32, #tpu.memory_space<vmem_shared>>) dst(%arg16 : memref<40x128xf32, #tpu.memory_space<vmem>>)
      tpu.yield
    }) : () -> ()
    %mul3A_481 = arith.constant 10240 : i32
    %mul3A_482 = arith.muli %arg0, %mul3A_481 : i32
    %add3A_483 = arith.addi %mul3A_482, %multiple_of3A_480 : i32
    %multiple_of3A_484 = tpu.assume_multiple %add3A_483, 8 : i32
    "tpu.region"() ({
      %run_scoped3A = tpu.sem_alloc : memref<!tpu.dma_semaphore, #tpu.memory_space<semaphore_mem>>
      %dma_start3A_521 = arith.constant 0 : i32
      %dma_start3A_522 = tpu.memref_slice %arg6[%multiple_of3A_484, %dma_start3A_521] : memref<20480x128xf32, #tpu.memory_space<hbm>> -> memref<40x128xf32, #tpu.memory_space<hbm>>
      %dma_start3A_523 = arith.constant 0 : i32
      %dma_start3A_524 = tpu.memref_slice %arg6[%multiple_of3A_484, %dma_start3A_523] : memref<20480x128xf32, #tpu.memory_space<hbm>> -> memref<40x128xf32, #tpu.memory_space<hbm>>
      tpu.enqueue_dma source(%arg16 : memref<40x128xf32, #tpu.memory_space<vmem>>) target(%dma_start3A_524 : memref<40x128xf32, #tpu.memory_space<hbm>>) target_semaphore(%run_scoped3A : memref<!tpu.dma_semaphore, #tpu.memory_space<semaphore_mem>>)
      %dma_wait3A_525 = arith.constant 0 : i32
      %dma_wait3A_526 = tpu.memref_slice %arg6[%multiple_of3A_484, %dma_wait3A_525] : memref<20480x128xf32, #tpu.memory_space<hbm>> -> memref<40x128xf32, #tpu.memory_space<hbm>>
      %dma_wait3A_527 = arith.constant 0 : i32
      %dma_wait3A_528 = tpu.memref_slice %arg6[%multiple_of3A_484, %dma_wait3A_527] : memref<20480x128xf32, #tpu.memory_space<hbm>> -> memref<40x128xf32, #tpu.memory_space<hbm>>
      tpu.wait_dma2 semaphore(%run_scoped3A : memref<!tpu.dma_semaphore, #tpu.memory_space<semaphore_mem>>) src(%arg16 : memref<40x128xf32, #tpu.memory_space<vmem>>) dst(%dma_wait3A_528 : memref<40x128xf32, #tpu.memory_space<hbm>>)
      tpu.yield
    }) : () -> ()
    %mul3A_485 = arith.constant 640 : i32
    %mul3A_486 = arith.muli %arg1, %mul3A_485 : i32
    %add3A_487 = arith.constant 480 : i32
    %add3A_488 = arith.addi %mul3A_486, %add3A_487 : i32
    %multiple_of3A_489 = tpu.assume_multiple %add3A_488, 8 : i32
    "tpu.region"() ({
      %run_scoped3A = tpu.sem_alloc : memref<!tpu.dma_semaphore, #tpu.memory_space<semaphore_mem>>
      %dma_start3A_521 = arith.constant 0 : i32
      %dma_start3A_522 = tpu.memref_slice %arg19[%multiple_of3A_489, %dma_start3A_521] : memref<10240x128xf32, #tpu.memory_space<vmem_shared>> -> memref<40x128xf32, #tpu.memory_space<vmem_shared>>
      %dma_start3A_523 = arith.constant 0 : i32
      %dma_start3A_524 = tpu.memref_slice %arg19[%multiple_of3A_489, %dma_start3A_523] : memref<10240x128xf32, #tpu.memory_space<vmem_shared>> -> memref<40x128xf32, #tpu.memory_space<vmem_shared>>
      tpu.enqueue_dma source(%dma_start3A_524 : memref<40x128xf32, #tpu.memory_space<vmem_shared>>) target(%arg15 : memref<40x128xf32, #tpu.memory_space<vmem>>) target_semaphore(%run_scoped3A : memref<!tpu.dma_semaphore, #tpu.memory_space<semaphore_mem>>)
      %dma_wait3A_525 = arith.constant 0 : i32
      %dma_wait3A_526 = tpu.memref_slice %arg19[%multiple_of3A_489, %dma_wait3A_525] : memref<10240x128xf32, #tpu.memory_space<vmem_shared>> -> memref<40x128xf32, #tpu.memory_space<vmem_shared>>
      %dma_wait3A_527 = arith.constant 0 : i32
      %dma_wait3A_528 = tpu.memref_slice %arg19[%multiple_of3A_489, %dma_wait3A_527] : memref<10240x128xf32, #tpu.memory_space<vmem_shared>> -> memref<40x128xf32, #tpu.memory_space<vmem_shared>>
      tpu.wait_dma2 semaphore(%run_scoped3A : memref<!tpu.dma_semaphore, #tpu.memory_space<semaphore_mem>>) src(%dma_wait3A_528 : memref<40x128xf32, #tpu.memory_space<vmem_shared>>) dst(%arg15 : memref<40x128xf32, #tpu.memory_space<vmem>>)
      tpu.yield
    }) : () -> ()
    %mul3A_490 = arith.constant 10240 : i32
    %mul3A_491 = arith.muli %arg0, %mul3A_490 : i32
    %add3A_492 = arith.addi %mul3A_491, %multiple_of3A_489 : i32
    %multiple_of3A_493 = tpu.assume_multiple %add3A_492, 8 : i32
    "tpu.region"() ({
      %run_scoped3A = tpu.sem_alloc : memref<!tpu.dma_semaphore, #tpu.memory_space<semaphore_mem>>
      %dma_start3A_521 = arith.constant 0 : i32
      %dma_start3A_522 = tpu.memref_slice %arg6[%multiple_of3A_493, %dma_start3A_521] : memref<20480x128xf32, #tpu.memory_space<hbm>> -> memref<40x128xf32, #tpu.memory_space<hbm>>
      %dma_start3A_523 = arith.constant 0 : i32
      %dma_start3A_524 = tpu.memref_slice %arg6[%multiple_of3A_493, %dma_start3A_523] : memref<20480x128xf32, #tpu.memory_space<hbm>> -> memref<40x128xf32, #tpu.memory_space<hbm>>
      tpu.enqueue_dma source(%arg15 : memref<40x128xf32, #tpu.memory_space<vmem>>) target(%dma_start3A_524 : memref<40x128xf32, #tpu.memory_space<hbm>>) target_semaphore(%run_scoped3A : memref<!tpu.dma_semaphore, #tpu.memory_space<semaphore_mem>>)
      %dma_wait3A_525 = arith.constant 0 : i32
      %dma_wait3A_526 = tpu.memref_slice %arg6[%multiple_of3A_493, %dma_wait3A_525] : memref<20480x128xf32, #tpu.memory_space<hbm>> -> memref<40x128xf32, #tpu.memory_space<hbm>>
      %dma_wait3A_527 = arith.constant 0 : i32
      %dma_wait3A_528 = tpu.memref_slice %arg6[%multiple_of3A_493, %dma_wait3A_527] : memref<20480x128xf32, #tpu.memory_space<hbm>> -> memref<40x128xf32, #tpu.memory_space<hbm>>
      tpu.wait_dma2 semaphore(%run_scoped3A : memref<!tpu.dma_semaphore, #tpu.memory_space<semaphore_mem>>) src(%arg15 : memref<40x128xf32, #tpu.memory_space<vmem>>) dst(%dma_wait3A_528 : memref<40x128xf32, #tpu.memory_space<hbm>>)
      tpu.yield
    }) : () -> ()
    %mul3A_494 = arith.constant 640 : i32
    %mul3A_495 = arith.muli %arg1, %mul3A_494 : i32
    %add3A_496 = arith.constant 520 : i32
    %add3A_497 = arith.addi %mul3A_495, %add3A_496 : i32
    %multiple_of3A_498 = tpu.assume_multiple %add3A_497, 8 : i32
    "tpu.region"() ({
      %run_scoped3A = tpu.sem_alloc : memref<!tpu.dma_semaphore, #tpu.memory_space<semaphore_mem>>
      %dma_start3A_521 = arith.constant 0 : i32
      %dma_start3A_522 = tpu.memref_slice %arg19[%multiple_of3A_498, %dma_start3A_521] : memref<10240x128xf32, #tpu.memory_space<vmem_shared>> -> memref<40x128xf32, #tpu.memory_space<vmem_shared>>
      %dma_start3A_523 = arith.constant 0 : i32
      %dma_start3A_524 = tpu.memref_slice %arg19[%multiple_of3A_498, %dma_start3A_523] : memref<10240x128xf32, #tpu.memory_space<vmem_shared>> -> memref<40x128xf32, #tpu.memory_space<vmem_shared>>
      tpu.enqueue_dma source(%dma_start3A_524 : memref<40x128xf32, #tpu.memory_space<vmem_shared>>) target(%arg16 : memref<40x128xf32, #tpu.memory_space<vmem>>) target_semaphore(%run_scoped3A : memref<!tpu.dma_semaphore, #tpu.memory_space<semaphore_mem>>)
      %dma_wait3A_525 = arith.constant 0 : i32
      %dma_wait3A_526 = tpu.memref_slice %arg19[%multiple_of3A_498, %dma_wait3A_525] : memref<10240x128xf32, #tpu.memory_space<vmem_shared>> -> memref<40x128xf32, #tpu.memory_space<vmem_shared>>
      %dma_wait3A_527 = arith.constant 0 : i32
      %dma_wait3A_528 = tpu.memref_slice %arg19[%multiple_of3A_498, %dma_wait3A_527] : memref<10240x128xf32, #tpu.memory_space<vmem_shared>> -> memref<40x128xf32, #tpu.memory_space<vmem_shared>>
      tpu.wait_dma2 semaphore(%run_scoped3A : memref<!tpu.dma_semaphore, #tpu.memory_space<semaphore_mem>>) src(%dma_wait3A_528 : memref<40x128xf32, #tpu.memory_space<vmem_shared>>) dst(%arg16 : memref<40x128xf32, #tpu.memory_space<vmem>>)
      tpu.yield
    }) : () -> ()
    %mul3A_499 = arith.constant 10240 : i32
    %mul3A_500 = arith.muli %arg0, %mul3A_499 : i32
    %add3A_501 = arith.addi %mul3A_500, %multiple_of3A_498 : i32
    %multiple_of3A_502 = tpu.assume_multiple %add3A_501, 8 : i32
    "tpu.region"() ({
      %run_scoped3A = tpu.sem_alloc : memref<!tpu.dma_semaphore, #tpu.memory_space<semaphore_mem>>
      %dma_start3A_521 = arith.constant 0 : i32
      %dma_start3A_522 = tpu.memref_slice %arg6[%multiple_of3A_502, %dma_start3A_521] : memref<20480x128xf32, #tpu.memory_space<hbm>> -> memref<40x128xf32, #tpu.memory_space<hbm>>
      %dma_start3A_523 = arith.constant 0 : i32
      %dma_start3A_524 = tpu.memref_slice %arg6[%multiple_of3A_502, %dma_start3A_523] : memref<20480x128xf32, #tpu.memory_space<hbm>> -> memref<40x128xf32, #tpu.memory_space<hbm>>
      tpu.enqueue_dma source(%arg16 : memref<40x128xf32, #tpu.memory_space<vmem>>) target(%dma_start3A_524 : memref<40x128xf32, #tpu.memory_space<hbm>>) target_semaphore(%run_scoped3A : memref<!tpu.dma_semaphore, #tpu.memory_space<semaphore_mem>>)
      %dma_wait3A_525 = arith.constant 0 : i32
      %dma_wait3A_526 = tpu.memref_slice %arg6[%multiple_of3A_502, %dma_wait3A_525] : memref<20480x128xf32, #tpu.memory_space<hbm>> -> memref<40x128xf32, #tpu.memory_space<hbm>>
      %dma_wait3A_527 = arith.constant 0 : i32
      %dma_wait3A_528 = tpu.memref_slice %arg6[%multiple_of3A_502, %dma_wait3A_527] : memref<20480x128xf32, #tpu.memory_space<hbm>> -> memref<40x128xf32, #tpu.memory_space<hbm>>
      tpu.wait_dma2 semaphore(%run_scoped3A : memref<!tpu.dma_semaphore, #tpu.memory_space<semaphore_mem>>) src(%arg16 : memref<40x128xf32, #tpu.memory_space<vmem>>) dst(%dma_wait3A_528 : memref<40x128xf32, #tpu.memory_space<hbm>>)
      tpu.yield
    }) : () -> ()
    %mul3A_503 = arith.constant 640 : i32
    %mul3A_504 = arith.muli %arg1, %mul3A_503 : i32
    %add3A_505 = arith.constant 560 : i32
    %add3A_506 = arith.addi %mul3A_504, %add3A_505 : i32
    %multiple_of3A_507 = tpu.assume_multiple %add3A_506, 8 : i32
    "tpu.region"() ({
      %run_scoped3A = tpu.sem_alloc : memref<!tpu.dma_semaphore, #tpu.memory_space<semaphore_mem>>
      %dma_start3A_521 = arith.constant 0 : i32
      %dma_start3A_522 = tpu.memref_slice %arg19[%multiple_of3A_507, %dma_start3A_521] : memref<10240x128xf32, #tpu.memory_space<vmem_shared>> -> memref<40x128xf32, #tpu.memory_space<vmem_shared>>
      %dma_start3A_523 = arith.constant 0 : i32
      %dma_start3A_524 = tpu.memref_slice %arg19[%multiple_of3A_507, %dma_start3A_523] : memref<10240x128xf32, #tpu.memory_space<vmem_shared>> -> memref<40x128xf32, #tpu.memory_space<vmem_shared>>
      tpu.enqueue_dma source(%dma_start3A_524 : memref<40x128xf32, #tpu.memory_space<vmem_shared>>) target(%arg15 : memref<40x128xf32, #tpu.memory_space<vmem>>) target_semaphore(%run_scoped3A : memref<!tpu.dma_semaphore, #tpu.memory_space<semaphore_mem>>)
      %dma_wait3A_525 = arith.constant 0 : i32
      %dma_wait3A_526 = tpu.memref_slice %arg19[%multiple_of3A_507, %dma_wait3A_525] : memref<10240x128xf32, #tpu.memory_space<vmem_shared>> -> memref<40x128xf32, #tpu.memory_space<vmem_shared>>
      %dma_wait3A_527 = arith.constant 0 : i32
      %dma_wait3A_528 = tpu.memref_slice %arg19[%multiple_of3A_507, %dma_wait3A_527] : memref<10240x128xf32, #tpu.memory_space<vmem_shared>> -> memref<40x128xf32, #tpu.memory_space<vmem_shared>>
      tpu.wait_dma2 semaphore(%run_scoped3A : memref<!tpu.dma_semaphore, #tpu.memory_space<semaphore_mem>>) src(%dma_wait3A_528 : memref<40x128xf32, #tpu.memory_space<vmem_shared>>) dst(%arg15 : memref<40x128xf32, #tpu.memory_space<vmem>>)
      tpu.yield
    }) : () -> ()
    %mul3A_508 = arith.constant 10240 : i32
    %mul3A_509 = arith.muli %arg0, %mul3A_508 : i32
    %add3A_510 = arith.addi %mul3A_509, %multiple_of3A_507 : i32
    %multiple_of3A_511 = tpu.assume_multiple %add3A_510, 8 : i32
    "tpu.region"() ({
      %run_scoped3A = tpu.sem_alloc : memref<!tpu.dma_semaphore, #tpu.memory_space<semaphore_mem>>
      %dma_start3A_521 = arith.constant 0 : i32
      %dma_start3A_522 = tpu.memref_slice %arg6[%multiple_of3A_511, %dma_start3A_521] : memref<20480x128xf32, #tpu.memory_space<hbm>> -> memref<40x128xf32, #tpu.memory_space<hbm>>
      %dma_start3A_523 = arith.constant 0 : i32
      %dma_start3A_524 = tpu.memref_slice %arg6[%multiple_of3A_511, %dma_start3A_523] : memref<20480x128xf32, #tpu.memory_space<hbm>> -> memref<40x128xf32, #tpu.memory_space<hbm>>
      tpu.enqueue_dma source(%arg15 : memref<40x128xf32, #tpu.memory_space<vmem>>) target(%dma_start3A_524 : memref<40x128xf32, #tpu.memory_space<hbm>>) target_semaphore(%run_scoped3A : memref<!tpu.dma_semaphore, #tpu.memory_space<semaphore_mem>>)
      %dma_wait3A_525 = arith.constant 0 : i32
      %dma_wait3A_526 = tpu.memref_slice %arg6[%multiple_of3A_511, %dma_wait3A_525] : memref<20480x128xf32, #tpu.memory_space<hbm>> -> memref<40x128xf32, #tpu.memory_space<hbm>>
      %dma_wait3A_527 = arith.constant 0 : i32
      %dma_wait3A_528 = tpu.memref_slice %arg6[%multiple_of3A_511, %dma_wait3A_527] : memref<20480x128xf32, #tpu.memory_space<hbm>> -> memref<40x128xf32, #tpu.memory_space<hbm>>
      tpu.wait_dma2 semaphore(%run_scoped3A : memref<!tpu.dma_semaphore, #tpu.memory_space<semaphore_mem>>) src(%arg15 : memref<40x128xf32, #tpu.memory_space<vmem>>) dst(%dma_wait3A_528 : memref<40x128xf32, #tpu.memory_space<hbm>>)
      tpu.yield
    }) : () -> ()
    %mul3A_512 = arith.constant 640 : i32
    %mul3A_513 = arith.muli %arg1, %mul3A_512 : i32
    %add3A_514 = arith.constant 600 : i32
    %add3A_515 = arith.addi %mul3A_513, %add3A_514 : i32
    %multiple_of3A_516 = tpu.assume_multiple %add3A_515, 8 : i32
    "tpu.region"() ({
      %run_scoped3A = tpu.sem_alloc : memref<!tpu.dma_semaphore, #tpu.memory_space<semaphore_mem>>
      %dma_start3A_521 = arith.constant 0 : i32
      %dma_start3A_522 = tpu.memref_slice %arg19[%multiple_of3A_516, %dma_start3A_521] : memref<10240x128xf32, #tpu.memory_space<vmem_shared>> -> memref<40x128xf32, #tpu.memory_space<vmem_shared>>
      %dma_start3A_523 = arith.constant 0 : i32
      %dma_start3A_524 = tpu.memref_slice %arg19[%multiple_of3A_516, %dma_start3A_523] : memref<10240x128xf32, #tpu.memory_space<vmem_shared>> -> memref<40x128xf32, #tpu.memory_space<vmem_shared>>
      tpu.enqueue_dma source(%dma_start3A_524 : memref<40x128xf32, #tpu.memory_space<vmem_shared>>) target(%arg16 : memref<40x128xf32, #tpu.memory_space<vmem>>) target_semaphore(%run_scoped3A : memref<!tpu.dma_semaphore, #tpu.memory_space<semaphore_mem>>)
      %dma_wait3A_525 = arith.constant 0 : i32
      %dma_wait3A_526 = tpu.memref_slice %arg19[%multiple_of3A_516, %dma_wait3A_525] : memref<10240x128xf32, #tpu.memory_space<vmem_shared>> -> memref<40x128xf32, #tpu.memory_space<vmem_shared>>
      %dma_wait3A_527 = arith.constant 0 : i32
      %dma_wait3A_528 = tpu.memref_slice %arg19[%multiple_of3A_516, %dma_wait3A_527] : memref<10240x128xf32, #tpu.memory_space<vmem_shared>> -> memref<40x128xf32, #tpu.memory_space<vmem_shared>>
      tpu.wait_dma2 semaphore(%run_scoped3A : memref<!tpu.dma_semaphore, #tpu.memory_space<semaphore_mem>>) src(%dma_wait3A_528 : memref<40x128xf32, #tpu.memory_space<vmem_shared>>) dst(%arg16 : memref<40x128xf32, #tpu.memory_space<vmem>>)
      tpu.yield
    }) : () -> ()
    %mul3A_517 = arith.constant 10240 : i32
    %mul3A_518 = arith.muli %arg0, %mul3A_517 : i32
    %add3A_519 = arith.addi %mul3A_518, %multiple_of3A_516 : i32
    %multiple_of3A_520 = tpu.assume_multiple %add3A_519, 8 : i32
    "tpu.region"() ({
      %run_scoped3A = tpu.sem_alloc : memref<!tpu.dma_semaphore, #tpu.memory_space<semaphore_mem>>
      %dma_start3A_521 = arith.constant 0 : i32
      %dma_start3A_522 = tpu.memref_slice %arg6[%multiple_of3A_520, %dma_start3A_521] : memref<20480x128xf32, #tpu.memory_space<hbm>> -> memref<40x128xf32, #tpu.memory_space<hbm>>
      %dma_start3A_523 = arith.constant 0 : i32
      %dma_start3A_524 = tpu.memref_slice %arg6[%multiple_of3A_520, %dma_start3A_523] : memref<20480x128xf32, #tpu.memory_space<hbm>> -> memref<40x128xf32, #tpu.memory_space<hbm>>
      tpu.enqueue_dma source(%arg16 : memref<40x128xf32, #tpu.memory_space<vmem>>) target(%dma_start3A_524 : memref<40x128xf32, #tpu.memory_space<hbm>>) target_semaphore(%run_scoped3A : memref<!tpu.dma_semaphore, #tpu.memory_space<semaphore_mem>>)
      %dma_wait3A_525 = arith.constant 0 : i32
      %dma_wait3A_526 = tpu.memref_slice %arg6[%multiple_of3A_520, %dma_wait3A_525] : memref<20480x128xf32, #tpu.memory_space<hbm>> -> memref<40x128xf32, #tpu.memory_space<hbm>>
      %dma_wait3A_527 = arith.constant 0 : i32
      %dma_wait3A_528 = tpu.memref_slice %arg6[%multiple_of3A_520, %dma_wait3A_527] : memref<20480x128xf32, #tpu.memory_space<hbm>> -> memref<40x128xf32, #tpu.memory_space<hbm>>
      tpu.wait_dma2 semaphore(%run_scoped3A : memref<!tpu.dma_semaphore, #tpu.memory_space<semaphore_mem>>) src(%arg16 : memref<40x128xf32, #tpu.memory_space<vmem>>) dst(%dma_wait3A_528 : memref<40x128xf32, #tpu.memory_space<hbm>>)
      tpu.yield
    }) : () -> ()
    return
  }
}

module attributes {stable_mosaic.version = 14 : i64} {
  func.func @_h_body(%arg0: memref<10000x128xf32, #tpu.memory_space<vmem>>, %arg1: memref<128x128xf32, #tpu.memory_space<vmem>>, %arg2: memref<10000x128xf32, #tpu.memory_space<vmem>>) attributes {dimension_semantics = [], scalar_prefetch = 0 : i64, scratch_operands = 0 : i64, tpu.core_type = #tpu.core_type<tc>} {
    %get3A = arith.constant 0 : index
    %get3A_0 = arith.constant 0 : index
    %get3A_1 = vector.load %arg0[%get3A, %get3A_0] : memref<10000x128xf32, #tpu.memory_space<vmem>>, vector<10000x128xf32>
    %get3A_2 = arith.constant 0 : index
    %get3A_3 = arith.constant 0 : index
    %get3A_4 = vector.load %arg1[%get3A_2, %get3A_3] : memref<128x128xf32, #tpu.memory_space<vmem>>, vector<128x128xf32>
    %dot_general3A = arith.constant dense<0.000000e+00> : vector<10000x128xf32>
    %dot_general3A_5 = tpu.matmul %get3A_1, %get3A_4, %dot_general3A {dimension_numbers = #tpu.dot_dimension_numbers<[1], [1], [0], [0], [0, 0, 1, 0], [], []>, transpose_lhs_hint = false} : vector<10000x128xf32>, vector<128x128xf32>, vector<10000x128xf32> -> vector<10000x128xf32>
    %swap3A = arith.constant 0 : index
    %swap3A_6 = arith.constant 0 : index
    %swap3A_7 = vector.load %arg2[%swap3A, %swap3A_6] : memref<10000x128xf32, #tpu.memory_space<vmem>>, vector<10000x128xf32>
    tpu.vector_store %arg2[%swap3A, %swap3A_6], %dot_general3A_5 {strides = array<i32>} : memref<10000x128xf32, #tpu.memory_space<vmem>>, vector<10000x128xf32>,
    return
  }
}

module attributes {stable_mosaic.version = 14 : i64} {
  func.func @_tail_body2(%arg0: i32, %arg1: memref<2x2000x128xf32, #tpu.memory_space<vmem>>, %arg2: memref<128x128xf32, #tpu.memory_space<vmem>>, %arg3: memref<128xf32, #tpu.memory_space<vmem>>, %arg4: memref<128x128xf32, #tpu.memory_space<vmem>>, %arg5: memref<128xf32, #tpu.memory_space<vmem>>, %arg6: memref<2000x128xf32, #tpu.memory_space<vmem>>) attributes {dimension_semantics = [#tpu.dimension_semantics<arbitrary>], iteration_bounds = array<i64: 5>, scalar_prefetch = 0 : i64, scratch_operands = 0 : i64, tpu.core_type = #tpu.core_type<tc>, window_params = [{transform_indices = @transform_0, window_bounds = array<i64: 2, 2000, 128>}, {pipeline_mode = #tpu.pipeline_mode<synchronous>, transform_indices = @transform_1, window_bounds = array<i64: 128, 128>}, {pipeline_mode = #tpu.pipeline_mode<synchronous>, transform_indices = @transform_2, window_bounds = array<i64: 128>}, {pipeline_mode = #tpu.pipeline_mode<synchronous>, transform_indices = @transform_3, window_bounds = array<i64: 128, 128>}, {pipeline_mode = #tpu.pipeline_mode<synchronous>, transform_indices = @transform_4, window_bounds = array<i64: 128>}, {transform_indices = @transform_5, window_bounds = array<i64: 2000, 128>}]} {
    %get3A = arith.constant 0 : index
    %get3A_0 = arith.constant 0 : index
    %get3A_1 = arith.constant 0 : index
    %get3A_2 = vector.load %arg1[%get3A, %get3A_0, %get3A_1] : memref<2x2000x128xf32, #tpu.memory_space<vmem>>, vector<1x2000x128xf32>
    %get3A_3 = vector.shape_cast %get3A_2 : vector<1x2000x128xf32> to vector<2000x128xf32>
    %get3A_4 = arith.constant 1 : index
    %get3A_5 = arith.constant 0 : index
    %get3A_6 = arith.constant 0 : index
    %get3A_7 = vector.load %arg1[%get3A_4, %get3A_5, %get3A_6] : memref<2x2000x128xf32, #tpu.memory_space<vmem>>, vector<1x2000x128xf32>
    %get3A_8 = vector.shape_cast %get3A_7 : vector<1x2000x128xf32> to vector<2000x128xf32>
    %add3A = arith.addf %get3A_3, %get3A_8 : vector<2000x128xf32>
    %get3A_9 = arith.constant 0 : index
    %get3A_10 = arith.constant 0 : index
    %get3A_11 = vector.load %arg2[%get3A_9, %get3A_10] : memref<128x128xf32, #tpu.memory_space<vmem>>, vector<128x128xf32>
    %dot_general3A = arith.constant dense<0.000000e+00> : vector<2000x128xf32>
    %dot_general3A_12 = tpu.matmul %add3A, %get3A_11, %dot_general3A {dimension_numbers = #tpu.dot_dimension_numbers<[1], [1], [0], [0], [0, 0, 1, 0], [], []>, transpose_lhs_hint = false} : vector<2000x128xf32>, vector<128x128xf32>, vector<2000x128xf32> -> vector<2000x128xf32>
    %get3A_13 = arith.constant 0 : index
    %get3A_14 = vector.load %arg3[%get3A_13] : memref<128xf32, #tpu.memory_space<vmem>>, vector<128xf32>
    %broadcast_in_dim3A = vector.shape_cast %get3A_14 : vector<128xf32> to vector<1x128xf32>
    %add3A_15 = vector.broadcast %broadcast_in_dim3A : vector<1x128xf32> to vector<2000x128xf32>
    %add3A_16 = arith.addf %dot_general3A_12, %add3A_15 : vector<2000x128xf32>
    %max3A = arith.constant 0.000000e+00 : f32
    %max3A_17 = vector.broadcast %max3A : f32 to vector<2000x128xf32>
    %max3A_18 = arith.maximumf %add3A_16, %max3A_17 : vector<2000x128xf32>
    %abs3A = math.absf %add3A_16 : vector<2000x128xf32>
    %neg3A = arith.constant 0.000000e+00 : f32
    %neg3A_19 = vector.broadcast %neg3A : f32 to vector<2000x128xf32>
    %neg3A_20 = arith.subf %neg3A_19, %abs3A : vector<2000x128xf32>
    %exp3A = math.exp %neg3A_20 : vector<2000x128xf32>
    %log1p3A = math.log1p %exp3A : vector<2000x128xf32>
    %add3A_21 = arith.addf %max3A_18, %log1p3A : vector<2000x128xf32>
    %sub3A = arith.constant 0.693147182 : f32
    %sub3A_22 = vector.broadcast %sub3A : f32 to vector<2000x128xf32>
    %sub3A_23 = arith.subf %add3A_21, %sub3A_22 : vector<2000x128xf32>
    %get3A_24 = arith.constant 0 : index
    %get3A_25 = arith.constant 0 : index
    %get3A_26 = vector.load %arg4[%get3A_24, %get3A_25] : memref<128x128xf32, #tpu.memory_space<vmem>>, vector<128x128xf32>
    %dot_general3A_27 = arith.constant dense<0.000000e+00> : vector<2000x128xf32>
    %dot_general3A_28 = tpu.matmul %sub3A_23, %get3A_26, %dot_general3A_27 {dimension_numbers = #tpu.dot_dimension_numbers<[1], [1], [0], [0], [0, 0, 1, 0], [], []>, transpose_lhs_hint = false} : vector<2000x128xf32>, vector<128x128xf32>, vector<2000x128xf32> -> vector<2000x128xf32>
    %get3A_29 = arith.constant 0 : index
    %get3A_30 = vector.load %arg5[%get3A_29] : memref<128xf32, #tpu.memory_space<vmem>>, vector<128xf32>
    %broadcast_in_dim3A_31 = vector.shape_cast %get3A_30 : vector<128xf32> to vector<1x128xf32>
    %add3A_32 = vector.broadcast %broadcast_in_dim3A_31 : vector<1x128xf32> to vector<2000x128xf32>
    %add3A_33 = arith.addf %dot_general3A_28, %add3A_32 : vector<2000x128xf32>
    %swap3A = arith.constant 0 : index
    %swap3A_34 = arith.constant 0 : index
    %swap3A_35 = vector.load %arg6[%swap3A, %swap3A_34] : memref<2000x128xf32, #tpu.memory_space<vmem>>, vector<2000x128xf32>
    tpu.vector_store %arg6[%swap3A, %swap3A_34], %add3A_33 {strides = array<i32>} : memref<2000x128xf32, #tpu.memory_space<vmem>>, vector<2000x128xf32>,
    return
  }
  func.func @transform_0(%arg0: i32) -> (i32, i32, i32) {
    %c0_i32 = arith.constant 0 : i32
    %c0_i32_0 = arith.constant 0 : i32
    %c0_i32_1 = arith.constant 0 : i32
    return %c0_i32, %arg0, %c0_i32_0 : i32, i32, i32
  }
  func.func @transform_1(%arg0: i32) -> (i32, i32) {
    %c0_i32 = arith.constant 0 : i32
    %c0_i32_0 = arith.constant 0 : i32
    %c0_i32_1 = arith.constant 0 : i32
    return %c0_i32, %c0_i32_0 : i32, i32
  }
  func.func @transform_2(%arg0: i32) -> i32 {
    %c0_i32 = arith.constant 0 : i32
    %c0_i32_0 = arith.constant 0 : i32
    return %c0_i32 : i32
  }
  func.func @transform_3(%arg0: i32) -> (i32, i32) {
    %c0_i32 = arith.constant 0 : i32
    %c0_i32_0 = arith.constant 0 : i32
    %c0_i32_1 = arith.constant 0 : i32
    return %c0_i32, %c0_i32_0 : i32, i32
  }
  func.func @transform_4(%arg0: i32) -> i32 {
    %c0_i32 = arith.constant 0 : i32
    %c0_i32_0 = arith.constant 0 : i32
    return %c0_i32 : i32
  }
  func.func @transform_5(%arg0: i32) -> (i32, i32) {
    %c0_i32 = arith.constant 0 : i32
    %c0_i32_0 = arith.constant 0 : i32
    return %arg0, %c0_i32 : i32, i32
  }
}

module attributes {stable_mosaic.version = 14 : i64} {
  func.func @_wf_body(%arg0: i32, %arg1: memref<50x16000xf32, #tpu.memory_space<vmem>>, %arg2: memref<1x125x128xf32, #tpu.memory_space<vmem>>, %arg3: memref<128x50xf32, #tpu.memory_space<vmem>>, %arg4: memref<128xf32, #tpu.memory_space<vmem>>, %arg5: memref<128x128xf32, #tpu.memory_space<vmem>>, %arg6: memref<128xf32, #tpu.memory_space<vmem>>, %arg7: memref<16000x128xf32, #tpu.memory_space<vmem>>) attributes {dimension_semantics = [#tpu.dimension_semantics<arbitrary>], iteration_bounds = array<i64: 20>, scalar_prefetch = 0 : i64, scratch_operands = 0 : i64, tpu.core_type = #tpu.core_type<tc>, window_params = [{transform_indices = @transform_0, window_bounds = array<i64: 50, 16000>}, {transform_indices = @transform_1, window_bounds = array<i64: 1, 125, 128>}, {pipeline_mode = #tpu.pipeline_mode<synchronous>, transform_indices = @transform_2, window_bounds = array<i64: 128, 50>}, {pipeline_mode = #tpu.pipeline_mode<synchronous>, transform_indices = @transform_3, window_bounds = array<i64: 128>}, {pipeline_mode = #tpu.pipeline_mode<synchronous>, transform_indices = @transform_4, window_bounds = array<i64: 128, 128>}, {pipeline_mode = #tpu.pipeline_mode<synchronous>, transform_indices = @transform_5, window_bounds = array<i64: 128>}, {transform_indices = @transform_6, window_bounds = array<i64: 16000, 128>}]} {
    %get3A = arith.constant 0 : index
    %get3A_0 = arith.constant 0 : index
    %get3A_1 = vector.load %arg1[%get3A, %get3A_0] : memref<50x16000xf32, #tpu.memory_space<vmem>>, vector<50x16000xf32>
    %convert_element_type3A = arith.truncf %get3A_1 : vector<50x16000xf32> to vector<50x16000xbf16>
    %get3A_2 = arith.constant 0 : index
    %get3A_3 = arith.constant 0 : index
    %get3A_4 = vector.load %arg3[%get3A_2, %get3A_3] : memref<128x50xf32, #tpu.memory_space<vmem>>, vector<128x50xf32>
    %convert_element_type3A_5 = arith.truncf %get3A_4 : vector<128x50xf32> to vector<128x50xbf16>
    %dot_general3A = arith.constant dense<0.000000e+00> : vector<16000x128xf32>
    %dot_general3A_6 = tpu.matmul %convert_element_type3A, %convert_element_type3A_5, %dot_general3A {dimension_numbers = #tpu.dot_dimension_numbers<[0], [1], [1], [0], [0, 1, 1, 0], [], []>, transpose_lhs_hint = false} : vector<50x16000xbf16>, vector<128x50xbf16>, vector<16000x128xf32> -> vector<16000x128xf32>
    %get3A_7 = arith.constant 0 : index
    %get3A_8 = vector.load %arg4[%get3A_7] : memref<128xf32, #tpu.memory_space<vmem>>, vector<128xf32>
    %broadcast_in_dim3A = vector.shape_cast %get3A_8 : vector<128xf32> to vector<1x128xf32>
    %add3A = vector.broadcast %broadcast_in_dim3A : vector<1x128xf32> to vector<16000x128xf32>
    %add3A_9 = arith.addf %dot_general3A_6, %add3A : vector<16000x128xf32>
    %mul3A = arith.constant 1.44269502 : f32
    %mul3A_10 = vector.broadcast %mul3A : f32 to vector<16000x128xf32>
    %mul3A_11 = arith.mulf %add3A_9, %mul3A_10 : vector<16000x128xf32>
    %exp23A = math.exp2 %mul3A_11 : vector<16000x128xf32>
    %add3A_12 = arith.constant 1.000000e+00 : f32
    %add3A_13 = vector.broadcast %add3A_12 : f32 to vector<16000x128xf32>
    %add3A_14 = arith.addf %add3A_13, %exp23A : vector<16000x128xf32>
    %log3A = math.log %add3A_14 : vector<16000x128xf32>
    %sub3A = arith.constant 0.693147182 : f32
    %sub3A_15 = vector.broadcast %sub3A : f32 to vector<16000x128xf32>
    %sub3A_16 = arith.subf %log3A, %sub3A_15 : vector<16000x128xf32>
    %convert_element_type3A_17 = arith.truncf %sub3A_16 : vector<16000x128xf32> to vector<16000x128xbf16>
    %get3A_18 = arith.constant 0 : index
    %get3A_19 = arith.constant 0 : index
    %get3A_20 = vector.load %arg5[%get3A_18, %get3A_19] : memref<128x128xf32, #tpu.memory_space<vmem>>, vector<128x128xf32>
    %convert_element_type3A_21 = arith.truncf %get3A_20 : vector<128x128xf32> to vector<128x128xbf16>
    %dot_general3A_22 = arith.constant dense<0.000000e+00> : vector<16000x128xf32>
    %dot_general3A_23 = tpu.matmul %convert_element_type3A_17, %convert_element_type3A_21, %dot_general3A_22 {dimension_numbers = #tpu.dot_dimension_numbers<[1], [1], [0], [0], [0, 0, 1, 0], [], []>, transpose_lhs_hint = false} : vector<16000x128xbf16>, vector<128x128xbf16>, vector<16000x128xf32> -> vector<16000x128xf32>
    %get3A_24 = arith.constant 0 : index
    %get3A_25 = vector.load %arg6[%get3A_24] : memref<128xf32, #tpu.memory_space<vmem>>, vector<128xf32>
    %broadcast_in_dim3A_26 = vector.shape_cast %get3A_25 : vector<128xf32> to vector<1x128xf32>
    %add3A_27 = vector.broadcast %broadcast_in_dim3A_26 : vector<1x128xf32> to vector<16000x128xf32>
    %add3A_28 = arith.addf %dot_general3A_23, %add3A_27 : vector<16000x128xf32>
    %get3A_29 = arith.constant 0 : index
    %get3A_30 = arith.constant 0 : index
    %get3A_31 = arith.constant 0 : index
    %get3A_32 = vector.load %arg2[%get3A_29, %get3A_30, %get3A_31] : memref<1x125x128xf32, #tpu.memory_space<vmem>>, vector<1x125x128xf32>
    %reshape3A = vector.shape_cast %get3A_32 : vector<1x125x128xf32> to vector<125x128xf32>
    %mul3A_33 = arith.constant 0.314159274 : f32
    %mul3A_34 = vector.broadcast %mul3A_33 : f32 to vector<125x128xf32>
    %mul3A_35 = arith.mulf %reshape3A, %mul3A_34 : vector<125x128xf32>
    %cos3A = math.cos %mul3A_35 : vector<125x128xf32>
    %add3A_36 = arith.constant 1.000000e+00 : f32
    %add3A_37 = vector.broadcast %add3A_36 : f32 to vector<125x128xf32>
    %add3A_38 = arith.addf %cos3A, %add3A_37 : vector<125x128xf32>
    %mul3A_39 = arith.constant 5.000000e-01 : f32
    %mul3A_40 = vector.broadcast %mul3A_39 : f32 to vector<125x128xf32>
    %mul3A_41 = arith.mulf %mul3A_40, %add3A_38 : vector<125x128xf32>
    %transpose3A = tpu.transpose %mul3A_41, [1, 0] : vector<125x128xf32> -> vector<128x125xf32>
    %slice3A = vector.extract_strided_slice %transpose3A {offsets = [0, 0], sizes = [128, 1], strides = [1, 1]} : vector<128x125xf32> to vector<128x1xf32>
    %slice3A_42 = vector.extract_strided_slice %add3A_28 {offsets = [0, 0], sizes = [128, 128], strides = [1, 1]} : vector<16000x128xf32> to vector<128x128xf32>
    %broadcast_in_dim3A_43 = vector.shape_cast %slice3A : vector<128x1xf32> to vector<128x1xf32>
    %broadcast_in_dim3A_44 = vector.broadcast %broadcast_in_dim3A_43 : vector<128x1xf32> to vector<128x128xf32>
    %mul3A_45 = arith.mulf %slice3A_42, %broadcast_in_dim3A_44 : vector<128x128xf32>
    %swap3A = arith.constant 0 : index
    %swap3A_46 = arith.constant 0 : index
    %swap3A_47 = vector.load %arg7[%swap3A, %swap3A_46] : memref<16000x128xf32, #tpu.memory_space<vmem>>, vector<128x128xf32>
    tpu.vector_store %arg7[%swap3A, %swap3A_46], %mul3A_45 {strides = array<i32>} : memref<16000x128xf32, #tpu.memory_space<vmem>>, vector<128x128xf32>,
    %slice3A_48 = vector.extract_strided_slice %transpose3A {offsets = [0, 1], sizes = [128, 1], strides = [1, 1]} : vector<128x125xf32> to vector<128x1xf32>
    %slice3A_49 = vector.extract_strided_slice %add3A_28 {offsets = [128, 0], sizes = [128, 128], strides = [1, 1]} : vector<16000x128xf32> to vector<128x128xf32>
    %broadcast_in_dim3A_50 = vector.shape_cast %slice3A_48 : vector<128x1xf32> to vector<128x1xf32>
    %broadcast_in_dim3A_51 = vector.broadcast %broadcast_in_dim3A_50 : vector<128x1xf32> to vector<128x128xf32>
    %mul3A_52 = arith.mulf %slice3A_49, %broadcast_in_dim3A_51 : vector<128x128xf32>
    %swap3A_53 = arith.constant 128 : index
    %swap3A_54 = arith.constant 0 : index
    %swap3A_55 = vector.load %arg7[%swap3A_53, %swap3A_54] : memref<16000x128xf32, #tpu.memory_space<vmem>>, vector<128x128xf32>
    tpu.vector_store %arg7[%swap3A_53, %swap3A_54], %mul3A_52 {strides = array<i32>} : memref<16000x128xf32, #tpu.memory_space<vmem>>, vector<128x128xf32>,
    %slice3A_56 = vector.extract_strided_slice %transpose3A {offsets = [0, 2], sizes = [128, 1], strides = [1, 1]} : vector<128x125xf32> to vector<128x1xf32>
    %slice3A_57 = vector.extract_strided_slice %add3A_28 {offsets = [256, 0], sizes = [128, 128], strides = [1, 1]} : vector<16000x128xf32> to vector<128x128xf32>
    %broadcast_in_dim3A_58 = vector.shape_cast %slice3A_56 : vector<128x1xf32> to vector<128x1xf32>
    %broadcast_in_dim3A_59 = vector.broadcast %broadcast_in_dim3A_58 : vector<128x1xf32> to vector<128x128xf32>
    %mul3A_60 = arith.mulf %slice3A_57, %broadcast_in_dim3A_59 : vector<128x128xf32>
    %swap3A_61 = arith.constant 256 : index
    %swap3A_62 = arith.constant 0 : index
    %swap3A_63 = vector.load %arg7[%swap3A_61, %swap3A_62] : memref<16000x128xf32, #tpu.memory_space<vmem>>, vector<128x128xf32>
    tpu.vector_store %arg7[%swap3A_61, %swap3A_62], %mul3A_60 {strides = array<i32>} : memref<16000x128xf32, #tpu.memory_space<vmem>>, vector<128x128xf32>,
    %slice3A_64 = vector.extract_strided_slice %transpose3A {offsets = [0, 3], sizes = [128, 1], strides = [1, 1]} : vector<128x125xf32> to vector<128x1xf32>
    %slice3A_65 = vector.extract_strided_slice %add3A_28 {offsets = [384, 0], sizes = [128, 128], strides = [1, 1]} : vector<16000x128xf32> to vector<128x128xf32>
    %broadcast_in_dim3A_66 = vector.shape_cast %slice3A_64 : vector<128x1xf32> to vector<128x1xf32>
    %broadcast_in_dim3A_67 = vector.broadcast %broadcast_in_dim3A_66 : vector<128x1xf32> to vector<128x128xf32>
    %mul3A_68 = arith.mulf %slice3A_65, %broadcast_in_dim3A_67 : vector<128x128xf32>
    %swap3A_69 = arith.constant 384 : index
    %swap3A_70 = arith.constant 0 : index
    %swap3A_71 = vector.load %arg7[%swap3A_69, %swap3A_70] : memref<16000x128xf32, #tpu.memory_space<vmem>>, vector<128x128xf32>
    tpu.vector_store %arg7[%swap3A_69, %swap3A_70], %mul3A_68 {strides = array<i32>} : memref<16000x128xf32, #tpu.memory_space<vmem>>, vector<128x128xf32>,
    %slice3A_72 = vector.extract_strided_slice %transpose3A {offsets = [0, 4], sizes = [128, 1], strides = [1, 1]} : vector<128x125xf32> to vector<128x1xf32>
    %slice3A_73 = vector.extract_strided_slice %add3A_28 {offsets = [512, 0], sizes = [128, 128], strides = [1, 1]} : vector<16000x128xf32> to vector<128x128xf32>
    %broadcast_in_dim3A_74 = vector.shape_cast %slice3A_72 : vector<128x1xf32> to vector<128x1xf32>
    %broadcast_in_dim3A_75 = vector.broadcast %broadcast_in_dim3A_74 : vector<128x1xf32> to vector<128x128xf32>
    %mul3A_76 = arith.mulf %slice3A_73, %broadcast_in_dim3A_75 : vector<128x128xf32>
    %swap3A_77 = arith.constant 512 : index
    %swap3A_78 = arith.constant 0 : index
    %swap3A_79 = vector.load %arg7[%swap3A_77, %swap3A_78] : memref<16000x128xf32, #tpu.memory_space<vmem>>, vector<128x128xf32>
    tpu.vector_store %arg7[%swap3A_77, %swap3A_78], %mul3A_76 {strides = array<i32>} : memref<16000x128xf32, #tpu.memory_space<vmem>>, vector<128x128xf32>,
    %slice3A_80 = vector.extract_strided_slice %transpose3A {offsets = [0, 5], sizes = [128, 1], strides = [1, 1]} : vector<128x125xf32> to vector<128x1xf32>
    %slice3A_81 = vector.extract_strided_slice %add3A_28 {offsets = [640, 0], sizes = [128, 128], strides = [1, 1]} : vector<16000x128xf32> to vector<128x128xf32>
    %broadcast_in_dim3A_82 = vector.shape_cast %slice3A_80 : vector<128x1xf32> to vector<128x1xf32>
    %broadcast_in_dim3A_83 = vector.broadcast %broadcast_in_dim3A_82 : vector<128x1xf32> to vector<128x128xf32>
    %mul3A_84 = arith.mulf %slice3A_81, %broadcast_in_dim3A_83 : vector<128x128xf32>
    %swap3A_85 = arith.constant 640 : index
    %swap3A_86 = arith.constant 0 : index
    %swap3A_87 = vector.load %arg7[%swap3A_85, %swap3A_86] : memref<16000x128xf32, #tpu.memory_space<vmem>>, vector<128x128xf32>
    tpu.vector_store %arg7[%swap3A_85, %swap3A_86], %mul3A_84 {strides = array<i32>} : memref<16000x128xf32, #tpu.memory_space<vmem>>, vector<128x128xf32>,
    %slice3A_88 = vector.extract_strided_slice %transpose3A {offsets = [0, 6], sizes = [128, 1], strides = [1, 1]} : vector<128x125xf32> to vector<128x1xf32>
    %slice3A_89 = vector.extract_strided_slice %add3A_28 {offsets = [768, 0], sizes = [128, 128], strides = [1, 1]} : vector<16000x128xf32> to vector<128x128xf32>
    %broadcast_in_dim3A_90 = vector.shape_cast %slice3A_88 : vector<128x1xf32> to vector<128x1xf32>
    %broadcast_in_dim3A_91 = vector.broadcast %broadcast_in_dim3A_90 : vector<128x1xf32> to vector<128x128xf32>
    %mul3A_92 = arith.mulf %slice3A_89, %broadcast_in_dim3A_91 : vector<128x128xf32>
    %swap3A_93 = arith.constant 768 : index
    %swap3A_94 = arith.constant 0 : index
    %swap3A_95 = vector.load %arg7[%swap3A_93, %swap3A_94] : memref<16000x128xf32, #tpu.memory_space<vmem>>, vector<128x128xf32>
    tpu.vector_store %arg7[%swap3A_93, %swap3A_94], %mul3A_92 {strides = array<i32>} : memref<16000x128xf32, #tpu.memory_space<vmem>>, vector<128x128xf32>,
    %slice3A_96 = vector.extract_strided_slice %transpose3A {offsets = [0, 7], sizes = [128, 1], strides = [1, 1]} : vector<128x125xf32> to vector<128x1xf32>
    %slice3A_97 = vector.extract_strided_slice %add3A_28 {offsets = [896, 0], sizes = [128, 128], strides = [1, 1]} : vector<16000x128xf32> to vector<128x128xf32>
    %broadcast_in_dim3A_98 = vector.shape_cast %slice3A_96 : vector<128x1xf32> to vector<128x1xf32>
    %broadcast_in_dim3A_99 = vector.broadcast %broadcast_in_dim3A_98 : vector<128x1xf32> to vector<128x128xf32>
    %mul3A_100 = arith.mulf %slice3A_97, %broadcast_in_dim3A_99 : vector<128x128xf32>
    %swap3A_101 = arith.constant 896 : index
    %swap3A_102 = arith.constant 0 : index
    %swap3A_103 = vector.load %arg7[%swap3A_101, %swap3A_102] : memref<16000x128xf32, #tpu.memory_space<vmem>>, vector<128x128xf32>
    tpu.vector_store %arg7[%swap3A_101, %swap3A_102], %mul3A_100 {strides = array<i32>} : memref<16000x128xf32, #tpu.memory_space<vmem>>, vector<128x128xf32>,
    %slice3A_104 = vector.extract_strided_slice %transpose3A {offsets = [0, 8], sizes = [128, 1], strides = [1, 1]} : vector<128x125xf32> to vector<128x1xf32>
    %slice3A_105 = vector.extract_strided_slice %add3A_28 {offsets = [1024, 0], sizes = [128, 128], strides = [1, 1]} : vector<16000x128xf32> to vector<128x128xf32>
    %broadcast_in_dim3A_106 = vector.shape_cast %slice3A_104 : vector<128x1xf32> to vector<128x1xf32>
    %broadcast_in_dim3A_107 = vector.broadcast %broadcast_in_dim3A_106 : vector<128x1xf32> to vector<128x128xf32>
    %mul3A_108 = arith.mulf %slice3A_105, %broadcast_in_dim3A_107 : vector<128x128xf32>
    %swap3A_109 = arith.constant 1024 : index
    %swap3A_110 = arith.constant 0 : index
    %swap3A_111 = vector.load %arg7[%swap3A_109, %swap3A_110] : memref<16000x128xf32, #tpu.memory_space<vmem>>, vector<128x128xf32>
    tpu.vector_store %arg7[%swap3A_109, %swap3A_110], %mul3A_108 {strides = array<i32>} : memref<16000x128xf32, #tpu.memory_space<vmem>>, vector<128x128xf32>,
    %slice3A_112 = vector.extract_strided_slice %transpose3A {offsets = [0, 9], sizes = [128, 1], strides = [1, 1]} : vector<128x125xf32> to vector<128x1xf32>
    %slice3A_113 = vector.extract_strided_slice %add3A_28 {offsets = [1152, 0], sizes = [128, 128], strides = [1, 1]} : vector<16000x128xf32> to vector<128x128xf32>
    %broadcast_in_dim3A_114 = vector.shape_cast %slice3A_112 : vector<128x1xf32> to vector<128x1xf32>
    %broadcast_in_dim3A_115 = vector.broadcast %broadcast_in_dim3A_114 : vector<128x1xf32> to vector<128x128xf32>
    %mul3A_116 = arith.mulf %slice3A_113, %broadcast_in_dim3A_115 : vector<128x128xf32>
    %swap3A_117 = arith.constant 1152 : index
    %swap3A_118 = arith.constant 0 : index
    %swap3A_119 = vector.load %arg7[%swap3A_117, %swap3A_118] : memref<16000x128xf32, #tpu.memory_space<vmem>>, vector<128x128xf32>
    tpu.vector_store %arg7[%swap3A_117, %swap3A_118], %mul3A_116 {strides = array<i32>} : memref<16000x128xf32, #tpu.memory_space<vmem>>, vector<128x128xf32>,
    %slice3A_120 = vector.extract_strided_slice %transpose3A {offsets = [0, 10], sizes = [128, 1], strides = [1, 1]} : vector<128x125xf32> to vector<128x1xf32>
    %slice3A_121 = vector.extract_strided_slice %add3A_28 {offsets = [1280, 0], sizes = [128, 128], strides = [1, 1]} : vector<16000x128xf32> to vector<128x128xf32>
    %broadcast_in_dim3A_122 = vector.shape_cast %slice3A_120 : vector<128x1xf32> to vector<128x1xf32>
    %broadcast_in_dim3A_123 = vector.broadcast %broadcast_in_dim3A_122 : vector<128x1xf32> to vector<128x128xf32>
    %mul3A_124 = arith.mulf %slice3A_121, %broadcast_in_dim3A_123 : vector<128x128xf32>
    %swap3A_125 = arith.constant 1280 : index
    %swap3A_126 = arith.constant 0 : index
    %swap3A_127 = vector.load %arg7[%swap3A_125, %swap3A_126] : memref<16000x128xf32, #tpu.memory_space<vmem>>, vector<128x128xf32>
    tpu.vector_store %arg7[%swap3A_125, %swap3A_126], %mul3A_124 {strides = array<i32>} : memref<16000x128xf32, #tpu.memory_space<vmem>>, vector<128x128xf32>,
    %slice3A_128 = vector.extract_strided_slice %transpose3A {offsets = [0, 11], sizes = [128, 1], strides = [1, 1]} : vector<128x125xf32> to vector<128x1xf32>
    %slice3A_129 = vector.extract_strided_slice %add3A_28 {offsets = [1408, 0], sizes = [128, 128], strides = [1, 1]} : vector<16000x128xf32> to vector<128x128xf32>
    %broadcast_in_dim3A_130 = vector.shape_cast %slice3A_128 : vector<128x1xf32> to vector<128x1xf32>
    %broadcast_in_dim3A_131 = vector.broadcast %broadcast_in_dim3A_130 : vector<128x1xf32> to vector<128x128xf32>
    %mul3A_132 = arith.mulf %slice3A_129, %broadcast_in_dim3A_131 : vector<128x128xf32>
    %swap3A_133 = arith.constant 1408 : index
    %swap3A_134 = arith.constant 0 : index
    %swap3A_135 = vector.load %arg7[%swap3A_133, %swap3A_134] : memref<16000x128xf32, #tpu.memory_space<vmem>>, vector<128x128xf32>
    tpu.vector_store %arg7[%swap3A_133, %swap3A_134], %mul3A_132 {strides = array<i32>} : memref<16000x128xf32, #tpu.memory_space<vmem>>, vector<128x128xf32>,
    %slice3A_136 = vector.extract_strided_slice %transpose3A {offsets = [0, 12], sizes = [128, 1], strides = [1, 1]} : vector<128x125xf32> to vector<128x1xf32>
    %slice3A_137 = vector.extract_strided_slice %add3A_28 {offsets = [1536, 0], sizes = [128, 128], strides = [1, 1]} : vector<16000x128xf32> to vector<128x128xf32>
    %broadcast_in_dim3A_138 = vector.shape_cast %slice3A_136 : vector<128x1xf32> to vector<128x1xf32>
    %broadcast_in_dim3A_139 = vector.broadcast %broadcast_in_dim3A_138 : vector<128x1xf32> to vector<128x128xf32>
    %mul3A_140 = arith.mulf %slice3A_137, %broadcast_in_dim3A_139 : vector<128x128xf32>
    %swap3A_141 = arith.constant 1536 : index
    %swap3A_142 = arith.constant 0 : index
    %swap3A_143 = vector.load %arg7[%swap3A_141, %swap3A_142] : memref<16000x128xf32, #tpu.memory_space<vmem>>, vector<128x128xf32>
    tpu.vector_store %arg7[%swap3A_141, %swap3A_142], %mul3A_140 {strides = array<i32>} : memref<16000x128xf32, #tpu.memory_space<vmem>>, vector<128x128xf32>,
    %slice3A_144 = vector.extract_strided_slice %transpose3A {offsets = [0, 13], sizes = [128, 1], strides = [1, 1]} : vector<128x125xf32> to vector<128x1xf32>
    %slice3A_145 = vector.extract_strided_slice %add3A_28 {offsets = [1664, 0], sizes = [128, 128], strides = [1, 1]} : vector<16000x128xf32> to vector<128x128xf32>
    %broadcast_in_dim3A_146 = vector.shape_cast %slice3A_144 : vector<128x1xf32> to vector<128x1xf32>
    %broadcast_in_dim3A_147 = vector.broadcast %broadcast_in_dim3A_146 : vector<128x1xf32> to vector<128x128xf32>
    %mul3A_148 = arith.mulf %slice3A_145, %broadcast_in_dim3A_147 : vector<128x128xf32>
    %swap3A_149 = arith.constant 1664 : index
    %swap3A_150 = arith.constant 0 : index
    %swap3A_151 = vector.load %arg7[%swap3A_149, %swap3A_150] : memref<16000x128xf32, #tpu.memory_space<vmem>>, vector<128x128xf32>
    tpu.vector_store %arg7[%swap3A_149, %swap3A_150], %mul3A_148 {strides = array<i32>} : memref<16000x128xf32, #tpu.memory_space<vmem>>, vector<128x128xf32>,
    %slice3A_152 = vector.extract_strided_slice %transpose3A {offsets = [0, 14], sizes = [128, 1], strides = [1, 1]} : vector<128x125xf32> to vector<128x1xf32>
    %slice3A_153 = vector.extract_strided_slice %add3A_28 {offsets = [1792, 0], sizes = [128, 128], strides = [1, 1]} : vector<16000x128xf32> to vector<128x128xf32>
    %broadcast_in_dim3A_154 = vector.shape_cast %slice3A_152 : vector<128x1xf32> to vector<128x1xf32>
    %broadcast_in_dim3A_155 = vector.broadcast %broadcast_in_dim3A_154 : vector<128x1xf32> to vector<128x128xf32>
    %mul3A_156 = arith.mulf %slice3A_153, %broadcast_in_dim3A_155 : vector<128x128xf32>
    %swap3A_157 = arith.constant 1792 : index
    %swap3A_158 = arith.constant 0 : index
    %swap3A_159 = vector.load %arg7[%swap3A_157, %swap3A_158] : memref<16000x128xf32, #tpu.memory_space<vmem>>, vector<128x128xf32>
    tpu.vector_store %arg7[%swap3A_157, %swap3A_158], %mul3A_156 {strides = array<i32>} : memref<16000x128xf32, #tpu.memory_space<vmem>>, vector<128x128xf32>,
    %slice3A_160 = vector.extract_strided_slice %transpose3A {offsets = [0, 15], sizes = [128, 1], strides = [1, 1]} : vector<128x125xf32> to vector<128x1xf32>
    %slice3A_161 = vector.extract_strided_slice %add3A_28 {offsets = [1920, 0], sizes = [128, 128], strides = [1, 1]} : vector<16000x128xf32> to vector<128x128xf32>
    %broadcast_in_dim3A_162 = vector.shape_cast %slice3A_160 : vector<128x1xf32> to vector<128x1xf32>
    %broadcast_in_dim3A_163 = vector.broadcast %broadcast_in_dim3A_162 : vector<128x1xf32> to vector<128x128xf32>
    %mul3A_164 = arith.mulf %slice3A_161, %broadcast_in_dim3A_163 : vector<128x128xf32>
    %swap3A_165 = arith.constant 1920 : index
    %swap3A_166 = arith.constant 0 : index
    %swap3A_167 = vector.load %arg7[%swap3A_165, %swap3A_166] : memref<16000x128xf32, #tpu.memory_space<vmem>>, vector<128x128xf32>
    tpu.vector_store %arg7[%swap3A_165, %swap3A_166], %mul3A_164 {strides = array<i32>} : memref<16000x128xf32, #tpu.memory_space<vmem>>, vector<128x128xf32>,
    %slice3A_168 = vector.extract_strided_slice %transpose3A {offsets = [0, 16], sizes = [128, 1], strides = [1, 1]} : vector<128x125xf32> to vector<128x1xf32>
    %slice3A_169 = vector.extract_strided_slice %add3A_28 {offsets = [2048, 0], sizes = [128, 128], strides = [1, 1]} : vector<16000x128xf32> to vector<128x128xf32>
    %broadcast_in_dim3A_170 = vector.shape_cast %slice3A_168 : vector<128x1xf32> to vector<128x1xf32>
    %broadcast_in_dim3A_171 = vector.broadcast %broadcast_in_dim3A_170 : vector<128x1xf32> to vector<128x128xf32>
    %mul3A_172 = arith.mulf %slice3A_169, %broadcast_in_dim3A_171 : vector<128x128xf32>
    %swap3A_173 = arith.constant 2048 : index
    %swap3A_174 = arith.constant 0 : index
    %swap3A_175 = vector.load %arg7[%swap3A_173, %swap3A_174] : memref<16000x128xf32, #tpu.memory_space<vmem>>, vector<128x128xf32>
    tpu.vector_store %arg7[%swap3A_173, %swap3A_174], %mul3A_172 {strides = array<i32>} : memref<16000x128xf32, #tpu.memory_space<vmem>>, vector<128x128xf32>,
    %slice3A_176 = vector.extract_strided_slice %transpose3A {offsets = [0, 17], sizes = [128, 1], strides = [1, 1]} : vector<128x125xf32> to vector<128x1xf32>
    %slice3A_177 = vector.extract_strided_slice %add3A_28 {offsets = [2176, 0], sizes = [128, 128], strides = [1, 1]} : vector<16000x128xf32> to vector<128x128xf32>
    %broadcast_in_dim3A_178 = vector.shape_cast %slice3A_176 : vector<128x1xf32> to vector<128x1xf32>
    %broadcast_in_dim3A_179 = vector.broadcast %broadcast_in_dim3A_178 : vector<128x1xf32> to vector<128x128xf32>
    %mul3A_180 = arith.mulf %slice3A_177, %broadcast_in_dim3A_179 : vector<128x128xf32>
    %swap3A_181 = arith.constant 2176 : index
    %swap3A_182 = arith.constant 0 : index
    %swap3A_183 = vector.load %arg7[%swap3A_181, %swap3A_182] : memref<16000x128xf32, #tpu.memory_space<vmem>>, vector<128x128xf32>
    tpu.vector_store %arg7[%swap3A_181, %swap3A_182], %mul3A_180 {strides = array<i32>} : memref<16000x128xf32, #tpu.memory_space<vmem>>, vector<128x128xf32>,
    %slice3A_184 = vector.extract_strided_slice %transpose3A {offsets = [0, 18], sizes = [128, 1], strides = [1, 1]} : vector<128x125xf32> to vector<128x1xf32>
    %slice3A_185 = vector.extract_strided_slice %add3A_28 {offsets = [2304, 0], sizes = [128, 128], strides = [1, 1]} : vector<16000x128xf32> to vector<128x128xf32>
    %broadcast_in_dim3A_186 = vector.shape_cast %slice3A_184 : vector<128x1xf32> to vector<128x1xf32>
    %broadcast_in_dim3A_187 = vector.broadcast %broadcast_in_dim3A_186 : vector<128x1xf32> to vector<128x128xf32>
    %mul3A_188 = arith.mulf %slice3A_185, %broadcast_in_dim3A_187 : vector<128x128xf32>
    %swap3A_189 = arith.constant 2304 : index
    %swap3A_190 = arith.constant 0 : index
    %swap3A_191 = vector.load %arg7[%swap3A_189, %swap3A_190] : memref<16000x128xf32, #tpu.memory_space<vmem>>, vector<128x128xf32>
    tpu.vector_store %arg7[%swap3A_189, %swap3A_190], %mul3A_188 {strides = array<i32>} : memref<16000x128xf32, #tpu.memory_space<vmem>>, vector<128x128xf32>,
    %slice3A_192 = vector.extract_strided_slice %transpose3A {offsets = [0, 19], sizes = [128, 1], strides = [1, 1]} : vector<128x125xf32> to vector<128x1xf32>
    %slice3A_193 = vector.extract_strided_slice %add3A_28 {offsets = [2432, 0], sizes = [128, 128], strides = [1, 1]} : vector<16000x128xf32> to vector<128x128xf32>
    %broadcast_in_dim3A_194 = vector.shape_cast %slice3A_192 : vector<128x1xf32> to vector<128x1xf32>
    %broadcast_in_dim3A_195 = vector.broadcast %broadcast_in_dim3A_194 : vector<128x1xf32> to vector<128x128xf32>
    %mul3A_196 = arith.mulf %slice3A_193, %broadcast_in_dim3A_195 : vector<128x128xf32>
    %swap3A_197 = arith.constant 2432 : index
    %swap3A_198 = arith.constant 0 : index
    %swap3A_199 = vector.load %arg7[%swap3A_197, %swap3A_198] : memref<16000x128xf32, #tpu.memory_space<vmem>>, vector<128x128xf32>
    tpu.vector_store %arg7[%swap3A_197, %swap3A_198], %mul3A_196 {strides = array<i32>} : memref<16000x128xf32, #tpu.memory_space<vmem>>, vector<128x128xf32>,
    %slice3A_200 = vector.extract_strided_slice %transpose3A {offsets = [0, 20], sizes = [128, 1], strides = [1, 1]} : vector<128x125xf32> to vector<128x1xf32>
    %slice3A_201 = vector.extract_strided_slice %add3A_28 {offsets = [2560, 0], sizes = [128, 128], strides = [1, 1]} : vector<16000x128xf32> to vector<128x128xf32>
    %broadcast_in_dim3A_202 = vector.shape_cast %slice3A_200 : vector<128x1xf32> to vector<128x1xf32>
    %broadcast_in_dim3A_203 = vector.broadcast %broadcast_in_dim3A_202 : vector<128x1xf32> to vector<128x128xf32>
    %mul3A_204 = arith.mulf %slice3A_201, %broadcast_in_dim3A_203 : vector<128x128xf32>
    %swap3A_205 = arith.constant 2560 : index
    %swap3A_206 = arith.constant 0 : index
    %swap3A_207 = vector.load %arg7[%swap3A_205, %swap3A_206] : memref<16000x128xf32, #tpu.memory_space<vmem>>, vector<128x128xf32>
    tpu.vector_store %arg7[%swap3A_205, %swap3A_206], %mul3A_204 {strides = array<i32>} : memref<16000x128xf32, #tpu.memory_space<vmem>>, vector<128x128xf32>,
    %slice3A_208 = vector.extract_strided_slice %transpose3A {offsets = [0, 21], sizes = [128, 1], strides = [1, 1]} : vector<128x125xf32> to vector<128x1xf32>
    %slice3A_209 = vector.extract_strided_slice %add3A_28 {offsets = [2688, 0], sizes = [128, 128], strides = [1, 1]} : vector<16000x128xf32> to vector<128x128xf32>
    %broadcast_in_dim3A_210 = vector.shape_cast %slice3A_208 : vector<128x1xf32> to vector<128x1xf32>
    %broadcast_in_dim3A_211 = vector.broadcast %broadcast_in_dim3A_210 : vector<128x1xf32> to vector<128x128xf32>
    %mul3A_212 = arith.mulf %slice3A_209, %broadcast_in_dim3A_211 : vector<128x128xf32>
    %swap3A_213 = arith.constant 2688 : index
    %swap3A_214 = arith.constant 0 : index
    %swap3A_215 = vector.load %arg7[%swap3A_213, %swap3A_214] : memref<16000x128xf32, #tpu.memory_space<vmem>>, vector<128x128xf32>
    tpu.vector_store %arg7[%swap3A_213, %swap3A_214], %mul3A_212 {strides = array<i32>} : memref<16000x128xf32, #tpu.memory_space<vmem>>, vector<128x128xf32>,
    %slice3A_216 = vector.extract_strided_slice %transpose3A {offsets = [0, 22], sizes = [128, 1], strides = [1, 1]} : vector<128x125xf32> to vector<128x1xf32>
    %slice3A_217 = vector.extract_strided_slice %add3A_28 {offsets = [2816, 0], sizes = [128, 128], strides = [1, 1]} : vector<16000x128xf32> to vector<128x128xf32>
    %broadcast_in_dim3A_218 = vector.shape_cast %slice3A_216 : vector<128x1xf32> to vector<128x1xf32>
    %broadcast_in_dim3A_219 = vector.broadcast %broadcast_in_dim3A_218 : vector<128x1xf32> to vector<128x128xf32>
    %mul3A_220 = arith.mulf %slice3A_217, %broadcast_in_dim3A_219 : vector<128x128xf32>
    %swap3A_221 = arith.constant 2816 : index
    %swap3A_222 = arith.constant 0 : index
    %swap3A_223 = vector.load %arg7[%swap3A_221, %swap3A_222] : memref<16000x128xf32, #tpu.memory_space<vmem>>, vector<128x128xf32>
    tpu.vector_store %arg7[%swap3A_221, %swap3A_222], %mul3A_220 {strides = array<i32>} : memref<16000x128xf32, #tpu.memory_space<vmem>>, vector<128x128xf32>,
    %slice3A_224 = vector.extract_strided_slice %transpose3A {offsets = [0, 23], sizes = [128, 1], strides = [1, 1]} : vector<128x125xf32> to vector<128x1xf32>
    %slice3A_225 = vector.extract_strided_slice %add3A_28 {offsets = [2944, 0], sizes = [128, 128], strides = [1, 1]} : vector<16000x128xf32> to vector<128x128xf32>
    %broadcast_in_dim3A_226 = vector.shape_cast %slice3A_224 : vector<128x1xf32> to vector<128x1xf32>
    %broadcast_in_dim3A_227 = vector.broadcast %broadcast_in_dim3A_226 : vector<128x1xf32> to vector<128x128xf32>
    %mul3A_228 = arith.mulf %slice3A_225, %broadcast_in_dim3A_227 : vector<128x128xf32>
    %swap3A_229 = arith.constant 2944 : index
    %swap3A_230 = arith.constant 0 : index
    %swap3A_231 = vector.load %arg7[%swap3A_229, %swap3A_230] : memref<16000x128xf32, #tpu.memory_space<vmem>>, vector<128x128xf32>
    tpu.vector_store %arg7[%swap3A_229, %swap3A_230], %mul3A_228 {strides = array<i32>} : memref<16000x128xf32, #tpu.memory_space<vmem>>, vector<128x128xf32>,
    %slice3A_232 = vector.extract_strided_slice %transpose3A {offsets = [0, 24], sizes = [128, 1], strides = [1, 1]} : vector<128x125xf32> to vector<128x1xf32>
    %slice3A_233 = vector.extract_strided_slice %add3A_28 {offsets = [3072, 0], sizes = [128, 128], strides = [1, 1]} : vector<16000x128xf32> to vector<128x128xf32>
    %broadcast_in_dim3A_234 = vector.shape_cast %slice3A_232 : vector<128x1xf32> to vector<128x1xf32>
    %broadcast_in_dim3A_235 = vector.broadcast %broadcast_in_dim3A_234 : vector<128x1xf32> to vector<128x128xf32>
    %mul3A_236 = arith.mulf %slice3A_233, %broadcast_in_dim3A_235 : vector<128x128xf32>
    %swap3A_237 = arith.constant 3072 : index
    %swap3A_238 = arith.constant 0 : index
    %swap3A_239 = vector.load %arg7[%swap3A_237, %swap3A_238] : memref<16000x128xf32, #tpu.memory_space<vmem>>, vector<128x128xf32>
    tpu.vector_store %arg7[%swap3A_237, %swap3A_238], %mul3A_236 {strides = array<i32>} : memref<16000x128xf32, #tpu.memory_space<vmem>>, vector<128x128xf32>,
    %slice3A_240 = vector.extract_strided_slice %transpose3A {offsets = [0, 25], sizes = [128, 1], strides = [1, 1]} : vector<128x125xf32> to vector<128x1xf32>
    %slice3A_241 = vector.extract_strided_slice %add3A_28 {offsets = [3200, 0], sizes = [128, 128], strides = [1, 1]} : vector<16000x128xf32> to vector<128x128xf32>
    %broadcast_in_dim3A_242 = vector.shape_cast %slice3A_240 : vector<128x1xf32> to vector<128x1xf32>
    %broadcast_in_dim3A_243 = vector.broadcast %broadcast_in_dim3A_242 : vector<128x1xf32> to vector<128x128xf32>
    %mul3A_244 = arith.mulf %slice3A_241, %broadcast_in_dim3A_243 : vector<128x128xf32>
    %swap3A_245 = arith.constant 3200 : index
    %swap3A_246 = arith.constant 0 : index
    %swap3A_247 = vector.load %arg7[%swap3A_245, %swap3A_246] : memref<16000x128xf32, #tpu.memory_space<vmem>>, vector<128x128xf32>
    tpu.vector_store %arg7[%swap3A_245, %swap3A_246], %mul3A_244 {strides = array<i32>} : memref<16000x128xf32, #tpu.memory_space<vmem>>, vector<128x128xf32>,
    %slice3A_248 = vector.extract_strided_slice %transpose3A {offsets = [0, 26], sizes = [128, 1], strides = [1, 1]} : vector<128x125xf32> to vector<128x1xf32>
    %slice3A_249 = vector.extract_strided_slice %add3A_28 {offsets = [3328, 0], sizes = [128, 128], strides = [1, 1]} : vector<16000x128xf32> to vector<128x128xf32>
    %broadcast_in_dim3A_250 = vector.shape_cast %slice3A_248 : vector<128x1xf32> to vector<128x1xf32>
    %broadcast_in_dim3A_251 = vector.broadcast %broadcast_in_dim3A_250 : vector<128x1xf32> to vector<128x128xf32>
    %mul3A_252 = arith.mulf %slice3A_249, %broadcast_in_dim3A_251 : vector<128x128xf32>
    %swap3A_253 = arith.constant 3328 : index
    %swap3A_254 = arith.constant 0 : index
    %swap3A_255 = vector.load %arg7[%swap3A_253, %swap3A_254] : memref<16000x128xf32, #tpu.memory_space<vmem>>, vector<128x128xf32>
    tpu.vector_store %arg7[%swap3A_253, %swap3A_254], %mul3A_252 {strides = array<i32>} : memref<16000x128xf32, #tpu.memory_space<vmem>>, vector<128x128xf32>,
    %slice3A_256 = vector.extract_strided_slice %transpose3A {offsets = [0, 27], sizes = [128, 1], strides = [1, 1]} : vector<128x125xf32> to vector<128x1xf32>
    %slice3A_257 = vector.extract_strided_slice %add3A_28 {offsets = [3456, 0], sizes = [128, 128], strides = [1, 1]} : vector<16000x128xf32> to vector<128x128xf32>
    %broadcast_in_dim3A_258 = vector.shape_cast %slice3A_256 : vector<128x1xf32> to vector<128x1xf32>
    %broadcast_in_dim3A_259 = vector.broadcast %broadcast_in_dim3A_258 : vector<128x1xf32> to vector<128x128xf32>
    %mul3A_260 = arith.mulf %slice3A_257, %broadcast_in_dim3A_259 : vector<128x128xf32>
    %swap3A_261 = arith.constant 3456 : index
    %swap3A_262 = arith.constant 0 : index
    %swap3A_263 = vector.load %arg7[%swap3A_261, %swap3A_262] : memref<16000x128xf32, #tpu.memory_space<vmem>>, vector<128x128xf32>
    tpu.vector_store %arg7[%swap3A_261, %swap3A_262], %mul3A_260 {strides = array<i32>} : memref<16000x128xf32, #tpu.memory_space<vmem>>, vector<128x128xf32>,
    %slice3A_264 = vector.extract_strided_slice %transpose3A {offsets = [0, 28], sizes = [128, 1], strides = [1, 1]} : vector<128x125xf32> to vector<128x1xf32>
    %slice3A_265 = vector.extract_strided_slice %add3A_28 {offsets = [3584, 0], sizes = [128, 128], strides = [1, 1]} : vector<16000x128xf32> to vector<128x128xf32>
    %broadcast_in_dim3A_266 = vector.shape_cast %slice3A_264 : vector<128x1xf32> to vector<128x1xf32>
    %broadcast_in_dim3A_267 = vector.broadcast %broadcast_in_dim3A_266 : vector<128x1xf32> to vector<128x128xf32>
    %mul3A_268 = arith.mulf %slice3A_265, %broadcast_in_dim3A_267 : vector<128x128xf32>
    %swap3A_269 = arith.constant 3584 : index
    %swap3A_270 = arith.constant 0 : index
    %swap3A_271 = vector.load %arg7[%swap3A_269, %swap3A_270] : memref<16000x128xf32, #tpu.memory_space<vmem>>, vector<128x128xf32>
    tpu.vector_store %arg7[%swap3A_269, %swap3A_270], %mul3A_268 {strides = array<i32>} : memref<16000x128xf32, #tpu.memory_space<vmem>>, vector<128x128xf32>,
    %slice3A_272 = vector.extract_strided_slice %transpose3A {offsets = [0, 29], sizes = [128, 1], strides = [1, 1]} : vector<128x125xf32> to vector<128x1xf32>
    %slice3A_273 = vector.extract_strided_slice %add3A_28 {offsets = [3712, 0], sizes = [128, 128], strides = [1, 1]} : vector<16000x128xf32> to vector<128x128xf32>
    %broadcast_in_dim3A_274 = vector.shape_cast %slice3A_272 : vector<128x1xf32> to vector<128x1xf32>
    %broadcast_in_dim3A_275 = vector.broadcast %broadcast_in_dim3A_274 : vector<128x1xf32> to vector<128x128xf32>
    %mul3A_276 = arith.mulf %slice3A_273, %broadcast_in_dim3A_275 : vector<128x128xf32>
    %swap3A_277 = arith.constant 3712 : index
    %swap3A_278 = arith.constant 0 : index
    %swap3A_279 = vector.load %arg7[%swap3A_277, %swap3A_278] : memref<16000x128xf32, #tpu.memory_space<vmem>>, vector<128x128xf32>
    tpu.vector_store %arg7[%swap3A_277, %swap3A_278], %mul3A_276 {strides = array<i32>} : memref<16000x128xf32, #tpu.memory_space<vmem>>, vector<128x128xf32>,
    %slice3A_280 = vector.extract_strided_slice %transpose3A {offsets = [0, 30], sizes = [128, 1], strides = [1, 1]} : vector<128x125xf32> to vector<128x1xf32>
    %slice3A_281 = vector.extract_strided_slice %add3A_28 {offsets = [3840, 0], sizes = [128, 128], strides = [1, 1]} : vector<16000x128xf32> to vector<128x128xf32>
    %broadcast_in_dim3A_282 = vector.shape_cast %slice3A_280 : vector<128x1xf32> to vector<128x1xf32>
    %broadcast_in_dim3A_283 = vector.broadcast %broadcast_in_dim3A_282 : vector<128x1xf32> to vector<128x128xf32>
    %mul3A_284 = arith.mulf %slice3A_281, %broadcast_in_dim3A_283 : vector<128x128xf32>
    %swap3A_285 = arith.constant 3840 : index
    %swap3A_286 = arith.constant 0 : index
    %swap3A_287 = vector.load %arg7[%swap3A_285, %swap3A_286] : memref<16000x128xf32, #tpu.memory_space<vmem>>, vector<128x128xf32>
    tpu.vector_store %arg7[%swap3A_285, %swap3A_286], %mul3A_284 {strides = array<i32>} : memref<16000x128xf32, #tpu.memory_space<vmem>>, vector<128x128xf32>,
    %slice3A_288 = vector.extract_strided_slice %transpose3A {offsets = [0, 31], sizes = [128, 1], strides = [1, 1]} : vector<128x125xf32> to vector<128x1xf32>
    %slice3A_289 = vector.extract_strided_slice %add3A_28 {offsets = [3968, 0], sizes = [128, 128], strides = [1, 1]} : vector<16000x128xf32> to vector<128x128xf32>
    %broadcast_in_dim3A_290 = vector.shape_cast %slice3A_288 : vector<128x1xf32> to vector<128x1xf32>
    %broadcast_in_dim3A_291 = vector.broadcast %broadcast_in_dim3A_290 : vector<128x1xf32> to vector<128x128xf32>
    %mul3A_292 = arith.mulf %slice3A_289, %broadcast_in_dim3A_291 : vector<128x128xf32>
    %swap3A_293 = arith.constant 3968 : index
    %swap3A_294 = arith.constant 0 : index
    %swap3A_295 = vector.load %arg7[%swap3A_293, %swap3A_294] : memref<16000x128xf32, #tpu.memory_space<vmem>>, vector<128x128xf32>
    tpu.vector_store %arg7[%swap3A_293, %swap3A_294], %mul3A_292 {strides = array<i32>} : memref<16000x128xf32, #tpu.memory_space<vmem>>, vector<128x128xf32>,
    %slice3A_296 = vector.extract_strided_slice %transpose3A {offsets = [0, 32], sizes = [128, 1], strides = [1, 1]} : vector<128x125xf32> to vector<128x1xf32>
    %slice3A_297 = vector.extract_strided_slice %add3A_28 {offsets = [4096, 0], sizes = [128, 128], strides = [1, 1]} : vector<16000x128xf32> to vector<128x128xf32>
    %broadcast_in_dim3A_298 = vector.shape_cast %slice3A_296 : vector<128x1xf32> to vector<128x1xf32>
    %broadcast_in_dim3A_299 = vector.broadcast %broadcast_in_dim3A_298 : vector<128x1xf32> to vector<128x128xf32>
    %mul3A_300 = arith.mulf %slice3A_297, %broadcast_in_dim3A_299 : vector<128x128xf32>
    %swap3A_301 = arith.constant 4096 : index
    %swap3A_302 = arith.constant 0 : index
    %swap3A_303 = vector.load %arg7[%swap3A_301, %swap3A_302] : memref<16000x128xf32, #tpu.memory_space<vmem>>, vector<128x128xf32>
    tpu.vector_store %arg7[%swap3A_301, %swap3A_302], %mul3A_300 {strides = array<i32>} : memref<16000x128xf32, #tpu.memory_space<vmem>>, vector<128x128xf32>,
    %slice3A_304 = vector.extract_strided_slice %transpose3A {offsets = [0, 33], sizes = [128, 1], strides = [1, 1]} : vector<128x125xf32> to vector<128x1xf32>
    %slice3A_305 = vector.extract_strided_slice %add3A_28 {offsets = [4224, 0], sizes = [128, 128], strides = [1, 1]} : vector<16000x128xf32> to vector<128x128xf32>
    %broadcast_in_dim3A_306 = vector.shape_cast %slice3A_304 : vector<128x1xf32> to vector<128x1xf32>
    %broadcast_in_dim3A_307 = vector.broadcast %broadcast_in_dim3A_306 : vector<128x1xf32> to vector<128x128xf32>
    %mul3A_308 = arith.mulf %slice3A_305, %broadcast_in_dim3A_307 : vector<128x128xf32>
    %swap3A_309 = arith.constant 4224 : index
    %swap3A_310 = arith.constant 0 : index
    %swap3A_311 = vector.load %arg7[%swap3A_309, %swap3A_310] : memref<16000x128xf32, #tpu.memory_space<vmem>>, vector<128x128xf32>
    tpu.vector_store %arg7[%swap3A_309, %swap3A_310], %mul3A_308 {strides = array<i32>} : memref<16000x128xf32, #tpu.memory_space<vmem>>, vector<128x128xf32>,
    %slice3A_312 = vector.extract_strided_slice %transpose3A {offsets = [0, 34], sizes = [128, 1], strides = [1, 1]} : vector<128x125xf32> to vector<128x1xf32>
    %slice3A_313 = vector.extract_strided_slice %add3A_28 {offsets = [4352, 0], sizes = [128, 128], strides = [1, 1]} : vector<16000x128xf32> to vector<128x128xf32>
    %broadcast_in_dim3A_314 = vector.shape_cast %slice3A_312 : vector<128x1xf32> to vector<128x1xf32>
    %broadcast_in_dim3A_315 = vector.broadcast %broadcast_in_dim3A_314 : vector<128x1xf32> to vector<128x128xf32>
    %mul3A_316 = arith.mulf %slice3A_313, %broadcast_in_dim3A_315 : vector<128x128xf32>
    %swap3A_317 = arith.constant 4352 : index
    %swap3A_318 = arith.constant 0 : index
    %swap3A_319 = vector.load %arg7[%swap3A_317, %swap3A_318] : memref<16000x128xf32, #tpu.memory_space<vmem>>, vector<128x128xf32>
    tpu.vector_store %arg7[%swap3A_317, %swap3A_318], %mul3A_316 {strides = array<i32>} : memref<16000x128xf32, #tpu.memory_space<vmem>>, vector<128x128xf32>,
    %slice3A_320 = vector.extract_strided_slice %transpose3A {offsets = [0, 35], sizes = [128, 1], strides = [1, 1]} : vector<128x125xf32> to vector<128x1xf32>
    %slice3A_321 = vector.extract_strided_slice %add3A_28 {offsets = [4480, 0], sizes = [128, 128], strides = [1, 1]} : vector<16000x128xf32> to vector<128x128xf32>
    %broadcast_in_dim3A_322 = vector.shape_cast %slice3A_320 : vector<128x1xf32> to vector<128x1xf32>
    %broadcast_in_dim3A_323 = vector.broadcast %broadcast_in_dim3A_322 : vector<128x1xf32> to vector<128x128xf32>
    %mul3A_324 = arith.mulf %slice3A_321, %broadcast_in_dim3A_323 : vector<128x128xf32>
    %swap3A_325 = arith.constant 4480 : index
    %swap3A_326 = arith.constant 0 : index
    %swap3A_327 = vector.load %arg7[%swap3A_325, %swap3A_326] : memref<16000x128xf32, #tpu.memory_space<vmem>>, vector<128x128xf32>
    tpu.vector_store %arg7[%swap3A_325, %swap3A_326], %mul3A_324 {strides = array<i32>} : memref<16000x128xf32, #tpu.memory_space<vmem>>, vector<128x128xf32>,
    %slice3A_328 = vector.extract_strided_slice %transpose3A {offsets = [0, 36], sizes = [128, 1], strides = [1, 1]} : vector<128x125xf32> to vector<128x1xf32>
    %slice3A_329 = vector.extract_strided_slice %add3A_28 {offsets = [4608, 0], sizes = [128, 128], strides = [1, 1]} : vector<16000x128xf32> to vector<128x128xf32>
    %broadcast_in_dim3A_330 = vector.shape_cast %slice3A_328 : vector<128x1xf32> to vector<128x1xf32>
    %broadcast_in_dim3A_331 = vector.broadcast %broadcast_in_dim3A_330 : vector<128x1xf32> to vector<128x128xf32>
    %mul3A_332 = arith.mulf %slice3A_329, %broadcast_in_dim3A_331 : vector<128x128xf32>
    %swap3A_333 = arith.constant 4608 : index
    %swap3A_334 = arith.constant 0 : index
    %swap3A_335 = vector.load %arg7[%swap3A_333, %swap3A_334] : memref<16000x128xf32, #tpu.memory_space<vmem>>, vector<128x128xf32>
    tpu.vector_store %arg7[%swap3A_333, %swap3A_334], %mul3A_332 {strides = array<i32>} : memref<16000x128xf32, #tpu.memory_space<vmem>>, vector<128x128xf32>,
    %slice3A_336 = vector.extract_strided_slice %transpose3A {offsets = [0, 37], sizes = [128, 1], strides = [1, 1]} : vector<128x125xf32> to vector<128x1xf32>
    %slice3A_337 = vector.extract_strided_slice %add3A_28 {offsets = [4736, 0], sizes = [128, 128], strides = [1, 1]} : vector<16000x128xf32> to vector<128x128xf32>
    %broadcast_in_dim3A_338 = vector.shape_cast %slice3A_336 : vector<128x1xf32> to vector<128x1xf32>
    %broadcast_in_dim3A_339 = vector.broadcast %broadcast_in_dim3A_338 : vector<128x1xf32> to vector<128x128xf32>
    %mul3A_340 = arith.mulf %slice3A_337, %broadcast_in_dim3A_339 : vector<128x128xf32>
    %swap3A_341 = arith.constant 4736 : index
    %swap3A_342 = arith.constant 0 : index
    %swap3A_343 = vector.load %arg7[%swap3A_341, %swap3A_342] : memref<16000x128xf32, #tpu.memory_space<vmem>>, vector<128x128xf32>
    tpu.vector_store %arg7[%swap3A_341, %swap3A_342], %mul3A_340 {strides = array<i32>} : memref<16000x128xf32, #tpu.memory_space<vmem>>, vector<128x128xf32>,
    %slice3A_344 = vector.extract_strided_slice %transpose3A {offsets = [0, 38], sizes = [128, 1], strides = [1, 1]} : vector<128x125xf32> to vector<128x1xf32>
    %slice3A_345 = vector.extract_strided_slice %add3A_28 {offsets = [4864, 0], sizes = [128, 128], strides = [1, 1]} : vector<16000x128xf32> to vector<128x128xf32>
    %broadcast_in_dim3A_346 = vector.shape_cast %slice3A_344 : vector<128x1xf32> to vector<128x1xf32>
    %broadcast_in_dim3A_347 = vector.broadcast %broadcast_in_dim3A_346 : vector<128x1xf32> to vector<128x128xf32>
    %mul3A_348 = arith.mulf %slice3A_345, %broadcast_in_dim3A_347 : vector<128x128xf32>
    %swap3A_349 = arith.constant 4864 : index
    %swap3A_350 = arith.constant 0 : index
    %swap3A_351 = vector.load %arg7[%swap3A_349, %swap3A_350] : memref<16000x128xf32, #tpu.memory_space<vmem>>, vector<128x128xf32>
    tpu.vector_store %arg7[%swap3A_349, %swap3A_350], %mul3A_348 {strides = array<i32>} : memref<16000x128xf32, #tpu.memory_space<vmem>>, vector<128x128xf32>,
    %slice3A_352 = vector.extract_strided_slice %transpose3A {offsets = [0, 39], sizes = [128, 1], strides = [1, 1]} : vector<128x125xf32> to vector<128x1xf32>
    %slice3A_353 = vector.extract_strided_slice %add3A_28 {offsets = [4992, 0], sizes = [128, 128], strides = [1, 1]} : vector<16000x128xf32> to vector<128x128xf32>
    %broadcast_in_dim3A_354 = vector.shape_cast %slice3A_352 : vector<128x1xf32> to vector<128x1xf32>
    %broadcast_in_dim3A_355 = vector.broadcast %broadcast_in_dim3A_354 : vector<128x1xf32> to vector<128x128xf32>
    %mul3A_356 = arith.mulf %slice3A_353, %broadcast_in_dim3A_355 : vector<128x128xf32>
    %swap3A_357 = arith.constant 4992 : index
    %swap3A_358 = arith.constant 0 : index
    %swap3A_359 = vector.load %arg7[%swap3A_357, %swap3A_358] : memref<16000x128xf32, #tpu.memory_space<vmem>>, vector<128x128xf32>
    tpu.vector_store %arg7[%swap3A_357, %swap3A_358], %mul3A_356 {strides = array<i32>} : memref<16000x128xf32, #tpu.memory_space<vmem>>, vector<128x128xf32>,
    %slice3A_360 = vector.extract_strided_slice %transpose3A {offsets = [0, 40], sizes = [128, 1], strides = [1, 1]} : vector<128x125xf32> to vector<128x1xf32>
    %slice3A_361 = vector.extract_strided_slice %add3A_28 {offsets = [5120, 0], sizes = [128, 128], strides = [1, 1]} : vector<16000x128xf32> to vector<128x128xf32>
    %broadcast_in_dim3A_362 = vector.shape_cast %slice3A_360 : vector<128x1xf32> to vector<128x1xf32>
    %broadcast_in_dim3A_363 = vector.broadcast %broadcast_in_dim3A_362 : vector<128x1xf32> to vector<128x128xf32>
    %mul3A_364 = arith.mulf %slice3A_361, %broadcast_in_dim3A_363 : vector<128x128xf32>
    %swap3A_365 = arith.constant 5120 : index
    %swap3A_366 = arith.constant 0 : index
    %swap3A_367 = vector.load %arg7[%swap3A_365, %swap3A_366] : memref<16000x128xf32, #tpu.memory_space<vmem>>, vector<128x128xf32>
    tpu.vector_store %arg7[%swap3A_365, %swap3A_366], %mul3A_364 {strides = array<i32>} : memref<16000x128xf32, #tpu.memory_space<vmem>>, vector<128x128xf32>,
    %slice3A_368 = vector.extract_strided_slice %transpose3A {offsets = [0, 41], sizes = [128, 1], strides = [1, 1]} : vector<128x125xf32> to vector<128x1xf32>
    %slice3A_369 = vector.extract_strided_slice %add3A_28 {offsets = [5248, 0], sizes = [128, 128], strides = [1, 1]} : vector<16000x128xf32> to vector<128x128xf32>
    %broadcast_in_dim3A_370 = vector.shape_cast %slice3A_368 : vector<128x1xf32> to vector<128x1xf32>
    %broadcast_in_dim3A_371 = vector.broadcast %broadcast_in_dim3A_370 : vector<128x1xf32> to vector<128x128xf32>
    %mul3A_372 = arith.mulf %slice3A_369, %broadcast_in_dim3A_371 : vector<128x128xf32>
    %swap3A_373 = arith.constant 5248 : index
    %swap3A_374 = arith.constant 0 : index
    %swap3A_375 = vector.load %arg7[%swap3A_373, %swap3A_374] : memref<16000x128xf32, #tpu.memory_space<vmem>>, vector<128x128xf32>
    tpu.vector_store %arg7[%swap3A_373, %swap3A_374], %mul3A_372 {strides = array<i32>} : memref<16000x128xf32, #tpu.memory_space<vmem>>, vector<128x128xf32>,
    %slice3A_376 = vector.extract_strided_slice %transpose3A {offsets = [0, 42], sizes = [128, 1], strides = [1, 1]} : vector<128x125xf32> to vector<128x1xf32>
    %slice3A_377 = vector.extract_strided_slice %add3A_28 {offsets = [5376, 0], sizes = [128, 128], strides = [1, 1]} : vector<16000x128xf32> to vector<128x128xf32>
    %broadcast_in_dim3A_378 = vector.shape_cast %slice3A_376 : vector<128x1xf32> to vector<128x1xf32>
    %broadcast_in_dim3A_379 = vector.broadcast %broadcast_in_dim3A_378 : vector<128x1xf32> to vector<128x128xf32>
    %mul3A_380 = arith.mulf %slice3A_377, %broadcast_in_dim3A_379 : vector<128x128xf32>
    %swap3A_381 = arith.constant 5376 : index
    %swap3A_382 = arith.constant 0 : index
    %swap3A_383 = vector.load %arg7[%swap3A_381, %swap3A_382] : memref<16000x128xf32, #tpu.memory_space<vmem>>, vector<128x128xf32>
    tpu.vector_store %arg7[%swap3A_381, %swap3A_382], %mul3A_380 {strides = array<i32>} : memref<16000x128xf32, #tpu.memory_space<vmem>>, vector<128x128xf32>,
    %slice3A_384 = vector.extract_strided_slice %transpose3A {offsets = [0, 43], sizes = [128, 1], strides = [1, 1]} : vector<128x125xf32> to vector<128x1xf32>
    %slice3A_385 = vector.extract_strided_slice %add3A_28 {offsets = [5504, 0], sizes = [128, 128], strides = [1, 1]} : vector<16000x128xf32> to vector<128x128xf32>
    %broadcast_in_dim3A_386 = vector.shape_cast %slice3A_384 : vector<128x1xf32> to vector<128x1xf32>
    %broadcast_in_dim3A_387 = vector.broadcast %broadcast_in_dim3A_386 : vector<128x1xf32> to vector<128x128xf32>
    %mul3A_388 = arith.mulf %slice3A_385, %broadcast_in_dim3A_387 : vector<128x128xf32>
    %swap3A_389 = arith.constant 5504 : index
    %swap3A_390 = arith.constant 0 : index
    %swap3A_391 = vector.load %arg7[%swap3A_389, %swap3A_390] : memref<16000x128xf32, #tpu.memory_space<vmem>>, vector<128x128xf32>
    tpu.vector_store %arg7[%swap3A_389, %swap3A_390], %mul3A_388 {strides = array<i32>} : memref<16000x128xf32, #tpu.memory_space<vmem>>, vector<128x128xf32>,
    %slice3A_392 = vector.extract_strided_slice %transpose3A {offsets = [0, 44], sizes = [128, 1], strides = [1, 1]} : vector<128x125xf32> to vector<128x1xf32>
    %slice3A_393 = vector.extract_strided_slice %add3A_28 {offsets = [5632, 0], sizes = [128, 128], strides = [1, 1]} : vector<16000x128xf32> to vector<128x128xf32>
    %broadcast_in_dim3A_394 = vector.shape_cast %slice3A_392 : vector<128x1xf32> to vector<128x1xf32>
    %broadcast_in_dim3A_395 = vector.broadcast %broadcast_in_dim3A_394 : vector<128x1xf32> to vector<128x128xf32>
    %mul3A_396 = arith.mulf %slice3A_393, %broadcast_in_dim3A_395 : vector<128x128xf32>
    %swap3A_397 = arith.constant 5632 : index
    %swap3A_398 = arith.constant 0 : index
    %swap3A_399 = vector.load %arg7[%swap3A_397, %swap3A_398] : memref<16000x128xf32, #tpu.memory_space<vmem>>, vector<128x128xf32>
    tpu.vector_store %arg7[%swap3A_397, %swap3A_398], %mul3A_396 {strides = array<i32>} : memref<16000x128xf32, #tpu.memory_space<vmem>>, vector<128x128xf32>,
    %slice3A_400 = vector.extract_strided_slice %transpose3A {offsets = [0, 45], sizes = [128, 1], strides = [1, 1]} : vector<128x125xf32> to vector<128x1xf32>
    %slice3A_401 = vector.extract_strided_slice %add3A_28 {offsets = [5760, 0], sizes = [128, 128], strides = [1, 1]} : vector<16000x128xf32> to vector<128x128xf32>
    %broadcast_in_dim3A_402 = vector.shape_cast %slice3A_400 : vector<128x1xf32> to vector<128x1xf32>
    %broadcast_in_dim3A_403 = vector.broadcast %broadcast_in_dim3A_402 : vector<128x1xf32> to vector<128x128xf32>
    %mul3A_404 = arith.mulf %slice3A_401, %broadcast_in_dim3A_403 : vector<128x128xf32>
    %swap3A_405 = arith.constant 5760 : index
    %swap3A_406 = arith.constant 0 : index
    %swap3A_407 = vector.load %arg7[%swap3A_405, %swap3A_406] : memref<16000x128xf32, #tpu.memory_space<vmem>>, vector<128x128xf32>
    tpu.vector_store %arg7[%swap3A_405, %swap3A_406], %mul3A_404 {strides = array<i32>} : memref<16000x128xf32, #tpu.memory_space<vmem>>, vector<128x128xf32>,
    %slice3A_408 = vector.extract_strided_slice %transpose3A {offsets = [0, 46], sizes = [128, 1], strides = [1, 1]} : vector<128x125xf32> to vector<128x1xf32>
    %slice3A_409 = vector.extract_strided_slice %add3A_28 {offsets = [5888, 0], sizes = [128, 128], strides = [1, 1]} : vector<16000x128xf32> to vector<128x128xf32>
    %broadcast_in_dim3A_410 = vector.shape_cast %slice3A_408 : vector<128x1xf32> to vector<128x1xf32>
    %broadcast_in_dim3A_411 = vector.broadcast %broadcast_in_dim3A_410 : vector<128x1xf32> to vector<128x128xf32>
    %mul3A_412 = arith.mulf %slice3A_409, %broadcast_in_dim3A_411 : vector<128x128xf32>
    %swap3A_413 = arith.constant 5888 : index
    %swap3A_414 = arith.constant 0 : index
    %swap3A_415 = vector.load %arg7[%swap3A_413, %swap3A_414] : memref<16000x128xf32, #tpu.memory_space<vmem>>, vector<128x128xf32>
    tpu.vector_store %arg7[%swap3A_413, %swap3A_414], %mul3A_412 {strides = array<i32>} : memref<16000x128xf32, #tpu.memory_space<vmem>>, vector<128x128xf32>,
    %slice3A_416 = vector.extract_strided_slice %transpose3A {offsets = [0, 47], sizes = [128, 1], strides = [1, 1]} : vector<128x125xf32> to vector<128x1xf32>
    %slice3A_417 = vector.extract_strided_slice %add3A_28 {offsets = [6016, 0], sizes = [128, 128], strides = [1, 1]} : vector<16000x128xf32> to vector<128x128xf32>
    %broadcast_in_dim3A_418 = vector.shape_cast %slice3A_416 : vector<128x1xf32> to vector<128x1xf32>
    %broadcast_in_dim3A_419 = vector.broadcast %broadcast_in_dim3A_418 : vector<128x1xf32> to vector<128x128xf32>
    %mul3A_420 = arith.mulf %slice3A_417, %broadcast_in_dim3A_419 : vector<128x128xf32>
    %swap3A_421 = arith.constant 6016 : index
    %swap3A_422 = arith.constant 0 : index
    %swap3A_423 = vector.load %arg7[%swap3A_421, %swap3A_422] : memref<16000x128xf32, #tpu.memory_space<vmem>>, vector<128x128xf32>
    tpu.vector_store %arg7[%swap3A_421, %swap3A_422], %mul3A_420 {strides = array<i32>} : memref<16000x128xf32, #tpu.memory_space<vmem>>, vector<128x128xf32>,
    %slice3A_424 = vector.extract_strided_slice %transpose3A {offsets = [0, 48], sizes = [128, 1], strides = [1, 1]} : vector<128x125xf32> to vector<128x1xf32>
    %slice3A_425 = vector.extract_strided_slice %add3A_28 {offsets = [6144, 0], sizes = [128, 128], strides = [1, 1]} : vector<16000x128xf32> to vector<128x128xf32>
    %broadcast_in_dim3A_426 = vector.shape_cast %slice3A_424 : vector<128x1xf32> to vector<128x1xf32>
    %broadcast_in_dim3A_427 = vector.broadcast %broadcast_in_dim3A_426 : vector<128x1xf32> to vector<128x128xf32>
    %mul3A_428 = arith.mulf %slice3A_425, %broadcast_in_dim3A_427 : vector<128x128xf32>
    %swap3A_429 = arith.constant 6144 : index
    %swap3A_430 = arith.constant 0 : index
    %swap3A_431 = vector.load %arg7[%swap3A_429, %swap3A_430] : memref<16000x128xf32, #tpu.memory_space<vmem>>, vector<128x128xf32>
    tpu.vector_store %arg7[%swap3A_429, %swap3A_430], %mul3A_428 {strides = array<i32>} : memref<16000x128xf32, #tpu.memory_space<vmem>>, vector<128x128xf32>,
    %slice3A_432 = vector.extract_strided_slice %transpose3A {offsets = [0, 49], sizes = [128, 1], strides = [1, 1]} : vector<128x125xf32> to vector<128x1xf32>
    %slice3A_433 = vector.extract_strided_slice %add3A_28 {offsets = [6272, 0], sizes = [128, 128], strides = [1, 1]} : vector<16000x128xf32> to vector<128x128xf32>
    %broadcast_in_dim3A_434 = vector.shape_cast %slice3A_432 : vector<128x1xf32> to vector<128x1xf32>
    %broadcast_in_dim3A_435 = vector.broadcast %broadcast_in_dim3A_434 : vector<128x1xf32> to vector<128x128xf32>
    %mul3A_436 = arith.mulf %slice3A_433, %broadcast_in_dim3A_435 : vector<128x128xf32>
    %swap3A_437 = arith.constant 6272 : index
    %swap3A_438 = arith.constant 0 : index
    %swap3A_439 = vector.load %arg7[%swap3A_437, %swap3A_438] : memref<16000x128xf32, #tpu.memory_space<vmem>>, vector<128x128xf32>
    tpu.vector_store %arg7[%swap3A_437, %swap3A_438], %mul3A_436 {strides = array<i32>} : memref<16000x128xf32, #tpu.memory_space<vmem>>, vector<128x128xf32>,
    %slice3A_440 = vector.extract_strided_slice %transpose3A {offsets = [0, 50], sizes = [128, 1], strides = [1, 1]} : vector<128x125xf32> to vector<128x1xf32>
    %slice3A_441 = vector.extract_strided_slice %add3A_28 {offsets = [6400, 0], sizes = [128, 128], strides = [1, 1]} : vector<16000x128xf32> to vector<128x128xf32>
    %broadcast_in_dim3A_442 = vector.shape_cast %slice3A_440 : vector<128x1xf32> to vector<128x1xf32>
    %broadcast_in_dim3A_443 = vector.broadcast %broadcast_in_dim3A_442 : vector<128x1xf32> to vector<128x128xf32>
    %mul3A_444 = arith.mulf %slice3A_441, %broadcast_in_dim3A_443 : vector<128x128xf32>
    %swap3A_445 = arith.constant 6400 : index
    %swap3A_446 = arith.constant 0 : index
    %swap3A_447 = vector.load %arg7[%swap3A_445, %swap3A_446] : memref<16000x128xf32, #tpu.memory_space<vmem>>, vector<128x128xf32>
    tpu.vector_store %arg7[%swap3A_445, %swap3A_446], %mul3A_444 {strides = array<i32>} : memref<16000x128xf32, #tpu.memory_space<vmem>>, vector<128x128xf32>,
    %slice3A_448 = vector.extract_strided_slice %transpose3A {offsets = [0, 51], sizes = [128, 1], strides = [1, 1]} : vector<128x125xf32> to vector<128x1xf32>
    %slice3A_449 = vector.extract_strided_slice %add3A_28 {offsets = [6528, 0], sizes = [128, 128], strides = [1, 1]} : vector<16000x128xf32> to vector<128x128xf32>
    %broadcast_in_dim3A_450 = vector.shape_cast %slice3A_448 : vector<128x1xf32> to vector<128x1xf32>
    %broadcast_in_dim3A_451 = vector.broadcast %broadcast_in_dim3A_450 : vector<128x1xf32> to vector<128x128xf32>
    %mul3A_452 = arith.mulf %slice3A_449, %broadcast_in_dim3A_451 : vector<128x128xf32>
    %swap3A_453 = arith.constant 6528 : index
    %swap3A_454 = arith.constant 0 : index
    %swap3A_455 = vector.load %arg7[%swap3A_453, %swap3A_454] : memref<16000x128xf32, #tpu.memory_space<vmem>>, vector<128x128xf32>
    tpu.vector_store %arg7[%swap3A_453, %swap3A_454], %mul3A_452 {strides = array<i32>} : memref<16000x128xf32, #tpu.memory_space<vmem>>, vector<128x128xf32>,
    %slice3A_456 = vector.extract_strided_slice %transpose3A {offsets = [0, 52], sizes = [128, 1], strides = [1, 1]} : vector<128x125xf32> to vector<128x1xf32>
    %slice3A_457 = vector.extract_strided_slice %add3A_28 {offsets = [6656, 0], sizes = [128, 128], strides = [1, 1]} : vector<16000x128xf32> to vector<128x128xf32>
    %broadcast_in_dim3A_458 = vector.shape_cast %slice3A_456 : vector<128x1xf32> to vector<128x1xf32>
    %broadcast_in_dim3A_459 = vector.broadcast %broadcast_in_dim3A_458 : vector<128x1xf32> to vector<128x128xf32>
    %mul3A_460 = arith.mulf %slice3A_457, %broadcast_in_dim3A_459 : vector<128x128xf32>
    %swap3A_461 = arith.constant 6656 : index
    %swap3A_462 = arith.constant 0 : index
    %swap3A_463 = vector.load %arg7[%swap3A_461, %swap3A_462] : memref<16000x128xf32, #tpu.memory_space<vmem>>, vector<128x128xf32>
    tpu.vector_store %arg7[%swap3A_461, %swap3A_462], %mul3A_460 {strides = array<i32>} : memref<16000x128xf32, #tpu.memory_space<vmem>>, vector<128x128xf32>,
    %slice3A_464 = vector.extract_strided_slice %transpose3A {offsets = [0, 53], sizes = [128, 1], strides = [1, 1]} : vector<128x125xf32> to vector<128x1xf32>
    %slice3A_465 = vector.extract_strided_slice %add3A_28 {offsets = [6784, 0], sizes = [128, 128], strides = [1, 1]} : vector<16000x128xf32> to vector<128x128xf32>
    %broadcast_in_dim3A_466 = vector.shape_cast %slice3A_464 : vector<128x1xf32> to vector<128x1xf32>
    %broadcast_in_dim3A_467 = vector.broadcast %broadcast_in_dim3A_466 : vector<128x1xf32> to vector<128x128xf32>
    %mul3A_468 = arith.mulf %slice3A_465, %broadcast_in_dim3A_467 : vector<128x128xf32>
    %swap3A_469 = arith.constant 6784 : index
    %swap3A_470 = arith.constant 0 : index
    %swap3A_471 = vector.load %arg7[%swap3A_469, %swap3A_470] : memref<16000x128xf32, #tpu.memory_space<vmem>>, vector<128x128xf32>
    tpu.vector_store %arg7[%swap3A_469, %swap3A_470], %mul3A_468 {strides = array<i32>} : memref<16000x128xf32, #tpu.memory_space<vmem>>, vector<128x128xf32>,
    %slice3A_472 = vector.extract_strided_slice %transpose3A {offsets = [0, 54], sizes = [128, 1], strides = [1, 1]} : vector<128x125xf32> to vector<128x1xf32>
    %slice3A_473 = vector.extract_strided_slice %add3A_28 {offsets = [6912, 0], sizes = [128, 128], strides = [1, 1]} : vector<16000x128xf32> to vector<128x128xf32>
    %broadcast_in_dim3A_474 = vector.shape_cast %slice3A_472 : vector<128x1xf32> to vector<128x1xf32>
    %broadcast_in_dim3A_475 = vector.broadcast %broadcast_in_dim3A_474 : vector<128x1xf32> to vector<128x128xf32>
    %mul3A_476 = arith.mulf %slice3A_473, %broadcast_in_dim3A_475 : vector<128x128xf32>
    %swap3A_477 = arith.constant 6912 : index
    %swap3A_478 = arith.constant 0 : index
    %swap3A_479 = vector.load %arg7[%swap3A_477, %swap3A_478] : memref<16000x128xf32, #tpu.memory_space<vmem>>, vector<128x128xf32>
    tpu.vector_store %arg7[%swap3A_477, %swap3A_478], %mul3A_476 {strides = array<i32>} : memref<16000x128xf32, #tpu.memory_space<vmem>>, vector<128x128xf32>,
    %slice3A_480 = vector.extract_strided_slice %transpose3A {offsets = [0, 55], sizes = [128, 1], strides = [1, 1]} : vector<128x125xf32> to vector<128x1xf32>
    %slice3A_481 = vector.extract_strided_slice %add3A_28 {offsets = [7040, 0], sizes = [128, 128], strides = [1, 1]} : vector<16000x128xf32> to vector<128x128xf32>
    %broadcast_in_dim3A_482 = vector.shape_cast %slice3A_480 : vector<128x1xf32> to vector<128x1xf32>
    %broadcast_in_dim3A_483 = vector.broadcast %broadcast_in_dim3A_482 : vector<128x1xf32> to vector<128x128xf32>
    %mul3A_484 = arith.mulf %slice3A_481, %broadcast_in_dim3A_483 : vector<128x128xf32>
    %swap3A_485 = arith.constant 7040 : index
    %swap3A_486 = arith.constant 0 : index
    %swap3A_487 = vector.load %arg7[%swap3A_485, %swap3A_486] : memref<16000x128xf32, #tpu.memory_space<vmem>>, vector<128x128xf32>
    tpu.vector_store %arg7[%swap3A_485, %swap3A_486], %mul3A_484 {strides = array<i32>} : memref<16000x128xf32, #tpu.memory_space<vmem>>, vector<128x128xf32>,
    %slice3A_488 = vector.extract_strided_slice %transpose3A {offsets = [0, 56], sizes = [128, 1], strides = [1, 1]} : vector<128x125xf32> to vector<128x1xf32>
    %slice3A_489 = vector.extract_strided_slice %add3A_28 {offsets = [7168, 0], sizes = [128, 128], strides = [1, 1]} : vector<16000x128xf32> to vector<128x128xf32>
    %broadcast_in_dim3A_490 = vector.shape_cast %slice3A_488 : vector<128x1xf32> to vector<128x1xf32>
    %broadcast_in_dim3A_491 = vector.broadcast %broadcast_in_dim3A_490 : vector<128x1xf32> to vector<128x128xf32>
    %mul3A_492 = arith.mulf %slice3A_489, %broadcast_in_dim3A_491 : vector<128x128xf32>
    %swap3A_493 = arith.constant 7168 : index
    %swap3A_494 = arith.constant 0 : index
    %swap3A_495 = vector.load %arg7[%swap3A_493, %swap3A_494] : memref<16000x128xf32, #tpu.memory_space<vmem>>, vector<128x128xf32>
    tpu.vector_store %arg7[%swap3A_493, %swap3A_494], %mul3A_492 {strides = array<i32>} : memref<16000x128xf32, #tpu.memory_space<vmem>>, vector<128x128xf32>,
    %slice3A_496 = vector.extract_strided_slice %transpose3A {offsets = [0, 57], sizes = [128, 1], strides = [1, 1]} : vector<128x125xf32> to vector<128x1xf32>
    %slice3A_497 = vector.extract_strided_slice %add3A_28 {offsets = [7296, 0], sizes = [128, 128], strides = [1, 1]} : vector<16000x128xf32> to vector<128x128xf32>
    %broadcast_in_dim3A_498 = vector.shape_cast %slice3A_496 : vector<128x1xf32> to vector<128x1xf32>
    %broadcast_in_dim3A_499 = vector.broadcast %broadcast_in_dim3A_498 : vector<128x1xf32> to vector<128x128xf32>
    %mul3A_500 = arith.mulf %slice3A_497, %broadcast_in_dim3A_499 : vector<128x128xf32>
    %swap3A_501 = arith.constant 7296 : index
    %swap3A_502 = arith.constant 0 : index
    %swap3A_503 = vector.load %arg7[%swap3A_501, %swap3A_502] : memref<16000x128xf32, #tpu.memory_space<vmem>>, vector<128x128xf32>
    tpu.vector_store %arg7[%swap3A_501, %swap3A_502], %mul3A_500 {strides = array<i32>} : memref<16000x128xf32, #tpu.memory_space<vmem>>, vector<128x128xf32>,
    %slice3A_504 = vector.extract_strided_slice %transpose3A {offsets = [0, 58], sizes = [128, 1], strides = [1, 1]} : vector<128x125xf32> to vector<128x1xf32>
    %slice3A_505 = vector.extract_strided_slice %add3A_28 {offsets = [7424, 0], sizes = [128, 128], strides = [1, 1]} : vector<16000x128xf32> to vector<128x128xf32>
    %broadcast_in_dim3A_506 = vector.shape_cast %slice3A_504 : vector<128x1xf32> to vector<128x1xf32>
    %broadcast_in_dim3A_507 = vector.broadcast %broadcast_in_dim3A_506 : vector<128x1xf32> to vector<128x128xf32>
    %mul3A_508 = arith.mulf %slice3A_505, %broadcast_in_dim3A_507 : vector<128x128xf32>
    %swap3A_509 = arith.constant 7424 : index
    %swap3A_510 = arith.constant 0 : index
    %swap3A_511 = vector.load %arg7[%swap3A_509, %swap3A_510] : memref<16000x128xf32, #tpu.memory_space<vmem>>, vector<128x128xf32>
    tpu.vector_store %arg7[%swap3A_509, %swap3A_510], %mul3A_508 {strides = array<i32>} : memref<16000x128xf32, #tpu.memory_space<vmem>>, vector<128x128xf32>,
    %slice3A_512 = vector.extract_strided_slice %transpose3A {offsets = [0, 59], sizes = [128, 1], strides = [1, 1]} : vector<128x125xf32> to vector<128x1xf32>
    %slice3A_513 = vector.extract_strided_slice %add3A_28 {offsets = [7552, 0], sizes = [128, 128], strides = [1, 1]} : vector<16000x128xf32> to vector<128x128xf32>
    %broadcast_in_dim3A_514 = vector.shape_cast %slice3A_512 : vector<128x1xf32> to vector<128x1xf32>
    %broadcast_in_dim3A_515 = vector.broadcast %broadcast_in_dim3A_514 : vector<128x1xf32> to vector<128x128xf32>
    %mul3A_516 = arith.mulf %slice3A_513, %broadcast_in_dim3A_515 : vector<128x128xf32>
    %swap3A_517 = arith.constant 7552 : index
    %swap3A_518 = arith.constant 0 : index
    %swap3A_519 = vector.load %arg7[%swap3A_517, %swap3A_518] : memref<16000x128xf32, #tpu.memory_space<vmem>>, vector<128x128xf32>
    tpu.vector_store %arg7[%swap3A_517, %swap3A_518], %mul3A_516 {strides = array<i32>} : memref<16000x128xf32, #tpu.memory_space<vmem>>, vector<128x128xf32>,
    %slice3A_520 = vector.extract_strided_slice %transpose3A {offsets = [0, 60], sizes = [128, 1], strides = [1, 1]} : vector<128x125xf32> to vector<128x1xf32>
    %slice3A_521 = vector.extract_strided_slice %add3A_28 {offsets = [7680, 0], sizes = [128, 128], strides = [1, 1]} : vector<16000x128xf32> to vector<128x128xf32>
    %broadcast_in_dim3A_522 = vector.shape_cast %slice3A_520 : vector<128x1xf32> to vector<128x1xf32>
    %broadcast_in_dim3A_523 = vector.broadcast %broadcast_in_dim3A_522 : vector<128x1xf32> to vector<128x128xf32>
    %mul3A_524 = arith.mulf %slice3A_521, %broadcast_in_dim3A_523 : vector<128x128xf32>
    %swap3A_525 = arith.constant 7680 : index
    %swap3A_526 = arith.constant 0 : index
    %swap3A_527 = vector.load %arg7[%swap3A_525, %swap3A_526] : memref<16000x128xf32, #tpu.memory_space<vmem>>, vector<128x128xf32>
    tpu.vector_store %arg7[%swap3A_525, %swap3A_526], %mul3A_524 {strides = array<i32>} : memref<16000x128xf32, #tpu.memory_space<vmem>>, vector<128x128xf32>,
    %slice3A_528 = vector.extract_strided_slice %transpose3A {offsets = [0, 61], sizes = [128, 1], strides = [1, 1]} : vector<128x125xf32> to vector<128x1xf32>
    %slice3A_529 = vector.extract_strided_slice %add3A_28 {offsets = [7808, 0], sizes = [128, 128], strides = [1, 1]} : vector<16000x128xf32> to vector<128x128xf32>
    %broadcast_in_dim3A_530 = vector.shape_cast %slice3A_528 : vector<128x1xf32> to vector<128x1xf32>
    %broadcast_in_dim3A_531 = vector.broadcast %broadcast_in_dim3A_530 : vector<128x1xf32> to vector<128x128xf32>
    %mul3A_532 = arith.mulf %slice3A_529, %broadcast_in_dim3A_531 : vector<128x128xf32>
    %swap3A_533 = arith.constant 7808 : index
    %swap3A_534 = arith.constant 0 : index
    %swap3A_535 = vector.load %arg7[%swap3A_533, %swap3A_534] : memref<16000x128xf32, #tpu.memory_space<vmem>>, vector<128x128xf32>
    tpu.vector_store %arg7[%swap3A_533, %swap3A_534], %mul3A_532 {strides = array<i32>} : memref<16000x128xf32, #tpu.memory_space<vmem>>, vector<128x128xf32>,
    %slice3A_536 = vector.extract_strided_slice %transpose3A {offsets = [0, 62], sizes = [128, 1], strides = [1, 1]} : vector<128x125xf32> to vector<128x1xf32>
    %slice3A_537 = vector.extract_strided_slice %add3A_28 {offsets = [7936, 0], sizes = [128, 128], strides = [1, 1]} : vector<16000x128xf32> to vector<128x128xf32>
    %broadcast_in_dim3A_538 = vector.shape_cast %slice3A_536 : vector<128x1xf32> to vector<128x1xf32>
    %broadcast_in_dim3A_539 = vector.broadcast %broadcast_in_dim3A_538 : vector<128x1xf32> to vector<128x128xf32>
    %mul3A_540 = arith.mulf %slice3A_537, %broadcast_in_dim3A_539 : vector<128x128xf32>
    %swap3A_541 = arith.constant 7936 : index
    %swap3A_542 = arith.constant 0 : index
    %swap3A_543 = vector.load %arg7[%swap3A_541, %swap3A_542] : memref<16000x128xf32, #tpu.memory_space<vmem>>, vector<128x128xf32>
    tpu.vector_store %arg7[%swap3A_541, %swap3A_542], %mul3A_540 {strides = array<i32>} : memref<16000x128xf32, #tpu.memory_space<vmem>>, vector<128x128xf32>,
    %slice3A_544 = vector.extract_strided_slice %transpose3A {offsets = [0, 63], sizes = [128, 1], strides = [1, 1]} : vector<128x125xf32> to vector<128x1xf32>
    %slice3A_545 = vector.extract_strided_slice %add3A_28 {offsets = [8064, 0], sizes = [128, 128], strides = [1, 1]} : vector<16000x128xf32> to vector<128x128xf32>
    %broadcast_in_dim3A_546 = vector.shape_cast %slice3A_544 : vector<128x1xf32> to vector<128x1xf32>
    %broadcast_in_dim3A_547 = vector.broadcast %broadcast_in_dim3A_546 : vector<128x1xf32> to vector<128x128xf32>
    %mul3A_548 = arith.mulf %slice3A_545, %broadcast_in_dim3A_547 : vector<128x128xf32>
    %swap3A_549 = arith.constant 8064 : index
    %swap3A_550 = arith.constant 0 : index
    %swap3A_551 = vector.load %arg7[%swap3A_549, %swap3A_550] : memref<16000x128xf32, #tpu.memory_space<vmem>>, vector<128x128xf32>
    tpu.vector_store %arg7[%swap3A_549, %swap3A_550], %mul3A_548 {strides = array<i32>} : memref<16000x128xf32, #tpu.memory_space<vmem>>, vector<128x128xf32>,
    %slice3A_552 = vector.extract_strided_slice %transpose3A {offsets = [0, 64], sizes = [128, 1], strides = [1, 1]} : vector<128x125xf32> to vector<128x1xf32>
    %slice3A_553 = vector.extract_strided_slice %add3A_28 {offsets = [8192, 0], sizes = [128, 128], strides = [1, 1]} : vector<16000x128xf32> to vector<128x128xf32>
    %broadcast_in_dim3A_554 = vector.shape_cast %slice3A_552 : vector<128x1xf32> to vector<128x1xf32>
    %broadcast_in_dim3A_555 = vector.broadcast %broadcast_in_dim3A_554 : vector<128x1xf32> to vector<128x128xf32>
    %mul3A_556 = arith.mulf %slice3A_553, %broadcast_in_dim3A_555 : vector<128x128xf32>
    %swap3A_557 = arith.constant 8192 : index
    %swap3A_558 = arith.constant 0 : index
    %swap3A_559 = vector.load %arg7[%swap3A_557, %swap3A_558] : memref<16000x128xf32, #tpu.memory_space<vmem>>, vector<128x128xf32>
    tpu.vector_store %arg7[%swap3A_557, %swap3A_558], %mul3A_556 {strides = array<i32>} : memref<16000x128xf32, #tpu.memory_space<vmem>>, vector<128x128xf32>,
    %slice3A_560 = vector.extract_strided_slice %transpose3A {offsets = [0, 65], sizes = [128, 1], strides = [1, 1]} : vector<128x125xf32> to vector<128x1xf32>
    %slice3A_561 = vector.extract_strided_slice %add3A_28 {offsets = [8320, 0], sizes = [128, 128], strides = [1, 1]} : vector<16000x128xf32> to vector<128x128xf32>
    %broadcast_in_dim3A_562 = vector.shape_cast %slice3A_560 : vector<128x1xf32> to vector<128x1xf32>
    %broadcast_in_dim3A_563 = vector.broadcast %broadcast_in_dim3A_562 : vector<128x1xf32> to vector<128x128xf32>
    %mul3A_564 = arith.mulf %slice3A_561, %broadcast_in_dim3A_563 : vector<128x128xf32>
    %swap3A_565 = arith.constant 8320 : index
    %swap3A_566 = arith.constant 0 : index
    %swap3A_567 = vector.load %arg7[%swap3A_565, %swap3A_566] : memref<16000x128xf32, #tpu.memory_space<vmem>>, vector<128x128xf32>
    tpu.vector_store %arg7[%swap3A_565, %swap3A_566], %mul3A_564 {strides = array<i32>} : memref<16000x128xf32, #tpu.memory_space<vmem>>, vector<128x128xf32>,
    %slice3A_568 = vector.extract_strided_slice %transpose3A {offsets = [0, 66], sizes = [128, 1], strides = [1, 1]} : vector<128x125xf32> to vector<128x1xf32>
    %slice3A_569 = vector.extract_strided_slice %add3A_28 {offsets = [8448, 0], sizes = [128, 128], strides = [1, 1]} : vector<16000x128xf32> to vector<128x128xf32>
    %broadcast_in_dim3A_570 = vector.shape_cast %slice3A_568 : vector<128x1xf32> to vector<128x1xf32>
    %broadcast_in_dim3A_571 = vector.broadcast %broadcast_in_dim3A_570 : vector<128x1xf32> to vector<128x128xf32>
    %mul3A_572 = arith.mulf %slice3A_569, %broadcast_in_dim3A_571 : vector<128x128xf32>
    %swap3A_573 = arith.constant 8448 : index
    %swap3A_574 = arith.constant 0 : index
    %swap3A_575 = vector.load %arg7[%swap3A_573, %swap3A_574] : memref<16000x128xf32, #tpu.memory_space<vmem>>, vector<128x128xf32>
    tpu.vector_store %arg7[%swap3A_573, %swap3A_574], %mul3A_572 {strides = array<i32>} : memref<16000x128xf32, #tpu.memory_space<vmem>>, vector<128x128xf32>,
    %slice3A_576 = vector.extract_strided_slice %transpose3A {offsets = [0, 67], sizes = [128, 1], strides = [1, 1]} : vector<128x125xf32> to vector<128x1xf32>
    %slice3A_577 = vector.extract_strided_slice %add3A_28 {offsets = [8576, 0], sizes = [128, 128], strides = [1, 1]} : vector<16000x128xf32> to vector<128x128xf32>
    %broadcast_in_dim3A_578 = vector.shape_cast %slice3A_576 : vector<128x1xf32> to vector<128x1xf32>
    %broadcast_in_dim3A_579 = vector.broadcast %broadcast_in_dim3A_578 : vector<128x1xf32> to vector<128x128xf32>
    %mul3A_580 = arith.mulf %slice3A_577, %broadcast_in_dim3A_579 : vector<128x128xf32>
    %swap3A_581 = arith.constant 8576 : index
    %swap3A_582 = arith.constant 0 : index
    %swap3A_583 = vector.load %arg7[%swap3A_581, %swap3A_582] : memref<16000x128xf32, #tpu.memory_space<vmem>>, vector<128x128xf32>
    tpu.vector_store %arg7[%swap3A_581, %swap3A_582], %mul3A_580 {strides = array<i32>} : memref<16000x128xf32, #tpu.memory_space<vmem>>, vector<128x128xf32>,
    %slice3A_584 = vector.extract_strided_slice %transpose3A {offsets = [0, 68], sizes = [128, 1], strides = [1, 1]} : vector<128x125xf32> to vector<128x1xf32>
    %slice3A_585 = vector.extract_strided_slice %add3A_28 {offsets = [8704, 0], sizes = [128, 128], strides = [1, 1]} : vector<16000x128xf32> to vector<128x128xf32>
    %broadcast_in_dim3A_586 = vector.shape_cast %slice3A_584 : vector<128x1xf32> to vector<128x1xf32>
    %broadcast_in_dim3A_587 = vector.broadcast %broadcast_in_dim3A_586 : vector<128x1xf32> to vector<128x128xf32>
    %mul3A_588 = arith.mulf %slice3A_585, %broadcast_in_dim3A_587 : vector<128x128xf32>
    %swap3A_589 = arith.constant 8704 : index
    %swap3A_590 = arith.constant 0 : index
    %swap3A_591 = vector.load %arg7[%swap3A_589, %swap3A_590] : memref<16000x128xf32, #tpu.memory_space<vmem>>, vector<128x128xf32>
    tpu.vector_store %arg7[%swap3A_589, %swap3A_590], %mul3A_588 {strides = array<i32>} : memref<16000x128xf32, #tpu.memory_space<vmem>>, vector<128x128xf32>,
    %slice3A_592 = vector.extract_strided_slice %transpose3A {offsets = [0, 69], sizes = [128, 1], strides = [1, 1]} : vector<128x125xf32> to vector<128x1xf32>
    %slice3A_593 = vector.extract_strided_slice %add3A_28 {offsets = [8832, 0], sizes = [128, 128], strides = [1, 1]} : vector<16000x128xf32> to vector<128x128xf32>
    %broadcast_in_dim3A_594 = vector.shape_cast %slice3A_592 : vector<128x1xf32> to vector<128x1xf32>
    %broadcast_in_dim3A_595 = vector.broadcast %broadcast_in_dim3A_594 : vector<128x1xf32> to vector<128x128xf32>
    %mul3A_596 = arith.mulf %slice3A_593, %broadcast_in_dim3A_595 : vector<128x128xf32>
    %swap3A_597 = arith.constant 8832 : index
    %swap3A_598 = arith.constant 0 : index
    %swap3A_599 = vector.load %arg7[%swap3A_597, %swap3A_598] : memref<16000x128xf32, #tpu.memory_space<vmem>>, vector<128x128xf32>
    tpu.vector_store %arg7[%swap3A_597, %swap3A_598], %mul3A_596 {strides = array<i32>} : memref<16000x128xf32, #tpu.memory_space<vmem>>, vector<128x128xf32>,
    %slice3A_600 = vector.extract_strided_slice %transpose3A {offsets = [0, 70], sizes = [128, 1], strides = [1, 1]} : vector<128x125xf32> to vector<128x1xf32>
    %slice3A_601 = vector.extract_strided_slice %add3A_28 {offsets = [8960, 0], sizes = [128, 128], strides = [1, 1]} : vector<16000x128xf32> to vector<128x128xf32>
    %broadcast_in_dim3A_602 = vector.shape_cast %slice3A_600 : vector<128x1xf32> to vector<128x1xf32>
    %broadcast_in_dim3A_603 = vector.broadcast %broadcast_in_dim3A_602 : vector<128x1xf32> to vector<128x128xf32>
    %mul3A_604 = arith.mulf %slice3A_601, %broadcast_in_dim3A_603 : vector<128x128xf32>
    %swap3A_605 = arith.constant 8960 : index
    %swap3A_606 = arith.constant 0 : index
    %swap3A_607 = vector.load %arg7[%swap3A_605, %swap3A_606] : memref<16000x128xf32, #tpu.memory_space<vmem>>, vector<128x128xf32>
    tpu.vector_store %arg7[%swap3A_605, %swap3A_606], %mul3A_604 {strides = array<i32>} : memref<16000x128xf32, #tpu.memory_space<vmem>>, vector<128x128xf32>,
    %slice3A_608 = vector.extract_strided_slice %transpose3A {offsets = [0, 71], sizes = [128, 1], strides = [1, 1]} : vector<128x125xf32> to vector<128x1xf32>
    %slice3A_609 = vector.extract_strided_slice %add3A_28 {offsets = [9088, 0], sizes = [128, 128], strides = [1, 1]} : vector<16000x128xf32> to vector<128x128xf32>
    %broadcast_in_dim3A_610 = vector.shape_cast %slice3A_608 : vector<128x1xf32> to vector<128x1xf32>
    %broadcast_in_dim3A_611 = vector.broadcast %broadcast_in_dim3A_610 : vector<128x1xf32> to vector<128x128xf32>
    %mul3A_612 = arith.mulf %slice3A_609, %broadcast_in_dim3A_611 : vector<128x128xf32>
    %swap3A_613 = arith.constant 9088 : index
    %swap3A_614 = arith.constant 0 : index
    %swap3A_615 = vector.load %arg7[%swap3A_613, %swap3A_614] : memref<16000x128xf32, #tpu.memory_space<vmem>>, vector<128x128xf32>
    tpu.vector_store %arg7[%swap3A_613, %swap3A_614], %mul3A_612 {strides = array<i32>} : memref<16000x128xf32, #tpu.memory_space<vmem>>, vector<128x128xf32>,
    %slice3A_616 = vector.extract_strided_slice %transpose3A {offsets = [0, 72], sizes = [128, 1], strides = [1, 1]} : vector<128x125xf32> to vector<128x1xf32>
    %slice3A_617 = vector.extract_strided_slice %add3A_28 {offsets = [9216, 0], sizes = [128, 128], strides = [1, 1]} : vector<16000x128xf32> to vector<128x128xf32>
    %broadcast_in_dim3A_618 = vector.shape_cast %slice3A_616 : vector<128x1xf32> to vector<128x1xf32>
    %broadcast_in_dim3A_619 = vector.broadcast %broadcast_in_dim3A_618 : vector<128x1xf32> to vector<128x128xf32>
    %mul3A_620 = arith.mulf %slice3A_617, %broadcast_in_dim3A_619 : vector<128x128xf32>
    %swap3A_621 = arith.constant 9216 : index
    %swap3A_622 = arith.constant 0 : index
    %swap3A_623 = vector.load %arg7[%swap3A_621, %swap3A_622] : memref<16000x128xf32, #tpu.memory_space<vmem>>, vector<128x128xf32>
    tpu.vector_store %arg7[%swap3A_621, %swap3A_622], %mul3A_620 {strides = array<i32>} : memref<16000x128xf32, #tpu.memory_space<vmem>>, vector<128x128xf32>,
    %slice3A_624 = vector.extract_strided_slice %transpose3A {offsets = [0, 73], sizes = [128, 1], strides = [1, 1]} : vector<128x125xf32> to vector<128x1xf32>
    %slice3A_625 = vector.extract_strided_slice %add3A_28 {offsets = [9344, 0], sizes = [128, 128], strides = [1, 1]} : vector<16000x128xf32> to vector<128x128xf32>
    %broadcast_in_dim3A_626 = vector.shape_cast %slice3A_624 : vector<128x1xf32> to vector<128x1xf32>
    %broadcast_in_dim3A_627 = vector.broadcast %broadcast_in_dim3A_626 : vector<128x1xf32> to vector<128x128xf32>
    %mul3A_628 = arith.mulf %slice3A_625, %broadcast_in_dim3A_627 : vector<128x128xf32>
    %swap3A_629 = arith.constant 9344 : index
    %swap3A_630 = arith.constant 0 : index
    %swap3A_631 = vector.load %arg7[%swap3A_629, %swap3A_630] : memref<16000x128xf32, #tpu.memory_space<vmem>>, vector<128x128xf32>
    tpu.vector_store %arg7[%swap3A_629, %swap3A_630], %mul3A_628 {strides = array<i32>} : memref<16000x128xf32, #tpu.memory_space<vmem>>, vector<128x128xf32>,
    %slice3A_632 = vector.extract_strided_slice %transpose3A {offsets = [0, 74], sizes = [128, 1], strides = [1, 1]} : vector<128x125xf32> to vector<128x1xf32>
    %slice3A_633 = vector.extract_strided_slice %add3A_28 {offsets = [9472, 0], sizes = [128, 128], strides = [1, 1]} : vector<16000x128xf32> to vector<128x128xf32>
    %broadcast_in_dim3A_634 = vector.shape_cast %slice3A_632 : vector<128x1xf32> to vector<128x1xf32>
    %broadcast_in_dim3A_635 = vector.broadcast %broadcast_in_dim3A_634 : vector<128x1xf32> to vector<128x128xf32>
    %mul3A_636 = arith.mulf %slice3A_633, %broadcast_in_dim3A_635 : vector<128x128xf32>
    %swap3A_637 = arith.constant 9472 : index
    %swap3A_638 = arith.constant 0 : index
    %swap3A_639 = vector.load %arg7[%swap3A_637, %swap3A_638] : memref<16000x128xf32, #tpu.memory_space<vmem>>, vector<128x128xf32>
    tpu.vector_store %arg7[%swap3A_637, %swap3A_638], %mul3A_636 {strides = array<i32>} : memref<16000x128xf32, #tpu.memory_space<vmem>>, vector<128x128xf32>,
    %slice3A_640 = vector.extract_strided_slice %transpose3A {offsets = [0, 75], sizes = [128, 1], strides = [1, 1]} : vector<128x125xf32> to vector<128x1xf32>
    %slice3A_641 = vector.extract_strided_slice %add3A_28 {offsets = [9600, 0], sizes = [128, 128], strides = [1, 1]} : vector<16000x128xf32> to vector<128x128xf32>
    %broadcast_in_dim3A_642 = vector.shape_cast %slice3A_640 : vector<128x1xf32> to vector<128x1xf32>
    %broadcast_in_dim3A_643 = vector.broadcast %broadcast_in_dim3A_642 : vector<128x1xf32> to vector<128x128xf32>
    %mul3A_644 = arith.mulf %slice3A_641, %broadcast_in_dim3A_643 : vector<128x128xf32>
    %swap3A_645 = arith.constant 9600 : index
    %swap3A_646 = arith.constant 0 : index
    %swap3A_647 = vector.load %arg7[%swap3A_645, %swap3A_646] : memref<16000x128xf32, #tpu.memory_space<vmem>>, vector<128x128xf32>
    tpu.vector_store %arg7[%swap3A_645, %swap3A_646], %mul3A_644 {strides = array<i32>} : memref<16000x128xf32, #tpu.memory_space<vmem>>, vector<128x128xf32>,
    %slice3A_648 = vector.extract_strided_slice %transpose3A {offsets = [0, 76], sizes = [128, 1], strides = [1, 1]} : vector<128x125xf32> to vector<128x1xf32>
    %slice3A_649 = vector.extract_strided_slice %add3A_28 {offsets = [9728, 0], sizes = [128, 128], strides = [1, 1]} : vector<16000x128xf32> to vector<128x128xf32>
    %broadcast_in_dim3A_650 = vector.shape_cast %slice3A_648 : vector<128x1xf32> to vector<128x1xf32>
    %broadcast_in_dim3A_651 = vector.broadcast %broadcast_in_dim3A_650 : vector<128x1xf32> to vector<128x128xf32>
    %mul3A_652 = arith.mulf %slice3A_649, %broadcast_in_dim3A_651 : vector<128x128xf32>
    %swap3A_653 = arith.constant 9728 : index
    %swap3A_654 = arith.constant 0 : index
    %swap3A_655 = vector.load %arg7[%swap3A_653, %swap3A_654] : memref<16000x128xf32, #tpu.memory_space<vmem>>, vector<128x128xf32>
    tpu.vector_store %arg7[%swap3A_653, %swap3A_654], %mul3A_652 {strides = array<i32>} : memref<16000x128xf32, #tpu.memory_space<vmem>>, vector<128x128xf32>,
    %slice3A_656 = vector.extract_strided_slice %transpose3A {offsets = [0, 77], sizes = [128, 1], strides = [1, 1]} : vector<128x125xf32> to vector<128x1xf32>
    %slice3A_657 = vector.extract_strided_slice %add3A_28 {offsets = [9856, 0], sizes = [128, 128], strides = [1, 1]} : vector<16000x128xf32> to vector<128x128xf32>
    %broadcast_in_dim3A_658 = vector.shape_cast %slice3A_656 : vector<128x1xf32> to vector<128x1xf32>
    %broadcast_in_dim3A_659 = vector.broadcast %broadcast_in_dim3A_658 : vector<128x1xf32> to vector<128x128xf32>
    %mul3A_660 = arith.mulf %slice3A_657, %broadcast_in_dim3A_659 : vector<128x128xf32>
    %swap3A_661 = arith.constant 9856 : index
    %swap3A_662 = arith.constant 0 : index
    %swap3A_663 = vector.load %arg7[%swap3A_661, %swap3A_662] : memref<16000x128xf32, #tpu.memory_space<vmem>>, vector<128x128xf32>
    tpu.vector_store %arg7[%swap3A_661, %swap3A_662], %mul3A_660 {strides = array<i32>} : memref<16000x128xf32, #tpu.memory_space<vmem>>, vector<128x128xf32>,
    %slice3A_664 = vector.extract_strided_slice %transpose3A {offsets = [0, 78], sizes = [128, 1], strides = [1, 1]} : vector<128x125xf32> to vector<128x1xf32>
    %slice3A_665 = vector.extract_strided_slice %add3A_28 {offsets = [9984, 0], sizes = [128, 128], strides = [1, 1]} : vector<16000x128xf32> to vector<128x128xf32>
    %broadcast_in_dim3A_666 = vector.shape_cast %slice3A_664 : vector<128x1xf32> to vector<128x1xf32>
    %broadcast_in_dim3A_667 = vector.broadcast %broadcast_in_dim3A_666 : vector<128x1xf32> to vector<128x128xf32>
    %mul3A_668 = arith.mulf %slice3A_665, %broadcast_in_dim3A_667 : vector<128x128xf32>
    %swap3A_669 = arith.constant 9984 : index
    %swap3A_670 = arith.constant 0 : index
    %swap3A_671 = vector.load %arg7[%swap3A_669, %swap3A_670] : memref<16000x128xf32, #tpu.memory_space<vmem>>, vector<128x128xf32>
    tpu.vector_store %arg7[%swap3A_669, %swap3A_670], %mul3A_668 {strides = array<i32>} : memref<16000x128xf32, #tpu.memory_space<vmem>>, vector<128x128xf32>,
    %slice3A_672 = vector.extract_strided_slice %transpose3A {offsets = [0, 79], sizes = [128, 1], strides = [1, 1]} : vector<128x125xf32> to vector<128x1xf32>
    %slice3A_673 = vector.extract_strided_slice %add3A_28 {offsets = [10112, 0], sizes = [128, 128], strides = [1, 1]} : vector<16000x128xf32> to vector<128x128xf32>
    %broadcast_in_dim3A_674 = vector.shape_cast %slice3A_672 : vector<128x1xf32> to vector<128x1xf32>
    %broadcast_in_dim3A_675 = vector.broadcast %broadcast_in_dim3A_674 : vector<128x1xf32> to vector<128x128xf32>
    %mul3A_676 = arith.mulf %slice3A_673, %broadcast_in_dim3A_675 : vector<128x128xf32>
    %swap3A_677 = arith.constant 10112 : index
    %swap3A_678 = arith.constant 0 : index
    %swap3A_679 = vector.load %arg7[%swap3A_677, %swap3A_678] : memref<16000x128xf32, #tpu.memory_space<vmem>>, vector<128x128xf32>
    tpu.vector_store %arg7[%swap3A_677, %swap3A_678], %mul3A_676 {strides = array<i32>} : memref<16000x128xf32, #tpu.memory_space<vmem>>, vector<128x128xf32>,
    %slice3A_680 = vector.extract_strided_slice %transpose3A {offsets = [0, 80], sizes = [128, 1], strides = [1, 1]} : vector<128x125xf32> to vector<128x1xf32>
    %slice3A_681 = vector.extract_strided_slice %add3A_28 {offsets = [10240, 0], sizes = [128, 128], strides = [1, 1]} : vector<16000x128xf32> to vector<128x128xf32>
    %broadcast_in_dim3A_682 = vector.shape_cast %slice3A_680 : vector<128x1xf32> to vector<128x1xf32>
    %broadcast_in_dim3A_683 = vector.broadcast %broadcast_in_dim3A_682 : vector<128x1xf32> to vector<128x128xf32>
    %mul3A_684 = arith.mulf %slice3A_681, %broadcast_in_dim3A_683 : vector<128x128xf32>
    %swap3A_685 = arith.constant 10240 : index
    %swap3A_686 = arith.constant 0 : index
    %swap3A_687 = vector.load %arg7[%swap3A_685, %swap3A_686] : memref<16000x128xf32, #tpu.memory_space<vmem>>, vector<128x128xf32>
    tpu.vector_store %arg7[%swap3A_685, %swap3A_686], %mul3A_684 {strides = array<i32>} : memref<16000x128xf32, #tpu.memory_space<vmem>>, vector<128x128xf32>,
    %slice3A_688 = vector.extract_strided_slice %transpose3A {offsets = [0, 81], sizes = [128, 1], strides = [1, 1]} : vector<128x125xf32> to vector<128x1xf32>
    %slice3A_689 = vector.extract_strided_slice %add3A_28 {offsets = [10368, 0], sizes = [128, 128], strides = [1, 1]} : vector<16000x128xf32> to vector<128x128xf32>
    %broadcast_in_dim3A_690 = vector.shape_cast %slice3A_688 : vector<128x1xf32> to vector<128x1xf32>
    %broadcast_in_dim3A_691 = vector.broadcast %broadcast_in_dim3A_690 : vector<128x1xf32> to vector<128x128xf32>
    %mul3A_692 = arith.mulf %slice3A_689, %broadcast_in_dim3A_691 : vector<128x128xf32>
    %swap3A_693 = arith.constant 10368 : index
    %swap3A_694 = arith.constant 0 : index
    %swap3A_695 = vector.load %arg7[%swap3A_693, %swap3A_694] : memref<16000x128xf32, #tpu.memory_space<vmem>>, vector<128x128xf32>
    tpu.vector_store %arg7[%swap3A_693, %swap3A_694], %mul3A_692 {strides = array<i32>} : memref<16000x128xf32, #tpu.memory_space<vmem>>, vector<128x128xf32>,
    %slice3A_696 = vector.extract_strided_slice %transpose3A {offsets = [0, 82], sizes = [128, 1], strides = [1, 1]} : vector<128x125xf32> to vector<128x1xf32>
    %slice3A_697 = vector.extract_strided_slice %add3A_28 {offsets = [10496, 0], sizes = [128, 128], strides = [1, 1]} : vector<16000x128xf32> to vector<128x128xf32>
    %broadcast_in_dim3A_698 = vector.shape_cast %slice3A_696 : vector<128x1xf32> to vector<128x1xf32>
    %broadcast_in_dim3A_699 = vector.broadcast %broadcast_in_dim3A_698 : vector<128x1xf32> to vector<128x128xf32>
    %mul3A_700 = arith.mulf %slice3A_697, %broadcast_in_dim3A_699 : vector<128x128xf32>
    %swap3A_701 = arith.constant 10496 : index
    %swap3A_702 = arith.constant 0 : index
    %swap3A_703 = vector.load %arg7[%swap3A_701, %swap3A_702] : memref<16000x128xf32, #tpu.memory_space<vmem>>, vector<128x128xf32>
    tpu.vector_store %arg7[%swap3A_701, %swap3A_702], %mul3A_700 {strides = array<i32>} : memref<16000x128xf32, #tpu.memory_space<vmem>>, vector<128x128xf32>,
    %slice3A_704 = vector.extract_strided_slice %transpose3A {offsets = [0, 83], sizes = [128, 1], strides = [1, 1]} : vector<128x125xf32> to vector<128x1xf32>
    %slice3A_705 = vector.extract_strided_slice %add3A_28 {offsets = [10624, 0], sizes = [128, 128], strides = [1, 1]} : vector<16000x128xf32> to vector<128x128xf32>
    %broadcast_in_dim3A_706 = vector.shape_cast %slice3A_704 : vector<128x1xf32> to vector<128x1xf32>
    %broadcast_in_dim3A_707 = vector.broadcast %broadcast_in_dim3A_706 : vector<128x1xf32> to vector<128x128xf32>
    %mul3A_708 = arith.mulf %slice3A_705, %broadcast_in_dim3A_707 : vector<128x128xf32>
    %swap3A_709 = arith.constant 10624 : index
    %swap3A_710 = arith.constant 0 : index
    %swap3A_711 = vector.load %arg7[%swap3A_709, %swap3A_710] : memref<16000x128xf32, #tpu.memory_space<vmem>>, vector<128x128xf32>
    tpu.vector_store %arg7[%swap3A_709, %swap3A_710], %mul3A_708 {strides = array<i32>} : memref<16000x128xf32, #tpu.memory_space<vmem>>, vector<128x128xf32>,
    %slice3A_712 = vector.extract_strided_slice %transpose3A {offsets = [0, 84], sizes = [128, 1], strides = [1, 1]} : vector<128x125xf32> to vector<128x1xf32>
    %slice3A_713 = vector.extract_strided_slice %add3A_28 {offsets = [10752, 0], sizes = [128, 128], strides = [1, 1]} : vector<16000x128xf32> to vector<128x128xf32>
    %broadcast_in_dim3A_714 = vector.shape_cast %slice3A_712 : vector<128x1xf32> to vector<128x1xf32>
    %broadcast_in_dim3A_715 = vector.broadcast %broadcast_in_dim3A_714 : vector<128x1xf32> to vector<128x128xf32>
    %mul3A_716 = arith.mulf %slice3A_713, %broadcast_in_dim3A_715 : vector<128x128xf32>
    %swap3A_717 = arith.constant 10752 : index
    %swap3A_718 = arith.constant 0 : index
    %swap3A_719 = vector.load %arg7[%swap3A_717, %swap3A_718] : memref<16000x128xf32, #tpu.memory_space<vmem>>, vector<128x128xf32>
    tpu.vector_store %arg7[%swap3A_717, %swap3A_718], %mul3A_716 {strides = array<i32>} : memref<16000x128xf32, #tpu.memory_space<vmem>>, vector<128x128xf32>,
    %slice3A_720 = vector.extract_strided_slice %transpose3A {offsets = [0, 85], sizes = [128, 1], strides = [1, 1]} : vector<128x125xf32> to vector<128x1xf32>
    %slice3A_721 = vector.extract_strided_slice %add3A_28 {offsets = [10880, 0], sizes = [128, 128], strides = [1, 1]} : vector<16000x128xf32> to vector<128x128xf32>
    %broadcast_in_dim3A_722 = vector.shape_cast %slice3A_720 : vector<128x1xf32> to vector<128x1xf32>
    %broadcast_in_dim3A_723 = vector.broadcast %broadcast_in_dim3A_722 : vector<128x1xf32> to vector<128x128xf32>
    %mul3A_724 = arith.mulf %slice3A_721, %broadcast_in_dim3A_723 : vector<128x128xf32>
    %swap3A_725 = arith.constant 10880 : index
    %swap3A_726 = arith.constant 0 : index
    %swap3A_727 = vector.load %arg7[%swap3A_725, %swap3A_726] : memref<16000x128xf32, #tpu.memory_space<vmem>>, vector<128x128xf32>
    tpu.vector_store %arg7[%swap3A_725, %swap3A_726], %mul3A_724 {strides = array<i32>} : memref<16000x128xf32, #tpu.memory_space<vmem>>, vector<128x128xf32>,
    %slice3A_728 = vector.extract_strided_slice %transpose3A {offsets = [0, 86], sizes = [128, 1], strides = [1, 1]} : vector<128x125xf32> to vector<128x1xf32>
    %slice3A_729 = vector.extract_strided_slice %add3A_28 {offsets = [11008, 0], sizes = [128, 128], strides = [1, 1]} : vector<16000x128xf32> to vector<128x128xf32>
    %broadcast_in_dim3A_730 = vector.shape_cast %slice3A_728 : vector<128x1xf32> to vector<128x1xf32>
    %broadcast_in_dim3A_731 = vector.broadcast %broadcast_in_dim3A_730 : vector<128x1xf32> to vector<128x128xf32>
    %mul3A_732 = arith.mulf %slice3A_729, %broadcast_in_dim3A_731 : vector<128x128xf32>
    %swap3A_733 = arith.constant 11008 : index
    %swap3A_734 = arith.constant 0 : index
    %swap3A_735 = vector.load %arg7[%swap3A_733, %swap3A_734] : memref<16000x128xf32, #tpu.memory_space<vmem>>, vector<128x128xf32>
    tpu.vector_store %arg7[%swap3A_733, %swap3A_734], %mul3A_732 {strides = array<i32>} : memref<16000x128xf32, #tpu.memory_space<vmem>>, vector<128x128xf32>,
    %slice3A_736 = vector.extract_strided_slice %transpose3A {offsets = [0, 87], sizes = [128, 1], strides = [1, 1]} : vector<128x125xf32> to vector<128x1xf32>
    %slice3A_737 = vector.extract_strided_slice %add3A_28 {offsets = [11136, 0], sizes = [128, 128], strides = [1, 1]} : vector<16000x128xf32> to vector<128x128xf32>
    %broadcast_in_dim3A_738 = vector.shape_cast %slice3A_736 : vector<128x1xf32> to vector<128x1xf32>
    %broadcast_in_dim3A_739 = vector.broadcast %broadcast_in_dim3A_738 : vector<128x1xf32> to vector<128x128xf32>
    %mul3A_740 = arith.mulf %slice3A_737, %broadcast_in_dim3A_739 : vector<128x128xf32>
    %swap3A_741 = arith.constant 11136 : index
    %swap3A_742 = arith.constant 0 : index
    %swap3A_743 = vector.load %arg7[%swap3A_741, %swap3A_742] : memref<16000x128xf32, #tpu.memory_space<vmem>>, vector<128x128xf32>
    tpu.vector_store %arg7[%swap3A_741, %swap3A_742], %mul3A_740 {strides = array<i32>} : memref<16000x128xf32, #tpu.memory_space<vmem>>, vector<128x128xf32>,
    %slice3A_744 = vector.extract_strided_slice %transpose3A {offsets = [0, 88], sizes = [128, 1], strides = [1, 1]} : vector<128x125xf32> to vector<128x1xf32>
    %slice3A_745 = vector.extract_strided_slice %add3A_28 {offsets = [11264, 0], sizes = [128, 128], strides = [1, 1]} : vector<16000x128xf32> to vector<128x128xf32>
    %broadcast_in_dim3A_746 = vector.shape_cast %slice3A_744 : vector<128x1xf32> to vector<128x1xf32>
    %broadcast_in_dim3A_747 = vector.broadcast %broadcast_in_dim3A_746 : vector<128x1xf32> to vector<128x128xf32>
    %mul3A_748 = arith.mulf %slice3A_745, %broadcast_in_dim3A_747 : vector<128x128xf32>
    %swap3A_749 = arith.constant 11264 : index
    %swap3A_750 = arith.constant 0 : index
    %swap3A_751 = vector.load %arg7[%swap3A_749, %swap3A_750] : memref<16000x128xf32, #tpu.memory_space<vmem>>, vector<128x128xf32>
    tpu.vector_store %arg7[%swap3A_749, %swap3A_750], %mul3A_748 {strides = array<i32>} : memref<16000x128xf32, #tpu.memory_space<vmem>>, vector<128x128xf32>,
    %slice3A_752 = vector.extract_strided_slice %transpose3A {offsets = [0, 89], sizes = [128, 1], strides = [1, 1]} : vector<128x125xf32> to vector<128x1xf32>
    %slice3A_753 = vector.extract_strided_slice %add3A_28 {offsets = [11392, 0], sizes = [128, 128], strides = [1, 1]} : vector<16000x128xf32> to vector<128x128xf32>
    %broadcast_in_dim3A_754 = vector.shape_cast %slice3A_752 : vector<128x1xf32> to vector<128x1xf32>
    %broadcast_in_dim3A_755 = vector.broadcast %broadcast_in_dim3A_754 : vector<128x1xf32> to vector<128x128xf32>
    %mul3A_756 = arith.mulf %slice3A_753, %broadcast_in_dim3A_755 : vector<128x128xf32>
    %swap3A_757 = arith.constant 11392 : index
    %swap3A_758 = arith.constant 0 : index
    %swap3A_759 = vector.load %arg7[%swap3A_757, %swap3A_758] : memref<16000x128xf32, #tpu.memory_space<vmem>>, vector<128x128xf32>
    tpu.vector_store %arg7[%swap3A_757, %swap3A_758], %mul3A_756 {strides = array<i32>} : memref<16000x128xf32, #tpu.memory_space<vmem>>, vector<128x128xf32>,
    %slice3A_760 = vector.extract_strided_slice %transpose3A {offsets = [0, 90], sizes = [128, 1], strides = [1, 1]} : vector<128x125xf32> to vector<128x1xf32>
    %slice3A_761 = vector.extract_strided_slice %add3A_28 {offsets = [11520, 0], sizes = [128, 128], strides = [1, 1]} : vector<16000x128xf32> to vector<128x128xf32>
    %broadcast_in_dim3A_762 = vector.shape_cast %slice3A_760 : vector<128x1xf32> to vector<128x1xf32>
    %broadcast_in_dim3A_763 = vector.broadcast %broadcast_in_dim3A_762 : vector<128x1xf32> to vector<128x128xf32>
    %mul3A_764 = arith.mulf %slice3A_761, %broadcast_in_dim3A_763 : vector<128x128xf32>
    %swap3A_765 = arith.constant 11520 : index
    %swap3A_766 = arith.constant 0 : index
    %swap3A_767 = vector.load %arg7[%swap3A_765, %swap3A_766] : memref<16000x128xf32, #tpu.memory_space<vmem>>, vector<128x128xf32>
    tpu.vector_store %arg7[%swap3A_765, %swap3A_766], %mul3A_764 {strides = array<i32>} : memref<16000x128xf32, #tpu.memory_space<vmem>>, vector<128x128xf32>,
    %slice3A_768 = vector.extract_strided_slice %transpose3A {offsets = [0, 91], sizes = [128, 1], strides = [1, 1]} : vector<128x125xf32> to vector<128x1xf32>
    %slice3A_769 = vector.extract_strided_slice %add3A_28 {offsets = [11648, 0], sizes = [128, 128], strides = [1, 1]} : vector<16000x128xf32> to vector<128x128xf32>
    %broadcast_in_dim3A_770 = vector.shape_cast %slice3A_768 : vector<128x1xf32> to vector<128x1xf32>
    %broadcast_in_dim3A_771 = vector.broadcast %broadcast_in_dim3A_770 : vector<128x1xf32> to vector<128x128xf32>
    %mul3A_772 = arith.mulf %slice3A_769, %broadcast_in_dim3A_771 : vector<128x128xf32>
    %swap3A_773 = arith.constant 11648 : index
    %swap3A_774 = arith.constant 0 : index
    %swap3A_775 = vector.load %arg7[%swap3A_773, %swap3A_774] : memref<16000x128xf32, #tpu.memory_space<vmem>>, vector<128x128xf32>
    tpu.vector_store %arg7[%swap3A_773, %swap3A_774], %mul3A_772 {strides = array<i32>} : memref<16000x128xf32, #tpu.memory_space<vmem>>, vector<128x128xf32>,
    %slice3A_776 = vector.extract_strided_slice %transpose3A {offsets = [0, 92], sizes = [128, 1], strides = [1, 1]} : vector<128x125xf32> to vector<128x1xf32>
    %slice3A_777 = vector.extract_strided_slice %add3A_28 {offsets = [11776, 0], sizes = [128, 128], strides = [1, 1]} : vector<16000x128xf32> to vector<128x128xf32>
    %broadcast_in_dim3A_778 = vector.shape_cast %slice3A_776 : vector<128x1xf32> to vector<128x1xf32>
    %broadcast_in_dim3A_779 = vector.broadcast %broadcast_in_dim3A_778 : vector<128x1xf32> to vector<128x128xf32>
    %mul3A_780 = arith.mulf %slice3A_777, %broadcast_in_dim3A_779 : vector<128x128xf32>
    %swap3A_781 = arith.constant 11776 : index
    %swap3A_782 = arith.constant 0 : index
    %swap3A_783 = vector.load %arg7[%swap3A_781, %swap3A_782] : memref<16000x128xf32, #tpu.memory_space<vmem>>, vector<128x128xf32>
    tpu.vector_store %arg7[%swap3A_781, %swap3A_782], %mul3A_780 {strides = array<i32>} : memref<16000x128xf32, #tpu.memory_space<vmem>>, vector<128x128xf32>,
    %slice3A_784 = vector.extract_strided_slice %transpose3A {offsets = [0, 93], sizes = [128, 1], strides = [1, 1]} : vector<128x125xf32> to vector<128x1xf32>
    %slice3A_785 = vector.extract_strided_slice %add3A_28 {offsets = [11904, 0], sizes = [128, 128], strides = [1, 1]} : vector<16000x128xf32> to vector<128x128xf32>
    %broadcast_in_dim3A_786 = vector.shape_cast %slice3A_784 : vector<128x1xf32> to vector<128x1xf32>
    %broadcast_in_dim3A_787 = vector.broadcast %broadcast_in_dim3A_786 : vector<128x1xf32> to vector<128x128xf32>
    %mul3A_788 = arith.mulf %slice3A_785, %broadcast_in_dim3A_787 : vector<128x128xf32>
    %swap3A_789 = arith.constant 11904 : index
    %swap3A_790 = arith.constant 0 : index
    %swap3A_791 = vector.load %arg7[%swap3A_789, %swap3A_790] : memref<16000x128xf32, #tpu.memory_space<vmem>>, vector<128x128xf32>
    tpu.vector_store %arg7[%swap3A_789, %swap3A_790], %mul3A_788 {strides = array<i32>} : memref<16000x128xf32, #tpu.memory_space<vmem>>, vector<128x128xf32>,
    %slice3A_792 = vector.extract_strided_slice %transpose3A {offsets = [0, 94], sizes = [128, 1], strides = [1, 1]} : vector<128x125xf32> to vector<128x1xf32>
    %slice3A_793 = vector.extract_strided_slice %add3A_28 {offsets = [12032, 0], sizes = [128, 128], strides = [1, 1]} : vector<16000x128xf32> to vector<128x128xf32>
    %broadcast_in_dim3A_794 = vector.shape_cast %slice3A_792 : vector<128x1xf32> to vector<128x1xf32>
    %broadcast_in_dim3A_795 = vector.broadcast %broadcast_in_dim3A_794 : vector<128x1xf32> to vector<128x128xf32>
    %mul3A_796 = arith.mulf %slice3A_793, %broadcast_in_dim3A_795 : vector<128x128xf32>
    %swap3A_797 = arith.constant 12032 : index
    %swap3A_798 = arith.constant 0 : index
    %swap3A_799 = vector.load %arg7[%swap3A_797, %swap3A_798] : memref<16000x128xf32, #tpu.memory_space<vmem>>, vector<128x128xf32>
    tpu.vector_store %arg7[%swap3A_797, %swap3A_798], %mul3A_796 {strides = array<i32>} : memref<16000x128xf32, #tpu.memory_space<vmem>>, vector<128x128xf32>,
    %slice3A_800 = vector.extract_strided_slice %transpose3A {offsets = [0, 95], sizes = [128, 1], strides = [1, 1]} : vector<128x125xf32> to vector<128x1xf32>
    %slice3A_801 = vector.extract_strided_slice %add3A_28 {offsets = [12160, 0], sizes = [128, 128], strides = [1, 1]} : vector<16000x128xf32> to vector<128x128xf32>
    %broadcast_in_dim3A_802 = vector.shape_cast %slice3A_800 : vector<128x1xf32> to vector<128x1xf32>
    %broadcast_in_dim3A_803 = vector.broadcast %broadcast_in_dim3A_802 : vector<128x1xf32> to vector<128x128xf32>
    %mul3A_804 = arith.mulf %slice3A_801, %broadcast_in_dim3A_803 : vector<128x128xf32>
    %swap3A_805 = arith.constant 12160 : index
    %swap3A_806 = arith.constant 0 : index
    %swap3A_807 = vector.load %arg7[%swap3A_805, %swap3A_806] : memref<16000x128xf32, #tpu.memory_space<vmem>>, vector<128x128xf32>
    tpu.vector_store %arg7[%swap3A_805, %swap3A_806], %mul3A_804 {strides = array<i32>} : memref<16000x128xf32, #tpu.memory_space<vmem>>, vector<128x128xf32>,
    %slice3A_808 = vector.extract_strided_slice %transpose3A {offsets = [0, 96], sizes = [128, 1], strides = [1, 1]} : vector<128x125xf32> to vector<128x1xf32>
    %slice3A_809 = vector.extract_strided_slice %add3A_28 {offsets = [12288, 0], sizes = [128, 128], strides = [1, 1]} : vector<16000x128xf32> to vector<128x128xf32>
    %broadcast_in_dim3A_810 = vector.shape_cast %slice3A_808 : vector<128x1xf32> to vector<128x1xf32>
    %broadcast_in_dim3A_811 = vector.broadcast %broadcast_in_dim3A_810 : vector<128x1xf32> to vector<128x128xf32>
    %mul3A_812 = arith.mulf %slice3A_809, %broadcast_in_dim3A_811 : vector<128x128xf32>
    %swap3A_813 = arith.constant 12288 : index
    %swap3A_814 = arith.constant 0 : index
    %swap3A_815 = vector.load %arg7[%swap3A_813, %swap3A_814] : memref<16000x128xf32, #tpu.memory_space<vmem>>, vector<128x128xf32>
    tpu.vector_store %arg7[%swap3A_813, %swap3A_814], %mul3A_812 {strides = array<i32>} : memref<16000x128xf32, #tpu.memory_space<vmem>>, vector<128x128xf32>,
    %slice3A_816 = vector.extract_strided_slice %transpose3A {offsets = [0, 97], sizes = [128, 1], strides = [1, 1]} : vector<128x125xf32> to vector<128x1xf32>
    %slice3A_817 = vector.extract_strided_slice %add3A_28 {offsets = [12416, 0], sizes = [128, 128], strides = [1, 1]} : vector<16000x128xf32> to vector<128x128xf32>
    %broadcast_in_dim3A_818 = vector.shape_cast %slice3A_816 : vector<128x1xf32> to vector<128x1xf32>
    %broadcast_in_dim3A_819 = vector.broadcast %broadcast_in_dim3A_818 : vector<128x1xf32> to vector<128x128xf32>
    %mul3A_820 = arith.mulf %slice3A_817, %broadcast_in_dim3A_819 : vector<128x128xf32>
    %swap3A_821 = arith.constant 12416 : index
    %swap3A_822 = arith.constant 0 : index
    %swap3A_823 = vector.load %arg7[%swap3A_821, %swap3A_822] : memref<16000x128xf32, #tpu.memory_space<vmem>>, vector<128x128xf32>
    tpu.vector_store %arg7[%swap3A_821, %swap3A_822], %mul3A_820 {strides = array<i32>} : memref<16000x128xf32, #tpu.memory_space<vmem>>, vector<128x128xf32>,
    %slice3A_824 = vector.extract_strided_slice %transpose3A {offsets = [0, 98], sizes = [128, 1], strides = [1, 1]} : vector<128x125xf32> to vector<128x1xf32>
    %slice3A_825 = vector.extract_strided_slice %add3A_28 {offsets = [12544, 0], sizes = [128, 128], strides = [1, 1]} : vector<16000x128xf32> to vector<128x128xf32>
    %broadcast_in_dim3A_826 = vector.shape_cast %slice3A_824 : vector<128x1xf32> to vector<128x1xf32>
    %broadcast_in_dim3A_827 = vector.broadcast %broadcast_in_dim3A_826 : vector<128x1xf32> to vector<128x128xf32>
    %mul3A_828 = arith.mulf %slice3A_825, %broadcast_in_dim3A_827 : vector<128x128xf32>
    %swap3A_829 = arith.constant 12544 : index
    %swap3A_830 = arith.constant 0 : index
    %swap3A_831 = vector.load %arg7[%swap3A_829, %swap3A_830] : memref<16000x128xf32, #tpu.memory_space<vmem>>, vector<128x128xf32>
    tpu.vector_store %arg7[%swap3A_829, %swap3A_830], %mul3A_828 {strides = array<i32>} : memref<16000x128xf32, #tpu.memory_space<vmem>>, vector<128x128xf32>,
    %slice3A_832 = vector.extract_strided_slice %transpose3A {offsets = [0, 99], sizes = [128, 1], strides = [1, 1]} : vector<128x125xf32> to vector<128x1xf32>
    %slice3A_833 = vector.extract_strided_slice %add3A_28 {offsets = [12672, 0], sizes = [128, 128], strides = [1, 1]} : vector<16000x128xf32> to vector<128x128xf32>
    %broadcast_in_dim3A_834 = vector.shape_cast %slice3A_832 : vector<128x1xf32> to vector<128x1xf32>
    %broadcast_in_dim3A_835 = vector.broadcast %broadcast_in_dim3A_834 : vector<128x1xf32> to vector<128x128xf32>
    %mul3A_836 = arith.mulf %slice3A_833, %broadcast_in_dim3A_835 : vector<128x128xf32>
    %swap3A_837 = arith.constant 12672 : index
    %swap3A_838 = arith.constant 0 : index
    %swap3A_839 = vector.load %arg7[%swap3A_837, %swap3A_838] : memref<16000x128xf32, #tpu.memory_space<vmem>>, vector<128x128xf32>
    tpu.vector_store %arg7[%swap3A_837, %swap3A_838], %mul3A_836 {strides = array<i32>} : memref<16000x128xf32, #tpu.memory_space<vmem>>, vector<128x128xf32>,
    %slice3A_840 = vector.extract_strided_slice %transpose3A {offsets = [0, 100], sizes = [128, 1], strides = [1, 1]} : vector<128x125xf32> to vector<128x1xf32>
    %slice3A_841 = vector.extract_strided_slice %add3A_28 {offsets = [12800, 0], sizes = [128, 128], strides = [1, 1]} : vector<16000x128xf32> to vector<128x128xf32>
    %broadcast_in_dim3A_842 = vector.shape_cast %slice3A_840 : vector<128x1xf32> to vector<128x1xf32>
    %broadcast_in_dim3A_843 = vector.broadcast %broadcast_in_dim3A_842 : vector<128x1xf32> to vector<128x128xf32>
    %mul3A_844 = arith.mulf %slice3A_841, %broadcast_in_dim3A_843 : vector<128x128xf32>
    %swap3A_845 = arith.constant 12800 : index
    %swap3A_846 = arith.constant 0 : index
    %swap3A_847 = vector.load %arg7[%swap3A_845, %swap3A_846] : memref<16000x128xf32, #tpu.memory_space<vmem>>, vector<128x128xf32>
    tpu.vector_store %arg7[%swap3A_845, %swap3A_846], %mul3A_844 {strides = array<i32>} : memref<16000x128xf32, #tpu.memory_space<vmem>>, vector<128x128xf32>,
    %slice3A_848 = vector.extract_strided_slice %transpose3A {offsets = [0, 101], sizes = [128, 1], strides = [1, 1]} : vector<128x125xf32> to vector<128x1xf32>
    %slice3A_849 = vector.extract_strided_slice %add3A_28 {offsets = [12928, 0], sizes = [128, 128], strides = [1, 1]} : vector<16000x128xf32> to vector<128x128xf32>
    %broadcast_in_dim3A_850 = vector.shape_cast %slice3A_848 : vector<128x1xf32> to vector<128x1xf32>
    %broadcast_in_dim3A_851 = vector.broadcast %broadcast_in_dim3A_850 : vector<128x1xf32> to vector<128x128xf32>
    %mul3A_852 = arith.mulf %slice3A_849, %broadcast_in_dim3A_851 : vector<128x128xf32>
    %swap3A_853 = arith.constant 12928 : index
    %swap3A_854 = arith.constant 0 : index
    %swap3A_855 = vector.load %arg7[%swap3A_853, %swap3A_854] : memref<16000x128xf32, #tpu.memory_space<vmem>>, vector<128x128xf32>
    tpu.vector_store %arg7[%swap3A_853, %swap3A_854], %mul3A_852 {strides = array<i32>} : memref<16000x128xf32, #tpu.memory_space<vmem>>, vector<128x128xf32>,
    %slice3A_856 = vector.extract_strided_slice %transpose3A {offsets = [0, 102], sizes = [128, 1], strides = [1, 1]} : vector<128x125xf32> to vector<128x1xf32>
    %slice3A_857 = vector.extract_strided_slice %add3A_28 {offsets = [13056, 0], sizes = [128, 128], strides = [1, 1]} : vector<16000x128xf32> to vector<128x128xf32>
    %broadcast_in_dim3A_858 = vector.shape_cast %slice3A_856 : vector<128x1xf32> to vector<128x1xf32>
    %broadcast_in_dim3A_859 = vector.broadcast %broadcast_in_dim3A_858 : vector<128x1xf32> to vector<128x128xf32>
    %mul3A_860 = arith.mulf %slice3A_857, %broadcast_in_dim3A_859 : vector<128x128xf32>
    %swap3A_861 = arith.constant 13056 : index
    %swap3A_862 = arith.constant 0 : index
    %swap3A_863 = vector.load %arg7[%swap3A_861, %swap3A_862] : memref<16000x128xf32, #tpu.memory_space<vmem>>, vector<128x128xf32>
    tpu.vector_store %arg7[%swap3A_861, %swap3A_862], %mul3A_860 {strides = array<i32>} : memref<16000x128xf32, #tpu.memory_space<vmem>>, vector<128x128xf32>,
    %slice3A_864 = vector.extract_strided_slice %transpose3A {offsets = [0, 103], sizes = [128, 1], strides = [1, 1]} : vector<128x125xf32> to vector<128x1xf32>
    %slice3A_865 = vector.extract_strided_slice %add3A_28 {offsets = [13184, 0], sizes = [128, 128], strides = [1, 1]} : vector<16000x128xf32> to vector<128x128xf32>
    %broadcast_in_dim3A_866 = vector.shape_cast %slice3A_864 : vector<128x1xf32> to vector<128x1xf32>
    %broadcast_in_dim3A_867 = vector.broadcast %broadcast_in_dim3A_866 : vector<128x1xf32> to vector<128x128xf32>
    %mul3A_868 = arith.mulf %slice3A_865, %broadcast_in_dim3A_867 : vector<128x128xf32>
    %swap3A_869 = arith.constant 13184 : index
    %swap3A_870 = arith.constant 0 : index
    %swap3A_871 = vector.load %arg7[%swap3A_869, %swap3A_870] : memref<16000x128xf32, #tpu.memory_space<vmem>>, vector<128x128xf32>
    tpu.vector_store %arg7[%swap3A_869, %swap3A_870], %mul3A_868 {strides = array<i32>} : memref<16000x128xf32, #tpu.memory_space<vmem>>, vector<128x128xf32>,
    %slice3A_872 = vector.extract_strided_slice %transpose3A {offsets = [0, 104], sizes = [128, 1], strides = [1, 1]} : vector<128x125xf32> to vector<128x1xf32>
    %slice3A_873 = vector.extract_strided_slice %add3A_28 {offsets = [13312, 0], sizes = [128, 128], strides = [1, 1]} : vector<16000x128xf32> to vector<128x128xf32>
    %broadcast_in_dim3A_874 = vector.shape_cast %slice3A_872 : vector<128x1xf32> to vector<128x1xf32>
    %broadcast_in_dim3A_875 = vector.broadcast %broadcast_in_dim3A_874 : vector<128x1xf32> to vector<128x128xf32>
    %mul3A_876 = arith.mulf %slice3A_873, %broadcast_in_dim3A_875 : vector<128x128xf32>
    %swap3A_877 = arith.constant 13312 : index
    %swap3A_878 = arith.constant 0 : index
    %swap3A_879 = vector.load %arg7[%swap3A_877, %swap3A_878] : memref<16000x128xf32, #tpu.memory_space<vmem>>, vector<128x128xf32>
    tpu.vector_store %arg7[%swap3A_877, %swap3A_878], %mul3A_876 {strides = array<i32>} : memref<16000x128xf32, #tpu.memory_space<vmem>>, vector<128x128xf32>,
    %slice3A_880 = vector.extract_strided_slice %transpose3A {offsets = [0, 105], sizes = [128, 1], strides = [1, 1]} : vector<128x125xf32> to vector<128x1xf32>
    %slice3A_881 = vector.extract_strided_slice %add3A_28 {offsets = [13440, 0], sizes = [128, 128], strides = [1, 1]} : vector<16000x128xf32> to vector<128x128xf32>
    %broadcast_in_dim3A_882 = vector.shape_cast %slice3A_880 : vector<128x1xf32> to vector<128x1xf32>
    %broadcast_in_dim3A_883 = vector.broadcast %broadcast_in_dim3A_882 : vector<128x1xf32> to vector<128x128xf32>
    %mul3A_884 = arith.mulf %slice3A_881, %broadcast_in_dim3A_883 : vector<128x128xf32>
    %swap3A_885 = arith.constant 13440 : index
    %swap3A_886 = arith.constant 0 : index
    %swap3A_887 = vector.load %arg7[%swap3A_885, %swap3A_886] : memref<16000x128xf32, #tpu.memory_space<vmem>>, vector<128x128xf32>
    tpu.vector_store %arg7[%swap3A_885, %swap3A_886], %mul3A_884 {strides = array<i32>} : memref<16000x128xf32, #tpu.memory_space<vmem>>, vector<128x128xf32>,
    %slice3A_888 = vector.extract_strided_slice %transpose3A {offsets = [0, 106], sizes = [128, 1], strides = [1, 1]} : vector<128x125xf32> to vector<128x1xf32>
    %slice3A_889 = vector.extract_strided_slice %add3A_28 {offsets = [13568, 0], sizes = [128, 128], strides = [1, 1]} : vector<16000x128xf32> to vector<128x128xf32>
    %broadcast_in_dim3A_890 = vector.shape_cast %slice3A_888 : vector<128x1xf32> to vector<128x1xf32>
    %broadcast_in_dim3A_891 = vector.broadcast %broadcast_in_dim3A_890 : vector<128x1xf32> to vector<128x128xf32>
    %mul3A_892 = arith.mulf %slice3A_889, %broadcast_in_dim3A_891 : vector<128x128xf32>
    %swap3A_893 = arith.constant 13568 : index
    %swap3A_894 = arith.constant 0 : index
    %swap3A_895 = vector.load %arg7[%swap3A_893, %swap3A_894] : memref<16000x128xf32, #tpu.memory_space<vmem>>, vector<128x128xf32>
    tpu.vector_store %arg7[%swap3A_893, %swap3A_894], %mul3A_892 {strides = array<i32>} : memref<16000x128xf32, #tpu.memory_space<vmem>>, vector<128x128xf32>,
    %slice3A_896 = vector.extract_strided_slice %transpose3A {offsets = [0, 107], sizes = [128, 1], strides = [1, 1]} : vector<128x125xf32> to vector<128x1xf32>
    %slice3A_897 = vector.extract_strided_slice %add3A_28 {offsets = [13696, 0], sizes = [128, 128], strides = [1, 1]} : vector<16000x128xf32> to vector<128x128xf32>
    %broadcast_in_dim3A_898 = vector.shape_cast %slice3A_896 : vector<128x1xf32> to vector<128x1xf32>
    %broadcast_in_dim3A_899 = vector.broadcast %broadcast_in_dim3A_898 : vector<128x1xf32> to vector<128x128xf32>
    %mul3A_900 = arith.mulf %slice3A_897, %broadcast_in_dim3A_899 : vector<128x128xf32>
    %swap3A_901 = arith.constant 13696 : index
    %swap3A_902 = arith.constant 0 : index
    %swap3A_903 = vector.load %arg7[%swap3A_901, %swap3A_902] : memref<16000x128xf32, #tpu.memory_space<vmem>>, vector<128x128xf32>
    tpu.vector_store %arg7[%swap3A_901, %swap3A_902], %mul3A_900 {strides = array<i32>} : memref<16000x128xf32, #tpu.memory_space<vmem>>, vector<128x128xf32>,
    %slice3A_904 = vector.extract_strided_slice %transpose3A {offsets = [0, 108], sizes = [128, 1], strides = [1, 1]} : vector<128x125xf32> to vector<128x1xf32>
    %slice3A_905 = vector.extract_strided_slice %add3A_28 {offsets = [13824, 0], sizes = [128, 128], strides = [1, 1]} : vector<16000x128xf32> to vector<128x128xf32>
    %broadcast_in_dim3A_906 = vector.shape_cast %slice3A_904 : vector<128x1xf32> to vector<128x1xf32>
    %broadcast_in_dim3A_907 = vector.broadcast %broadcast_in_dim3A_906 : vector<128x1xf32> to vector<128x128xf32>
    %mul3A_908 = arith.mulf %slice3A_905, %broadcast_in_dim3A_907 : vector<128x128xf32>
    %swap3A_909 = arith.constant 13824 : index
    %swap3A_910 = arith.constant 0 : index
    %swap3A_911 = vector.load %arg7[%swap3A_909, %swap3A_910] : memref<16000x128xf32, #tpu.memory_space<vmem>>, vector<128x128xf32>
    tpu.vector_store %arg7[%swap3A_909, %swap3A_910], %mul3A_908 {strides = array<i32>} : memref<16000x128xf32, #tpu.memory_space<vmem>>, vector<128x128xf32>,
    %slice3A_912 = vector.extract_strided_slice %transpose3A {offsets = [0, 109], sizes = [128, 1], strides = [1, 1]} : vector<128x125xf32> to vector<128x1xf32>
    %slice3A_913 = vector.extract_strided_slice %add3A_28 {offsets = [13952, 0], sizes = [128, 128], strides = [1, 1]} : vector<16000x128xf32> to vector<128x128xf32>
    %broadcast_in_dim3A_914 = vector.shape_cast %slice3A_912 : vector<128x1xf32> to vector<128x1xf32>
    %broadcast_in_dim3A_915 = vector.broadcast %broadcast_in_dim3A_914 : vector<128x1xf32> to vector<128x128xf32>
    %mul3A_916 = arith.mulf %slice3A_913, %broadcast_in_dim3A_915 : vector<128x128xf32>
    %swap3A_917 = arith.constant 13952 : index
    %swap3A_918 = arith.constant 0 : index
    %swap3A_919 = vector.load %arg7[%swap3A_917, %swap3A_918] : memref<16000x128xf32, #tpu.memory_space<vmem>>, vector<128x128xf32>
    tpu.vector_store %arg7[%swap3A_917, %swap3A_918], %mul3A_916 {strides = array<i32>} : memref<16000x128xf32, #tpu.memory_space<vmem>>, vector<128x128xf32>,
    %slice3A_920 = vector.extract_strided_slice %transpose3A {offsets = [0, 110], sizes = [128, 1], strides = [1, 1]} : vector<128x125xf32> to vector<128x1xf32>
    %slice3A_921 = vector.extract_strided_slice %add3A_28 {offsets = [14080, 0], sizes = [128, 128], strides = [1, 1]} : vector<16000x128xf32> to vector<128x128xf32>
    %broadcast_in_dim3A_922 = vector.shape_cast %slice3A_920 : vector<128x1xf32> to vector<128x1xf32>
    %broadcast_in_dim3A_923 = vector.broadcast %broadcast_in_dim3A_922 : vector<128x1xf32> to vector<128x128xf32>
    %mul3A_924 = arith.mulf %slice3A_921, %broadcast_in_dim3A_923 : vector<128x128xf32>
    %swap3A_925 = arith.constant 14080 : index
    %swap3A_926 = arith.constant 0 : index
    %swap3A_927 = vector.load %arg7[%swap3A_925, %swap3A_926] : memref<16000x128xf32, #tpu.memory_space<vmem>>, vector<128x128xf32>
    tpu.vector_store %arg7[%swap3A_925, %swap3A_926], %mul3A_924 {strides = array<i32>} : memref<16000x128xf32, #tpu.memory_space<vmem>>, vector<128x128xf32>,
    %slice3A_928 = vector.extract_strided_slice %transpose3A {offsets = [0, 111], sizes = [128, 1], strides = [1, 1]} : vector<128x125xf32> to vector<128x1xf32>
    %slice3A_929 = vector.extract_strided_slice %add3A_28 {offsets = [14208, 0], sizes = [128, 128], strides = [1, 1]} : vector<16000x128xf32> to vector<128x128xf32>
    %broadcast_in_dim3A_930 = vector.shape_cast %slice3A_928 : vector<128x1xf32> to vector<128x1xf32>
    %broadcast_in_dim3A_931 = vector.broadcast %broadcast_in_dim3A_930 : vector<128x1xf32> to vector<128x128xf32>
    %mul3A_932 = arith.mulf %slice3A_929, %broadcast_in_dim3A_931 : vector<128x128xf32>
    %swap3A_933 = arith.constant 14208 : index
    %swap3A_934 = arith.constant 0 : index
    %swap3A_935 = vector.load %arg7[%swap3A_933, %swap3A_934] : memref<16000x128xf32, #tpu.memory_space<vmem>>, vector<128x128xf32>
    tpu.vector_store %arg7[%swap3A_933, %swap3A_934], %mul3A_932 {strides = array<i32>} : memref<16000x128xf32, #tpu.memory_space<vmem>>, vector<128x128xf32>,
    %slice3A_936 = vector.extract_strided_slice %transpose3A {offsets = [0, 112], sizes = [128, 1], strides = [1, 1]} : vector<128x125xf32> to vector<128x1xf32>
    %slice3A_937 = vector.extract_strided_slice %add3A_28 {offsets = [14336, 0], sizes = [128, 128], strides = [1, 1]} : vector<16000x128xf32> to vector<128x128xf32>
    %broadcast_in_dim3A_938 = vector.shape_cast %slice3A_936 : vector<128x1xf32> to vector<128x1xf32>
    %broadcast_in_dim3A_939 = vector.broadcast %broadcast_in_dim3A_938 : vector<128x1xf32> to vector<128x128xf32>
    %mul3A_940 = arith.mulf %slice3A_937, %broadcast_in_dim3A_939 : vector<128x128xf32>
    %swap3A_941 = arith.constant 14336 : index
    %swap3A_942 = arith.constant 0 : index
    %swap3A_943 = vector.load %arg7[%swap3A_941, %swap3A_942] : memref<16000x128xf32, #tpu.memory_space<vmem>>, vector<128x128xf32>
    tpu.vector_store %arg7[%swap3A_941, %swap3A_942], %mul3A_940 {strides = array<i32>} : memref<16000x128xf32, #tpu.memory_space<vmem>>, vector<128x128xf32>,
    %slice3A_944 = vector.extract_strided_slice %transpose3A {offsets = [0, 113], sizes = [128, 1], strides = [1, 1]} : vector<128x125xf32> to vector<128x1xf32>
    %slice3A_945 = vector.extract_strided_slice %add3A_28 {offsets = [14464, 0], sizes = [128, 128], strides = [1, 1]} : vector<16000x128xf32> to vector<128x128xf32>
    %broadcast_in_dim3A_946 = vector.shape_cast %slice3A_944 : vector<128x1xf32> to vector<128x1xf32>
    %broadcast_in_dim3A_947 = vector.broadcast %broadcast_in_dim3A_946 : vector<128x1xf32> to vector<128x128xf32>
    %mul3A_948 = arith.mulf %slice3A_945, %broadcast_in_dim3A_947 : vector<128x128xf32>
    %swap3A_949 = arith.constant 14464 : index
    %swap3A_950 = arith.constant 0 : index
    %swap3A_951 = vector.load %arg7[%swap3A_949, %swap3A_950] : memref<16000x128xf32, #tpu.memory_space<vmem>>, vector<128x128xf32>
    tpu.vector_store %arg7[%swap3A_949, %swap3A_950], %mul3A_948 {strides = array<i32>} : memref<16000x128xf32, #tpu.memory_space<vmem>>, vector<128x128xf32>,
    %slice3A_952 = vector.extract_strided_slice %transpose3A {offsets = [0, 114], sizes = [128, 1], strides = [1, 1]} : vector<128x125xf32> to vector<128x1xf32>
    %slice3A_953 = vector.extract_strided_slice %add3A_28 {offsets = [14592, 0], sizes = [128, 128], strides = [1, 1]} : vector<16000x128xf32> to vector<128x128xf32>
    %broadcast_in_dim3A_954 = vector.shape_cast %slice3A_952 : vector<128x1xf32> to vector<128x1xf32>
    %broadcast_in_dim3A_955 = vector.broadcast %broadcast_in_dim3A_954 : vector<128x1xf32> to vector<128x128xf32>
    %mul3A_956 = arith.mulf %slice3A_953, %broadcast_in_dim3A_955 : vector<128x128xf32>
    %swap3A_957 = arith.constant 14592 : index
    %swap3A_958 = arith.constant 0 : index
    %swap3A_959 = vector.load %arg7[%swap3A_957, %swap3A_958] : memref<16000x128xf32, #tpu.memory_space<vmem>>, vector<128x128xf32>
    tpu.vector_store %arg7[%swap3A_957, %swap3A_958], %mul3A_956 {strides = array<i32>} : memref<16000x128xf32, #tpu.memory_space<vmem>>, vector<128x128xf32>,
    %slice3A_960 = vector.extract_strided_slice %transpose3A {offsets = [0, 115], sizes = [128, 1], strides = [1, 1]} : vector<128x125xf32> to vector<128x1xf32>
    %slice3A_961 = vector.extract_strided_slice %add3A_28 {offsets = [14720, 0], sizes = [128, 128], strides = [1, 1]} : vector<16000x128xf32> to vector<128x128xf32>
    %broadcast_in_dim3A_962 = vector.shape_cast %slice3A_960 : vector<128x1xf32> to vector<128x1xf32>
    %broadcast_in_dim3A_963 = vector.broadcast %broadcast_in_dim3A_962 : vector<128x1xf32> to vector<128x128xf32>
    %mul3A_964 = arith.mulf %slice3A_961, %broadcast_in_dim3A_963 : vector<128x128xf32>
    %swap3A_965 = arith.constant 14720 : index
    %swap3A_966 = arith.constant 0 : index
    %swap3A_967 = vector.load %arg7[%swap3A_965, %swap3A_966] : memref<16000x128xf32, #tpu.memory_space<vmem>>, vector<128x128xf32>
    tpu.vector_store %arg7[%swap3A_965, %swap3A_966], %mul3A_964 {strides = array<i32>} : memref<16000x128xf32, #tpu.memory_space<vmem>>, vector<128x128xf32>,
    %slice3A_968 = vector.extract_strided_slice %transpose3A {offsets = [0, 116], sizes = [128, 1], strides = [1, 1]} : vector<128x125xf32> to vector<128x1xf32>
    %slice3A_969 = vector.extract_strided_slice %add3A_28 {offsets = [14848, 0], sizes = [128, 128], strides = [1, 1]} : vector<16000x128xf32> to vector<128x128xf32>
    %broadcast_in_dim3A_970 = vector.shape_cast %slice3A_968 : vector<128x1xf32> to vector<128x1xf32>
    %broadcast_in_dim3A_971 = vector.broadcast %broadcast_in_dim3A_970 : vector<128x1xf32> to vector<128x128xf32>
    %mul3A_972 = arith.mulf %slice3A_969, %broadcast_in_dim3A_971 : vector<128x128xf32>
    %swap3A_973 = arith.constant 14848 : index
    %swap3A_974 = arith.constant 0 : index
    %swap3A_975 = vector.load %arg7[%swap3A_973, %swap3A_974] : memref<16000x128xf32, #tpu.memory_space<vmem>>, vector<128x128xf32>
    tpu.vector_store %arg7[%swap3A_973, %swap3A_974], %mul3A_972 {strides = array<i32>} : memref<16000x128xf32, #tpu.memory_space<vmem>>, vector<128x128xf32>,
    %slice3A_976 = vector.extract_strided_slice %transpose3A {offsets = [0, 117], sizes = [128, 1], strides = [1, 1]} : vector<128x125xf32> to vector<128x1xf32>
    %slice3A_977 = vector.extract_strided_slice %add3A_28 {offsets = [14976, 0], sizes = [128, 128], strides = [1, 1]} : vector<16000x128xf32> to vector<128x128xf32>
    %broadcast_in_dim3A_978 = vector.shape_cast %slice3A_976 : vector<128x1xf32> to vector<128x1xf32>
    %broadcast_in_dim3A_979 = vector.broadcast %broadcast_in_dim3A_978 : vector<128x1xf32> to vector<128x128xf32>
    %mul3A_980 = arith.mulf %slice3A_977, %broadcast_in_dim3A_979 : vector<128x128xf32>
    %swap3A_981 = arith.constant 14976 : index
    %swap3A_982 = arith.constant 0 : index
    %swap3A_983 = vector.load %arg7[%swap3A_981, %swap3A_982] : memref<16000x128xf32, #tpu.memory_space<vmem>>, vector<128x128xf32>
    tpu.vector_store %arg7[%swap3A_981, %swap3A_982], %mul3A_980 {strides = array<i32>} : memref<16000x128xf32, #tpu.memory_space<vmem>>, vector<128x128xf32>,
    %slice3A_984 = vector.extract_strided_slice %transpose3A {offsets = [0, 118], sizes = [128, 1], strides = [1, 1]} : vector<128x125xf32> to vector<128x1xf32>
    %slice3A_985 = vector.extract_strided_slice %add3A_28 {offsets = [15104, 0], sizes = [128, 128], strides = [1, 1]} : vector<16000x128xf32> to vector<128x128xf32>
    %broadcast_in_dim3A_986 = vector.shape_cast %slice3A_984 : vector<128x1xf32> to vector<128x1xf32>
    %broadcast_in_dim3A_987 = vector.broadcast %broadcast_in_dim3A_986 : vector<128x1xf32> to vector<128x128xf32>
    %mul3A_988 = arith.mulf %slice3A_985, %broadcast_in_dim3A_987 : vector<128x128xf32>
    %swap3A_989 = arith.constant 15104 : index
    %swap3A_990 = arith.constant 0 : index
    %swap3A_991 = vector.load %arg7[%swap3A_989, %swap3A_990] : memref<16000x128xf32, #tpu.memory_space<vmem>>, vector<128x128xf32>
    tpu.vector_store %arg7[%swap3A_989, %swap3A_990], %mul3A_988 {strides = array<i32>} : memref<16000x128xf32, #tpu.memory_space<vmem>>, vector<128x128xf32>,
    %slice3A_992 = vector.extract_strided_slice %transpose3A {offsets = [0, 119], sizes = [128, 1], strides = [1, 1]} : vector<128x125xf32> to vector<128x1xf32>
    %slice3A_993 = vector.extract_strided_slice %add3A_28 {offsets = [15232, 0], sizes = [128, 128], strides = [1, 1]} : vector<16000x128xf32> to vector<128x128xf32>
    %broadcast_in_dim3A_994 = vector.shape_cast %slice3A_992 : vector<128x1xf32> to vector<128x1xf32>
    %broadcast_in_dim3A_995 = vector.broadcast %broadcast_in_dim3A_994 : vector<128x1xf32> to vector<128x128xf32>
    %mul3A_996 = arith.mulf %slice3A_993, %broadcast_in_dim3A_995 : vector<128x128xf32>
    %swap3A_997 = arith.constant 15232 : index
    %swap3A_998 = arith.constant 0 : index
    %swap3A_999 = vector.load %arg7[%swap3A_997, %swap3A_998] : memref<16000x128xf32, #tpu.memory_space<vmem>>, vector<128x128xf32>
    tpu.vector_store %arg7[%swap3A_997, %swap3A_998], %mul3A_996 {strides = array<i32>} : memref<16000x128xf32, #tpu.memory_space<vmem>>, vector<128x128xf32>,
    %slice3A_1000 = vector.extract_strided_slice %transpose3A {offsets = [0, 120], sizes = [128, 1], strides = [1, 1]} : vector<128x125xf32> to vector<128x1xf32>
    %slice3A_1001 = vector.extract_strided_slice %add3A_28 {offsets = [15360, 0], sizes = [128, 128], strides = [1, 1]} : vector<16000x128xf32> to vector<128x128xf32>
    %broadcast_in_dim3A_1002 = vector.shape_cast %slice3A_1000 : vector<128x1xf32> to vector<128x1xf32>
    %broadcast_in_dim3A_1003 = vector.broadcast %broadcast_in_dim3A_1002 : vector<128x1xf32> to vector<128x128xf32>
    %mul3A_1004 = arith.mulf %slice3A_1001, %broadcast_in_dim3A_1003 : vector<128x128xf32>
    %swap3A_1005 = arith.constant 15360 : index
    %swap3A_1006 = arith.constant 0 : index
    %swap3A_1007 = vector.load %arg7[%swap3A_1005, %swap3A_1006] : memref<16000x128xf32, #tpu.memory_space<vmem>>, vector<128x128xf32>
    tpu.vector_store %arg7[%swap3A_1005, %swap3A_1006], %mul3A_1004 {strides = array<i32>} : memref<16000x128xf32, #tpu.memory_space<vmem>>, vector<128x128xf32>,
    %slice3A_1008 = vector.extract_strided_slice %transpose3A {offsets = [0, 121], sizes = [128, 1], strides = [1, 1]} : vector<128x125xf32> to vector<128x1xf32>
    %slice3A_1009 = vector.extract_strided_slice %add3A_28 {offsets = [15488, 0], sizes = [128, 128], strides = [1, 1]} : vector<16000x128xf32> to vector<128x128xf32>
    %broadcast_in_dim3A_1010 = vector.shape_cast %slice3A_1008 : vector<128x1xf32> to vector<128x1xf32>
    %broadcast_in_dim3A_1011 = vector.broadcast %broadcast_in_dim3A_1010 : vector<128x1xf32> to vector<128x128xf32>
    %mul3A_1012 = arith.mulf %slice3A_1009, %broadcast_in_dim3A_1011 : vector<128x128xf32>
    %swap3A_1013 = arith.constant 15488 : index
    %swap3A_1014 = arith.constant 0 : index
    %swap3A_1015 = vector.load %arg7[%swap3A_1013, %swap3A_1014] : memref<16000x128xf32, #tpu.memory_space<vmem>>, vector<128x128xf32>
    tpu.vector_store %arg7[%swap3A_1013, %swap3A_1014], %mul3A_1012 {strides = array<i32>} : memref<16000x128xf32, #tpu.memory_space<vmem>>, vector<128x128xf32>,
    %slice3A_1016 = vector.extract_strided_slice %transpose3A {offsets = [0, 122], sizes = [128, 1], strides = [1, 1]} : vector<128x125xf32> to vector<128x1xf32>
    %slice3A_1017 = vector.extract_strided_slice %add3A_28 {offsets = [15616, 0], sizes = [128, 128], strides = [1, 1]} : vector<16000x128xf32> to vector<128x128xf32>
    %broadcast_in_dim3A_1018 = vector.shape_cast %slice3A_1016 : vector<128x1xf32> to vector<128x1xf32>
    %broadcast_in_dim3A_1019 = vector.broadcast %broadcast_in_dim3A_1018 : vector<128x1xf32> to vector<128x128xf32>
    %mul3A_1020 = arith.mulf %slice3A_1017, %broadcast_in_dim3A_1019 : vector<128x128xf32>
    %swap3A_1021 = arith.constant 15616 : index
    %swap3A_1022 = arith.constant 0 : index
    %swap3A_1023 = vector.load %arg7[%swap3A_1021, %swap3A_1022] : memref<16000x128xf32, #tpu.memory_space<vmem>>, vector<128x128xf32>
    tpu.vector_store %arg7[%swap3A_1021, %swap3A_1022], %mul3A_1020 {strides = array<i32>} : memref<16000x128xf32, #tpu.memory_space<vmem>>, vector<128x128xf32>,
    %slice3A_1024 = vector.extract_strided_slice %transpose3A {offsets = [0, 123], sizes = [128, 1], strides = [1, 1]} : vector<128x125xf32> to vector<128x1xf32>
    %slice3A_1025 = vector.extract_strided_slice %add3A_28 {offsets = [15744, 0], sizes = [128, 128], strides = [1, 1]} : vector<16000x128xf32> to vector<128x128xf32>
    %broadcast_in_dim3A_1026 = vector.shape_cast %slice3A_1024 : vector<128x1xf32> to vector<128x1xf32>
    %broadcast_in_dim3A_1027 = vector.broadcast %broadcast_in_dim3A_1026 : vector<128x1xf32> to vector<128x128xf32>
    %mul3A_1028 = arith.mulf %slice3A_1025, %broadcast_in_dim3A_1027 : vector<128x128xf32>
    %swap3A_1029 = arith.constant 15744 : index
    %swap3A_1030 = arith.constant 0 : index
    %swap3A_1031 = vector.load %arg7[%swap3A_1029, %swap3A_1030] : memref<16000x128xf32, #tpu.memory_space<vmem>>, vector<128x128xf32>
    tpu.vector_store %arg7[%swap3A_1029, %swap3A_1030], %mul3A_1028 {strides = array<i32>} : memref<16000x128xf32, #tpu.memory_space<vmem>>, vector<128x128xf32>,
    %slice3A_1032 = vector.extract_strided_slice %transpose3A {offsets = [0, 124], sizes = [128, 1], strides = [1, 1]} : vector<128x125xf32> to vector<128x1xf32>
    %slice3A_1033 = vector.extract_strided_slice %add3A_28 {offsets = [15872, 0], sizes = [128, 128], strides = [1, 1]} : vector<16000x128xf32> to vector<128x128xf32>
    %broadcast_in_dim3A_1034 = vector.shape_cast %slice3A_1032 : vector<128x1xf32> to vector<128x1xf32>
    %broadcast_in_dim3A_1035 = vector.broadcast %broadcast_in_dim3A_1034 : vector<128x1xf32> to vector<128x128xf32>
    %mul3A_1036 = arith.mulf %slice3A_1033, %broadcast_in_dim3A_1035 : vector<128x128xf32>
    %swap3A_1037 = arith.constant 15872 : index
    %swap3A_1038 = arith.constant 0 : index
    %swap3A_1039 = vector.load %arg7[%swap3A_1037, %swap3A_1038] : memref<16000x128xf32, #tpu.memory_space<vmem>>, vector<128x128xf32>
    tpu.vector_store %arg7[%swap3A_1037, %swap3A_1038], %mul3A_1036 {strides = array<i32>} : memref<16000x128xf32, #tpu.memory_space<vmem>>, vector<128x128xf32>,
    return
  }
  func.func @transform_0(%arg0: i32) -> (i32, i32) {
    %c0_i32 = arith.constant 0 : i32
    %c0_i32_0 = arith.constant 0 : i32
    return %c0_i32, %arg0 : i32, i32
  }
  func.func @transform_1(%arg0: i32) -> (i32, i32, i32) {
    %c0_i32 = arith.constant 0 : i32
    %c0_i32_0 = arith.constant 0 : i32
    %c0_i32_1 = arith.constant 0 : i32
    return %arg0, %c0_i32, %c0_i32_0 : i32, i32, i32
  }
  func.func @transform_2(%arg0: i32) -> (i32, i32) {
    %c0_i32 = arith.constant 0 : i32
    %c0_i32_0 = arith.constant 0 : i32
    %c0_i32_1 = arith.constant 0 : i32
    return %c0_i32, %c0_i32_0 : i32, i32
  }
  func.func @transform_3(%arg0: i32) -> i32 {
    %c0_i32 = arith.constant 0 : i32
    %c0_i32_0 = arith.constant 0 : i32
    return %c0_i32 : i32
  }
  func.func @transform_4(%arg0: i32) -> (i32, i32) {
    %c0_i32 = arith.constant 0 : i32
    %c0_i32_0 = arith.constant 0 : i32
    %c0_i32_1 = arith.constant 0 : i32
    return %c0_i32, %c0_i32_0 : i32, i32
  }
  func.func @transform_5(%arg0: i32) -> i32 {
    %c0_i32 = arith.constant 0 : i32
    %c0_i32_0 = arith.constant 0 : i32
    return %c0_i32 : i32
  }
  func.func @transform_6(%arg0: i32) -> (i32, i32) {
    %c0_i32 = arith.constant 0 : i32
    %c0_i32_0 = arith.constant 0 : i32
    return %arg0, %c0_i32 : i32, i32
  }
}

</mosaic_0001>

<sc_bundles>
// kernel: kernel.6.cloned.1.call-start
scs
__scs_entry_jumppad:
0x0: {  	(pc) =	sbr.rel $0x88, $3  }
0x1: {  	(tag) =	ssettag $0x0;
	lr =	simm.s32 $0x1  }
0x2: {  	[smem:$0x3F94] =	sst lr;
	_ =	strace $0xD0000000  }
0x3: {  	_ = 	snop  }
0x4: {  	_ = 	snop  }
0x5: {  	_ = 	snop  }
0x6: {  	_ = 	snop  }
0x7: {  	_ = 	snop  }
__scs_overlays_trampoline_lowered:
0x8: {  	[smem:$0x3FA3] =	sst s0  }
0x9: {  	[smem:$0x3FA4] =	sst s1  }
0xa: {  	[smem:$0x3FA5] =	sst s2  }
0xb: {  	[smem:$0x3FA6] =	sst s3  }
0xc: {  	[smem:$0x3FA7] =	sst s4  }
0xd: {  	[smem:$0x3FA8] =	sst s5  }
0xe: {  	[smem:$0x3FA9] =	sst s6  }
0xf: {  	[smem:$0x3FAA] =	sst s7  }
0x10: {  	[smem:$0x3FAB] =	sst s8  }
0x11: {  	[smem:$0x3FAC] =	sst s9;
	s0 =	simm.s32 @!p0 $0x0  }
0x12: {  	s1 =	sld [smem:$0x3F92];
	s0 =	simm.s32 @p0 $0x1  }
0x13: {  	[smem:$0x3FAD] =	sst s0;
	s0 =	simm.s32 @!p1 $0x0  }
0x14: {  	s2 =	sld [smem:$0x3F91];
	s0 =	simm.s32 @p1 $0x1  }
0x15: {  	[smem:$0x3FAE] =	sst s0;
	s0 =	simm.s32 @!p2 $0x0  }
0x16: {  	s3 =	sld [smem:$0x3FDB];
	s0 =	simm.s32 @p2 $0x1  }
0x17: {  	s4 =	simm.s32 $0x1BF5;
	[smem:$0x3FB0] =	sst s0  }
0x18: {  	s0 =	sld [smem:$0x3F93];
	_ =	swait.ge [sflag:s4], $0x0  }
0x19: {  	s7 =	sld [smem:$0x3F94]  }
0x1a: {  	s8 =	sadd.s32 $0xFFFFE003, lr  }
0x1b: {  	s9 =	sadd.s32 $0xFFFFFEF7, lr;
	s5 =	simm.s32 $0xFFFFFFFF;
	p2 =	slt.u32 s8, $0xFFFFF086  }
0x1c: {  	p1 =	slt.u32 s9, $0xF7A;
	s5 =	simm.s32 @!p2 $0x0  }
0x1d: {  	s5 =	simm.s32 @p1 $0x1;
	p0 =	seq.s32 s7, s2  }
0x1e: {  	s7 =	smul.u32 @!p0 $0xF7A, s2;
	p2 =	seq.s32 @!p0 s5, $0x0  }
0x1f: {  	s9 =	smul.u32 $0xF7A, s1;
	s8 =	simm.s32 @!p0 $0x1BF5;
	p2 =	por !p2, p0  }
0x20: {  	[sflag:s8] =	ssyncset.s32 @!p0 $0xFFFFF086;
	s6 =	sadd.s32 @!p0 s3, s7;
	s7 =	simm.s32 @!p0 $0x108  }
0x21: {  	s3 =	sadd.s32 s3, s9;
	s6 =	sadd.s32 @!p0 $0x88, s6;
	s7 =	simm.s32 @p2 $0x1082  }
0x22: {  	[simem:s7], [sflag:s8] =	dma.local @!p0 [hbm:s6], $0xF7A  }
0x23: {  	s9 =	sor.u32 $0xD0000000, s2;
	s6 =	simm.s32 $0x108;
	_ =	swait.ge @!p0 [sflag:s8], $0x0  }
0x24: {  	s3 =	sadd.s32 $0x88, s3;
	s6 =	simm.s32 @!p1 $0x1082;
	[sflag:s4] =	ssyncset.s32 $0xFFFFF086  }
0x25: {  	[simem:s6], [sflag:s4] =	dma.local [hbm:s3], $0xF7A  }
0x26: {  	[smem:$0x3F94] =	sst s1;
	(tag) =	ssettag s2;
	_ =	strace s9  }
0x27: {  	s1 =	sld [smem:$0x3FA4]  }
0x28: {  	s2 =	sld [smem:$0x3FA5]  }
0x29: {  	s4 =	sld [smem:$0x3FA7]  }
0x2a: {  	p0 =	seq.s32 s5, $0x0;
	s5 =	sld [smem:$0x3FA8]  }
0x2b: {  	s6 =	sld [smem:$0x3FA9]  }
0x2c: {  	s7 =	sld [smem:$0x3FAA]  }
0x2d: {  	s3 =	simm.s32 $0x108;
	s8 =	sld [smem:$0x3FAB]  }
0x2e: {  	s3 =	simm.s32 @!p0 $0x1082;
	s9 =	sld [smem:$0x3FAC]  }
0x2f: {  	lr =	sadd.s32 s0, s3;
	s0 =	sld [smem:$0x3FA3]  }
0x30: {  	s3 =	sld [smem:$0x3FA6]  }
0x31: {  	[smem:$0x3FAF] =	sst s10  }
0x32: {  	s10 =	sld [smem:$0x3FAD];
	_ =	sdelay $0x3  }
0x33: {  	p0 =	seq.s32 s10, $0x1;
	s10 =	sld [smem:$0x3FAF];
	_ =	sdelay $0x3  }
0x34: {  	[smem:$0x3FAF] =	sst s10  }
0x35: {  	s10 =	sld [smem:$0x3FAE];
	_ =	sdelay $0x3  }
0x36: {  	p1 =	seq.s32 s10, $0x1;
	s10 =	sld [smem:$0x3FAF];
	_ =	sdelay $0x3  }
0x37: {  	[smem:$0x3FAF] =	sst s10  }
0x38: {  	s10 =	sld [smem:$0x3FB0]  }
0x39: {  	_ = 	snop;
	(pc) =	sbr.ind lr, $3  }
0x3a: {  	_ = 	snop  }
0x3b: {  	_ = 	snop  }
0x3c: {  	p2 =	seq.s32 s10, $0x1;
	s10 =	sld [smem:$0x3FAF]  }
0x3d: {  	_ =	shalt  }
0x3e: {  	_ =	shalt  }
0x3f: {  	_ =	shalt  }
0x40: {  	_ =	shalt  }
0x41: {  	_ =	shalt  }
0x42: {  	_ =	shalt  }
0x43: {  	_ =	shalt  }
0x44: {  	_ =	shalt  }
0x45: {  	_ =	shalt  }
0x46: {  	_ =	shalt  }
0x47: {  	_ =	shalt  }
0x48: {  	_ =	shalt  }
0x49: {  	_ =	shalt  }
0x4a: {  	_ =	shalt  }
0x4b: {  	_ =	shalt  }
0x4c: {  	_ =	shalt  }
0x4d: {  	_ =	shalt  }
0x4e: {  	_ =	shalt  }
0x4f: {  	_ =	shalt  }
0x50: {  	_ =	shalt  }
0x51: {  	_ =	shalt  }
0x52: {  	_ =	shalt  }
0x53: {  	_ =	shalt  }
0x54: {  	_ =	shalt  }
0x55: {  	_ =	shalt  }
0x56: {  	_ =	shalt  }
0x57: {  	_ =	shalt  }
0x58: {  	_ =	shalt  }
0x59: {  	_ =	shalt  }
0x5a: {  	_ =	shalt  }
0x5b: {  	_ =	shalt  }
0x5c: {  	_ =	shalt  }
0x5d: {  	_ =	shalt  }
0x5e: {  	_ =	shalt  }
0x5f: {  	_ =	shalt  }
0x60: {  	_ =	shalt  }
0x61: {  	_ =	shalt  }
0x62: {  	_ =	shalt  }
0x63: {  	_ =	shalt  }
0x64: {  	_ =	shalt  }
0x65: {  	_ =	shalt  }
0x66: {  	_ =	shalt  }
0x67: {  	_ =	shalt  }
0x68: {  	_ =	shalt  }
0x69: {  	_ =	shalt  }
0x6a: {  	_ =	shalt  }
0x6b: {  	_ =	shalt  }
0x6c: {  	_ =	shalt  }
0x6d: {  	_ =	shalt  }
0x6e: {  	_ =	shalt  }
0x6f: {  	_ =	shalt  }
0x70: {  	_ =	shalt  }
0x71: {  	_ =	shalt  }
0x72: {  	_ =	shalt  }
0x73: {  	_ =	shalt  }
0x74: {  	_ =	shalt  }
0x75: {  	_ =	shalt  }
0x76: {  	_ =	shalt  }
0x77: {  	_ =	shalt  }
0x78: {  	_ =	shalt  }
0x79: {  	_ =	shalt  }
0x7a: {  	_ =	shalt  }
0x7b: {  	_ =	shalt  }
0x7c: {  	_ =	shalt  }
0x7d: {  	_ =	shalt  }
0x7e: {  	_ =	shalt  }
0x7f: {  	_ =	shalt  }
0x80: {  	_ =	shalt  }
0x81: {  	_ =	shalt  }
0x82: {  	_ =	shalt  }
0x83: {  	_ =	shalt  }
0x84: {  	_ =	shalt  }
0x85: {  	_ =	shalt  }
0x86: {  	_ =	shalt  }
0x87: {  	_ =	shalt  }
.Lfunc_end0:
.L_simem_size_0:
called_computation_lowered:
.L_overlay_start_0:
0x88: {  	s2 =	sld [smem:$0x3FD9]  }
0x89: {  	s3 =	sld [smem:$0x3FFE];
	_ =	sdelay $0x1  }
0x8a: {  	s1 =	srdreg.scid  }
0x8b: {  	s0 =	sand.u32 $0x1, s1  }
0x8c: {  	s17 =	sshll.u32 s0, $0xA;
	s2 =	sadd.s32 s3, s2  }
0x8d: {  	s2 =	sadd.s32 s2, s17  }
0x8e: {  	[smem:$0x3FBB] =	sst s2  }
0x8f: {  	_ = 	snop  }
0x90: {  	s2 =	sld [smem:$0x3FD0];
	(tm) =	ssettm $0x1  }
0x91: {  	s18 =	sld [smem:$0x3FFB];
	_ =	sdelay $0x3  }
0x92: {  	_ =	strace s18  }
0x93: {  	s3 =	sld [smem:$0x3FFC];
	_ =	sdelay $0x3  }
0x94: {  	_ =	strace s3  }
0x95: {  	s3 =	sld [smem:$0x3FFD];
	_ =	sdelay $0x3  }
0x96: {  	_ =	strace s3  }
0x97: {  	_ =	strace $0x8FFFFFFF  }
0x98: {  	s19 =	sld [smem:$0x3FDB];
	_ =	sdelay $0x1  }
0x99: {  	s4 =	simm.s32 $_scs_section_size  }
0x9a: {  	s5 =	simm.s32 $_size__tile_overlayer_lowered;
	s6 =	simm.s32 $_tile_overlayer_lowered  }
0x9b: {  	s22 =	simm.s32 $0x1BFF;
	s21 =	sshll.u32 s6, $0x1;
	s3 =	sadd.s32 s4, s19  }
0x9c: {  	s7 =	simm.s32 $0x0;
	s20 =	sshll.u32 s5, $0x1;
	s5 =	sadd.s32 s21, s3  }
0x9d: {  	[timem:s7], [sflag:s22] =	dma.local [hbm:s5], s20  }
0x9e: {  	_ =	swait.ge [sflag:s22], s20  }
0x9f: {  	s4 =	ssub.s32 $0x0, s20;
	[sflag:s22] =	ssyncset.done $0x0  }
0xa0: {  	[sflag:s22] =	ssyncadd.s32 s4;
	_ =	sdelay $0x1  }
0xa1: {  	s23 =	simm.s32 $0x1B8B  }
0xa2: {  	_ =	swait.ge [sflag:s23], $0x1  }
0xa3: {  	[sflag:s23] =	ssyncset.done $0x0  }
0xa4: {  	s25 =	simm.s32 $0x1B8E;
	s24 =	sld [smem:$0x3FFE];
	[sflag:s23] =	ssyncadd.s32 $0xFFFFFFFF  }
0xa5: {  	s26 =	simm.s32 $execute0_lowered;
	[smem:$0x3FD2] =	sst s25  }
0xa6: {  	s5 =	sshll.u32 s26, $0x1;
	_ =	strace $0x80000046;
	[dreg:$0x1] =	wrdreg $0xFFFFFFFF  }
0xa7: {  	s28 =	simm.s32 $_size_execute0_lowered;
	s3 =	sadd.s32 s3, s5;
	[dreg:$0x0] =	wrdreg $0x0  }
0xa8: {  	s5 =	sshll.u32 s28, $0x1;
	[dreg:$0x2] =	wrdreg s3  }
0xa9: {  	[dreg:$0x3] =	wrdreg s5  }
0xaa: {  	[dreg:$0x4] =	wrdreg $0xC0  }
0xab: {  	_ =	task [dreg:s7], $0x5FFFF  }
0xac: {  	[dreg:$0x1] =	wrdreg $0xFFFFFFFF  }
0xad: {  	[dreg:$0x0] =	wrdreg $0x60  }
0xae: {  	[dreg:$0x2] =	wrdreg s2  }
0xaf: {  	[dreg:$0x3] =	wrdreg s24  }
0xb0: {  	[dreg:$0x4] =	wrdreg $0x54000  }
0xb1: {  	[dreg:$0x5] =	wrdreg $0x9  }
0xb2: {  	_ =	task.clear_ibuf [dreg:s7], $0x6FFFF;
	_ =	strace $0x90000046  }
0xb3: {  	s29 =	simm.s32 $0x9;
	_ =	strace $0x80000048  }
0xb4: {  	_ =	swait.ge [sflag:s29], $0x1  }
0xb5: {  	[sflag:s29] =	ssyncadd.s32 $0xFFFFFFFF  }
0xb6: {  	_ =	strace $0x90000048  }
0xb7: {  	_ =	sfence  }
0xb8: {  	s30 =	sld [smem:$0x0];
	_ =	sdelay $0x2  }
0xb9: {  	s31 =	sshll.u32 s1, $0xD;
	s1 =	sshrl.u32 s1, $0x2  }
0xba: {  	s3 =	sand.u32 $0x4000, s31;
	s1 =	sadd.s32 s1, s30  }
0xbb: {  	s0 =	sor.u32 s3, s0;
	s1 =	sshll.u32 s1, $0x11  }
0xbc: {  	s0 =	sor.u32 s1, s0  }
0xbd: {  	s0 =	sadd.s32 $0x8F2B, s0  }
0xbe: {  	[sflag:s0] =	ssyncadd.remote.s32 $0x1  }
0xbf: {  	_ =	sfence.sel $0xFFFF  }
0xc0: {  	[dreg:$0x0] =	wrdreg $0xFFFFFFFF;
	(pc) =	sbr.abs _section_cstart, $3  }
0xc1: {  	[dreg:$0x1] =	wrdreg $0xFFFFFFFF  }
0xc2: {  	_ =	task.clear_ibuf [dreg:s7], $0x2FFFF;
	_ =	strace $0x9FFFFFFF  }
0xc3: {  	(tm) =	ssettm $0x7FFFFFFF  }
tec
execute0_lowered:
.L_overlay_start_1:
0x0: {  	(tag) =	ssettag $0x1  }
0x1: {  	s0 =	srdreg.scid  }
0x2: {  	s9 =	rddreg [dreg:$0x1];
	s25 =	stileid.u32;
	s1 =	simm.s32 $0x0  }
0x3: {  	s16 =	sand.u32 $0x1, s0;
	s3 =	smul.u32 $0x280, s25;
	[smem:$0x7FF] =	sst s1  }
0x4: {  	s21 =	sadd.s32 $0x4F7000, s9;
	s0 =	ssub.s32 $0x2, s16;
	s18 =	smul.u32 $0x2800, s16  }
0x5: {  	s16 =	sshll.u32 s16, $0x4;
	s2 =	sshrl.u32 s0, $0x1;
	s19 =	sor.u32 $0x28, s3  }
0x6: {  	s20 =	sor.u32 $0x50, s3;
	s13 =	sor.u32 $0x78, s3;
	s14 =	sadd.s32 $0xA0, s3  }
0x7: {  	s15 =	sadd.s32 $0xC8, s3;
	s10 =	sadd.s32 $0xF0, s3;
	s11 =	sadd.s32 $0x118, s3  }
0x8: {  	s12 =	sadd.s32 $0x140, s3;
	s6 =	sadd.s32 $0x168, s3;
	s7 =	sadd.s32 $0x190, s3  }
0x9: {  	s8 =	sadd.s32 $0x1B8, s3;
	s4 =	sadd.s32 $0x1E0, s3;
	s5 =	sadd.s32 $0x208, s3  }
0xa: {  	s0 =	ssub.s32 s0, s2;
	s2 =	sadd.s32 $0x230, s3;
	s17 =	sadd.s32 s3, s18  }
0xb: {  	s22 =	sadd.s32 s18, s19;
	s3 =	sadd.s32 $0x258, s3;
	s17 =	sshll.u32 s17, $0x4  }
0xc: {  	s24 =	sadd.s32 s18, s20;
	s22 =	sshll.u32 s22, $0x4;
	s17 =	sadd.s32 s21, s17  }
0xd: {  	s26 =	sadd.s32 s18, s13;
	s23 =	sadd.s32 s21, s22;
	[dreg:$0x4] =	wrdreg s17  }
0xe: {  	s13 =	sshll.u32 s13, $0x7;
	[dreg:$0x5] =	wrdreg s23;
	s17 =	sshll.u32 s24, $0x4  }
0xf: {  	s23 =	sadd.s32 s18, s14;
	s24 =	sshll.u32 s26, $0x4;
	s14 =	sshll.u32 s14, $0x7  }
0x10: {  	s17 =	sadd.s32 s21, s17;
	s26 =	sshll.u32 s23, $0x4;
	s23 =	sadd.s32 s18, s15  }
0x11: {  	[dreg:$0x6] =	wrdreg s17;
	s17 =	sadd.s32 s21, s24;
	s22 =	sadd.s32 s21, s26  }
0x12: {  	s24 =	sadd.s32 s18, s10;
	s26 =	sadd.s32 s18, s11;
	[dreg:$0x7] =	wrdreg s17  }
0x13: {  	[dreg:$0x8] =	wrdreg s22;
	s17 =	sshll.u32 s23, $0x4;
	s24 =	sshll.u32 s24, $0x4  }
0x14: {  	s26 =	sshll.u32 s26, $0x4;
	s23 =	sadd.s32 s18, s12;
	s17 =	sadd.s32 s21, s17  }
0x15: {  	s22 =	sadd.s32 s21, s26;
	s26 =	sadd.s32 s18, s7;
	[dreg:$0x9] =	wrdreg s17  }
0x16: {  	s17 =	sadd.s32 s21, s24;
	[dreg:$0xb] =	wrdreg s22;
	s24 =	sadd.s32 s18, s6  }
0x17: {  	s26 =	sshll.u32 s26, $0x4;
	[dreg:$0xa] =	wrdreg s17;
	s17 =	sshll.u32 s23, $0x4  }
0x18: {  	s24 =	sshll.u32 s24, $0x4;
	s22 =	sadd.s32 s21, s26;
	s23 =	sadd.s32 s18, s8  }
0x19: {  	s26 =	sadd.s32 s18, s5;
	s17 =	sadd.s32 s21, s17;
	[dreg:$0xe] =	wrdreg s22  }
0x1a: {  	s26 =	sshll.u32 s26, $0x4;
	[dreg:$0xc] =	wrdreg s17;
	s17 =	sadd.s32 s21, s24  }
0x1b: {  	s22 =	sadd.s32 s21, s26;
	[dreg:$0xd] =	wrdreg s17;
	s17 =	sshll.u32 s23, $0x4  }
0x1c: {  	s24 =	sadd.s32 s18, s4;
	[dreg:$0x11] =	wrdreg s22;
	s17 =	sadd.s32 s21, s17  }
0x1d: {  	s24 =	sshll.u32 s24, $0x4;
	s23 =	sadd.s32 s18, s2;
	[dreg:$0xf] =	wrdreg s17  }
0x1e: {  	s17 =	sadd.s32 s21, s24;
	s24 =	sadd.s32 s18, s3;
	s18 =	rddreg [dreg:$0x2]  }
0x1f: {  	s15 =	sshll.u32 s15, $0x7;
	s22 =	sshll.u32 s23, $0x4;
	[dreg:$0x10] =	wrdreg s17  }
0x20: {  	s10 =	sshll.u32 s10, $0x7;
	s22 =	sadd.s32 s21, s22;
	s17 =	rddreg [dreg:$0x0]  }
0x21: {  	s11 =	sshll.u32 s11, $0x7;
	s23 =	sshll.u32 s24, $0x4;
	[dreg:$0x12] =	wrdreg s22  }
0x22: {  	s24 =	smul.u32 $0x50000, s25;
	s22 =	sadd.s32 $0xB200, s9;
	s21 =	sadd.s32 s21, s23  }
0x23: {  	s23 =	sadd.s32 $0x1400, s9;
	[dreg:$0x13] =	wrdreg s21;
	s21 =	sadd.s32 $0x15000, s9  }
0x24: {  	s9 =	sor.u32 s25, s16;
	s26 =	sshrl.u32 s24, $0x2;
	s24 =	sadd.s32 s14, s18  }
0x25: {  	s25 =	sadd.s32 s15, s18;
	_ =	strace $0x80000047;
	[dreg:$0x18] =	wrdreg s24  }
0x26: {  	s12 =	sshll.u32 s12, $0x7;
	s10 =	sadd.s32 s10, s18;
	[dreg:$0x19] =	wrdreg s25  }
0x27: {  	s6 =	sshll.u32 s6, $0x7;
	s11 =	sadd.s32 s11, s18;
	[dreg:$0x1a] =	wrdreg s10  }
0x28: {  	s28 =	sadd.s32 s13, s18;
	s13 =	sadd.s32 s12, s18;
	[dreg:$0x1b] =	wrdreg s11  }
0x29: {  	s7 =	sshll.u32 s7, $0x7;
	s6 =	sadd.s32 s6, s18;
	[dreg:$0x1c] =	wrdreg s13  }
0x2a: {  	s8 =	sshll.u32 s8, $0x7;
	s14 =	sadd.s32 s7, s18;
	[dreg:$0x1d] =	wrdreg s6  }
0x2b: {  	s4 =	sshll.u32 s4, $0x7;
	s15 =	sadd.s32 s8, s18;
	[dreg:$0x1e] =	wrdreg s14  }
0x2c: {  	s5 =	sshll.u32 s5, $0x7;
	s4 =	sadd.s32 s4, s18;
	[dreg:$0x1f] =	wrdreg s15  }
0x2d: {  	s2 =	sshll.u32 s2, $0x7;
	s16 =	sadd.s32 s5, s18;
	[smem:$0x7E1] =	sst s4  }
0x2e: {  	s2 =	sadd.s32 s2, s18;
	[smem:$0x7E2] =	sst s16  }
0x2f: {  	s19 =	sshll.u32 s19, $0x7;
	s0 =	smax.u32 s0, $0x1;
	[smem:$0x7E3] =	sst s2  }
0x30: {  	s20 =	sshll.u32 s20, $0x7;
	s19 =	sadd.s32 s19, s18;
	[smem:$0x7FD] =	sst s0  }
0x31: {  	s20 =	sadd.s32 s20, s18;
	[dreg:$0x15] =	wrdreg s19  }
0x32: {  	s29 =	simm.s32 $0x1;
	s26 =	sadd.s32 s26, s18;
	[dreg:$0x16] =	wrdreg s20  }
0x33: {  	s6 =	smul.u32 $0x2710, s9;
	s24 =	sshll.u32 s3, $0x7;
	[dreg:$0x17] =	wrdreg s28  }
0x34: {  	s30 =	simm.s32 $0x28;
	s2 =	sadd.s32 s24, s18;
	[dreg:$0x14] =	wrdreg s26  }
0x35: {  	s10 =	smul.u32 $0x138800, s9;
	[smem:$0x7E4] =	sst s2;
	s5 =	sadd.s32 $0x28, s6  }
0x36: {  	s11 =	smul.u32 $0x27100, s9;
	s7 =	sadd.s32 $0x50, s6;
	[smem:$0x7E7] =	sst s5  }
0x37: {  	s25 =	sshrl.u32 s6, $0x3;
	s9 =	sadd.s32 $0xC8, s6;
	[smem:$0x7E9] =	sst s7  }
0x38: {  	s31 =	simm.s32 $0x2C00;
	s4 =	sadd.s32 s22, s25;
	[smem:$0x7F4] =	sst s9  }
0x39: {  	s13 =	sshrl.u32 s10, $0x3;
	s3 =	sadd.s32 s23, s25;
	[smem:$0x7E5] =	sst s4  }
0x3a: {  	s2 =	sshrl.u32 s5, $0x3;
	s5 =	sadd.s32 $0x78, s6;
	[smem:$0x7E6] =	sst s3  }
0x3b: {  	s14 =	sadd.s32 $0x2698, s6;
	s8 =	sadd.s32 s22, s2;
	[smem:$0x7F2] =	sst s5  }
0x3c: {  	s16 =	sshrl.u32 s14, $0x3;
	s2 =	sadd.s32 s23, s2;
	[smem:$0x7E8] =	sst s8  }
0x3d: {  	s15 =	sadd.s32 s21, s13;
	s24 =	sadd.s32 s22, s16;
	[smem:$0x7EA] =	sst s2  }
0x3e: {  	s3 =	sshrl.u32 s7, $0x3;
	s25 =	sadd.s32 $0x26480, s15;
	[smem:$0x7EE] =	sst s24  }
0x3f: {  	s0 =	simm.s32 $0x1800;
	s12 =	sadd.s32 s22, s3;
	[smem:$0x7F0] =	sst s25  }
0x40: {  	s14 =	sshll.u32 s14, $0x4;
	s3 =	sadd.s32 s23, s3;
	[smem:$0x7EB] =	sst s12  }
0x41: {  	s7 =	sadd.s32 $0x26C0, s6;
	s2 =	sadd.s32 s21, s11;
	[smem:$0x7EC] =	sst s3  }
0x42: {  	s4 =	simm.s32 $0x7;
	s8 =	sadd.s32 $0xA0, s6;
	[smem:$0x7ED] =	sst s2  }
0x43: {  	s10 =	sshrl.u32 s7, $0x3;
	s11 =	sadd.s32 $0xF0, s6;
	[smem:$0x7F3] =	sst s8  }
0x44: {  	s3 =	sadd.s32 s23, s16;
	s2 =	sadd.s32 $0x26700, s15;
	[smem:$0x7F5] =	sst s11  }
0x45: {  	s12 =	sadd.s32 $0x26E8, s6;
	s13 =	sadd.s32 s22, s10;
	[smem:$0x7EF] =	sst s3  }
0x46: {  	s11 =	simm.s32 $0x9;
	s8 =	simm.s32 $0x6;
	[smem:$0x7F1] =	sst s2  }
0x47: {  	s6 =	simm.s32 $0x0;
	[smem:$0x7F6] =	sst s13;
	s3 =	sadd.s32 s23, s10  }
0x48: {  	s15 =	sshrl.u32 s12, $0x3;
	s2 =	sshll.u32 s7, $0x4;
	s25 =	sshll.u32 s12, $0x4  }
0x49: {  	s13 =	simm.s32 $0x200;
	[smem:$0x7F7] =	sst s3;
	s3 =	sadd.s32 s21, s14  }
0x4a: {  	s7 =	simm.s32 $0x3;
	s16 =	sadd.s32 s22, s15;
	[smem:$0x7F8] =	sst s3  }
0x4b: {  	s10 =	simm.s32 $0x8;
	s24 =	sadd.s32 s23, s15;
	[smem:$0x7F9] =	sst s16  }
0x4c: {  	s12 =	simm.s32 $0x4;
	s2 =	sadd.s32 s21, s2;
	[smem:$0x7FA] =	sst s24  }
0x4d: {  	s14 =	simm.s32 $0x400;
	[smem:$0x7FB] =	sst s2;
	s2 =	sadd.s32 s21, s25  }
0x4e: {  	s24 =	simm.s32 $0x80;
	s25 =	simm.s32 $0x280;
	s16 =	simm.s32 $0x2  }
0x4f: {  	v0 =	vimm.f32 $0.0e+00;
	s3 =	simm.s32 $0x5;
	[smem:$0x7FC] =	sst s2;
	s2 =	simm.s32 $0x4000  }
.LBB2_1:
0x50: {  	[smem:$0x7E0] =	sst s6;
	s9 =	simm.s32 $0x0;
	s15 =	simm.s32 $0x200  }
.LBB2_2:
0x51: {  	p0 =	sne.s32 s15, $0x4E00;
	[tilespmem:s9+$0x470] =	vst v0  }
0x52: {  	[tilespmem:s9+$0x400] =	vst v0  }
0x53: {  	[tilespmem:s9+$0x410] =	vst v0  }
.Ltmp0:
0x54: {  	[tilespmem:s9+$0x420] =	vst v0;
	(pc) =	sbr.rel @p0 .LBB2_2-.Ltmp0, $4  }
0x55: {  	[tilespmem:s9+$0x430] =	vst v0  }
0x56: {  	[tilespmem:s9+$0x440] =	vst v0  }
0x57: {  	[tilespmem:s9+$0x450] =	vst v0  }
0x58: {  	[tilespmem:s9+$0x460] =	vst v0;
	s9 =	sshra.s32 s15, $0x2;
	s15 =	sadd.s32 $0x200, s15  }
0x59: {  	[tilespmem:s9+$0x470] =	vst v0  }
0x5a: {  	[tilespmem:s9+$0x400] =	vst v0  }
0x5b: {  	[tilespmem:s9+$0x410] =	vst v0  }
0x5c: {  	[tilespmem:s9+$0x420] =	vst v0  }
0x5d: {  	[tilespmem:s9+$0x430] =	vst v0  }
0x5e: {  	[tilespmem:s9+$0x440] =	vst v0  }
0x5f: {  	[tilespmem:s9+$0x450] =	vst v0  }
0x60: {  	[tilespmem:s9+$0x460] =	vst v0  }
0x61: {  	[spmem:s26] =	stream.linear.scatter [tilespmem:s14], [sflag:$0x9], $0x1400, $0x38;
	[tilespmem:$0x19400] =	vst v63  }
0x62: {  	_ =	swait.ge [sflag:s11], $0x1400  }
0x63: {  	[sflag:s11] =	ssyncset.done $0x0  }
0x64: {  	[sflag:s11] =	ssyncadd.s32 $0xFFFFEC00  }
0x65: {  	[spmem:s19] =	stream.linear.scatter [tilespmem:s14], [sflag:$0x9], $0x1400, $0x38;
	[tilespmem:$0x19400] =	vst v63  }
0x66: {  	_ =	swait.ge [sflag:s11], $0x1400  }
0x67: {  	[sflag:s11] =	ssyncset.done $0x0  }
0x68: {  	[sflag:s11] =	ssyncadd.s32 $0xFFFFEC00  }
0x69: {  	[spmem:s20] =	stream.linear.scatter [tilespmem:s14], [sflag:$0x9], $0x1400, $0x38;
	[tilespmem:$0x19400] =	vst v63  }
0x6a: {  	_ =	swait.ge [sflag:s11], $0x1400  }
0x6b: {  	[sflag:s11] =	ssyncset.done $0x0  }
0x6c: {  	[sflag:s11] =	ssyncadd.s32 $0xFFFFEC00  }
0x6d: {  	[spmem:s28] =	stream.linear.scatter [tilespmem:s14], [sflag:$0x9], $0x1400, $0x38;
	[tilespmem:$0x19400] =	vst v63  }
0x6e: {  	_ =	swait.ge [sflag:s11], $0x1400  }
0x6f: {  	[sflag:s11] =	ssyncset.done $0x0  }
0x70: {  	s5 =	rddreg [dreg:$0x18];
	[sflag:s11] =	ssyncadd.s32 $0xFFFFEC00  }
0x71: {  	[spmem:s5] =	stream.linear.scatter [tilespmem:s14], [sflag:$0x9], $0x1400, $0x38;
	[tilespmem:$0x19400] =	vst v63  }
0x72: {  	_ =	swait.ge [sflag:s11], $0x1400  }
0x73: {  	[sflag:s11] =	ssyncset.done $0x0  }
0x74: {  	s9 =	rddreg [dreg:$0x19];
	[sflag:s11] =	ssyncadd.s32 $0xFFFFEC00  }
0x75: {  	[spmem:s9] =	stream.linear.scatter [tilespmem:s14], [sflag:$0x9], $0x1400, $0x38;
	[tilespmem:$0x19400] =	vst v63  }
0x76: {  	_ =	swait.ge [sflag:s11], $0x1400  }
0x77: {  	[sflag:s11] =	ssyncset.done $0x0  }
0x78: {  	s15 =	rddreg [dreg:$0x1a];
	[sflag:s11] =	ssyncadd.s32 $0xFFFFEC00  }
0x79: {  	[spmem:s15] =	stream.linear.scatter [tilespmem:s14], [sflag:$0x9], $0x1400, $0x38;
	[tilespmem:$0x19400] =	vst v63  }
0x7a: {  	_ =	swait.ge [sflag:s11], $0x1400  }
0x7b: {  	[sflag:s11] =	ssyncset.done $0x0  }
0x7c: {  	s19 =	rddreg [dreg:$0x1b];
	[sflag:s11] =	ssyncadd.s32 $0xFFFFEC00  }
0x7d: {  	[spmem:s19] =	stream.linear.scatter [tilespmem:s14], [sflag:$0x9], $0x1400, $0x38;
	[tilespmem:$0x19400] =	vst v63  }
0x7e: {  	_ =	swait.ge [sflag:s11], $0x1400  }
0x7f: {  	[sflag:s11] =	ssyncset.done $0x0  }
0x80: {  	s20 =	rddreg [dreg:$0x1c];
	[sflag:s11] =	ssyncadd.s32 $0xFFFFEC00  }
0x81: {  	[spmem:s20] =	stream.linear.scatter [tilespmem:s14], [sflag:$0x9], $0x1400, $0x38;
	[tilespmem:$0x19400] =	vst v63  }
0x82: {  	_ =	swait.ge [sflag:s11], $0x1400  }
0x83: {  	[sflag:s11] =	ssyncset.done $0x0  }
0x84: {  	s26 =	rddreg [dreg:$0x1d];
	[sflag:s11] =	ssyncadd.s32 $0xFFFFEC00  }
0x85: {  	[spmem:s26] =	stream.linear.scatter [tilespmem:s14], [sflag:$0x9], $0x1400, $0x38;
	[tilespmem:$0x19400] =	vst v63  }
0x86: {  	_ =	swait.ge [sflag:s11], $0x1400  }
0x87: {  	[sflag:s11] =	ssyncset.done $0x0  }
0x88: {  	s28 =	rddreg [dreg:$0x1e];
	[sflag:s11] =	ssyncadd.s32 $0xFFFFEC00  }
0x89: {  	[spmem:s28] =	stream.linear.scatter [tilespmem:s14], [sflag:$0x9], $0x1400, $0x38;
	[tilespmem:$0x19400] =	vst v63  }
0x8a: {  	_ =	swait.ge [sflag:s11], $0x1400  }
0x8b: {  	[sflag:s11] =	ssyncset.done $0x0  }
0x8c: {  	s6 =	rddreg [dreg:$0x1f];
	[sflag:s11] =	ssyncadd.s32 $0xFFFFEC00  }
0x8d: {  	[spmem:s6] =	stream.linear.scatter [tilespmem:s14], [sflag:$0x9], $0x1400, $0x38;
	[tilespmem:$0x19400] =	vst v63  }
0x8e: {  	_ =	swait.ge [sflag:s11], $0x1400  }
0x8f: {  	s9 =	sld [smem:$0x7E1]  }
0x90: {  	[sflag:s11] =	ssyncset.done $0x0  }
0x91: {  	[sflag:s11] =	ssyncadd.s32 $0xFFFFEC00  }
0x92: {  	[spmem:s9] =	stream.linear.scatter [tilespmem:s14], [sflag:$0x9], $0x1400, $0x38;
	[tilespmem:$0x19400] =	vst v63  }
0x93: {  	_ =	swait.ge [sflag:s11], $0x1400  }
0x94: {  	s15 =	sld [smem:$0x7E2]  }
0x95: {  	[sflag:s11] =	ssyncset.done $0x0  }
0x96: {  	[sflag:s11] =	ssyncadd.s32 $0xFFFFEC00  }
0x97: {  	[spmem:s15] =	stream.linear.scatter [tilespmem:s14], [sflag:$0x9], $0x1400, $0x38;
	[tilespmem:$0x19400] =	vst v63  }
0x98: {  	_ =	swait.ge [sflag:s11], $0x1400  }
0x99: {  	s19 =	sld [smem:$0x7E3]  }
0x9a: {  	[sflag:s11] =	ssyncset.done $0x0  }
0x9b: {  	[sflag:s11] =	ssyncadd.s32 $0xFFFFEC00  }
0x9c: {  	[spmem:s19] =	stream.linear.scatter [tilespmem:s14], [sflag:$0x9], $0x1400, $0x38;
	[tilespmem:$0x19400] =	vst v63  }
0x9d: {  	_ =	swait.ge [sflag:s11], $0x1400  }
0x9e: {  	s20 =	sld [smem:$0x7E4]  }
0x9f: {  	[sflag:s11] =	ssyncset.done $0x0  }
0xa0: {  	[sflag:s11] =	ssyncadd.s32 $0xFFFFEC00  }
0xa1: {  	[spmem:s20] =	stream.linear.scatter [tilespmem:s14], [sflag:$0x9], $0x1400, $0x38;
	[tilespmem:$0x19400] =	vst v63  }
0xa2: {  	_ =	swait.ge [sflag:s11], $0x1400  }
0xa3: {  	[sflag:s11] =	ssyncset.done $0x0  }
0xa4: {  	[sflag:s11] =	ssyncadd.s32 $0xFFFFEC00  }
0xa5: {  	[bflag:$0x0] =	sbarrier.arrive $0xFFFF  }
0xa6: {  	s26 =	sld [smem:$0x7E5];
	_ =	sdelay $0x1  }
0xa7: {  	s15 =	simm.s32 $0x0;
	s28 =	sld [smem:$0x7E6]  }
0xa8: {  	[tilespmem:s15], [sflag:$0x1] =	stream.linear.gather [hbm4b:s26+s15], $0x28, $0x38;
	[tilespmem:$0x19400] =	vst v63  }
0xa9: {  	s6 =	sld [smem:$0x7E8]  }
0xaa: {  	[tilespmem:s13], [sflag:$0x1] =	stream.linear.gather [hbm4b:s28+s15], $0x28, $0x38;
	[tilespmem:$0x19400] =	vst v63  }
0xab: {  	s9 =	sld [smem:$0x7EA]  }
0xac: {  	[tilespmem:s24], [sflag:$0x2] =	stream.linear.gather [hbm4b:s6+s15], $0x28, $0x38;
	[tilespmem:$0x19400] =	vst v63  }
0xad: {  	s19 =	sld [smem:$0x7EB]  }
0xae: {  	[tilespmem:s25], [sflag:$0x2] =	stream.linear.gather [hbm4b:s9+s15], $0x28, $0x38;
	[tilespmem:$0x19400] =	vst v63  }
0xaf: {  	s20 =	sld [smem:$0x7EC];
	s6 =	simm.s32 $0x100  }
0xb0: {  	[tilespmem:s6], [sflag:$0x3] =	stream.linear.gather [hbm4b:s19+s15], $0x28, $0x38;
	[tilespmem:$0x19400] =	vst v63  }
0xb1: {  	s26 =	simm.s32 $0x300  }
0xb2: {  	[tilespmem:s26], [sflag:$0x3] =	stream.linear.gather [hbm4b:s20+s15], $0x28, $0x38;
	[tilespmem:$0x19400] =	vst v63  }
0xb3: {  	_ =	swait.ge [sflag:s29], $0x28  }
0xb4: {  	[sflag:s29] =	ssyncset.done $0x0  }
0xb5: {  	[sflag:s29] =	ssyncadd.s32 $0xFFFFFFD8  }
0xb6: {  	_ =	swait.ge [sflag:s29], $0x28  }
0xb7: {  	[sflag:s29] =	ssyncset.done $0x0  }
0xb8: {  	s28 =	sld [smem:$0x7ED];
	[sflag:s29] =	ssyncadd.s32 $0xFFFFFFD8  }
0xb9: {  	[tilespmem:s14], [sflag:$0x5] =	stream.indirect.gather [hbm4b:s17+s30], $0x80, s15, s30, $0xb8;
	[tilespmem:$0x19400] =	vst v63  }
0xba: {  	s19 =	simm.s32 $0x0  }
0xbb: {  	[tilespmem:s31], [sflag:$0x7] =	stream.linear.gather [hbm4b:s28+s15], $0x1400, $0x38;
	[tilespmem:$0x19400] =	vst v63  }
.LBB2_4:
0xbc: {  	_ =	swait.ge [sflag:s16], $0x28  }
0xbd: {  	[sflag:s16] =	ssyncset.done $0x0  }
0xbe: {  	[sflag:s16] =	ssyncadd.s32 $0xFFFFFFD8  }
0xbf: {  	_ =	swait.ge [sflag:s16], $0x28  }
0xc0: {  	[sflag:s16] =	ssyncset.done $0x0;
	s5 =	sld [smem:$0x7E7]  }
0xc1: {  	s20 =	smul.u32 $0xA0, s19;
	[sflag:s16] =	ssyncadd.s32 $0xFFFFFFD8  }
0xc2: {  	[tilespmem:s0], [sflag:$0x6] =	stream.indirect.gather [hbm4b:s17+s30], $0x80, s24, s30, $0xb8;
	[tilespmem:$0x19400] =	vst v63  }
0xc3: {  	s9 =	sadd.s32 s20, s5  }
0xc4: {  	s9 =	sshll.u32 s9, $0x4  }
0xc5: {  	s9 =	sand.u32 $0x1FFFFF80, s9  }
0xc6: {  	s9 =	sadd.s32 s21, s9  }
0xc7: {  	[tilespmem:s2], [sflag:$0x8] =	stream.linear.gather [hbm4b:s9+s15], $0x1400, $0x38;
	[tilespmem:$0x19400] =	vst v63  }
0xc8: {  	_ =	swait.ge [sflag:s3], $0x1400  }
0xc9: {  	[sflag:s3] =	ssyncset.done $0x0  }
0xca: {  	[sflag:s3] =	ssyncadd.s32 $0xFFFFEC00  }
0xcb: {  	_ =	swait.ge [sflag:s4], $0x1400  }
0xcc: {  	[sflag:s4] =	ssyncset.done $0x0  }
0xcd: {  	s9 =	simm.s32 $0x0;
	[sflag:s4] =	ssyncadd.s32 $0xFFFFEC00  }
0xce: {  	v8 =	vld [tilespmem:s9+$0x2C00]  }
0xcf: {  	v12 =	vld [tilespmem:s9+$0x2C10]  }
0xd0: {  	v6 =	vld [tilespmem:s9+$0x2C20]  }
0xd1: {  	v5 =	vld [tilespmem:s9+$0x2C30]  }
0xd2: {  	v4 =	vld [tilespmem:s9+$0x2C40]  }
0xd3: {  	v3 =	vld [tilespmem:s9+$0x2C50]  }
0xd4: {  	v2 =	vld [tilespmem:s9+$0x2C60]  }
0xd5: {  	v1 =	vld [tilespmem:s9+$0x2C70]  }
0xd6: {  	v13 =	vld [tilespmem:s9+$0x400]  }
0xd7: {  	v14 =	vld [tilespmem:s9+$0x410]  }
0xd8: {  	v11 =	vld [tilespmem:s9+$0x420]  }
0xd9: {  	v10 =	vld [tilespmem:s9+$0x430]  }
0xda: {  	v9 =	vld [tilespmem:s9+$0x440]  }
0xdb: {  	v7 =	vld [tilespmem:s9+$0x450];
	v13 =	vmul.f32 v8, v13  }
0xdc: {  	s26 =	simm.s32 $0x200;
	v12 =	vmul.f32 v12, v14;
	v8 =	vld [tilespmem:s9+$0x460]  }
.LBB2_5:
0xdd: {  	s28 =	sshra.s32 s26, $0x2;
	p0 =	sne.s32 s26, $0x4E00;
	[tilespmem:s9+$0x400] =	vst v13;
	v6 =	vmul.f32 v6, v11;
	v11 =	vld [tilespmem:s9+$0x470]  }
0xde: {  	v13 =	vld [tilespmem:s28+$0x2C00];
	[tilespmem:s9+$0x410] =	vst v12;
	v5 =	vmul.f32 v5, v10  }
0xdf: {  	v12 =	vld [tilespmem:s28+$0x2C10];
	[tilespmem:s9+$0x420] =	vst v6;
	v4 =	vmul.f32 v4, v9  }
0xe0: {  	v6 =	vld [tilespmem:s28+$0x2C20];
	[tilespmem:s9+$0x430] =	vst v5;
	v3 =	vmul.f32 v3, v7  }
0xe1: {  	v5 =	vld [tilespmem:s28+$0x2C30];
	[tilespmem:s9+$0x440] =	vst v4;
	v2 =	vmul.f32 v2, v8  }
0xe2: {  	v4 =	vld [tilespmem:s28+$0x2C40];
	[tilespmem:s9+$0x450] =	vst v3;
	v1 =	vmul.f32 v1, v11  }
0xe3: {  	v3 =	vld [tilespmem:s28+$0x2C50];
	[tilespmem:s9+$0x460] =	vst v2  }
0xe4: {  	v2 =	vld [tilespmem:s28+$0x2C60];
	[tilespmem:s9+$0x470] =	vst v1;
	s9 =	smov.u32 s28  }
0xe5: {  	v1 =	vld [tilespmem:s9+$0x2C70]  }
0xe6: {  	v7 =	vld [tilespmem:s9+$0x400]  }
0xe7: {  	v8 =	vld [tilespmem:s9+$0x410]  }
.Ltmp1:
0xe8: {  	v11 =	vld [tilespmem:s9+$0x420];
	(pc) =	sbr.rel @p0 .LBB2_5-.Ltmp1, $4  }
0xe9: {  	v10 =	vld [tilespmem:s9+$0x430]  }
0xea: {  	v9 =	vld [tilespmem:s9+$0x440]  }
0xeb: {  	v13 =	vmul.f32 v13, v7;
	v7 =	vld [tilespmem:s9+$0x450]  }
0xec: {  	s26 =	sadd.s32 $0x200, s26;
	v12 =	vmul.f32 v12, v8;
	v8 =	vld [tilespmem:s9+$0x460]  }
0xed: {  	[tilespmem:s9+$0x400] =	vst v13;
	v6 =	vmul.f32 v6, v11;
	v11 =	vld [tilespmem:s9+$0x470]  }
0xee: {  	[tilespmem:s9+$0x410] =	vst v12;
	v5 =	vmul.f32 v5, v10  }
0xef: {  	[tilespmem:s9+$0x420] =	vst v6;
	v4 =	vmul.f32 v4, v9  }
0xf0: {  	[tilespmem:s9+$0x430] =	vst v5;
	v3 =	vmul.f32 v3, v7  }
0xf1: {  	[tilespmem:s9+$0x440] =	vst v4;
	v2 =	vmul.f32 v2, v8  }
0xf2: {  	[tilespmem:s9+$0x450] =	vst v3;
	v1 =	vmul.f32 v1, v11  }
0xf3: {  	[tilespmem:s9+$0x460] =	vst v2  }
0xf4: {  	[tilespmem:s9+$0x470] =	vst v1  }
0xf5: {  	[spmem:s18] =	stream.indirect.scatter.add.f32 [tilespmem:s14], [sflag:$0x9], $0x80, s13, s30, $0xb8;
	[tilespmem:$0x19400] =	vst v63  }
0xf6: {  	_ =	swait.ge [sflag:s11], $0x1400  }
0xf7: {  	s5 =	sld [smem:$0x7F2];
	_ =	sdelay $0x2  }
0xf8: {  	s9 =	sadd.s32 s20, s5  }
0xf9: {  	s6 =	simm.s32 $0x180;
	[sflag:s11] =	ssyncset.done $0x0;
	s26 =	sshrl.u32 s9, $0x3  }
0xfa: {  	[sflag:s11] =	ssyncadd.s32 $0xFFFFEC00;
	s5 =	simm.s32 $0x0;
	s28 =	sadd.s32 s22, s26  }
0xfb: {  	[tilespmem:s6], [sflag:$0x4] =	stream.linear.gather [hbm4b:s28+s5], $0x28, $0x38;
	[tilespmem:$0x19400] =	vst v63  }
0xfc: {  	s26 =	sadd.s32 s23, s26;
	s6 =	simm.s32 $0x380  }
0xfd: {  	[tilespmem:s6], [sflag:$0x4] =	stream.linear.gather [hbm4b:s26+s5], $0x28, $0x38;
	[tilespmem:$0x19400] =	vst v63  }
0xfe: {  	_ =	swait.ge [sflag:s7], $0x28  }
0xff: {  	[sflag:s7] =	ssyncset.done $0x0  }
0x100: {  	[sflag:s7] =	ssyncadd.s32 $0xFFFFFFD8  }
0x101: {  	_ =	swait.ge [sflag:s7], $0x28  }
0x102: {  	[sflag:s7] =	ssyncset.done $0x0  }
0x103: {  	s26 =	simm.s32 $0x100;
	[sflag:s7] =	ssyncadd.s32 $0xFFFFFFD8  }
0x104: {  	[tilespmem:s14], [sflag:$0x5] =	stream.indirect.gather [hbm4b:s17+s30], $0x80, s26, s30, $0xb8;
	[tilespmem:$0x19400] =	vst v63  }
0x105: {  	s26 =	sld [smem:$0x7E9];
	_ =	sdelay $0x2  }
0x106: {  	s6 =	sadd.s32 s20, s26  }
0x107: {  	s26 =	sshll.u32 s6, $0x4  }
0x108: {  	s26 =	sand.u32 $0x1FFFFF00, s26  }
0x109: {  	s26 =	sadd.s32 s21, s26  }
0x10a: {  	[tilespmem:s31], [sflag:$0x7] =	stream.linear.gather [hbm4b:s26+s5], $0x1400, $0x38;
	[tilespmem:$0x19400] =	vst v63  }
0x10b: {  	_ =	swait.ge [sflag:s8], $0x1400  }
0x10c: {  	[sflag:s8] =	ssyncset.done $0x0  }
0x10d: {  	[sflag:s8] =	ssyncadd.s32 $0xFFFFEC00  }
0x10e: {  	_ =	swait.ge [sflag:s10], $0x1400  }
0x10f: {  	[sflag:s10] =	ssyncset.done $0x0  }
0x110: {  	s26 =	simm.s32 $0x0;
	[sflag:s10] =	ssyncadd.s32 $0xFFFFEC00  }
0x111: {  	v8 =	vld [tilespmem:s26+$0x4000]  }
0x112: {  	v12 =	vld [tilespmem:s26+$0x4010]  }
0x113: {  	v6 =	vld [tilespmem:s26+$0x4020]  }
0x114: {  	v5 =	vld [tilespmem:s26+$0x4030]  }
0x115: {  	v4 =	vld [tilespmem:s26+$0x4040]  }
0x116: {  	v3 =	vld [tilespmem:s26+$0x4050]  }
0x117: {  	v2 =	vld [tilespmem:s26+$0x4060]  }
0x118: {  	v1 =	vld [tilespmem:s26+$0x4070]  }
0x119: {  	v13 =	vld [tilespmem:s26+$0x1800]  }
0x11a: {  	v14 =	vld [tilespmem:s26+$0x1810]  }
0x11b: {  	v11 =	vld [tilespmem:s26+$0x1820]  }
0x11c: {  	v10 =	vld [tilespmem:s26+$0x1830]  }
0x11d: {  	v9 =	vld [tilespmem:s26+$0x1840]  }
0x11e: {  	v7 =	vld [tilespmem:s26+$0x1850];
	v13 =	vmul.f32 v8, v13  }
0x11f: {  	s28 =	simm.s32 $0x200;
	v12 =	vmul.f32 v12, v14;
	v8 =	vld [tilespmem:s26+$0x1860]  }
.LBB2_7:
0x120: {  	s5 =	sshra.s32 s28, $0x2;
	p0 =	sne.s32 s28, $0x4E00;
	[tilespmem:s26+$0x1800] =	vst v13;
	v6 =	vmul.f32 v6, v11;
	v11 =	vld [tilespmem:s26+$0x1870]  }
0x121: {  	v13 =	vld [tilespmem:s5+$0x4000];
	[tilespmem:s26+$0x1810] =	vst v12;
	v5 =	vmul.f32 v5, v10  }
0x122: {  	v12 =	vld [tilespmem:s5+$0x4010];
	[tilespmem:s26+$0x1820] =	vst v6;
	v4 =	vmul.f32 v4, v9  }
0x123: {  	v6 =	vld [tilespmem:s5+$0x4020];
	[tilespmem:s26+$0x1830] =	vst v5;
	v3 =	vmul.f32 v3, v7  }
0x124: {  	v5 =	vld [tilespmem:s5+$0x4030];
	[tilespmem:s26+$0x1840] =	vst v4;
	v2 =	vmul.f32 v2, v8  }
0x125: {  	v4 =	vld [tilespmem:s5+$0x4040];
	[tilespmem:s26+$0x1850] =	vst v3;
	v1 =	vmul.f32 v1, v11  }
0x126: {  	v3 =	vld [tilespmem:s5+$0x4050];
	[tilespmem:s26+$0x1860] =	vst v2  }
0x127: {  	v2 =	vld [tilespmem:s5+$0x4060];
	[tilespmem:s26+$0x1870] =	vst v1;
	s26 =	smov.u32 s5  }
0x128: {  	v1 =	vld [tilespmem:s26+$0x4070]  }
0x129: {  	v7 =	vld [tilespmem:s26+$0x1800]  }
0x12a: {  	v8 =	vld [tilespmem:s26+$0x1810]  }
.Ltmp2:
0x12b: {  	v11 =	vld [tilespmem:s26+$0x1820];
	(pc) =	sbr.rel @p0 .LBB2_7-.Ltmp2, $4  }
0x12c: {  	v10 =	vld [tilespmem:s26+$0x1830]  }
0x12d: {  	v9 =	vld [tilespmem:s26+$0x1840]  }
0x12e: {  	v13 =	vmul.f32 v13, v7;
	v7 =	vld [tilespmem:s26+$0x1850]  }
0x12f: {  	s28 =	sadd.s32 $0x200, s28;
	v12 =	vmul.f32 v12, v8;
	v8 =	vld [tilespmem:s26+$0x1860]  }
0x130: {  	[tilespmem:s26+$0x1800] =	vst v13;
	v6 =	vmul.f32 v6, v11;
	v11 =	vld [tilespmem:s26+$0x1870]  }
0x131: {  	[tilespmem:s26+$0x1810] =	vst v12;
	v5 =	vmul.f32 v5, v10  }
0x132: {  	[tilespmem:s26+$0x1820] =	vst v6;
	v4 =	vmul.f32 v4, v9  }
0x133: {  	[tilespmem:s26+$0x1830] =	vst v5;
	v3 =	vmul.f32 v3, v7  }
0x134: {  	[tilespmem:s26+$0x1840] =	vst v4;
	v2 =	vmul.f32 v2, v8  }
0x135: {  	[tilespmem:s26+$0x1850] =	vst v3;
	v1 =	vmul.f32 v1, v11  }
0x136: {  	[tilespmem:s26+$0x1860] =	vst v2  }
0x137: {  	[tilespmem:s26+$0x1870] =	vst v1  }
0x138: {  	[spmem:s18] =	stream.indirect.scatter.add.f32 [tilespmem:s0], [sflag:$0x9], $0x80, s25, s30, $0xb8;
	[tilespmem:$0x19400] =	vst v63  }
0x139: {  	_ =	swait.ge [sflag:s11], $0x1400  }
0x13a: {  	s5 =	sld [smem:$0x7F3];
	_ =	sdelay $0x2  }
0x13b: {  	s26 =	sadd.s32 s20, s5  }
0x13c: {  	[sflag:s11] =	ssyncset.done $0x0;
	s5 =	sshrl.u32 s26, $0x3  }
0x13d: {  	s6 =	simm.s32 $0x0;
	[sflag:s11] =	ssyncadd.s32 $0xFFFFEC00;
	s28 =	sadd.s32 s22, s5  }
0x13e: {  	[tilespmem:s6], [sflag:$0x1] =	stream.linear.gather [hbm4b:s28+s6], $0x28, $0x38;
	[tilespmem:$0x19400] =	vst v63  }
0x13f: {  	s5 =	sadd.s32 s23, s5  }
0x140: {  	[tilespmem:s13], [sflag:$0x1] =	stream.linear.gather [hbm4b:s5+s6], $0x28, $0x38;
	[tilespmem:$0x19400] =	vst v63  }
0x141: {  	_ =	swait.ge [sflag:s12], $0x28  }
0x142: {  	[sflag:s12] =	ssyncset.done $0x0  }
0x143: {  	[sflag:s12] =	ssyncadd.s32 $0xFFFFFFD8  }
0x144: {  	_ =	swait.ge [sflag:s12], $0x28  }
0x145: {  	[sflag:s12] =	ssyncset.done $0x0  }
0x146: {  	s9 =	sshll.u32 s9, $0x4;
	s5 =	simm.s32 $0x180;
	[sflag:s12] =	ssyncadd.s32 $0xFFFFFFD8  }
0x147: {  	[tilespmem:s0], [sflag:$0x6] =	stream.indirect.gather [hbm4b:s17+s30], $0x80, s5, s30, $0xb8;
	[tilespmem:$0x19400] =	vst v63  }
0x148: {  	s5 =	sand.u32 $0x1FFFFF80, s9  }
0x149: {  	s5 =	sadd.s32 s21, s5  }
0x14a: {  	[tilespmem:s2], [sflag:$0x8] =	stream.linear.gather [hbm4b:s5+s6], $0x1400, $0x38;
	[tilespmem:$0x19400] =	vst v63  }
0x14b: {  	_ =	swait.ge [sflag:s3], $0x1400  }
0x14c: {  	[sflag:s3] =	ssyncset.done $0x0  }
0x14d: {  	[sflag:s3] =	ssyncadd.s32 $0xFFFFEC00  }
0x14e: {  	_ =	swait.ge [sflag:s4], $0x1400  }
0x14f: {  	[sflag:s4] =	ssyncset.done $0x0  }
0x150: {  	s9 =	simm.s32 $0x0;
	[sflag:s4] =	ssyncadd.s32 $0xFFFFEC00  }
0x151: {  	v8 =	vld [tilespmem:s9+$0x2C00]  }
0x152: {  	v12 =	vld [tilespmem:s9+$0x2C10]  }
0x153: {  	v6 =	vld [tilespmem:s9+$0x2C20]  }
0x154: {  	v5 =	vld [tilespmem:s9+$0x2C30]  }
0x155: {  	v4 =	vld [tilespmem:s9+$0x2C40]  }
0x156: {  	v3 =	vld [tilespmem:s9+$0x2C50]  }
0x157: {  	v2 =	vld [tilespmem:s9+$0x2C60]  }
0x158: {  	v1 =	vld [tilespmem:s9+$0x2C70]  }
0x159: {  	v13 =	vld [tilespmem:s9+$0x400]  }
0x15a: {  	v14 =	vld [tilespmem:s9+$0x410]  }
0x15b: {  	v11 =	vld [tilespmem:s9+$0x420]  }
0x15c: {  	v10 =	vld [tilespmem:s9+$0x430]  }
0x15d: {  	v9 =	vld [tilespmem:s9+$0x440]  }
0x15e: {  	v7 =	vld [tilespmem:s9+$0x450];
	v13 =	vmul.f32 v8, v13  }
0x15f: {  	s28 =	simm.s32 $0x200;
	v12 =	vmul.f32 v12, v14;
	v8 =	vld [tilespmem:s9+$0x460]  }
.LBB2_9:
0x160: {  	s5 =	sshra.s32 s28, $0x2;
	p0 =	sne.s32 s28, $0x4E00;
	[tilespmem:s9+$0x400] =	vst v13;
	v6 =	vmul.f32 v6, v11;
	v11 =	vld [tilespmem:s9+$0x470]  }
0x161: {  	v13 =	vld [tilespmem:s5+$0x2C00];
	[tilespmem:s9+$0x410] =	vst v12;
	v5 =	vmul.f32 v5, v10  }
0x162: {  	v12 =	vld [tilespmem:s5+$0x2C10];
	[tilespmem:s9+$0x420] =	vst v6;
	v4 =	vmul.f32 v4, v9  }
0x163: {  	v6 =	vld [tilespmem:s5+$0x2C20];
	[tilespmem:s9+$0x430] =	vst v5;
	v3 =	vmul.f32 v3, v7  }
0x164: {  	v5 =	vld [tilespmem:s5+$0x2C30];
	[tilespmem:s9+$0x440] =	vst v4;
	v2 =	vmul.f32 v2, v8  }
0x165: {  	v4 =	vld [tilespmem:s5+$0x2C40];
	[tilespmem:s9+$0x450] =	vst v3;
	v1 =	vmul.f32 v1, v11  }
0x166: {  	v3 =	vld [tilespmem:s5+$0x2C50];
	[tilespmem:s9+$0x460] =	vst v2  }
0x167: {  	v2 =	vld [tilespmem:s5+$0x2C60];
	[tilespmem:s9+$0x470] =	vst v1;
	s9 =	smov.u32 s5  }
0x168: {  	v1 =	vld [tilespmem:s9+$0x2C70]  }
0x169: {  	v7 =	vld [tilespmem:s9+$0x400]  }
0x16a: {  	v8 =	vld [tilespmem:s9+$0x410]  }
.Ltmp3:
0x16b: {  	v11 =	vld [tilespmem:s9+$0x420];
	(pc) =	sbr.rel @p0 .LBB2_9-.Ltmp3, $4  }
0x16c: {  	v10 =	vld [tilespmem:s9+$0x430]  }
0x16d: {  	v9 =	vld [tilespmem:s9+$0x440]  }
0x16e: {  	v13 =	vmul.f32 v13, v7;
	v7 =	vld [tilespmem:s9+$0x450]  }
0x16f: {  	s28 =	sadd.s32 $0x200, s28;
	v12 =	vmul.f32 v12, v8;
	v8 =	vld [tilespmem:s9+$0x460]  }
0x170: {  	[tilespmem:s9+$0x400] =	vst v13;
	v6 =	vmul.f32 v6, v11;
	v11 =	vld [tilespmem:s9+$0x470]  }
0x171: {  	[tilespmem:s9+$0x410] =	vst v12;
	v5 =	vmul.f32 v5, v10  }
0x172: {  	[tilespmem:s9+$0x420] =	vst v6;
	v4 =	vmul.f32 v4, v9  }
0x173: {  	[tilespmem:s9+$0x430] =	vst v5;
	v3 =	vmul.f32 v3, v7  }
0x174: {  	[tilespmem:s9+$0x440] =	vst v4;
	v2 =	vmul.f32 v2, v8  }
0x175: {  	[tilespmem:s9+$0x450] =	vst v3;
	v1 =	vmul.f32 v1, v11  }
0x176: {  	[tilespmem:s9+$0x460] =	vst v2  }
0x177: {  	s5 =	simm.s32 $0x300;
	[tilespmem:s9+$0x470] =	vst v1  }
0x178: {  	[spmem:s18] =	stream.indirect.scatter.add.f32 [tilespmem:s14], [sflag:$0x9], $0x80, s5, s30, $0xb8;
	[tilespmem:$0x19400] =	vst v63  }
0x179: {  	_ =	swait.ge [sflag:s11], $0x1400  }
0x17a: {  	s9 =	sld [smem:$0x7F4];
	_ =	sdelay $0x2  }
0x17b: {  	s5 =	sadd.s32 s20, s9  }
0x17c: {  	[sflag:s11] =	ssyncset.done $0x0;
	s5 =	sshrl.u32 s5, $0x3  }
0x17d: {  	[sflag:s11] =	ssyncadd.s32 $0xFFFFEC00;
	s9 =	simm.s32 $0x0;
	s6 =	sadd.s32 s22, s5  }
0x17e: {  	[tilespmem:s24], [sflag:$0x2] =	stream.linear.gather [hbm4b:s6+s9], $0x28, $0x38;
	[tilespmem:$0x19400] =	vst v63  }
0x17f: {  	s5 =	sadd.s32 s23, s5  }
0x180: {  	[tilespmem:s25], [sflag:$0x2] =	stream.linear.gather [hbm4b:s5+s9], $0x28, $0x38;
	[tilespmem:$0x19400] =	vst v63  }
0x181: {  	_ =	swait.ge [sflag:s29], $0x28  }
0x182: {  	[sflag:s29] =	ssyncset.done $0x0  }
0x183: {  	[sflag:s29] =	ssyncadd.s32 $0xFFFFFFD8  }
0x184: {  	_ =	swait.ge [sflag:s29], $0x28  }
0x185: {  	s28 =	sshll.u32 s26, $0x4;
	[sflag:s29] =	ssyncset.done $0x0  }
0x186: {  	s5 =	sand.u32 $0x1FFFFF00, s28;
	[sflag:s29] =	ssyncadd.s32 $0xFFFFFFD8  }
0x187: {  	[tilespmem:s14], [sflag:$0x5] =	stream.indirect.gather [hbm4b:s17+s30], $0x80, s9, s30, $0xb8;
	[tilespmem:$0x19400] =	vst v63  }
0x188: {  	s5 =	sadd.s32 s21, s5  }
0x189: {  	[tilespmem:s31], [sflag:$0x7] =	stream.linear.gather [hbm4b:s5+s9], $0x1400, $0x38;
	[tilespmem:$0x19400] =	vst v63  }
0x18a: {  	_ =	swait.ge [sflag:s8], $0x1400  }
0x18b: {  	[sflag:s8] =	ssyncset.done $0x0  }
0x18c: {  	[sflag:s8] =	ssyncadd.s32 $0xFFFFEC00  }
0x18d: {  	_ =	swait.ge [sflag:s10], $0x1400  }
0x18e: {  	[sflag:s10] =	ssyncset.done $0x0  }
0x18f: {  	s9 =	simm.s32 $0x0;
	[sflag:s10] =	ssyncadd.s32 $0xFFFFEC00  }
0x190: {  	v8 =	vld [tilespmem:s9+$0x4000]  }
0x191: {  	v12 =	vld [tilespmem:s9+$0x4010]  }
0x192: {  	v6 =	vld [tilespmem:s9+$0x4020]  }
0x193: {  	v5 =	vld [tilespmem:s9+$0x4030]  }
0x194: {  	v4 =	vld [tilespmem:s9+$0x4040]  }
0x195: {  	v3 =	vld [tilespmem:s9+$0x4050]  }
0x196: {  	v2 =	vld [tilespmem:s9+$0x4060]  }
0x197: {  	v1 =	vld [tilespmem:s9+$0x4070]  }
0x198: {  	v13 =	vld [tilespmem:s9+$0x1800]  }
0x199: {  	v14 =	vld [tilespmem:s9+$0x1810]  }
0x19a: {  	v11 =	vld [tilespmem:s9+$0x1820]  }
0x19b: {  	v10 =	vld [tilespmem:s9+$0x1830]  }
0x19c: {  	v9 =	vld [tilespmem:s9+$0x1840]  }
0x19d: {  	v7 =	vld [tilespmem:s9+$0x1850];
	v13 =	vmul.f32 v8, v13  }
0x19e: {  	s26 =	simm.s32 $0x200;
	v12 =	vmul.f32 v12, v14;
	v8 =	vld [tilespmem:s9+$0x1860]  }
.LBB2_11:
0x19f: {  	s5 =	sshra.s32 s26, $0x2;
	p0 =	sne.s32 s26, $0x4E00;
	[tilespmem:s9+$0x1800] =	vst v13;
	v6 =	vmul.f32 v6, v11;
	v11 =	vld [tilespmem:s9+$0x1870]  }
0x1a0: {  	v13 =	vld [tilespmem:s5+$0x4000];
	[tilespmem:s9+$0x1810] =	vst v12;
	v5 =	vmul.f32 v5, v10  }
0x1a1: {  	v12 =	vld [tilespmem:s5+$0x4010];
	[tilespmem:s9+$0x1820] =	vst v6;
	v4 =	vmul.f32 v4, v9  }
0x1a2: {  	v6 =	vld [tilespmem:s5+$0x4020];
	[tilespmem:s9+$0x1830] =	vst v5;
	v3 =	vmul.f32 v3, v7  }
0x1a3: {  	v5 =	vld [tilespmem:s5+$0x4030];
	[tilespmem:s9+$0x1840] =	vst v4;
	v2 =	vmul.f32 v2, v8  }
0x1a4: {  	v4 =	vld [tilespmem:s5+$0x4040];
	[tilespmem:s9+$0x1850] =	vst v3;
	v1 =	vmul.f32 v1, v11  }
0x1a5: {  	v3 =	vld [tilespmem:s5+$0x4050];
	[tilespmem:s9+$0x1860] =	vst v2  }
0x1a6: {  	v2 =	vld [tilespmem:s5+$0x4060];
	[tilespmem:s9+$0x1870] =	vst v1;
	s9 =	smov.u32 s5  }
0x1a7: {  	v1 =	vld [tilespmem:s9+$0x4070]  }
0x1a8: {  	v7 =	vld [tilespmem:s9+$0x1800]  }
0x1a9: {  	v8 =	vld [tilespmem:s9+$0x1810]  }
.Ltmp4:
0x1aa: {  	v11 =	vld [tilespmem:s9+$0x1820];
	(pc) =	sbr.rel @p0 .LBB2_11-.Ltmp4, $4  }
0x1ab: {  	v10 =	vld [tilespmem:s9+$0x1830]  }
0x1ac: {  	v9 =	vld [tilespmem:s9+$0x1840]  }
0x1ad: {  	v13 =	vmul.f32 v13, v7;
	v7 =	vld [tilespmem:s9+$0x1850]  }
0x1ae: {  	s26 =	sadd.s32 $0x200, s26;
	v12 =	vmul.f32 v12, v8;
	v8 =	vld [tilespmem:s9+$0x1860]  }
0x1af: {  	[tilespmem:s9+$0x1800] =	vst v13;
	v6 =	vmul.f32 v6, v11;
	v63 =	vld [tilespmem:s9+$0x1870]  }
0x1b0: {  	[tilespmem:s9+$0x1810] =	vst v12;
	v5 =	vmul.f32 v5, v10  }
0x1b1: {  	[tilespmem:s9+$0x1820] =	vst v6;
	v4 =	vmul.f32 v4, v9  }
0x1b2: {  	[tilespmem:s9+$0x1830] =	vst v5;
	v3 =	vmul.f32 v3, v7  }
0x1b3: {  	[tilespmem:s9+$0x1840] =	vst v4;
	v2 =	vmul.f32 v2, v8  }
0x1b4: {  	[tilespmem:s9+$0x1850] =	vst v3;
	v1 =	vmul.f32 v1, v63  }
0x1b5: {  	[tilespmem:s9+$0x1860] =	vst v2  }
0x1b6: {  	s5 =	simm.s32 $0x380;
	[tilespmem:s9+$0x1870] =	vst v1  }
0x1b7: {  	[spmem:s18] =	stream.indirect.scatter.add.f32 [tilespmem:s0], [sflag:$0x9], $0x80, s5, s30, $0xb8;
	[tilespmem:$0x19400] =	vst v63  }
0x1b8: {  	_ =	swait.ge [sflag:s11], $0x1400  }
0x1b9: {  	s9 =	sld [smem:$0x7F5];
	_ =	sdelay $0x1  }
0x1ba: {  	s19 =	sadd.s32 $0x1, s19  }
0x1bb: {  	p0 =	sne.s32 s19, $0x3D;
	s5 =	sadd.s32 s20, s9  }
.Ltmp5:
0x1bc: {  	[sflag:s11] =	ssyncset.done $0x0;
	s5 =	sshrl.u32 s5, $0x3;
	(pc) =	sbr.rel @p0 .LBB2_4-.Ltmp5, $4  }
0x1bd: {  	s26 =	simm.s32 $0x100;
	[sflag:s11] =	ssyncadd.s32 $0xFFFFEC00;
	s6 =	sadd.s32 s22, s5  }
0x1be: {  	[tilespmem:s26], [sflag:$0x3] =	stream.linear.gather [hbm4b:s6+s1], $0x28, $0x38;
	[tilespmem:$0x19400] =	vst v63  }
0x1bf: {  	s28 =	simm.s32 $0x300;
	s5 =	sadd.s32 s23, s5  }
0x1c0: {  	[tilespmem:s28], [sflag:$0x3] =	stream.linear.gather [hbm4b:s5+s1], $0x28, $0x38;
	[tilespmem:$0x19400] =	vst v63  }
0x1c1: {  	_ =	swait.ge [sflag:s16], $0x28  }
0x1c2: {  	[sflag:s16] =	ssyncset.done $0x0  }
0x1c3: {  	[sflag:s16] =	ssyncadd.s32 $0xFFFFFFD8  }
0x1c4: {  	_ =	swait.ge [sflag:s16], $0x28  }
0x1c5: {  	[sflag:s16] =	ssyncset.done $0x0  }
0x1c6: {  	s6 =	sld [smem:$0x7F0];
	[sflag:s16] =	ssyncadd.s32 $0xFFFFFFD8  }
0x1c7: {  	[tilespmem:s0], [sflag:$0x6] =	stream.indirect.gather [hbm4b:s17+s30], $0x80, s24, s30, $0xb8;
	[tilespmem:$0x19400] =	vst v63  }
0x1c8: {  	s5 =	simm.s32 $0x0  }
0x1c9: {  	[tilespmem:s2], [sflag:$0x8] =	stream.linear.gather [hbm4b:s6+s5], $0x1400, $0x38;
	[tilespmem:$0x19400] =	vst v63  }
0x1ca: {  	_ =	swait.ge [sflag:s3], $0x1400  }
0x1cb: {  	[sflag:s3] =	ssyncset.done $0x0  }
0x1cc: {  	[sflag:s3] =	ssyncadd.s32 $0xFFFFEC00  }
0x1cd: {  	_ =	swait.ge [sflag:s4], $0x1400  }
0x1ce: {  	[sflag:s4] =	ssyncset.done $0x0  }
0x1cf: {  	s9 =	simm.s32 $0x0;
	[sflag:s4] =	ssyncadd.s32 $0xFFFFEC00  }
0x1d0: {  	v8 =	vld [tilespmem:s9+$0x2C00]  }
0x1d1: {  	v12 =	vld [tilespmem:s9+$0x2C10]  }
0x1d2: {  	v6 =	vld [tilespmem:s9+$0x2C20]  }
0x1d3: {  	v5 =	vld [tilespmem:s9+$0x2C30]  }
0x1d4: {  	v4 =	vld [tilespmem:s9+$0x2C40]  }
0x1d5: {  	v3 =	vld [tilespmem:s9+$0x2C50]  }
0x1d6: {  	v2 =	vld [tilespmem:s9+$0x2C60]  }
0x1d7: {  	v1 =	vld [tilespmem:s9+$0x2C70]  }
0x1d8: {  	v13 =	vld [tilespmem:s9+$0x400]  }
0x1d9: {  	v14 =	vld [tilespmem:s9+$0x410]  }
0x1da: {  	v11 =	vld [tilespmem:s9+$0x420]  }
0x1db: {  	v10 =	vld [tilespmem:s9+$0x430]  }
0x1dc: {  	v9 =	vld [tilespmem:s9+$0x440]  }
0x1dd: {  	v7 =	vld [tilespmem:s9+$0x450];
	v13 =	vmul.f32 v8, v13  }
0x1de: {  	s15 =	simm.s32 $0x200;
	v12 =	vmul.f32 v12, v14;
	v8 =	vld [tilespmem:s9+$0x460]  }
.LBB2_14:
0x1df: {  	s5 =	sshra.s32 s15, $0x2;
	p0 =	sne.s32 s15, $0x4E00;
	[tilespmem:s9+$0x400] =	vst v13;
	v6 =	vmul.f32 v6, v11;
	v11 =	vld [tilespmem:s9+$0x470]  }
0x1e0: {  	v13 =	vld [tilespmem:s5+$0x2C00];
	[tilespmem:s9+$0x410] =	vst v12;
	v5 =	vmul.f32 v5, v10  }
0x1e1: {  	v12 =	vld [tilespmem:s5+$0x2C10];
	[tilespmem:s9+$0x420] =	vst v6;
	v4 =	vmul.f32 v4, v9  }
0x1e2: {  	v6 =	vld [tilespmem:s5+$0x2C20];
	[tilespmem:s9+$0x430] =	vst v5;
	v3 =	vmul.f32 v3, v7  }
0x1e3: {  	v5 =	vld [tilespmem:s5+$0x2C30];
	[tilespmem:s9+$0x440] =	vst v4;
	v2 =	vmul.f32 v2, v8  }
0x1e4: {  	v4 =	vld [tilespmem:s5+$0x2C40];
	[tilespmem:s9+$0x450] =	vst v3;
	v1 =	vmul.f32 v1, v11  }
0x1e5: {  	v3 =	vld [tilespmem:s5+$0x2C50];
	[tilespmem:s9+$0x460] =	vst v2  }
0x1e6: {  	v2 =	vld [tilespmem:s5+$0x2C60];
	[tilespmem:s9+$0x470] =	vst v1;
	s9 =	smov.u32 s5  }
0x1e7: {  	v1 =	vld [tilespmem:s9+$0x2C70]  }
0x1e8: {  	v7 =	vld [tilespmem:s9+$0x400]  }
0x1e9: {  	v8 =	vld [tilespmem:s9+$0x410]  }
.Ltmp6:
0x1ea: {  	v11 =	vld [tilespmem:s9+$0x420];
	(pc) =	sbr.rel @p0 .LBB2_14-.Ltmp6, $4  }
0x1eb: {  	v10 =	vld [tilespmem:s9+$0x430]  }
0x1ec: {  	v9 =	vld [tilespmem:s9+$0x440]  }
0x1ed: {  	v13 =	vmul.f32 v13, v7;
	v7 =	vld [tilespmem:s9+$0x450]  }
0x1ee: {  	s15 =	sadd.s32 $0x200, s15;
	v12 =	vmul.f32 v12, v8;
	v8 =	vld [tilespmem:s9+$0x460]  }
0x1ef: {  	[tilespmem:s9+$0x400] =	vst v13;
	v6 =	vmul.f32 v6, v11;
	v11 =	vld [tilespmem:s9+$0x470]  }
0x1f0: {  	[tilespmem:s9+$0x410] =	vst v12;
	v5 =	vmul.f32 v5, v10  }
0x1f1: {  	[tilespmem:s9+$0x420] =	vst v6;
	v4 =	vmul.f32 v4, v9  }
0x1f2: {  	[tilespmem:s9+$0x430] =	vst v5;
	v3 =	vmul.f32 v3, v7  }
0x1f3: {  	[tilespmem:s9+$0x440] =	vst v4;
	v2 =	vmul.f32 v2, v8  }
0x1f4: {  	[tilespmem:s9+$0x450] =	vst v3;
	v1 =	vmul.f32 v1, v11  }
0x1f5: {  	[tilespmem:s9+$0x460] =	vst v2  }
0x1f6: {  	[tilespmem:s9+$0x470] =	vst v1  }
0x1f7: {  	[spmem:s18] =	stream.indirect.scatter.add.f32 [tilespmem:s14], [sflag:$0x9], $0x80, s13, s30, $0xb8;
	[tilespmem:$0x19400] =	vst v63  }
0x1f8: {  	_ =	swait.ge [sflag:s11], $0x1400  }
0x1f9: {  	s6 =	sld [smem:$0x7EE]  }
0x1fa: {  	s5 =	simm.s32 $0x0;
	[sflag:s11] =	ssyncset.done $0x0  }
0x1fb: {  	s26 =	simm.s32 $0x180;
	s15 =	sld [smem:$0x7EF];
	[sflag:s11] =	ssyncadd.s32 $0xFFFFEC00  }
0x1fc: {  	[tilespmem:s26], [sflag:$0x4] =	stream.linear.gather [hbm4b:s6+s5], $0x28, $0x38;
	[tilespmem:$0x19400] =	vst v63  }
0x1fd: {  	s19 =	simm.s32 $0x380  }
0x1fe: {  	[tilespmem:s19], [sflag:$0x4] =	stream.linear.gather [hbm4b:s15+s5], $0x28, $0x38;
	[tilespmem:$0x19400] =	vst v63  }
0x1ff: {  	_ =	swait.ge [sflag:s7], $0x28  }
0x200: {  	[sflag:s7] =	ssyncset.done $0x0  }
0x201: {  	[sflag:s7] =	ssyncadd.s32 $0xFFFFFFD8  }
0x202: {  	_ =	swait.ge [sflag:s7], $0x28  }
0x203: {  	[sflag:s7] =	ssyncset.done $0x0  }
0x204: {  	s20 =	simm.s32 $0x100;
	s26 =	sld [smem:$0x7F1];
	[sflag:s7] =	ssyncadd.s32 $0xFFFFFFD8  }
0x205: {  	[tilespmem:s14], [sflag:$0x5] =	stream.indirect.gather [hbm4b:s17+s30], $0x80, s20, s30, $0xb8;
	[tilespmem:$0x19400] =	vst v63  }
0x206: {  	_ = 	snop  }
0x207: {  	[tilespmem:s31], [sflag:$0x7] =	stream.linear.gather [hbm4b:s26+s5], $0x1400, $0x38;
	[tilespmem:$0x19400] =	vst v63  }
0x208: {  	_ =	swait.ge [sflag:s8], $0x1400  }
0x209: {  	[sflag:s8] =	ssyncset.done $0x0  }
0x20a: {  	[sflag:s8] =	ssyncadd.s32 $0xFFFFEC00  }
0x20b: {  	_ =	swait.ge [sflag:s10], $0x1400  }
0x20c: {  	[sflag:s10] =	ssyncset.done $0x0  }
0x20d: {  	s9 =	simm.s32 $0x0;
	[sflag:s10] =	ssyncadd.s32 $0xFFFFEC00  }
0x20e: {  	v8 =	vld [tilespmem:s9+$0x4000]  }
0x20f: {  	v12 =	vld [tilespmem:s9+$0x4010]  }
0x210: {  	v6 =	vld [tilespmem:s9+$0x4020]  }
0x211: {  	v5 =	vld [tilespmem:s9+$0x4030]  }
0x212: {  	v4 =	vld [tilespmem:s9+$0x4040]  }
0x213: {  	v3 =	vld [tilespmem:s9+$0x4050]  }
0x214: {  	v2 =	vld [tilespmem:s9+$0x4060]  }
0x215: {  	v1 =	vld [tilespmem:s9+$0x4070]  }
0x216: {  	v13 =	vld [tilespmem:s9+$0x1800]  }
0x217: {  	v14 =	vld [tilespmem:s9+$0x1810]  }
0x218: {  	v11 =	vld [tilespmem:s9+$0x1820]  }
0x219: {  	v10 =	vld [tilespmem:s9+$0x1830]  }
0x21a: {  	s26 =	rddreg [dreg:$0x14];
	v9 =	vld [tilespmem:s9+$0x1840]  }
0x21b: {  	s19 =	rddreg [dreg:$0x15];
	v7 =	vld [tilespmem:s9+$0x1850];
	v13 =	vmul.f32 v8, v13  }
0x21c: {  	s15 =	simm.s32 $0x200;
	s28 =	rddreg [dreg:$0x17];
	v12 =	vmul.f32 v12, v14;
	v8 =	vld [tilespmem:s9+$0x1860]  }
.LBB2_16:
0x21d: {  	s5 =	sshra.s32 s15, $0x2;
	p0 =	sne.s32 s15, $0x4E00;
	[tilespmem:s9+$0x1800] =	vst v13;
	v6 =	vmul.f32 v6, v11;
	v11 =	vld [tilespmem:s9+$0x1870]  }
0x21e: {  	v13 =	vld [tilespmem:s5+$0x4000];
	[tilespmem:s9+$0x1810] =	vst v12;
	v5 =	vmul.f32 v5, v10  }
0x21f: {  	v12 =	vld [tilespmem:s5+$0x4010];
	[tilespmem:s9+$0x1820] =	vst v6;
	v4 =	vmul.f32 v4, v9  }
0x220: {  	v6 =	vld [tilespmem:s5+$0x4020];
	[tilespmem:s9+$0x1830] =	vst v5;
	v3 =	vmul.f32 v3, v7  }
0x221: {  	v5 =	vld [tilespmem:s5+$0x4030];
	[tilespmem:s9+$0x1840] =	vst v4;
	v2 =	vmul.f32 v2, v8  }
0x222: {  	v4 =	vld [tilespmem:s5+$0x4040];
	[tilespmem:s9+$0x1850] =	vst v3;
	v1 =	vmul.f32 v1, v11  }
0x223: {  	v3 =	vld [tilespmem:s5+$0x4050];
	[tilespmem:s9+$0x1860] =	vst v2  }
0x224: {  	v2 =	vld [tilespmem:s5+$0x4060];
	[tilespmem:s9+$0x1870] =	vst v1;
	s9 =	smov.u32 s5  }
0x225: {  	v1 =	vld [tilespmem:s9+$0x4070]  }
0x226: {  	v7 =	vld [tilespmem:s9+$0x1800]  }
0x227: {  	v8 =	vld [tilespmem:s9+$0x1810]  }
.Ltmp7:
0x228: {  	v11 =	vld [tilespmem:s9+$0x1820];
	(pc) =	sbr.rel @p0 .LBB2_16-.Ltmp7, $4  }
0x229: {  	v10 =	vld [tilespmem:s9+$0x1830]  }
0x22a: {  	v9 =	vld [tilespmem:s9+$0x1840]  }
0x22b: {  	v13 =	vmul.f32 v13, v7;
	v7 =	vld [tilespmem:s9+$0x1850]  }
0x22c: {  	s15 =	sadd.s32 $0x200, s15;
	v12 =	vmul.f32 v12, v8;
	v8 =	vld [tilespmem:s9+$0x1860]  }
0x22d: {  	[tilespmem:s9+$0x1800] =	vst v13;
	v6 =	vmul.f32 v6, v11;
	v11 =	vld [tilespmem:s9+$0x1870]  }
0x22e: {  	[tilespmem:s9+$0x1810] =	vst v12;
	v5 =	vmul.f32 v5, v10  }
0x22f: {  	[tilespmem:s9+$0x1820] =	vst v6;
	v4 =	vmul.f32 v4, v9  }
0x230: {  	[tilespmem:s9+$0x1830] =	vst v5;
	v3 =	vmul.f32 v3, v7  }
0x231: {  	[tilespmem:s9+$0x1840] =	vst v4;
	v2 =	vmul.f32 v2, v8  }
0x232: {  	[tilespmem:s9+$0x1850] =	vst v3;
	v1 =	vmul.f32 v1, v11  }
0x233: {  	[tilespmem:s9+$0x1860] =	vst v2  }
0x234: {  	[tilespmem:s9+$0x1870] =	vst v1  }
0x235: {  	[spmem:s18] =	stream.indirect.scatter.add.f32 [tilespmem:s0], [sflag:$0x9], $0x80, s25, s30, $0xb8;
	[tilespmem:$0x19400] =	vst v63  }
0x236: {  	_ =	swait.ge [sflag:s11], $0x1400  }
0x237: {  	s6 =	sld [smem:$0x7F6]  }
0x238: {  	[sflag:s11] =	ssyncset.done $0x0  }
0x239: {  	s5 =	simm.s32 $0x0;
	s9 =	sld [smem:$0x7F7];
	[sflag:s11] =	ssyncadd.s32 $0xFFFFEC00  }
0x23a: {  	[tilespmem:s5], [sflag:$0x1] =	stream.linear.gather [hbm4b:s6+s5], $0x28, $0x38;
	[tilespmem:$0x19400] =	vst v63  }
0x23b: {  	_ = 	snop  }
0x23c: {  	[tilespmem:s13], [sflag:$0x1] =	stream.linear.gather [hbm4b:s9+s5], $0x28, $0x38;
	[tilespmem:$0x19400] =	vst v63  }
0x23d: {  	_ =	swait.ge [sflag:s12], $0x28  }
0x23e: {  	[sflag:s12] =	ssyncset.done $0x0  }
0x23f: {  	[sflag:s12] =	ssyncadd.s32 $0xFFFFFFD8  }
0x240: {  	_ =	swait.ge [sflag:s12], $0x28  }
0x241: {  	[sflag:s12] =	ssyncset.done $0x0  }
0x242: {  	s15 =	simm.s32 $0x180;
	s20 =	sld [smem:$0x7F8];
	[sflag:s12] =	ssyncadd.s32 $0xFFFFFFD8  }
0x243: {  	[tilespmem:s0], [sflag:$0x6] =	stream.indirect.gather [hbm4b:s17+s30], $0x80, s15, s30, $0xb8;
	[tilespmem:$0x19400] =	vst v63  }
0x244: {  	_ = 	snop  }
0x245: {  	[tilespmem:s2], [sflag:$0x8] =	stream.linear.gather [hbm4b:s20+s5], $0x1400, $0x38;
	[tilespmem:$0x19400] =	vst v63  }
0x246: {  	_ =	swait.ge [sflag:s3], $0x1400  }
0x247: {  	[sflag:s3] =	ssyncset.done $0x0  }
0x248: {  	[sflag:s3] =	ssyncadd.s32 $0xFFFFEC00  }
0x249: {  	_ =	swait.ge [sflag:s4], $0x1400  }
0x24a: {  	[sflag:s4] =	ssyncset.done $0x0  }
0x24b: {  	s9 =	simm.s32 $0x0;
	[sflag:s4] =	ssyncadd.s32 $0xFFFFEC00  }
0x24c: {  	v8 =	vld [tilespmem:s9+$0x2C00]  }
0x24d: {  	v12 =	vld [tilespmem:s9+$0x2C10]  }
0x24e: {  	v6 =	vld [tilespmem:s9+$0x2C20]  }
0x24f: {  	v5 =	vld [tilespmem:s9+$0x2C30]  }
0x250: {  	v4 =	vld [tilespmem:s9+$0x2C40]  }
0x251: {  	v3 =	vld [tilespmem:s9+$0x2C50]  }
0x252: {  	v2 =	vld [tilespmem:s9+$0x2C60]  }
0x253: {  	v1 =	vld [tilespmem:s9+$0x2C70]  }
0x254: {  	v13 =	vld [tilespmem:s9+$0x400]  }
0x255: {  	v14 =	vld [tilespmem:s9+$0x410]  }
0x256: {  	v11 =	vld [tilespmem:s9+$0x420]  }
0x257: {  	v10 =	vld [tilespmem:s9+$0x430]  }
0x258: {  	v9 =	vld [tilespmem:s9+$0x440]  }
0x259: {  	v7 =	vld [tilespmem:s9+$0x450];
	v13 =	vmul.f32 v8, v13  }
0x25a: {  	s15 =	simm.s32 $0x200;
	v12 =	vmul.f32 v12, v14;
	v8 =	vld [tilespmem:s9+$0x460]  }
.LBB2_18:
0x25b: {  	s5 =	sshra.s32 s15, $0x2;
	p0 =	sne.s32 s15, $0x4E00;
	[tilespmem:s9+$0x400] =	vst v13;
	v6 =	vmul.f32 v6, v11;
	v11 =	vld [tilespmem:s9+$0x470]  }
0x25c: {  	v13 =	vld [tilespmem:s5+$0x2C00];
	[tilespmem:s9+$0x410] =	vst v12;
	v5 =	vmul.f32 v5, v10  }
0x25d: {  	v12 =	vld [tilespmem:s5+$0x2C10];
	[tilespmem:s9+$0x420] =	vst v6;
	v4 =	vmul.f32 v4, v9  }
0x25e: {  	v6 =	vld [tilespmem:s5+$0x2C20];
	[tilespmem:s9+$0x430] =	vst v5;
	v3 =	vmul.f32 v3, v7  }
0x25f: {  	v5 =	vld [tilespmem:s5+$0x2C30];
	[tilespmem:s9+$0x440] =	vst v4;
	v2 =	vmul.f32 v2, v8  }
0x260: {  	v4 =	vld [tilespmem:s5+$0x2C40];
	[tilespmem:s9+$0x450] =	vst v3;
	v1 =	vmul.f32 v1, v11  }
0x261: {  	v3 =	vld [tilespmem:s5+$0x2C50];
	[tilespmem:s9+$0x460] =	vst v2  }
0x262: {  	v2 =	vld [tilespmem:s5+$0x2C60];
	[tilespmem:s9+$0x470] =	vst v1;
	s9 =	smov.u32 s5  }
0x263: {  	v1 =	vld [tilespmem:s9+$0x2C70]  }
0x264: {  	v7 =	vld [tilespmem:s9+$0x400]  }
0x265: {  	v8 =	vld [tilespmem:s9+$0x410]  }
.Ltmp8:
0x266: {  	v11 =	vld [tilespmem:s9+$0x420];
	(pc) =	sbr.rel @p0 .LBB2_18-.Ltmp8, $4  }
0x267: {  	v10 =	vld [tilespmem:s9+$0x430]  }
0x268: {  	v9 =	vld [tilespmem:s9+$0x440]  }
0x269: {  	v13 =	vmul.f32 v13, v7;
	v7 =	vld [tilespmem:s9+$0x450]  }
0x26a: {  	s15 =	sadd.s32 $0x200, s15;
	v12 =	vmul.f32 v12, v8;
	v8 =	vld [tilespmem:s9+$0x460]  }
0x26b: {  	[tilespmem:s9+$0x400] =	vst v13;
	v6 =	vmul.f32 v6, v11;
	v11 =	vld [tilespmem:s9+$0x470]  }
0x26c: {  	[tilespmem:s9+$0x410] =	vst v12;
	v5 =	vmul.f32 v5, v10  }
0x26d: {  	[tilespmem:s9+$0x420] =	vst v6;
	v4 =	vmul.f32 v4, v9  }
0x26e: {  	[tilespmem:s9+$0x430] =	vst v5;
	v3 =	vmul.f32 v3, v7  }
0x26f: {  	[tilespmem:s9+$0x440] =	vst v4;
	v2 =	vmul.f32 v2, v8  }
0x270: {  	[tilespmem:s9+$0x450] =	vst v3;
	v1 =	vmul.f32 v1, v11  }
0x271: {  	[tilespmem:s9+$0x460] =	vst v2  }
0x272: {  	s5 =	simm.s32 $0x300;
	[tilespmem:s9+$0x470] =	vst v1  }
0x273: {  	[spmem:s18] =	stream.indirect.scatter.add.f32 [tilespmem:s14], [sflag:$0x9], $0x80, s5, s30, $0xb8;
	[tilespmem:$0x19400] =	vst v63  }
0x274: {  	_ =	swait.ge [sflag:s11], $0x1400  }
0x275: {  	s6 =	sld [smem:$0x7F9]  }
0x276: {  	[sflag:s11] =	ssyncset.done $0x0  }
0x277: {  	s9 =	simm.s32 $0x0;
	s15 =	sld [smem:$0x7FA];
	[sflag:s11] =	ssyncadd.s32 $0xFFFFEC00  }
0x278: {  	[tilespmem:s24], [sflag:$0x2] =	stream.linear.gather [hbm4b:s6+s9], $0x28, $0x38;
	[tilespmem:$0x19400] =	vst v63  }
0x279: {  	_ = 	snop  }
0x27a: {  	[tilespmem:s25], [sflag:$0x2] =	stream.linear.gather [hbm4b:s15+s9], $0x28, $0x38;
	[tilespmem:$0x19400] =	vst v63  }
0x27b: {  	_ =	swait.ge [sflag:s29], $0x28  }
0x27c: {  	[sflag:s29] =	ssyncset.done $0x0  }
0x27d: {  	[sflag:s29] =	ssyncadd.s32 $0xFFFFFFD8  }
0x27e: {  	_ =	swait.ge [sflag:s29], $0x28  }
0x27f: {  	[sflag:s29] =	ssyncset.done $0x0  }
0x280: {  	s20 =	sld [smem:$0x7FB];
	[sflag:s29] =	ssyncadd.s32 $0xFFFFFFD8  }
0x281: {  	[tilespmem:s14], [sflag:$0x5] =	stream.indirect.gather [hbm4b:s17+s30], $0x80, s9, s30, $0xb8;
	[tilespmem:$0x19400] =	vst v63  }
0x282: {  	_ = 	snop  }
0x283: {  	[tilespmem:s31], [sflag:$0x7] =	stream.linear.gather [hbm4b:s20+s9], $0x1400, $0x38;
	[tilespmem:$0x19400] =	vst v63  }
0x284: {  	_ =	swait.ge [sflag:s8], $0x1400  }
0x285: {  	[sflag:s8] =	ssyncset.done $0x0  }
0x286: {  	[sflag:s8] =	ssyncadd.s32 $0xFFFFEC00  }
0x287: {  	_ =	swait.ge [sflag:s10], $0x1400  }
0x288: {  	[sflag:s10] =	ssyncset.done $0x0  }
0x289: {  	s9 =	simm.s32 $0x0;
	[sflag:s10] =	ssyncadd.s32 $0xFFFFEC00  }
0x28a: {  	v8 =	vld [tilespmem:s9+$0x4000]  }
0x28b: {  	v12 =	vld [tilespmem:s9+$0x4010]  }
0x28c: {  	v6 =	vld [tilespmem:s9+$0x4020]  }
0x28d: {  	v5 =	vld [tilespmem:s9+$0x4030]  }
0x28e: {  	v4 =	vld [tilespmem:s9+$0x4040]  }
0x28f: {  	v3 =	vld [tilespmem:s9+$0x4050]  }
0x290: {  	v2 =	vld [tilespmem:s9+$0x4060]  }
0x291: {  	v1 =	vld [tilespmem:s9+$0x4070]  }
0x292: {  	v13 =	vld [tilespmem:s9+$0x1800]  }
0x293: {  	v14 =	vld [tilespmem:s9+$0x1810]  }
0x294: {  	v11 =	vld [tilespmem:s9+$0x1820]  }
0x295: {  	v10 =	vld [tilespmem:s9+$0x1830]  }
0x296: {  	v9 =	vld [tilespmem:s9+$0x1840]  }
0x297: {  	v7 =	vld [tilespmem:s9+$0x1850];
	v13 =	vmul.f32 v8, v13  }
0x298: {  	s15 =	simm.s32 $0x200;
	s20 =	rddreg [dreg:$0x16];
	v12 =	vmul.f32 v12, v14;
	v8 =	vld [tilespmem:s9+$0x1860]  }
.LBB2_20:
0x299: {  	s5 =	sshra.s32 s15, $0x2;
	p0 =	sne.s32 s15, $0x4E00;
	[tilespmem:s9+$0x1800] =	vst v13;
	v6 =	vmul.f32 v6, v11;
	v11 =	vld [tilespmem:s9+$0x1870]  }
0x29a: {  	v13 =	vld [tilespmem:s5+$0x4000];
	[tilespmem:s9+$0x1810] =	vst v12;
	v5 =	vmul.f32 v5, v10  }
0x29b: {  	v12 =	vld [tilespmem:s5+$0x4010];
	[tilespmem:s9+$0x1820] =	vst v6;
	v4 =	vmul.f32 v4, v9  }
0x29c: {  	v6 =	vld [tilespmem:s5+$0x4020];
	[tilespmem:s9+$0x1830] =	vst v5;
	v3 =	vmul.f32 v3, v7  }
0x29d: {  	v5 =	vld [tilespmem:s5+$0x4030];
	[tilespmem:s9+$0x1840] =	vst v4;
	v2 =	vmul.f32 v2, v8  }
0x29e: {  	v4 =	vld [tilespmem:s5+$0x4040];
	[tilespmem:s9+$0x1850] =	vst v3;
	v1 =	vmul.f32 v1, v11  }
0x29f: {  	v3 =	vld [tilespmem:s5+$0x4050];
	[tilespmem:s9+$0x1860] =	vst v2  }
0x2a0: {  	v2 =	vld [tilespmem:s5+$0x4060];
	[tilespmem:s9+$0x1870] =	vst v1;
	s9 =	smov.u32 s5  }
0x2a1: {  	v1 =	vld [tilespmem:s9+$0x4070]  }
0x2a2: {  	v7 =	vld [tilespmem:s9+$0x1800]  }
0x2a3: {  	v8 =	vld [tilespmem:s9+$0x1810]  }
.Ltmp9:
0x2a4: {  	v11 =	vld [tilespmem:s9+$0x1820];
	(pc) =	sbr.rel @p0 .LBB2_20-.Ltmp9, $4  }
0x2a5: {  	v10 =	vld [tilespmem:s9+$0x1830]  }
0x2a6: {  	v9 =	vld [tilespmem:s9+$0x1840]  }
0x2a7: {  	v13 =	vmul.f32 v13, v7;
	v7 =	vld [tilespmem:s9+$0x1850]  }
0x2a8: {  	s15 =	sadd.s32 $0x200, s15;
	v12 =	vmul.f32 v12, v8;
	v8 =	vld [tilespmem:s9+$0x1860]  }
0x2a9: {  	[tilespmem:s9+$0x1800] =	vst v13;
	v6 =	vmul.f32 v6, v11;
	v11 =	vld [tilespmem:s9+$0x1870]  }
0x2aa: {  	[tilespmem:s9+$0x1810] =	vst v12;
	v5 =	vmul.f32 v5, v10  }
0x2ab: {  	[tilespmem:s9+$0x1820] =	vst v6;
	v4 =	vmul.f32 v4, v9  }
0x2ac: {  	[tilespmem:s9+$0x1830] =	vst v5;
	v3 =	vmul.f32 v3, v7  }
0x2ad: {  	[tilespmem:s9+$0x1840] =	vst v4;
	v2 =	vmul.f32 v2, v8  }
0x2ae: {  	[tilespmem:s9+$0x1850] =	vst v3;
	v1 =	vmul.f32 v1, v11  }
0x2af: {  	[tilespmem:s9+$0x1860] =	vst v2  }
0x2b0: {  	s5 =	simm.s32 $0x380;
	[tilespmem:s9+$0x1870] =	vst v1  }
0x2b1: {  	[spmem:s18] =	stream.indirect.scatter.add.f32 [tilespmem:s0], [sflag:$0x9], $0x80, s5, s30, $0xb8;
	[tilespmem:$0x19400] =	vst v63  }
0x2b2: {  	_ =	swait.ge [sflag:s11], $0x1400  }
0x2b3: {  	[sflag:s11] =	ssyncset.done $0x0  }
0x2b4: {  	[sflag:s11] =	ssyncadd.s32 $0xFFFFEC00  }
0x2b5: {  	_ =	swait.ge [sflag:s16], $0x28  }
0x2b6: {  	[sflag:s16] =	ssyncset.done $0x0  }
0x2b7: {  	[sflag:s16] =	ssyncadd.s32 $0xFFFFFFD8  }
0x2b8: {  	_ =	swait.ge [sflag:s16], $0x28  }
0x2b9: {  	[sflag:s16] =	ssyncset.done $0x0  }
0x2ba: {  	s6 =	sld [smem:$0x7FC];
	[sflag:s16] =	ssyncadd.s32 $0xFFFFFFD8  }
0x2bb: {  	[tilespmem:s0], [sflag:$0x6] =	stream.indirect.gather [hbm4b:s17+s30], $0x80, s24, s30, $0xb8;
	[tilespmem:$0x19400] =	vst v63  }
0x2bc: {  	s15 =	simm.s32 $0x0  }
0x2bd: {  	[tilespmem:s2], [sflag:$0x8] =	stream.linear.gather [hbm4b:s6+s15], $0x1400, $0x38;
	[tilespmem:$0x19400] =	vst v63  }
0x2be: {  	_ =	swait.ge [sflag:s3], $0x1400  }
0x2bf: {  	[sflag:s3] =	ssyncset.done $0x0  }
0x2c0: {  	[sflag:s3] =	ssyncadd.s32 $0xFFFFEC00  }
0x2c1: {  	_ =	swait.ge [sflag:s4], $0x1400  }
0x2c2: {  	[sflag:s4] =	ssyncset.done $0x0  }
0x2c3: {  	s9 =	simm.s32 $0x0;
	[sflag:s4] =	ssyncadd.s32 $0xFFFFEC00  }
0x2c4: {  	v8 =	vld [tilespmem:s9+$0x2C00]  }
0x2c5: {  	v12 =	vld [tilespmem:s9+$0x2C10]  }
0x2c6: {  	v6 =	vld [tilespmem:s9+$0x2C20]  }
0x2c7: {  	v5 =	vld [tilespmem:s9+$0x2C30]  }
0x2c8: {  	v4 =	vld [tilespmem:s9+$0x2C40]  }
0x2c9: {  	v3 =	vld [tilespmem:s9+$0x2C50]  }
0x2ca: {  	v2 =	vld [tilespmem:s9+$0x2C60]  }
0x2cb: {  	v1 =	vld [tilespmem:s9+$0x2C70]  }
0x2cc: {  	v13 =	vld [tilespmem:s9+$0x400]  }
0x2cd: {  	v14 =	vld [tilespmem:s9+$0x410]  }
0x2ce: {  	v11 =	vld [tilespmem:s9+$0x420]  }
0x2cf: {  	v10 =	vld [tilespmem:s9+$0x430]  }
0x2d0: {  	v9 =	vld [tilespmem:s9+$0x440]  }
0x2d1: {  	v7 =	vld [tilespmem:s9+$0x450];
	v13 =	vmul.f32 v8, v13  }
0x2d2: {  	s15 =	simm.s32 $0x200;
	v12 =	vmul.f32 v12, v14;
	v8 =	vld [tilespmem:s9+$0x460]  }
.LBB2_22:
0x2d3: {  	s5 =	sshra.s32 s15, $0x2;
	p0 =	sne.s32 s15, $0x4E00;
	[tilespmem:s9+$0x400] =	vst v13;
	v6 =	vmul.f32 v6, v11;
	v11 =	vld [tilespmem:s9+$0x470]  }
0x2d4: {  	v13 =	vld [tilespmem:s5+$0x2C00];
	[tilespmem:s9+$0x410] =	vst v12;
	v5 =	vmul.f32 v5, v10  }
0x2d5: {  	v12 =	vld [tilespmem:s5+$0x2C10];
	[tilespmem:s9+$0x420] =	vst v6;
	v4 =	vmul.f32 v4, v9  }
0x2d6: {  	v6 =	vld [tilespmem:s5+$0x2C20];
	[tilespmem:s9+$0x430] =	vst v5;
	v3 =	vmul.f32 v3, v7  }
0x2d7: {  	v5 =	vld [tilespmem:s5+$0x2C30];
	[tilespmem:s9+$0x440] =	vst v4;
	v2 =	vmul.f32 v2, v8  }
0x2d8: {  	v4 =	vld [tilespmem:s5+$0x2C40];
	[tilespmem:s9+$0x450] =	vst v3;
	v1 =	vmul.f32 v1, v11  }
0x2d9: {  	v3 =	vld [tilespmem:s5+$0x2C50];
	[tilespmem:s9+$0x460] =	vst v2  }
0x2da: {  	v2 =	vld [tilespmem:s5+$0x2C60];
	[tilespmem:s9+$0x470] =	vst v1;
	s9 =	smov.u32 s5  }
0x2db: {  	v1 =	vld [tilespmem:s9+$0x2C70]  }
0x2dc: {  	v7 =	vld [tilespmem:s9+$0x400]  }
0x2dd: {  	v8 =	vld [tilespmem:s9+$0x410]  }
.Ltmp10:
0x2de: {  	v11 =	vld [tilespmem:s9+$0x420];
	(pc) =	sbr.rel @p0 .LBB2_22-.Ltmp10, $4  }
0x2df: {  	v10 =	vld [tilespmem:s9+$0x430]  }
0x2e0: {  	v9 =	vld [tilespmem:s9+$0x440]  }
0x2e1: {  	v13 =	vmul.f32 v13, v7;
	v7 =	vld [tilespmem:s9+$0x450]  }
0x2e2: {  	s15 =	sadd.s32 $0x200, s15;
	v12 =	vmul.f32 v12, v8;
	v8 =	vld [tilespmem:s9+$0x460]  }
0x2e3: {  	[tilespmem:s9+$0x400] =	vst v13;
	v6 =	vmul.f32 v6, v11;
	v11 =	vld [tilespmem:s9+$0x470]  }
0x2e4: {  	[tilespmem:s9+$0x410] =	vst v12;
	v5 =	vmul.f32 v5, v10  }
0x2e5: {  	[tilespmem:s9+$0x420] =	vst v6;
	v4 =	vmul.f32 v4, v9  }
0x2e6: {  	[tilespmem:s9+$0x430] =	vst v5;
	v3 =	vmul.f32 v3, v7  }
0x2e7: {  	[tilespmem:s9+$0x440] =	vst v4;
	v2 =	vmul.f32 v2, v8  }
0x2e8: {  	[tilespmem:s9+$0x450] =	vst v3;
	v1 =	vmul.f32 v1, v11  }
0x2e9: {  	[tilespmem:s9+$0x460] =	vst v2  }
0x2ea: {  	[tilespmem:s9+$0x470] =	vst v1  }
0x2eb: {  	[spmem:s18] =	stream.indirect.scatter.add.f32 [tilespmem:s14], [sflag:$0x9], $0x80, s13, s30, $0xb8;
	[tilespmem:$0x19400] =	vst v63  }
0x2ec: {  	_ =	swait.ge [sflag:s11], $0x1400  }
0x2ed: {  	[sflag:s11] =	ssyncset.done $0x0  }
0x2ee: {  	[sflag:s11] =	ssyncadd.s32 $0xFFFFEC00  }
0x2ef: {  	_ =	swait.ge [sflag:s8], $0x1400  }
0x2f0: {  	[sflag:s8] =	ssyncset.done $0x0  }
0x2f1: {  	[sflag:s8] =	ssyncadd.s32 $0xFFFFEC00  }
0x2f2: {  	_ =	swait.ge [sflag:s10], $0x1400  }
0x2f3: {  	[sflag:s10] =	ssyncset.done $0x0  }
0x2f4: {  	s9 =	simm.s32 $0x0;
	[sflag:s10] =	ssyncadd.s32 $0xFFFFEC00  }
0x2f5: {  	v8 =	vld [tilespmem:s9+$0x4000]  }
0x2f6: {  	v12 =	vld [tilespmem:s9+$0x4010]  }
0x2f7: {  	v6 =	vld [tilespmem:s9+$0x4020]  }
0x2f8: {  	v5 =	vld [tilespmem:s9+$0x4030]  }
0x2f9: {  	v4 =	vld [tilespmem:s9+$0x4040]  }
0x2fa: {  	v3 =	vld [tilespmem:s9+$0x4050]  }
0x2fb: {  	v2 =	vld [tilespmem:s9+$0x4060]  }
0x2fc: {  	v1 =	vld [tilespmem:s9+$0x4070]  }
0x2fd: {  	v13 =	vld [tilespmem:s9+$0x1800]  }
0x2fe: {  	v14 =	vld [tilespmem:s9+$0x1810]  }
0x2ff: {  	v11 =	vld [tilespmem:s9+$0x1820]  }
0x300: {  	v10 =	vld [tilespmem:s9+$0x1830]  }
0x301: {  	v9 =	vld [tilespmem:s9+$0x1840]  }
0x302: {  	v7 =	vld [tilespmem:s9+$0x1850];
	v13 =	vmul.f32 v8, v13  }
0x303: {  	s15 =	simm.s32 $0x200;
	s6 =	sld [smem:$0x7E0];
	v12 =	vmul.f32 v12, v14;
	v8 =	vld [tilespmem:s9+$0x1860]  }
.LBB2_24:
0x304: {  	s5 =	sshra.s32 s15, $0x2;
	p0 =	sne.s32 s15, $0x4E00;
	[tilespmem:s9+$0x1800] =	vst v13;
	v6 =	vmul.f32 v6, v11;
	v11 =	vld [tilespmem:s9+$0x1870]  }
0x305: {  	v13 =	vld [tilespmem:s5+$0x4000];
	[tilespmem:s9+$0x1810] =	vst v12;
	v5 =	vmul.f32 v5, v10  }
0x306: {  	v12 =	vld [tilespmem:s5+$0x4010];
	[tilespmem:s9+$0x1820] =	vst v6;
	v4 =	vmul.f32 v4, v9  }
0x307: {  	v6 =	vld [tilespmem:s5+$0x4020];
	[tilespmem:s9+$0x1830] =	vst v5;
	v3 =	vmul.f32 v3, v7  }
0x308: {  	v5 =	vld [tilespmem:s5+$0x4030];
	[tilespmem:s9+$0x1840] =	vst v4;
	v2 =	vmul.f32 v2, v8  }
0x309: {  	v4 =	vld [tilespmem:s5+$0x4040];
	[tilespmem:s9+$0x1850] =	vst v3;
	v1 =	vmul.f32 v1, v11  }
0x30a: {  	v3 =	vld [tilespmem:s5+$0x4050];
	[tilespmem:s9+$0x1860] =	vst v2  }
0x30b: {  	v2 =	vld [tilespmem:s5+$0x4060];
	[tilespmem:s9+$0x1870] =	vst v1;
	s9 =	smov.u32 s5  }
0x30c: {  	v1 =	vld [tilespmem:s9+$0x4070]  }
0x30d: {  	v7 =	vld [tilespmem:s9+$0x1800]  }
0x30e: {  	v8 =	vld [tilespmem:s9+$0x1810]  }
.Ltmp11:
0x30f: {  	v11 =	vld [tilespmem:s9+$0x1820];
	(pc) =	sbr.rel @p0 .LBB2_24-.Ltmp11, $4  }
0x310: {  	v10 =	vld [tilespmem:s9+$0x1830]  }
0x311: {  	v9 =	vld [tilespmem:s9+$0x1840]  }
0x312: {  	v13 =	vmul.f32 v13, v7;
	v7 =	vld [tilespmem:s9+$0x1850]  }
0x313: {  	s15 =	sadd.s32 $0x200, s15;
	v12 =	vmul.f32 v12, v8;
	v8 =	vld [tilespmem:s9+$0x1860]  }
0x314: {  	[tilespmem:s9+$0x1800] =	vst v13;
	v6 =	vmul.f32 v6, v11;
	v63 =	vld [tilespmem:s9+$0x1870]  }
0x315: {  	[tilespmem:s9+$0x1810] =	vst v12;
	v5 =	vmul.f32 v5, v10  }
0x316: {  	[tilespmem:s9+$0x1820] =	vst v6;
	v4 =	vmul.f32 v4, v9  }
0x317: {  	[tilespmem:s9+$0x1830] =	vst v5;
	v3 =	vmul.f32 v3, v7  }
0x318: {  	[tilespmem:s9+$0x1840] =	vst v4;
	v2 =	vmul.f32 v2, v8  }
0x319: {  	[tilespmem:s9+$0x1850] =	vst v3;
	v1 =	vmul.f32 v1, v63  }
0x31a: {  	[tilespmem:s9+$0x1860] =	vst v2  }
0x31b: {  	[tilespmem:s9+$0x1870] =	vst v1  }
0x31c: {  	[spmem:s18] =	stream.indirect.scatter.add.f32 [tilespmem:s0], [sflag:$0x9], $0x80, s25, s30, $0xb8;
	[tilespmem:$0x19400] =	vst v63  }
0x31d: {  	_ =	swait.ge [sflag:s11], $0x1400  }
0x31e: {  	[sflag:s11] =	ssyncset.done $0x0  }
0x31f: {  	[sflag:s11] =	ssyncadd.s32 $0xFFFFEC00  }
0x320: {  	[bflag:$0x0] =	sbarrier.arrive $0xFFFF  }
0x321: {  	[tilespmem:s14], [sflag:$0x9] =	stream.linear.gather [spmem:s26], $0x1400, $0x38;
	[tilespmem:$0x19400] =	vst v63  }
0x322: {  	_ =	swait.ge [sflag:s11], $0x1400  }
0x323: {  	[sflag:s11] =	ssyncset.done $0x0  }
0x324: {  	s5 =	rddreg [dreg:$0x4];
	[sflag:s11] =	ssyncadd.s32 $0xFFFFEC00  }
0x325: {  	[hbm4b:s5+s1] =	stream.linear.scatter [tilespmem:s14], [sflag:$0x9], $0x1400, $0x38;
	[tilespmem:$0x19400] =	vst v63  }
0x326: {  	_ =	swait.ge [sflag:s11], $0x1400  }
0x327: {  	[sflag:s11] =	ssyncset.done $0x0  }
0x328: {  	[sflag:s11] =	ssyncadd.s32 $0xFFFFEC00  }
0x329: {  	[tilespmem:s0], [sflag:$0x9] =	stream.linear.gather [spmem:s19], $0x1400, $0x38;
	[tilespmem:$0x19400] =	vst v63  }
0x32a: {  	_ =	swait.ge [sflag:s11], $0x1400  }
0x32b: {  	[sflag:s11] =	ssyncset.done $0x0  }
0x32c: {  	s9 =	rddreg [dreg:$0x5];
	[sflag:s11] =	ssyncadd.s32 $0xFFFFEC00  }
0x32d: {  	[hbm4b:s9+s1] =	stream.linear.scatter [tilespmem:s0], [sflag:$0x9], $0x1400, $0x38;
	[tilespmem:$0x19400] =	vst v63  }
0x32e: {  	_ =	swait.ge [sflag:s11], $0x1400  }
0x32f: {  	[sflag:s11] =	ssyncset.done $0x0  }
0x330: {  	[sflag:s11] =	ssyncadd.s32 $0xFFFFEC00  }
0x331: {  	[tilespmem:s14], [sflag:$0x9] =	stream.linear.gather [spmem:s20], $0x1400, $0x38;
	[tilespmem:$0x19400] =	vst v63  }
0x332: {  	_ =	swait.ge [sflag:s11], $0x1400  }
0x333: {  	[sflag:s11] =	ssyncset.done $0x0  }
0x334: {  	s15 =	rddreg [dreg:$0x6];
	[sflag:s11] =	ssyncadd.s32 $0xFFFFEC00  }
0x335: {  	[hbm4b:s15+s1] =	stream.linear.scatter [tilespmem:s14], [sflag:$0x9], $0x1400, $0x38;
	[tilespmem:$0x19400] =	vst v63  }
0x336: {  	_ =	swait.ge [sflag:s11], $0x1400  }
0x337: {  	[sflag:s11] =	ssyncset.done $0x0  }
0x338: {  	[sflag:s11] =	ssyncadd.s32 $0xFFFFEC00  }
0x339: {  	[tilespmem:s0], [sflag:$0x9] =	stream.linear.gather [spmem:s28], $0x1400, $0x38;
	[tilespmem:$0x19400] =	vst v63  }
0x33a: {  	_ =	swait.ge [sflag:s11], $0x1400  }
0x33b: {  	[sflag:s11] =	ssyncset.done $0x0  }
0x33c: {  	s9 =	rddreg [dreg:$0x7];
	[sflag:s11] =	ssyncadd.s32 $0xFFFFEC00  }
0x33d: {  	[hbm4b:s9+s1] =	stream.linear.scatter [tilespmem:s0], [sflag:$0x9], $0x1400, $0x38;
	[tilespmem:$0x19400] =	vst v63  }
0x33e: {  	_ =	swait.ge [sflag:s11], $0x1400  }
0x33f: {  	[sflag:s11] =	ssyncset.done $0x0  }
0x340: {  	s15 =	rddreg [dreg:$0x18];
	[sflag:s11] =	ssyncadd.s32 $0xFFFFEC00  }
0x341: {  	[tilespmem:s14], [sflag:$0x9] =	stream.linear.gather [spmem:s15], $0x1400, $0x38;
	[tilespmem:$0x19400] =	vst v63  }
0x342: {  	_ =	swait.ge [sflag:s11], $0x1400  }
0x343: {  	[sflag:s11] =	ssyncset.done $0x0  }
0x344: {  	s9 =	rddreg [dreg:$0x8];
	[sflag:s11] =	ssyncadd.s32 $0xFFFFEC00  }
0x345: {  	[hbm4b:s9+s1] =	stream.linear.scatter [tilespmem:s14], [sflag:$0x9], $0x1400, $0x38;
	[tilespmem:$0x19400] =	vst v63  }
0x346: {  	_ =	swait.ge [sflag:s11], $0x1400  }
0x347: {  	[sflag:s11] =	ssyncset.done $0x0  }
0x348: {  	s15 =	rddreg [dreg:$0x19];
	[sflag:s11] =	ssyncadd.s32 $0xFFFFEC00  }
0x349: {  	[tilespmem:s0], [sflag:$0x9] =	stream.linear.gather [spmem:s15], $0x1400, $0x38;
	[tilespmem:$0x19400] =	vst v63  }
0x34a: {  	_ =	swait.ge [sflag:s11], $0x1400  }
0x34b: {  	[sflag:s11] =	ssyncset.done $0x0  }
0x34c: {  	s9 =	rddreg [dreg:$0x9];
	[sflag:s11] =	ssyncadd.s32 $0xFFFFEC00  }
0x34d: {  	[hbm4b:s9+s1] =	stream.linear.scatter [tilespmem:s0], [sflag:$0x9], $0x1400, $0x38;
	[tilespmem:$0x19400] =	vst v63  }
0x34e: {  	_ =	swait.ge [sflag:s11], $0x1400  }
0x34f: {  	[sflag:s11] =	ssyncset.done $0x0  }
0x350: {  	s15 =	rddreg [dreg:$0x1a];
	[sflag:s11] =	ssyncadd.s32 $0xFFFFEC00  }
0x351: {  	[tilespmem:s14], [sflag:$0x9] =	stream.linear.gather [spmem:s15], $0x1400, $0x38;
	[tilespmem:$0x19400] =	vst v63  }
0x352: {  	_ =	swait.ge [sflag:s11], $0x1400  }
0x353: {  	[sflag:s11] =	ssyncset.done $0x0  }
0x354: {  	s9 =	rddreg [dreg:$0xa];
	[sflag:s11] =	ssyncadd.s32 $0xFFFFEC00  }
0x355: {  	[hbm4b:s9+s1] =	stream.linear.scatter [tilespmem:s14], [sflag:$0x9], $0x1400, $0x38;
	[tilespmem:$0x19400] =	vst v63  }
0x356: {  	_ =	swait.ge [sflag:s11], $0x1400  }
0x357: {  	[sflag:s11] =	ssyncset.done $0x0  }
0x358: {  	s15 =	rddreg [dreg:$0x1b];
	[sflag:s11] =	ssyncadd.s32 $0xFFFFEC00  }
0x359: {  	[tilespmem:s0], [sflag:$0x9] =	stream.linear.gather [spmem:s15], $0x1400, $0x38;
	[tilespmem:$0x19400] =	vst v63  }
0x35a: {  	_ =	swait.ge [sflag:s11], $0x1400  }
0x35b: {  	[sflag:s11] =	ssyncset.done $0x0  }
0x35c: {  	s9 =	rddreg [dreg:$0xb];
	[sflag:s11] =	ssyncadd.s32 $0xFFFFEC00  }
0x35d: {  	[hbm4b:s9+s1] =	stream.linear.scatter [tilespmem:s0], [sflag:$0x9], $0x1400, $0x38;
	[tilespmem:$0x19400] =	vst v63  }
0x35e: {  	_ =	swait.ge [sflag:s11], $0x1400  }
0x35f: {  	[sflag:s11] =	ssyncset.done $0x0  }
0x360: {  	s15 =	rddreg [dreg:$0x1c];
	[sflag:s11] =	ssyncadd.s32 $0xFFFFEC00  }
0x361: {  	[tilespmem:s14], [sflag:$0x9] =	stream.linear.gather [spmem:s15], $0x1400, $0x38;
	[tilespmem:$0x19400] =	vst v63  }
0x362: {  	_ =	swait.ge [sflag:s11], $0x1400  }
0x363: {  	[sflag:s11] =	ssyncset.done $0x0  }
0x364: {  	s9 =	rddreg [dreg:$0xc];
	[sflag:s11] =	ssyncadd.s32 $0xFFFFEC00  }
0x365: {  	[hbm4b:s9+s1] =	stream.linear.scatter [tilespmem:s14], [sflag:$0x9], $0x1400, $0x38;
	[tilespmem:$0x19400] =	vst v63  }
0x366: {  	_ =	swait.ge [sflag:s11], $0x1400  }
0x367: {  	[sflag:s11] =	ssyncset.done $0x0  }
0x368: {  	s15 =	rddreg [dreg:$0x1d];
	[sflag:s11] =	ssyncadd.s32 $0xFFFFEC00  }
0x369: {  	[tilespmem:s0], [sflag:$0x9] =	stream.linear.gather [spmem:s15], $0x1400, $0x38;
	[tilespmem:$0x19400] =	vst v63  }
0x36a: {  	_ =	swait.ge [sflag:s11], $0x1400  }
0x36b: {  	[sflag:s11] =	ssyncset.done $0x0  }
0x36c: {  	s9 =	rddreg [dreg:$0xd];
	[sflag:s11] =	ssyncadd.s32 $0xFFFFEC00  }
0x36d: {  	[hbm4b:s9+s1] =	stream.linear.scatter [tilespmem:s0], [sflag:$0x9], $0x1400, $0x38;
	[tilespmem:$0x19400] =	vst v63  }
0x36e: {  	_ =	swait.ge [sflag:s11], $0x1400  }
0x36f: {  	[sflag:s11] =	ssyncset.done $0x0  }
0x370: {  	s15 =	rddreg [dreg:$0x1e];
	[sflag:s11] =	ssyncadd.s32 $0xFFFFEC00  }
0x371: {  	[tilespmem:s14], [sflag:$0x9] =	stream.linear.gather [spmem:s15], $0x1400, $0x38;
	[tilespmem:$0x19400] =	vst v63  }
0x372: {  	_ =	swait.ge [sflag:s11], $0x1400  }
0x373: {  	[sflag:s11] =	ssyncset.done $0x0  }
0x374: {  	s9 =	rddreg [dreg:$0xe];
	[sflag:s11] =	ssyncadd.s32 $0xFFFFEC00  }
0x375: {  	[hbm4b:s9+s1] =	stream.linear.scatter [tilespmem:s14], [sflag:$0x9], $0x1400, $0x38;
	[tilespmem:$0x19400] =	vst v63  }
0x376: {  	_ =	swait.ge [sflag:s11], $0x1400  }
0x377: {  	[sflag:s11] =	ssyncset.done $0x0  }
0x378: {  	s15 =	rddreg [dreg:$0x1f];
	[sflag:s11] =	ssyncadd.s32 $0xFFFFEC00  }
0x379: {  	[tilespmem:s0], [sflag:$0x9] =	stream.linear.gather [spmem:s15], $0x1400, $0x38;
	[tilespmem:$0x19400] =	vst v63  }
0x37a: {  	_ =	swait.ge [sflag:s11], $0x1400  }
0x37b: {  	[sflag:s11] =	ssyncset.done $0x0  }
0x37c: {  	s9 =	rddreg [dreg:$0xf];
	[sflag:s11] =	ssyncadd.s32 $0xFFFFEC00  }
0x37d: {  	[hbm4b:s9+s1] =	stream.linear.scatter [tilespmem:s0], [sflag:$0x9], $0x1400, $0x38;
	[tilespmem:$0x19400] =	vst v63  }
0x37e: {  	_ =	swait.ge [sflag:s11], $0x1400  }
0x37f: {  	s15 =	sld [smem:$0x7E1]  }
0x380: {  	[sflag:s11] =	ssyncset.done $0x0  }
0x381: {  	[sflag:s11] =	ssyncadd.s32 $0xFFFFEC00  }
0x382: {  	[tilespmem:s14], [sflag:$0x9] =	stream.linear.gather [spmem:s15], $0x1400, $0x38;
	[tilespmem:$0x19400] =	vst v63  }
0x383: {  	_ =	swait.ge [sflag:s11], $0x1400  }
0x384: {  	[sflag:s11] =	ssyncset.done $0x0  }
0x385: {  	s9 =	rddreg [dreg:$0x10];
	[sflag:s11] =	ssyncadd.s32 $0xFFFFEC00  }
0x386: {  	[hbm4b:s9+s1] =	stream.linear.scatter [tilespmem:s14], [sflag:$0x9], $0x1400, $0x38;
	[tilespmem:$0x19400] =	vst v63  }
0x387: {  	_ =	swait.ge [sflag:s11], $0x1400  }
0x388: {  	s15 =	sld [smem:$0x7E2]  }
0x389: {  	[sflag:s11] =	ssyncset.done $0x0  }
0x38a: {  	[sflag:s11] =	ssyncadd.s32 $0xFFFFEC00  }
0x38b: {  	[tilespmem:s0], [sflag:$0x9] =	stream.linear.gather [spmem:s15], $0x1400, $0x38;
	[tilespmem:$0x19400] =	vst v63  }
0x38c: {  	_ =	swait.ge [sflag:s11], $0x1400  }
0x38d: {  	[sflag:s11] =	ssyncset.done $0x0  }
0x38e: {  	s9 =	rddreg [dreg:$0x11];
	[sflag:s11] =	ssyncadd.s32 $0xFFFFEC00  }
0x38f: {  	[hbm4b:s9+s1] =	stream.linear.scatter [tilespmem:s0], [sflag:$0x9], $0x1400, $0x38;
	[tilespmem:$0x19400] =	vst v63  }
0x390: {  	_ =	swait.ge [sflag:s11], $0x1400  }
0x391: {  	s15 =	sld [smem:$0x7E3]  }
0x392: {  	[sflag:s11] =	ssyncset.done $0x0  }
0x393: {  	[sflag:s11] =	ssyncadd.s32 $0xFFFFEC00  }
0x394: {  	[tilespmem:s14], [sflag:$0x9] =	stream.linear.gather [spmem:s15], $0x1400, $0x38;
	[tilespmem:$0x19400] =	vst v63  }
0x395: {  	_ =	swait.ge [sflag:s11], $0x1400  }
0x396: {  	[sflag:s11] =	ssyncset.done $0x0  }
0x397: {  	s9 =	rddreg [dreg:$0x12];
	[sflag:s11] =	ssyncadd.s32 $0xFFFFEC00  }
0x398: {  	[hbm4b:s9+s1] =	stream.linear.scatter [tilespmem:s14], [sflag:$0x9], $0x1400, $0x38;
	[tilespmem:$0x19400] =	vst v63  }
0x399: {  	_ =	swait.ge [sflag:s11], $0x1400  }
0x39a: {  	s15 =	sld [smem:$0x7E4]  }
0x39b: {  	[sflag:s11] =	ssyncset.done $0x0  }
0x39c: {  	[sflag:s11] =	ssyncadd.s32 $0xFFFFEC00  }
0x39d: {  	[tilespmem:s0], [sflag:$0x9] =	stream.linear.gather [spmem:s15], $0x1400, $0x38;
	[tilespmem:$0x19400] =	vst v63  }
0x39e: {  	_ =	swait.ge [sflag:s11], $0x1400  }
0x39f: {  	[sflag:s11] =	ssyncset.done $0x0  }
0x3a0: {  	s9 =	rddreg [dreg:$0x13];
	[sflag:s11] =	ssyncadd.s32 $0xFFFFEC00  }
0x3a1: {  	[hbm4b:s9+s1] =	stream.linear.scatter [tilespmem:s0], [sflag:$0x9], $0x1400, $0x38;
	[tilespmem:$0x19400] =	vst v63  }
0x3a2: {  	_ =	swait.ge [sflag:s11], $0x1400  }
0x3a3: {  	s15 =	sld [smem:$0x7FD];
	_ =	sdelay $0x1  }
0x3a4: {  	s6 =	sadd.s32 $0x1, s6  }
0x3a5: {  	p0 =	sne.s32 s6, s15  }
.Ltmp12:
0x3a6: {  	_ = 	snop;
	(pc) =	sbr.rel @p0 .LBB2_1-.Ltmp12, $3  }
0x3a7: {  	_ =	sdelay $0x1  }
0x3a8: {  	[sflag:s11] =	ssyncset.done $0x0  }
0x3a9: {  	[sflag:s11] =	ssyncadd.s32 $0xFFFFEC00  }
0x3aa: {  	_ =	sfence.sel $0x180000  }
0x3ab: {  	[bflag:$0x0] =	sbarrier.arrive $0xFFFF  }
0x3ac: {  	_ =	strace $0x90000047  }
0x3ad: {  	s0 =	stileid.u32;
	[bflag:$0x2] =	sbarrier.arrive $0xFFFF  }
0x3ae: {  	p0 =	sne.s32 s0, $0x0;
	s0 =	rddreg [dreg:$0x3]  }
0x3af: {  	s0 =	sadd.s32 @!p0 $0x100000, s0  }
0x3b0: {  	[sflag:s0] =	ssyncadd.tile.s32 @!p0 $0x1;
	_ =	shalt  }
.Lfunc_end2:
_tile_overlayer_lowered:
.L_overlay_start_2:
0x3b1: {  	(tag) =	ssettag $0x2  }
0x3b2: {  	s0 =	rddreg [dreg:$0x0];
	s2 =	stileid.u32  }
0x3b3: {  	s1 =	rddreg [dreg:$0x1];
	p0 =	sne.s32 s2, $0x0  }
0x3b4: {  	s3 =	rddreg [dreg:$0x2];
	[bflag:$0x3] =	sbarrier.arrive $0xFFFF;
	s2 =	simm.s32 @!p0 $0x1C09  }
0x3b5: {  	[timem:s3], [sflag:s2] =	dma.local @!p0 [hbm:s0], s1  }
0x3b6: {  	s0 =	simm.s32 @!p0 $0x9  }
0x3b7: {  	_ =	swait.ge @!p0 [sflag:s0], s1  }
0x3b8: {  	s1 =	ssub.s32 @!p0 $0x0, s1;
	[sflag:s0] =	ssyncset.done @!p0 $0x0  }
0x3b9: {  	[sflag:s0] =	ssyncadd.s32 @!p0 s1  }
0x3ba: {  	[bflag:$0x3] =	sbarrier.arrive $0xFFFF  }
0x3bb: {  	_ =	shalt  }

</sc_bundles>
